<compile_context>
chip_gen: v7x
topology: tpu7x:2x2x1
jax: 0.10.2.dev20260603
libtpu: 0.0.44.dev20260713+nightly
codegen_flags: <defaults>
</compile_context>

<pallas_src>
import functools

import jax
import jax.numpy as jnp
from jax import lax
from jax.experimental import pallas as pl
from jax.experimental.pallas import tpu as pltpu
from jax.experimental.pallas import tpu_sc as plsc

BATCH = 1024
HIDDEN = 32
NC = 2
NS = 16
NW = NC * NS
PAIRS_W = BATCH // NW
PADW = 128
MARGIN = 1.0
LAMB = 0.01
REG = 0.01


def _sc_partials(inp_flat, ent, rel):
    mesh = plsc.VectorSubcoreMesh(core_axis_name="c", subcore_axis_name="s")

    @functools.partial(
        pl.kernel,
        mesh=mesh,
        out_type=jax.ShapeDtypeStruct((NW, 16), jnp.float32),
        compiler_params=pltpu.CompilerParams(needs_layout_passes=False),
        scratch_types=[
            pltpu.VMEM((2 * 3 * PAIRS_W,), jnp.int32),
            pltpu.VMEM((4 * PAIRS_W,), jnp.int32),
            pltpu.VMEM((2 * PAIRS_W,), jnp.int32),
            pltpu.VMEM((4 * PAIRS_W, PADW), jnp.float32),
            pltpu.VMEM((2 * PAIRS_W, PADW), jnp.float32),
            pltpu.VMEM((16,), jnp.float32),
            pltpu.SemaphoreType.DMA,
            pltpu.SemaphoreType.DMA,
        ],
    )
    def k(inp_hbm, ent_hbm, rel_hbm, out_hbm,
          idx_v, eidx_v, ridx_v, erow_v, rrow_v, o_v, sem_i, sem_g):
        wid = lax.axis_index("s") * NC + lax.axis_index("c")
        iota = lax.iota(jnp.int32, 16)
        f0 = jnp.zeros((16,), jnp.float32)

        base = wid * (3 * PAIRS_W)
        c1 = pltpu.async_copy(inp_hbm.at[pl.ds(base, 3 * PAIRS_W)],
                              idx_v.at[pl.ds(0, 3 * PAIRS_W)], sem_i)
        c2 = pltpu.async_copy(inp_hbm.at[pl.ds(3 * BATCH + base, 3 * PAIRS_W)],
                              idx_v.at[pl.ds(3 * PAIRS_W, 3 * PAIRS_W)], sem_i)
        c1.wait()
        c2.wait()

        for seg in (0, 1):
            for half in (0, 1):
                pos = seg * (3 * PAIRS_W) + (half * 16 + iota) * 3
                dst = seg * PAIRS_W + half * 16
                eidx_v[pl.ds(dst, 16)] = plsc.load_gather(idx_v, [pos])
                eidx_v[pl.ds(2 * PAIRS_W + dst, 16)] = plsc.load_gather(
                    idx_v, [pos + 2])
                ridx_v[pl.ds(dst, 16)] = plsc.load_gather(idx_v, [pos + 1])

        ge = pltpu.async_copy(ent_hbm.at[eidx_v], erow_v, sem_g)
        gr = pltpu.async_copy(rel_hbm.at[ridx_v], rrow_v, sem_g)
        ge.wait()
        gr.wait()

        m_acc = f0
        w_acc = f0
        sh = f0
        sr = f0
        st = f0
        for g in (0, 1):
            prow = g * 16 + iota
            nrow = PAIRS_W + g * 16 + iota
            a = f0
            b = f0
            c = f0
            for d in range(HIDDEN):
                dcol = jnp.full((16,), d, jnp.int32)
                hp = plsc.load_gather(erow_v, [prow, dcol])
                hn = plsc.load_gather(erow_v, [nrow, dcol])
                tp = plsc.load_gather(erow_v, [2 * PAIRS_W + prow, dcol])
                tn = plsc.load_gather(erow_v, [2 * PAIRS_W + nrow, dcol])
                rp = plsc.load_gather(rrow_v, [prow, dcol])
                rn = plsc.load_gather(rrow_v, [nrow, dcol])
                ep = jnp.abs(hp + rp - tp)
                en = jnp.abs(hn + rn - tn)
                a = a + ep * ep
                b = b + en * en
                c = c + ep * en
                sh = sh + hp * hp + hn * hn
                sr = sr + rp * rp + rn * rn
                st = st + tp * tp + tn * tn
            quad = 2.0 * c * c - a * a - b * b
            m_acc = m_acc + jnp.maximum(quad + MARGIN, 0.0)
            w_acc = w_acc - quad

        sm = jnp.sum(m_acc)
        sw = jnp.sum(w_acc)
        ssh = jnp.sum(sh)
        ssr = jnp.sum(sr)
        sst = jnp.sum(st)
        out_v = jnp.where(iota == 0, sm,
                jnp.where(iota == 1, sw,
                jnp.where(iota == 2, ssh,
                jnp.where(iota == 3, ssr,
                jnp.where(iota == 4, sst, 0.0)))))
        o_v[...] = out_v
        pltpu.sync_copy(o_v, out_hbm.at[wid])

    return k(inp_flat, ent, rel)


def kernel(input, ent_embeddings, rel_embeddings):
    n_rel = rel_embeddings.shape[0]
    pad = ((0, 0), (0, PADW - HIDDEN))
    ent_used = jnp.pad(ent_embeddings[:n_rel], pad)
    rel_used = jnp.pad(rel_embeddings, pad)
    parts = _sc_partials(input.reshape(-1), ent_used, rel_used)
    s = jnp.sum(parts, axis=0)
    margin_loss = s[0] / BATCH
    wr_loss = LAMB * jnp.sqrt(jnp.maximum(s[1], 0.0))
    norm_loss = REG * (jnp.sqrt(s[2]) + jnp.sqrt(s[3]) + jnp.sqrt(s[4]))
    return margin_loss + wr_loss + norm_loss

# --- scband reference (transcript-rebuilt; emitter-appended) ---
"""Pipeline reference for scband-trans-a-26027501814280 (READ-ONLY COPY).

The authoritative reference and input builder live on the scoring server;
editing this copy changes nothing except your own understanding.
"""

import jax, jax.numpy as jnp
import numpy as np

ENT_TOTAL = 1000000
REL_TOTAL = 10000
HIDDEN = 32
BATCH = 1024
BATCH_SEQ = 2048
MARGIN = 1.0
LAMB = 0.01
REG = 0.01


def setup_inputs(seed: int = 0):
    key = jax.random.key(seed)
    k1, k2, k3 = jax.random.split(key, 3)
    be = float(np.sqrt(6.0 / (ENT_TOTAL + HIDDEN)))
    br = float(np.sqrt(6.0 / (REL_TOTAL + HIDDEN)))
    ent = jax.random.uniform(k1, (ENT_TOTAL, HIDDEN), minval=-be, maxval=be, dtype=jnp.float32)
    rel = jax.random.uniform(k2, (REL_TOTAL, HIDDEN), minval=-br, maxval=br, dtype=jnp.float32)
    inp = jax.random.randint(k3, (BATCH_SEQ, 3), 0, REL_TOTAL, dtype=jnp.int32)
    return {"input": inp, "ent_embeddings": ent, "rel_embeddings": rel}


def _forward(ent, rel, inp):
    batch_h = inp[:, 0:1]
    batch_r = inp[:, 1:2]
    batch_t = inp[:, 2:3]
    h = jnp.take(ent, batch_h, axis=0)  # [BATCH_SEQ, 1, HIDDEN]
    t = jnp.take(ent, batch_t, axis=0)
    r = jnp.take(rel, batch_r, axis=0)
    error = jnp.abs(h + r - t)
    pos_error = error[0:BATCH]
    neg_error = error[BATCH:BATCH_SEQ]
    # _calc_Wr: outer products, [BATCH, HIDDEN, HIDDEN]
    relWr = jnp.matmul(jnp.transpose(neg_error, (0, 2, 1)), neg_error) - jnp.matmul(jnp.transpose(pos_error, (0, 2, 1)), pos_error)
    # _calc_: broadcasted batched bilinear forms (matches torch matmul broadcasting)
    W = relWr[None, :, :, :]  # [1, BATCH, HIDDEN, HIDDEN]
    p_error = jnp.matmul(jnp.matmul(pos_error, W), jnp.transpose(pos_error, (0, 2, 1)))
    n_error = jnp.matmul(jnp.matmul(neg_error, W), jnp.transpose(neg_error, (0, 2, 1)))
    p_score = jnp.squeeze(p_error)
    n_score = jnp.squeeze(n_error)
    marginLoss = jnp.sum(jax.nn.relu(p_score - n_score + MARGIN)) / BATCH
    Wrloss = jnp.sqrt(jnp.sum(relWr * relWr)) * LAMB  # torch.norm p=2 over flattened tensor
    normloss = (jnp.sqrt(jnp.sum(h * h)) + jnp.sqrt(jnp.sum(r * r)) + jnp.sqrt(jnp.sum(t * t))) * REG
    return marginLoss + Wrloss + normloss


def reference(input, ent_embeddings, rel_embeddings):
    return _forward(ent_embeddings, rel_embeddings, input)

if __name__ == "__main__":
    import jax
    _d = setup_inputs()
    print(jax.jit(kernel)(*tuple(_d.values())))

</pallas_src>

<mosaic_0001>
#map = affine_map<(d0, d1) -> (0)>
#map1 = affine_map<(d0, d1) -> (0, 0)>
module attributes {stable_mosaic.version = 14 : i64} {
  func.func @k(%arg0: i32, %arg1: i32, %arg2: memref<6144xi32, #tpu.memory_space<hbm>>, %arg3: memref<10000x128xf32, #tpu.memory_space<hbm>>, %arg4: memref<10000x128xf32, #tpu.memory_space<hbm>>, %arg5: memref<32x16xf32, #tpu.memory_space<hbm>>, %arg6: memref<192xi32, #tpu.memory_space<vmem>>, %arg7: memref<128xi32, #tpu.memory_space<vmem>>, %arg8: memref<64xi32, #tpu.memory_space<vmem>>, %arg9: memref<128x128xf32, #tpu.memory_space<vmem>>, %arg10: memref<64x128xf32, #tpu.memory_space<vmem>>, %arg11: memref<16xf32, #tpu.memory_space<vmem>>, %arg12: memref<!tpu.dma_semaphore, #tpu.memory_space<semaphore_mem>>, %arg13: memref<!tpu.dma_semaphore, #tpu.memory_space<semaphore_mem>>) attributes {dimension_semantics = [#tpu.dimension_semantics<core_parallel>, #tpu.dimension_semantics<subcore_parallel>], iteration_bounds = array<i64: 2, 16>, scalar_prefetch = 0 : i64, scratch_operands = 8 : i64, tpu.core_type = #tpu.core_type<sc_vector_subcore>, window_params = [{transform_indices = #map}, {transform_indices = #map1}, {transform_indices = #map1}, {transform_indices = #map1}]} {
    %mul3A = arith.constant 2 : i32
    %mul3A_0 = arith.muli %arg1, %mul3A : i32
    %add3A = arith.addi %mul3A_0, %arg0 : i32
    %iota3A = tpu.iota {dimensions = array<i32: 0>} : vector<16xi32>
    %broadcast_in_dim3A = arith.constant 0.000000e+00 : f32
    %broadcast_in_dim3A_1 = vector.broadcast %broadcast_in_dim3A : f32 to vector<16xf32>
    %mul3A_2 = arith.constant 96 : i32
    %mul3A_3 = arith.muli %add3A, %mul3A_2 : i32
    %dma_start3A = arith.constant 0 : i32
    %dma_start3A_4 = tpu.memref_slice %arg6[%dma_start3A] : memref<192xi32, #tpu.memory_space<vmem>> -> memref<96xi32, #tpu.memory_space<vmem>>
    %dma_start3A_5 = tpu.memref_slice %arg2[%mul3A_3] : memref<6144xi32, #tpu.memory_space<hbm>> -> memref<96xi32, #tpu.memory_space<hbm>>
    %dma_start3A_6 = arith.constant 0 : i32
    %dma_start3A_7 = tpu.memref_slice %arg6[%dma_start3A_6] : memref<192xi32, #tpu.memory_space<vmem>> -> memref<96xi32, #tpu.memory_space<vmem>>
    %dma_start3A_8 = tpu.memref_slice %arg2[%mul3A_3] : memref<6144xi32, #tpu.memory_space<hbm>> -> memref<96xi32, #tpu.memory_space<hbm>>
    tpu.enqueue_dma source(%dma_start3A_8 : memref<96xi32, #tpu.memory_space<hbm>>) target(%dma_start3A_7 : memref<96xi32, #tpu.memory_space<vmem>>) target_semaphore(%arg12 : memref<!tpu.dma_semaphore, #tpu.memory_space<semaphore_mem>>)
    %add3A_9 = arith.constant 3072 : i32
    %add3A_10 = arith.addi %add3A_9, %mul3A_3 : i32
    %dma_start3A_11 = arith.constant 96 : i32
    %dma_start3A_12 = tpu.memref_slice %arg6[%dma_start3A_11] : memref<192xi32, #tpu.memory_space<vmem>> -> memref<96xi32, #tpu.memory_space<vmem>>
    %dma_start3A_13 = tpu.memref_slice %arg2[%add3A_10] : memref<6144xi32, #tpu.memory_space<hbm>> -> memref<96xi32, #tpu.memory_space<hbm>>
    %dma_start3A_14 = arith.constant 96 : i32
    %dma_start3A_15 = tpu.memref_slice %arg6[%dma_start3A_14] : memref<192xi32, #tpu.memory_space<vmem>> -> memref<96xi32, #tpu.memory_space<vmem>>
    %dma_start3A_16 = tpu.memref_slice %arg2[%add3A_10] : memref<6144xi32, #tpu.memory_space<hbm>> -> memref<96xi32, #tpu.memory_space<hbm>>
    tpu.enqueue_dma source(%dma_start3A_16 : memref<96xi32, #tpu.memory_space<hbm>>) target(%dma_start3A_15 : memref<96xi32, #tpu.memory_space<vmem>>) target_semaphore(%arg12 : memref<!tpu.dma_semaphore, #tpu.memory_space<semaphore_mem>>)
    %dma_wait3A = arith.constant 0 : i32
    %dma_wait3A_17 = tpu.memref_slice %arg6[%dma_wait3A] : memref<192xi32, #tpu.memory_space<vmem>> -> memref<96xi32, #tpu.memory_space<vmem>>
    %dma_wait3A_18 = tpu.memref_slice %arg2[%mul3A_3] : memref<6144xi32, #tpu.memory_space<hbm>> -> memref<96xi32, #tpu.memory_space<hbm>>
    %dma_wait3A_19 = arith.constant 0 : i32
    %dma_wait3A_20 = tpu.memref_slice %arg6[%dma_wait3A_19] : memref<192xi32, #tpu.memory_space<vmem>> -> memref<96xi32, #tpu.memory_space<vmem>>
    %dma_wait3A_21 = tpu.memref_slice %arg2[%mul3A_3] : memref<6144xi32, #tpu.memory_space<hbm>> -> memref<96xi32, #tpu.memory_space<hbm>>
    tpu.wait_dma2 semaphore(%arg12 : memref<!tpu.dma_semaphore, #tpu.memory_space<semaphore_mem>>) src(%dma_wait3A_21 : memref<96xi32, #tpu.memory_space<hbm>>) dst(%dma_wait3A_20 : memref<96xi32, #tpu.memory_space<vmem>>)
    %dma_wait3A_22 = arith.constant 96 : i32
    %dma_wait3A_23 = tpu.memref_slice %arg6[%dma_wait3A_22] : memref<192xi32, #tpu.memory_space<vmem>> -> memref<96xi32, #tpu.memory_space<vmem>>
    %dma_wait3A_24 = tpu.memref_slice %arg2[%add3A_10] : memref<6144xi32, #tpu.memory_space<hbm>> -> memref<96xi32, #tpu.memory_space<hbm>>
    %dma_wait3A_25 = arith.constant 96 : i32
    %dma_wait3A_26 = tpu.memref_slice %arg6[%dma_wait3A_25] : memref<192xi32, #tpu.memory_space<vmem>> -> memref<96xi32, #tpu.memory_space<vmem>>
    %dma_wait3A_27 = tpu.memref_slice %arg2[%add3A_10] : memref<6144xi32, #tpu.memory_space<hbm>> -> memref<96xi32, #tpu.memory_space<hbm>>
    tpu.wait_dma2 semaphore(%arg12 : memref<!tpu.dma_semaphore, #tpu.memory_space<semaphore_mem>>) src(%dma_wait3A_27 : memref<96xi32, #tpu.memory_space<hbm>>) dst(%dma_wait3A_26 : memref<96xi32, #tpu.memory_space<vmem>>)
    %add3A_28 = arith.constant 0 : i32
    %add3A_29 = vector.broadcast %add3A_28 : i32 to vector<16xi32>
    %add3A_30 = arith.addi %add3A_29, %iota3A : vector<16xi32>
    %mul3A_31 = arith.constant 3 : i32
    %mul3A_32 = vector.broadcast %mul3A_31 : i32 to vector<16xi32>
    %mul3A_33 = arith.muli %add3A_30, %mul3A_32 : vector<16xi32>
    %add3A_34 = arith.constant 0 : i32
    %add3A_35 = vector.broadcast %add3A_34 : i32 to vector<16xi32>
    %add3A_36 = arith.addi %add3A_35, %mul3A_33 : vector<16xi32>
    %gather3A = tpu.vector_load_idx %arg6[%add3A_36] : memref<192xi32, #tpu.memory_space<vmem>>[vector<16xi32>], vector<16xi32>,
    %swap3A = arith.constant 0 : index
    %swap3A_37 = tpu.vector_load %arg7[%swap3A] {strides = array<i32>} : memref<128xi32, #tpu.memory_space<vmem>>, vector<16xi32>,
    tpu.vector_store %arg7[%swap3A], %gather3A {strides = array<i32>} : memref<128xi32, #tpu.memory_space<vmem>>, vector<16xi32>,
    %add3A_38 = arith.constant 2 : i32
    %add3A_39 = vector.broadcast %add3A_38 : i32 to vector<16xi32>
    %add3A_40 = arith.addi %add3A_36, %add3A_39 : vector<16xi32>
    %gather3A_41 = tpu.vector_load_idx %arg6[%add3A_40] : memref<192xi32, #tpu.memory_space<vmem>>[vector<16xi32>], vector<16xi32>,
    %swap3A_42 = arith.constant 64 : index
    %swap3A_43 = tpu.vector_load %arg7[%swap3A_42] {strides = array<i32>} : memref<128xi32, #tpu.memory_space<vmem>>, vector<16xi32>,
    tpu.vector_store %arg7[%swap3A_42], %gather3A_41 {strides = array<i32>} : memref<128xi32, #tpu.memory_space<vmem>>, vector<16xi32>,
    %add3A_44 = arith.constant 1 : i32
    %add3A_45 = vector.broadcast %add3A_44 : i32 to vector<16xi32>
    %add3A_46 = arith.addi %add3A_36, %add3A_45 : vector<16xi32>
    %gather3A_47 = tpu.vector_load_idx %arg6[%add3A_46] : memref<192xi32, #tpu.memory_space<vmem>>[vector<16xi32>], vector<16xi32>,
    %swap3A_48 = arith.constant 0 : index
    %swap3A_49 = tpu.vector_load %arg8[%swap3A_48] {strides = array<i32>} : memref<64xi32, #tpu.memory_space<vmem>>, vector<16xi32>,
    tpu.vector_store %arg8[%swap3A_48], %gather3A_47 {strides = array<i32>} : memref<64xi32, #tpu.memory_space<vmem>>, vector<16xi32>,
    %add3A_50 = arith.constant 16 : i32
    %add3A_51 = vector.broadcast %add3A_50 : i32 to vector<16xi32>
    %add3A_52 = arith.addi %add3A_51, %iota3A : vector<16xi32>
    %mul3A_53 = arith.constant 3 : i32
    %mul3A_54 = vector.broadcast %mul3A_53 : i32 to vector<16xi32>
    %mul3A_55 = arith.muli %add3A_52, %mul3A_54 : vector<16xi32>
    %add3A_56 = arith.constant 0 : i32
    %add3A_57 = vector.broadcast %add3A_56 : i32 to vector<16xi32>
    %add3A_58 = arith.addi %add3A_57, %mul3A_55 : vector<16xi32>
    %gather3A_59 = tpu.vector_load_idx %arg6[%add3A_58] : memref<192xi32, #tpu.memory_space<vmem>>[vector<16xi32>], vector<16xi32>,
    %swap3A_60 = arith.constant 16 : index
    %swap3A_61 = tpu.vector_load %arg7[%swap3A_60] {strides = array<i32>} : memref<128xi32, #tpu.memory_space<vmem>>, vector<16xi32>,
    tpu.vector_store %arg7[%swap3A_60], %gather3A_59 {strides = array<i32>} : memref<128xi32, #tpu.memory_space<vmem>>, vector<16xi32>,
    %add3A_62 = arith.constant 2 : i32
    %add3A_63 = vector.broadcast %add3A_62 : i32 to vector<16xi32>
    %add3A_64 = arith.addi %add3A_58, %add3A_63 : vector<16xi32>
    %gather3A_65 = tpu.vector_load_idx %arg6[%add3A_64] : memref<192xi32, #tpu.memory_space<vmem>>[vector<16xi32>], vector<16xi32>,
    %swap3A_66 = arith.constant 80 : index
    %swap3A_67 = tpu.vector_load %arg7[%swap3A_66] {strides = array<i32>} : memref<128xi32, #tpu.memory_space<vmem>>, vector<16xi32>,
    tpu.vector_store %arg7[%swap3A_66], %gather3A_65 {strides = array<i32>} : memref<128xi32, #tpu.memory_space<vmem>>, vector<16xi32>,
    %add3A_68 = arith.constant 1 : i32
    %add3A_69 = vector.broadcast %add3A_68 : i32 to vector<16xi32>
    %add3A_70 = arith.addi %add3A_58, %add3A_69 : vector<16xi32>
    %gather3A_71 = tpu.vector_load_idx %arg6[%add3A_70] : memref<192xi32, #tpu.memory_space<vmem>>[vector<16xi32>], vector<16xi32>,
    %swap3A_72 = arith.constant 16 : index
    %swap3A_73 = tpu.vector_load %arg8[%swap3A_72] {strides = array<i32>} : memref<64xi32, #tpu.memory_space<vmem>>, vector<16xi32>,
    tpu.vector_store %arg8[%swap3A_72], %gather3A_71 {strides = array<i32>} : memref<64xi32, #tpu.memory_space<vmem>>, vector<16xi32>,
    %add3A_74 = arith.constant 0 : i32
    %add3A_75 = vector.broadcast %add3A_74 : i32 to vector<16xi32>
    %add3A_76 = arith.addi %add3A_75, %iota3A : vector<16xi32>
    %mul3A_77 = arith.constant 3 : i32
    %mul3A_78 = vector.broadcast %mul3A_77 : i32 to vector<16xi32>
    %mul3A_79 = arith.muli %add3A_76, %mul3A_78 : vector<16xi32>
    %add3A_80 = arith.constant 96 : i32
    %add3A_81 = vector.broadcast %add3A_80 : i32 to vector<16xi32>
    %add3A_82 = arith.addi %add3A_81, %mul3A_79 : vector<16xi32>
    %gather3A_83 = tpu.vector_load_idx %arg6[%add3A_82] : memref<192xi32, #tpu.memory_space<vmem>>[vector<16xi32>], vector<16xi32>,
    %swap3A_84 = arith.constant 32 : index
    %swap3A_85 = tpu.vector_load %arg7[%swap3A_84] {strides = array<i32>} : memref<128xi32, #tpu.memory_space<vmem>>, vector<16xi32>,
    tpu.vector_store %arg7[%swap3A_84], %gather3A_83 {strides = array<i32>} : memref<128xi32, #tpu.memory_space<vmem>>, vector<16xi32>,
    %add3A_86 = arith.constant 2 : i32
    %add3A_87 = vector.broadcast %add3A_86 : i32 to vector<16xi32>
    %add3A_88 = arith.addi %add3A_82, %add3A_87 : vector<16xi32>
    %gather3A_89 = tpu.vector_load_idx %arg6[%add3A_88] : memref<192xi32, #tpu.memory_space<vmem>>[vector<16xi32>], vector<16xi32>,
    %swap3A_90 = arith.constant 96 : index
    %swap3A_91 = tpu.vector_load %arg7[%swap3A_90] {strides = array<i32>} : memref<128xi32, #tpu.memory_space<vmem>>, vector<16xi32>,
    tpu.vector_store %arg7[%swap3A_90], %gather3A_89 {strides = array<i32>} : memref<128xi32, #tpu.memory_space<vmem>>, vector<16xi32>,
    %add3A_92 = arith.constant 1 : i32
    %add3A_93 = vector.broadcast %add3A_92 : i32 to vector<16xi32>
    %add3A_94 = arith.addi %add3A_82, %add3A_93 : vector<16xi32>
    %gather3A_95 = tpu.vector_load_idx %arg6[%add3A_94] : memref<192xi32, #tpu.memory_space<vmem>>[vector<16xi32>], vector<16xi32>,
    %swap3A_96 = arith.constant 32 : index
    %swap3A_97 = tpu.vector_load %arg8[%swap3A_96] {strides = array<i32>} : memref<64xi32, #tpu.memory_space<vmem>>, vector<16xi32>,
    tpu.vector_store %arg8[%swap3A_96], %gather3A_95 {strides = array<i32>} : memref<64xi32, #tpu.memory_space<vmem>>, vector<16xi32>,
    %add3A_98 = arith.constant 16 : i32
    %add3A_99 = vector.broadcast %add3A_98 : i32 to vector<16xi32>
    %add3A_100 = arith.addi %add3A_99, %iota3A : vector<16xi32>
    %mul3A_101 = arith.constant 3 : i32
    %mul3A_102 = vector.broadcast %mul3A_101 : i32 to vector<16xi32>
    %mul3A_103 = arith.muli %add3A_100, %mul3A_102 : vector<16xi32>
    %add3A_104 = arith.constant 96 : i32
    %add3A_105 = vector.broadcast %add3A_104 : i32 to vector<16xi32>
    %add3A_106 = arith.addi %add3A_105, %mul3A_103 : vector<16xi32>
    %gather3A_107 = tpu.vector_load_idx %arg6[%add3A_106] : memref<192xi32, #tpu.memory_space<vmem>>[vector<16xi32>], vector<16xi32>,
    %swap3A_108 = arith.constant 48 : index
    %swap3A_109 = tpu.vector_load %arg7[%swap3A_108] {strides = array<i32>} : memref<128xi32, #tpu.memory_space<vmem>>, vector<16xi32>,
    tpu.vector_store %arg7[%swap3A_108], %gather3A_107 {strides = array<i32>} : memref<128xi32, #tpu.memory_space<vmem>>, vector<16xi32>,
    %add3A_110 = arith.constant 2 : i32
    %add3A_111 = vector.broadcast %add3A_110 : i32 to vector<16xi32>
    %add3A_112 = arith.addi %add3A_106, %add3A_111 : vector<16xi32>
    %gather3A_113 = tpu.vector_load_idx %arg6[%add3A_112] : memref<192xi32, #tpu.memory_space<vmem>>[vector<16xi32>], vector<16xi32>,
    %swap3A_114 = arith.constant 112 : index
    %swap3A_115 = tpu.vector_load %arg7[%swap3A_114] {strides = array<i32>} : memref<128xi32, #tpu.memory_space<vmem>>, vector<16xi32>,
    tpu.vector_store %arg7[%swap3A_114], %gather3A_113 {strides = array<i32>} : memref<128xi32, #tpu.memory_space<vmem>>, vector<16xi32>,
    %add3A_116 = arith.constant 1 : i32
    %add3A_117 = vector.broadcast %add3A_116 : i32 to vector<16xi32>
    %add3A_118 = arith.addi %add3A_106, %add3A_117 : vector<16xi32>
    %gather3A_119 = tpu.vector_load_idx %arg6[%add3A_118] : memref<192xi32, #tpu.memory_space<vmem>>[vector<16xi32>], vector<16xi32>,
    %swap3A_120 = arith.constant 48 : index
    %swap3A_121 = tpu.vector_load %arg8[%swap3A_120] {strides = array<i32>} : memref<64xi32, #tpu.memory_space<vmem>>, vector<16xi32>,
    tpu.vector_store %arg8[%swap3A_120], %gather3A_119 {strides = array<i32>} : memref<64xi32, #tpu.memory_space<vmem>>, vector<16xi32>,
    %dma_start3A_122 = arith.constant 0 : i32
    %dma_start3A_123 = arith.constant 0 : i32
    %dma_start3A_124 = tpu.memref_slice %arg3[%dma_start3A_122, %dma_start3A_123] : memref<10000x128xf32, #tpu.memory_space<hbm>> -> memref<10000x128xf32, #tpu.memory_space<hbm>>
    tpu.enqueue_indirect_dma source(%dma_start3A_124 : memref<10000x128xf32, #tpu.memory_space<hbm>>) target(%arg9 : memref<128x128xf32, #tpu.memory_space<vmem>>) offsets(%arg7 : memref<128xi32, #tpu.memory_space<vmem>>) semaphore(%arg13 : memref<!tpu.dma_semaphore, #tpu.memory_space<semaphore_mem>>)
    %dma_start3A_125 = arith.constant 0 : i32
    %dma_start3A_126 = arith.constant 0 : i32
    %dma_start3A_127 = tpu.memref_slice %arg4[%dma_start3A_125, %dma_start3A_126] : memref<10000x128xf32, #tpu.memory_space<hbm>> -> memref<10000x128xf32, #tpu.memory_space<hbm>>
    tpu.enqueue_indirect_dma source(%dma_start3A_127 : memref<10000x128xf32, #tpu.memory_space<hbm>>) target(%arg10 : memref<64x128xf32, #tpu.memory_space<vmem>>) offsets(%arg8 : memref<64xi32, #tpu.memory_space<vmem>>) semaphore(%arg13 : memref<!tpu.dma_semaphore, #tpu.memory_space<semaphore_mem>>)
    %dma_wait3A_128 = arith.constant 0 : i32
    %dma_wait3A_129 = arith.constant 0 : i32
    %dma_wait3A_130 = tpu.memref_slice %arg3[%dma_wait3A_128, %dma_wait3A_129] : memref<10000x128xf32, #tpu.memory_space<hbm>> -> memref<10000x128xf32, #tpu.memory_space<hbm>>
    tpu.wait_indirect_dma semaphore(%arg13 : memref<!tpu.dma_semaphore, #tpu.memory_space<semaphore_mem>>) src(%dma_wait3A_130 : memref<10000x128xf32, #tpu.memory_space<hbm>>) dst(%arg9 : memref<128x128xf32, #tpu.memory_space<vmem>>)
    %dma_wait3A_131 = arith.constant 0 : i32
    %dma_wait3A_132 = arith.constant 0 : i32
    %dma_wait3A_133 = tpu.memref_slice %arg4[%dma_wait3A_131, %dma_wait3A_132] : memref<10000x128xf32, #tpu.memory_space<hbm>> -> memref<10000x128xf32, #tpu.memory_space<hbm>>
    tpu.wait_indirect_dma semaphore(%arg13 : memref<!tpu.dma_semaphore, #tpu.memory_space<semaphore_mem>>) src(%dma_wait3A_133 : memref<10000x128xf32, #tpu.memory_space<hbm>>) dst(%arg10 : memref<64x128xf32, #tpu.memory_space<vmem>>)
    %add3A_134 = arith.constant 0 : i32
    %add3A_135 = vector.broadcast %add3A_134 : i32 to vector<16xi32>
    %add3A_136 = arith.addi %add3A_135, %iota3A : vector<16xi32>
    %add3A_137 = arith.constant 32 : i32
    %add3A_138 = vector.broadcast %add3A_137 : i32 to vector<16xi32>
    %add3A_139 = arith.addi %add3A_138, %iota3A : vector<16xi32>
    %broadcast_in_dim3A_140 = arith.constant 0 : i32
    %broadcast_in_dim3A_141 = vector.broadcast %broadcast_in_dim3A_140 : i32 to vector<16xi32>
    %gather3A_142 = tpu.vector_load_idx %arg9[%add3A_136, %broadcast_in_dim3A_141] : memref<128x128xf32, #tpu.memory_space<vmem>>[vector<16xi32>, vector<16xi32>], vector<16xf32>,
    %gather3A_143 = tpu.vector_load_idx %arg9[%add3A_139, %broadcast_in_dim3A_141] : memref<128x128xf32, #tpu.memory_space<vmem>>[vector<16xi32>, vector<16xi32>], vector<16xf32>,
    %add3A_144 = arith.constant 64 : i32
    %add3A_145 = vector.broadcast %add3A_144 : i32 to vector<16xi32>
    %add3A_146 = arith.addi %add3A_145, %add3A_136 : vector<16xi32>
    %gather3A_147 = tpu.vector_load_idx %arg9[%add3A_146, %broadcast_in_dim3A_141] : memref<128x128xf32, #tpu.memory_space<vmem>>[vector<16xi32>, vector<16xi32>], vector<16xf32>,
    %add3A_148 = arith.constant 64 : i32
    %add3A_149 = vector.broadcast %add3A_148 : i32 to vector<16xi32>
    %add3A_150 = arith.addi %add3A_149, %add3A_139 : vector<16xi32>
    %gather3A_151 = tpu.vector_load_idx %arg9[%add3A_150, %broadcast_in_dim3A_141] : memref<128x128xf32, #tpu.memory_space<vmem>>[vector<16xi32>, vector<16xi32>], vector<16xf32>,
    %gather3A_152 = tpu.vector_load_idx %arg10[%add3A_136, %broadcast_in_dim3A_141] : memref<64x128xf32, #tpu.memory_space<vmem>>[vector<16xi32>, vector<16xi32>], vector<16xf32>,
    %gather3A_153 = tpu.vector_load_idx %arg10[%add3A_139, %broadcast_in_dim3A_141] : memref<64x128xf32, #tpu.memory_space<vmem>>[vector<16xi32>, vector<16xi32>], vector<16xf32>,
    %add3A_154 = arith.addf %gather3A_142, %gather3A_152 : vector<16xf32>
    %sub3A = arith.subf %add3A_154, %gather3A_147 : vector<16xf32>
    %abs3A = math.absf %sub3A : vector<16xf32>
    %add3A_155 = arith.addf %gather3A_143, %gather3A_153 : vector<16xf32>
    %sub3A_156 = arith.subf %add3A_155, %gather3A_151 : vector<16xf32>
    %abs3A_157 = math.absf %sub3A_156 : vector<16xf32>
    %mul3A_158 = arith.mulf %abs3A, %abs3A : vector<16xf32>
    %add3A_159 = arith.addf %broadcast_in_dim3A_1, %mul3A_158 : vector<16xf32>
    %mul3A_160 = arith.mulf %abs3A_157, %abs3A_157 : vector<16xf32>
    %add3A_161 = arith.addf %broadcast_in_dim3A_1, %mul3A_160 : vector<16xf32>
    %mul3A_162 = arith.mulf %abs3A, %abs3A_157 : vector<16xf32>
    %add3A_163 = arith.addf %broadcast_in_dim3A_1, %mul3A_162 : vector<16xf32>
    %mul3A_164 = arith.mulf %gather3A_142, %gather3A_142 : vector<16xf32>
    %add3A_165 = arith.addf %broadcast_in_dim3A_1, %mul3A_164 : vector<16xf32>
    %mul3A_166 = arith.mulf %gather3A_143, %gather3A_143 : vector<16xf32>
    %add3A_167 = arith.addf %add3A_165, %mul3A_166 : vector<16xf32>
    %mul3A_168 = arith.mulf %gather3A_152, %gather3A_152 : vector<16xf32>
    %add3A_169 = arith.addf %broadcast_in_dim3A_1, %mul3A_168 : vector<16xf32>
    %mul3A_170 = arith.mulf %gather3A_153, %gather3A_153 : vector<16xf32>
    %add3A_171 = arith.addf %add3A_169, %mul3A_170 : vector<16xf32>
    %mul3A_172 = arith.mulf %gather3A_147, %gather3A_147 : vector<16xf32>
    %add3A_173 = arith.addf %broadcast_in_dim3A_1, %mul3A_172 : vector<16xf32>
    %mul3A_174 = arith.mulf %gather3A_151, %gather3A_151 : vector<16xf32>
    %add3A_175 = arith.addf %add3A_173, %mul3A_174 : vector<16xf32>
    %broadcast_in_dim3A_176 = arith.constant 1 : i32
    %broadcast_in_dim3A_177 = vector.broadcast %broadcast_in_dim3A_176 : i32 to vector<16xi32>
    %gather3A_178 = tpu.vector_load_idx %arg9[%add3A_136, %broadcast_in_dim3A_177] : memref<128x128xf32, #tpu.memory_space<vmem>>[vector<16xi32>, vector<16xi32>], vector<16xf32>,
    %gather3A_179 = tpu.vector_load_idx %arg9[%add3A_139, %broadcast_in_dim3A_177] : memref<128x128xf32, #tpu.memory_space<vmem>>[vector<16xi32>, vector<16xi32>], vector<16xf32>,
    %add3A_180 = arith.constant 64 : i32
    %add3A_181 = vector.broadcast %add3A_180 : i32 to vector<16xi32>
    %add3A_182 = arith.addi %add3A_181, %add3A_136 : vector<16xi32>
    %gather3A_183 = tpu.vector_load_idx %arg9[%add3A_182, %broadcast_in_dim3A_177] : memref<128x128xf32, #tpu.memory_space<vmem>>[vector<16xi32>, vector<16xi32>], vector<16xf32>,
    %add3A_184 = arith.constant 64 : i32
    %add3A_185 = vector.broadcast %add3A_184 : i32 to vector<16xi32>
    %add3A_186 = arith.addi %add3A_185, %add3A_139 : vector<16xi32>
    %gather3A_187 = tpu.vector_load_idx %arg9[%add3A_186, %broadcast_in_dim3A_177] : memref<128x128xf32, #tpu.memory_space<vmem>>[vector<16xi32>, vector<16xi32>], vector<16xf32>,
    %gather3A_188 = tpu.vector_load_idx %arg10[%add3A_136, %broadcast_in_dim3A_177] : memref<64x128xf32, #tpu.memory_space<vmem>>[vector<16xi32>, vector<16xi32>], vector<16xf32>,
    %gather3A_189 = tpu.vector_load_idx %arg10[%add3A_139, %broadcast_in_dim3A_177] : memref<64x128xf32, #tpu.memory_space<vmem>>[vector<16xi32>, vector<16xi32>], vector<16xf32>,
    %add3A_190 = arith.addf %gather3A_178, %gather3A_188 : vector<16xf32>
    %sub3A_191 = arith.subf %add3A_190, %gather3A_183 : vector<16xf32>
    %abs3A_192 = math.absf %sub3A_191 : vector<16xf32>
    %add3A_193 = arith.addf %gather3A_179, %gather3A_189 : vector<16xf32>
    %sub3A_194 = arith.subf %add3A_193, %gather3A_187 : vector<16xf32>
    %abs3A_195 = math.absf %sub3A_194 : vector<16xf32>
    %mul3A_196 = arith.mulf %abs3A_192, %abs3A_192 : vector<16xf32>
    %add3A_197 = arith.addf %add3A_159, %mul3A_196 : vector<16xf32>
    %mul3A_198 = arith.mulf %abs3A_195, %abs3A_195 : vector<16xf32>
    %add3A_199 = arith.addf %add3A_161, %mul3A_198 : vector<16xf32>
    %mul3A_200 = arith.mulf %abs3A_192, %abs3A_195 : vector<16xf32>
    %add3A_201 = arith.addf %add3A_163, %mul3A_200 : vector<16xf32>
    %mul3A_202 = arith.mulf %gather3A_178, %gather3A_178 : vector<16xf32>
    %add3A_203 = arith.addf %add3A_167, %mul3A_202 : vector<16xf32>
    %mul3A_204 = arith.mulf %gather3A_179, %gather3A_179 : vector<16xf32>
    %add3A_205 = arith.addf %add3A_203, %mul3A_204 : vector<16xf32>
    %mul3A_206 = arith.mulf %gather3A_188, %gather3A_188 : vector<16xf32>
    %add3A_207 = arith.addf %add3A_171, %mul3A_206 : vector<16xf32>
    %mul3A_208 = arith.mulf %gather3A_189, %gather3A_189 : vector<16xf32>
    %add3A_209 = arith.addf %add3A_207, %mul3A_208 : vector<16xf32>
    %mul3A_210 = arith.mulf %gather3A_183, %gather3A_183 : vector<16xf32>
    %add3A_211 = arith.addf %add3A_175, %mul3A_210 : vector<16xf32>
    %mul3A_212 = arith.mulf %gather3A_187, %gather3A_187 : vector<16xf32>
    %add3A_213 = arith.addf %add3A_211, %mul3A_212 : vector<16xf32>
    %broadcast_in_dim3A_214 = arith.constant 2 : i32
    %broadcast_in_dim3A_215 = vector.broadcast %broadcast_in_dim3A_214 : i32 to vector<16xi32>
    %gather3A_216 = tpu.vector_load_idx %arg9[%add3A_136, %broadcast_in_dim3A_215] : memref<128x128xf32, #tpu.memory_space<vmem>>[vector<16xi32>, vector<16xi32>], vector<16xf32>,
    %gather3A_217 = tpu.vector_load_idx %arg9[%add3A_139, %broadcast_in_dim3A_215] : memref<128x128xf32, #tpu.memory_space<vmem>>[vector<16xi32>, vector<16xi32>], vector<16xf32>,
    %add3A_218 = arith.constant 64 : i32
    %add3A_219 = vector.broadcast %add3A_218 : i32 to vector<16xi32>
    %add3A_220 = arith.addi %add3A_219, %add3A_136 : vector<16xi32>
    %gather3A_221 = tpu.vector_load_idx %arg9[%add3A_220, %broadcast_in_dim3A_215] : memref<128x128xf32, #tpu.memory_space<vmem>>[vector<16xi32>, vector<16xi32>], vector<16xf32>,
    %add3A_222 = arith.constant 64 : i32
    %add3A_223 = vector.broadcast %add3A_222 : i32 to vector<16xi32>
    %add3A_224 = arith.addi %add3A_223, %add3A_139 : vector<16xi32>
    %gather3A_225 = tpu.vector_load_idx %arg9[%add3A_224, %broadcast_in_dim3A_215] : memref<128x128xf32, #tpu.memory_space<vmem>>[vector<16xi32>, vector<16xi32>], vector<16xf32>,
    %gather3A_226 = tpu.vector_load_idx %arg10[%add3A_136, %broadcast_in_dim3A_215] : memref<64x128xf32, #tpu.memory_space<vmem>>[vector<16xi32>, vector<16xi32>], vector<16xf32>,
    %gather3A_227 = tpu.vector_load_idx %arg10[%add3A_139, %broadcast_in_dim3A_215] : memref<64x128xf32, #tpu.memory_space<vmem>>[vector<16xi32>, vector<16xi32>], vector<16xf32>,
    %add3A_228 = arith.addf %gather3A_216, %gather3A_226 : vector<16xf32>
    %sub3A_229 = arith.subf %add3A_228, %gather3A_221 : vector<16xf32>
    %abs3A_230 = math.absf %sub3A_229 : vector<16xf32>
    %add3A_231 = arith.addf %gather3A_217, %gather3A_227 : vector<16xf32>
    %sub3A_232 = arith.subf %add3A_231, %gather3A_225 : vector<16xf32>
    %abs3A_233 = math.absf %sub3A_232 : vector<16xf32>
    %mul3A_234 = arith.mulf %abs3A_230, %abs3A_230 : vector<16xf32>
    %add3A_235 = arith.addf %add3A_197, %mul3A_234 : vector<16xf32>
    %mul3A_236 = arith.mulf %abs3A_233, %abs3A_233 : vector<16xf32>
    %add3A_237 = arith.addf %add3A_199, %mul3A_236 : vector<16xf32>
    %mul3A_238 = arith.mulf %abs3A_230, %abs3A_233 : vector<16xf32>
    %add3A_239 = arith.addf %add3A_201, %mul3A_238 : vector<16xf32>
    %mul3A_240 = arith.mulf %gather3A_216, %gather3A_216 : vector<16xf32>
    %add3A_241 = arith.addf %add3A_205, %mul3A_240 : vector<16xf32>
    %mul3A_242 = arith.mulf %gather3A_217, %gather3A_217 : vector<16xf32>
    %add3A_243 = arith.addf %add3A_241, %mul3A_242 : vector<16xf32>
    %mul3A_244 = arith.mulf %gather3A_226, %gather3A_226 : vector<16xf32>
    %add3A_245 = arith.addf %add3A_209, %mul3A_244 : vector<16xf32>
    %mul3A_246 = arith.mulf %gather3A_227, %gather3A_227 : vector<16xf32>
    %add3A_247 = arith.addf %add3A_245, %mul3A_246 : vector<16xf32>
    %mul3A_248 = arith.mulf %gather3A_221, %gather3A_221 : vector<16xf32>
    %add3A_249 = arith.addf %add3A_213, %mul3A_248 : vector<16xf32>
    %mul3A_250 = arith.mulf %gather3A_225, %gather3A_225 : vector<16xf32>
    %add3A_251 = arith.addf %add3A_249, %mul3A_250 : vector<16xf32>
    %broadcast_in_dim3A_252 = arith.constant 3 : i32
    %broadcast_in_dim3A_253 = vector.broadcast %broadcast_in_dim3A_252 : i32 to vector<16xi32>
    %gather3A_254 = tpu.vector_load_idx %arg9[%add3A_136, %broadcast_in_dim3A_253] : memref<128x128xf32, #tpu.memory_space<vmem>>[vector<16xi32>, vector<16xi32>], vector<16xf32>,
    %gather3A_255 = tpu.vector_load_idx %arg9[%add3A_139, %broadcast_in_dim3A_253] : memref<128x128xf32, #tpu.memory_space<vmem>>[vector<16xi32>, vector<16xi32>], vector<16xf32>,
    %add3A_256 = arith.constant 64 : i32
    %add3A_257 = vector.broadcast %add3A_256 : i32 to vector<16xi32>
    %add3A_258 = arith.addi %add3A_257, %add3A_136 : vector<16xi32>
    %gather3A_259 = tpu.vector_load_idx %arg9[%add3A_258, %broadcast_in_dim3A_253] : memref<128x128xf32, #tpu.memory_space<vmem>>[vector<16xi32>, vector<16xi32>], vector<16xf32>,
    %add3A_260 = arith.constant 64 : i32
    %add3A_261 = vector.broadcast %add3A_260 : i32 to vector<16xi32>
    %add3A_262 = arith.addi %add3A_261, %add3A_139 : vector<16xi32>
    %gather3A_263 = tpu.vector_load_idx %arg9[%add3A_262, %broadcast_in_dim3A_253] : memref<128x128xf32, #tpu.memory_space<vmem>>[vector<16xi32>, vector<16xi32>], vector<16xf32>,
    %gather3A_264 = tpu.vector_load_idx %arg10[%add3A_136, %broadcast_in_dim3A_253] : memref<64x128xf32, #tpu.memory_space<vmem>>[vector<16xi32>, vector<16xi32>], vector<16xf32>,
    %gather3A_265 = tpu.vector_load_idx %arg10[%add3A_139, %broadcast_in_dim3A_253] : memref<64x128xf32, #tpu.memory_space<vmem>>[vector<16xi32>, vector<16xi32>], vector<16xf32>,
    %add3A_266 = arith.addf %gather3A_254, %gather3A_264 : vector<16xf32>
    %sub3A_267 = arith.subf %add3A_266, %gather3A_259 : vector<16xf32>
    %abs3A_268 = math.absf %sub3A_267 : vector<16xf32>
    %add3A_269 = arith.addf %gather3A_255, %gather3A_265 : vector<16xf32>
    %sub3A_270 = arith.subf %add3A_269, %gather3A_263 : vector<16xf32>
    %abs3A_271 = math.absf %sub3A_270 : vector<16xf32>
    %mul3A_272 = arith.mulf %abs3A_268, %abs3A_268 : vector<16xf32>
    %add3A_273 = arith.addf %add3A_235, %mul3A_272 : vector<16xf32>
    %mul3A_274 = arith.mulf %abs3A_271, %abs3A_271 : vector<16xf32>
    %add3A_275 = arith.addf %add3A_237, %mul3A_274 : vector<16xf32>
    %mul3A_276 = arith.mulf %abs3A_268, %abs3A_271 : vector<16xf32>
    %add3A_277 = arith.addf %add3A_239, %mul3A_276 : vector<16xf32>
    %mul3A_278 = arith.mulf %gather3A_254, %gather3A_254 : vector<16xf32>
    %add3A_279 = arith.addf %add3A_243, %mul3A_278 : vector<16xf32>
    %mul3A_280 = arith.mulf %gather3A_255, %gather3A_255 : vector<16xf32>
    %add3A_281 = arith.addf %add3A_279, %mul3A_280 : vector<16xf32>
    %mul3A_282 = arith.mulf %gather3A_264, %gather3A_264 : vector<16xf32>
    %add3A_283 = arith.addf %add3A_247, %mul3A_282 : vector<16xf32>
    %mul3A_284 = arith.mulf %gather3A_265, %gather3A_265 : vector<16xf32>
    %add3A_285 = arith.addf %add3A_283, %mul3A_284 : vector<16xf32>
    %mul3A_286 = arith.mulf %gather3A_259, %gather3A_259 : vector<16xf32>
    %add3A_287 = arith.addf %add3A_251, %mul3A_286 : vector<16xf32>
    %mul3A_288 = arith.mulf %gather3A_263, %gather3A_263 : vector<16xf32>
    %add3A_289 = arith.addf %add3A_287, %mul3A_288 : vector<16xf32>
    %broadcast_in_dim3A_290 = arith.constant 4 : i32
    %broadcast_in_dim3A_291 = vector.broadcast %broadcast_in_dim3A_290 : i32 to vector<16xi32>
    %gather3A_292 = tpu.vector_load_idx %arg9[%add3A_136, %broadcast_in_dim3A_291] : memref<128x128xf32, #tpu.memory_space<vmem>>[vector<16xi32>, vector<16xi32>], vector<16xf32>,
    %gather3A_293 = tpu.vector_load_idx %arg9[%add3A_139, %broadcast_in_dim3A_291] : memref<128x128xf32, #tpu.memory_space<vmem>>[vector<16xi32>, vector<16xi32>], vector<16xf32>,
    %add3A_294 = arith.constant 64 : i32
    %add3A_295 = vector.broadcast %add3A_294 : i32 to vector<16xi32>
    %add3A_296 = arith.addi %add3A_295, %add3A_136 : vector<16xi32>
    %gather3A_297 = tpu.vector_load_idx %arg9[%add3A_296, %broadcast_in_dim3A_291] : memref<128x128xf32, #tpu.memory_space<vmem>>[vector<16xi32>, vector<16xi32>], vector<16xf32>,
    %add3A_298 = arith.constant 64 : i32
    %add3A_299 = vector.broadcast %add3A_298 : i32 to vector<16xi32>
    %add3A_300 = arith.addi %add3A_299, %add3A_139 : vector<16xi32>
    %gather3A_301 = tpu.vector_load_idx %arg9[%add3A_300, %broadcast_in_dim3A_291] : memref<128x128xf32, #tpu.memory_space<vmem>>[vector<16xi32>, vector<16xi32>], vector<16xf32>,
    %gather3A_302 = tpu.vector_load_idx %arg10[%add3A_136, %broadcast_in_dim3A_291] : memref<64x128xf32, #tpu.memory_space<vmem>>[vector<16xi32>, vector<16xi32>], vector<16xf32>,
    %gather3A_303 = tpu.vector_load_idx %arg10[%add3A_139, %broadcast_in_dim3A_291] : memref<64x128xf32, #tpu.memory_space<vmem>>[vector<16xi32>, vector<16xi32>], vector<16xf32>,
    %add3A_304 = arith.addf %gather3A_292, %gather3A_302 : vector<16xf32>
    %sub3A_305 = arith.subf %add3A_304, %gather3A_297 : vector<16xf32>
    %abs3A_306 = math.absf %sub3A_305 : vector<16xf32>
    %add3A_307 = arith.addf %gather3A_293, %gather3A_303 : vector<16xf32>
    %sub3A_308 = arith.subf %add3A_307, %gather3A_301 : vector<16xf32>
    %abs3A_309 = math.absf %sub3A_308 : vector<16xf32>
    %mul3A_310 = arith.mulf %abs3A_306, %abs3A_306 : vector<16xf32>
    %add3A_311 = arith.addf %add3A_273, %mul3A_310 : vector<16xf32>
    %mul3A_312 = arith.mulf %abs3A_309, %abs3A_309 : vector<16xf32>
    %add3A_313 = arith.addf %add3A_275, %mul3A_312 : vector<16xf32>
    %mul3A_314 = arith.mulf %abs3A_306, %abs3A_309 : vector<16xf32>
    %add3A_315 = arith.addf %add3A_277, %mul3A_314 : vector<16xf32>
    %mul3A_316 = arith.mulf %gather3A_292, %gather3A_292 : vector<16xf32>
    %add3A_317 = arith.addf %add3A_281, %mul3A_316 : vector<16xf32>
    %mul3A_318 = arith.mulf %gather3A_293, %gather3A_293 : vector<16xf32>
    %add3A_319 = arith.addf %add3A_317, %mul3A_318 : vector<16xf32>
    %mul3A_320 = arith.mulf %gather3A_302, %gather3A_302 : vector<16xf32>
    %add3A_321 = arith.addf %add3A_285, %mul3A_320 : vector<16xf32>
    %mul3A_322 = arith.mulf %gather3A_303, %gather3A_303 : vector<16xf32>
    %add3A_323 = arith.addf %add3A_321, %mul3A_322 : vector<16xf32>
    %mul3A_324 = arith.mulf %gather3A_297, %gather3A_297 : vector<16xf32>
    %add3A_325 = arith.addf %add3A_289, %mul3A_324 : vector<16xf32>
    %mul3A_326 = arith.mulf %gather3A_301, %gather3A_301 : vector<16xf32>
    %add3A_327 = arith.addf %add3A_325, %mul3A_326 : vector<16xf32>
    %broadcast_in_dim3A_328 = arith.constant 5 : i32
    %broadcast_in_dim3A_329 = vector.broadcast %broadcast_in_dim3A_328 : i32 to vector<16xi32>
    %gather3A_330 = tpu.vector_load_idx %arg9[%add3A_136, %broadcast_in_dim3A_329] : memref<128x128xf32, #tpu.memory_space<vmem>>[vector<16xi32>, vector<16xi32>], vector<16xf32>,
    %gather3A_331 = tpu.vector_load_idx %arg9[%add3A_139, %broadcast_in_dim3A_329] : memref<128x128xf32, #tpu.memory_space<vmem>>[vector<16xi32>, vector<16xi32>], vector<16xf32>,
    %add3A_332 = arith.constant 64 : i32
    %add3A_333 = vector.broadcast %add3A_332 : i32 to vector<16xi32>
    %add3A_334 = arith.addi %add3A_333, %add3A_136 : vector<16xi32>
    %gather3A_335 = tpu.vector_load_idx %arg9[%add3A_334, %broadcast_in_dim3A_329] : memref<128x128xf32, #tpu.memory_space<vmem>>[vector<16xi32>, vector<16xi32>], vector<16xf32>,
    %add3A_336 = arith.constant 64 : i32
    %add3A_337 = vector.broadcast %add3A_336 : i32 to vector<16xi32>
    %add3A_338 = arith.addi %add3A_337, %add3A_139 : vector<16xi32>
    %gather3A_339 = tpu.vector_load_idx %arg9[%add3A_338, %broadcast_in_dim3A_329] : memref<128x128xf32, #tpu.memory_space<vmem>>[vector<16xi32>, vector<16xi32>], vector<16xf32>,
    %gather3A_340 = tpu.vector_load_idx %arg10[%add3A_136, %broadcast_in_dim3A_329] : memref<64x128xf32, #tpu.memory_space<vmem>>[vector<16xi32>, vector<16xi32>], vector<16xf32>,
    %gather3A_341 = tpu.vector_load_idx %arg10[%add3A_139, %broadcast_in_dim3A_329] : memref<64x128xf32, #tpu.memory_space<vmem>>[vector<16xi32>, vector<16xi32>], vector<16xf32>,
    %add3A_342 = arith.addf %gather3A_330, %gather3A_340 : vector<16xf32>
    %sub3A_343 = arith.subf %add3A_342, %gather3A_335 : vector<16xf32>
    %abs3A_344 = math.absf %sub3A_343 : vector<16xf32>
    %add3A_345 = arith.addf %gather3A_331, %gather3A_341 : vector<16xf32>
    %sub3A_346 = arith.subf %add3A_345, %gather3A_339 : vector<16xf32>
    %abs3A_347 = math.absf %sub3A_346 : vector<16xf32>
    %mul3A_348 = arith.mulf %abs3A_344, %abs3A_344 : vector<16xf32>
    %add3A_349 = arith.addf %add3A_311, %mul3A_348 : vector<16xf32>
    %mul3A_350 = arith.mulf %abs3A_347, %abs3A_347 : vector<16xf32>
    %add3A_351 = arith.addf %add3A_313, %mul3A_350 : vector<16xf32>
    %mul3A_352 = arith.mulf %abs3A_344, %abs3A_347 : vector<16xf32>
    %add3A_353 = arith.addf %add3A_315, %mul3A_352 : vector<16xf32>
    %mul3A_354 = arith.mulf %gather3A_330, %gather3A_330 : vector<16xf32>
    %add3A_355 = arith.addf %add3A_319, %mul3A_354 : vector<16xf32>
    %mul3A_356 = arith.mulf %gather3A_331, %gather3A_331 : vector<16xf32>
    %add3A_357 = arith.addf %add3A_355, %mul3A_356 : vector<16xf32>
    %mul3A_358 = arith.mulf %gather3A_340, %gather3A_340 : vector<16xf32>
    %add3A_359 = arith.addf %add3A_323, %mul3A_358 : vector<16xf32>
    %mul3A_360 = arith.mulf %gather3A_341, %gather3A_341 : vector<16xf32>
    %add3A_361 = arith.addf %add3A_359, %mul3A_360 : vector<16xf32>
    %mul3A_362 = arith.mulf %gather3A_335, %gather3A_335 : vector<16xf32>
    %add3A_363 = arith.addf %add3A_327, %mul3A_362 : vector<16xf32>
    %mul3A_364 = arith.mulf %gather3A_339, %gather3A_339 : vector<16xf32>
    %add3A_365 = arith.addf %add3A_363, %mul3A_364 : vector<16xf32>
    %broadcast_in_dim3A_366 = arith.constant 6 : i32
    %broadcast_in_dim3A_367 = vector.broadcast %broadcast_in_dim3A_366 : i32 to vector<16xi32>
    %gather3A_368 = tpu.vector_load_idx %arg9[%add3A_136, %broadcast_in_dim3A_367] : memref<128x128xf32, #tpu.memory_space<vmem>>[vector<16xi32>, vector<16xi32>], vector<16xf32>,
    %gather3A_369 = tpu.vector_load_idx %arg9[%add3A_139, %broadcast_in_dim3A_367] : memref<128x128xf32, #tpu.memory_space<vmem>>[vector<16xi32>, vector<16xi32>], vector<16xf32>,
    %add3A_370 = arith.constant 64 : i32
    %add3A_371 = vector.broadcast %add3A_370 : i32 to vector<16xi32>
    %add3A_372 = arith.addi %add3A_371, %add3A_136 : vector<16xi32>
    %gather3A_373 = tpu.vector_load_idx %arg9[%add3A_372, %broadcast_in_dim3A_367] : memref<128x128xf32, #tpu.memory_space<vmem>>[vector<16xi32>, vector<16xi32>], vector<16xf32>,
    %add3A_374 = arith.constant 64 : i32
    %add3A_375 = vector.broadcast %add3A_374 : i32 to vector<16xi32>
    %add3A_376 = arith.addi %add3A_375, %add3A_139 : vector<16xi32>
    %gather3A_377 = tpu.vector_load_idx %arg9[%add3A_376, %broadcast_in_dim3A_367] : memref<128x128xf32, #tpu.memory_space<vmem>>[vector<16xi32>, vector<16xi32>], vector<16xf32>,
    %gather3A_378 = tpu.vector_load_idx %arg10[%add3A_136, %broadcast_in_dim3A_367] : memref<64x128xf32, #tpu.memory_space<vmem>>[vector<16xi32>, vector<16xi32>], vector<16xf32>,
    %gather3A_379 = tpu.vector_load_idx %arg10[%add3A_139, %broadcast_in_dim3A_367] : memref<64x128xf32, #tpu.memory_space<vmem>>[vector<16xi32>, vector<16xi32>], vector<16xf32>,
    %add3A_380 = arith.addf %gather3A_368, %gather3A_378 : vector<16xf32>
    %sub3A_381 = arith.subf %add3A_380, %gather3A_373 : vector<16xf32>
    %abs3A_382 = math.absf %sub3A_381 : vector<16xf32>
    %add3A_383 = arith.addf %gather3A_369, %gather3A_379 : vector<16xf32>
    %sub3A_384 = arith.subf %add3A_383, %gather3A_377 : vector<16xf32>
    %abs3A_385 = math.absf %sub3A_384 : vector<16xf32>
    %mul3A_386 = arith.mulf %abs3A_382, %abs3A_382 : vector<16xf32>
    %add3A_387 = arith.addf %add3A_349, %mul3A_386 : vector<16xf32>
    %mul3A_388 = arith.mulf %abs3A_385, %abs3A_385 : vector<16xf32>
    %add3A_389 = arith.addf %add3A_351, %mul3A_388 : vector<16xf32>
    %mul3A_390 = arith.mulf %abs3A_382, %abs3A_385 : vector<16xf32>
    %add3A_391 = arith.addf %add3A_353, %mul3A_390 : vector<16xf32>
    %mul3A_392 = arith.mulf %gather3A_368, %gather3A_368 : vector<16xf32>
    %add3A_393 = arith.addf %add3A_357, %mul3A_392 : vector<16xf32>
    %mul3A_394 = arith.mulf %gather3A_369, %gather3A_369 : vector<16xf32>
    %add3A_395 = arith.addf %add3A_393, %mul3A_394 : vector<16xf32>
    %mul3A_396 = arith.mulf %gather3A_378, %gather3A_378 : vector<16xf32>
    %add3A_397 = arith.addf %add3A_361, %mul3A_396 : vector<16xf32>
    %mul3A_398 = arith.mulf %gather3A_379, %gather3A_379 : vector<16xf32>
    %add3A_399 = arith.addf %add3A_397, %mul3A_398 : vector<16xf32>
    %mul3A_400 = arith.mulf %gather3A_373, %gather3A_373 : vector<16xf32>
    %add3A_401 = arith.addf %add3A_365, %mul3A_400 : vector<16xf32>
    %mul3A_402 = arith.mulf %gather3A_377, %gather3A_377 : vector<16xf32>
    %add3A_403 = arith.addf %add3A_401, %mul3A_402 : vector<16xf32>
    %broadcast_in_dim3A_404 = arith.constant 7 : i32
    %broadcast_in_dim3A_405 = vector.broadcast %broadcast_in_dim3A_404 : i32 to vector<16xi32>
    %gather3A_406 = tpu.vector_load_idx %arg9[%add3A_136, %broadcast_in_dim3A_405] : memref<128x128xf32, #tpu.memory_space<vmem>>[vector<16xi32>, vector<16xi32>], vector<16xf32>,
    %gather3A_407 = tpu.vector_load_idx %arg9[%add3A_139, %broadcast_in_dim3A_405] : memref<128x128xf32, #tpu.memory_space<vmem>>[vector<16xi32>, vector<16xi32>], vector<16xf32>,
    %add3A_408 = arith.constant 64 : i32
    %add3A_409 = vector.broadcast %add3A_408 : i32 to vector<16xi32>
    %add3A_410 = arith.addi %add3A_409, %add3A_136 : vector<16xi32>
    %gather3A_411 = tpu.vector_load_idx %arg9[%add3A_410, %broadcast_in_dim3A_405] : memref<128x128xf32, #tpu.memory_space<vmem>>[vector<16xi32>, vector<16xi32>], vector<16xf32>,
    %add3A_412 = arith.constant 64 : i32
    %add3A_413 = vector.broadcast %add3A_412 : i32 to vector<16xi32>
    %add3A_414 = arith.addi %add3A_413, %add3A_139 : vector<16xi32>
    %gather3A_415 = tpu.vector_load_idx %arg9[%add3A_414, %broadcast_in_dim3A_405] : memref<128x128xf32, #tpu.memory_space<vmem>>[vector<16xi32>, vector<16xi32>], vector<16xf32>,
    %gather3A_416 = tpu.vector_load_idx %arg10[%add3A_136, %broadcast_in_dim3A_405] : memref<64x128xf32, #tpu.memory_space<vmem>>[vector<16xi32>, vector<16xi32>], vector<16xf32>,
    %gather3A_417 = tpu.vector_load_idx %arg10[%add3A_139, %broadcast_in_dim3A_405] : memref<64x128xf32, #tpu.memory_space<vmem>>[vector<16xi32>, vector<16xi32>], vector<16xf32>,
    %add3A_418 = arith.addf %gather3A_406, %gather3A_416 : vector<16xf32>
    %sub3A_419 = arith.subf %add3A_418, %gather3A_411 : vector<16xf32>
    %abs3A_420 = math.absf %sub3A_419 : vector<16xf32>
    %add3A_421 = arith.addf %gather3A_407, %gather3A_417 : vector<16xf32>
    %sub3A_422 = arith.subf %add3A_421, %gather3A_415 : vector<16xf32>
    %abs3A_423 = math.absf %sub3A_422 : vector<16xf32>
    %mul3A_424 = arith.mulf %abs3A_420, %abs3A_420 : vector<16xf32>
    %add3A_425 = arith.addf %add3A_387, %mul3A_424 : vector<16xf32>
    %mul3A_426 = arith.mulf %abs3A_423, %abs3A_423 : vector<16xf32>
    %add3A_427 = arith.addf %add3A_389, %mul3A_426 : vector<16xf32>
    %mul3A_428 = arith.mulf %abs3A_420, %abs3A_423 : vector<16xf32>
    %add3A_429 = arith.addf %add3A_391, %mul3A_428 : vector<16xf32>
    %mul3A_430 = arith.mulf %gather3A_406, %gather3A_406 : vector<16xf32>
    %add3A_431 = arith.addf %add3A_395, %mul3A_430 : vector<16xf32>
    %mul3A_432 = arith.mulf %gather3A_407, %gather3A_407 : vector<16xf32>
    %add3A_433 = arith.addf %add3A_431, %mul3A_432 : vector<16xf32>
    %mul3A_434 = arith.mulf %gather3A_416, %gather3A_416 : vector<16xf32>
    %add3A_435 = arith.addf %add3A_399, %mul3A_434 : vector<16xf32>
    %mul3A_436 = arith.mulf %gather3A_417, %gather3A_417 : vector<16xf32>
    %add3A_437 = arith.addf %add3A_435, %mul3A_436 : vector<16xf32>
    %mul3A_438 = arith.mulf %gather3A_411, %gather3A_411 : vector<16xf32>
    %add3A_439 = arith.addf %add3A_403, %mul3A_438 : vector<16xf32>
    %mul3A_440 = arith.mulf %gather3A_415, %gather3A_415 : vector<16xf32>
    %add3A_441 = arith.addf %add3A_439, %mul3A_440 : vector<16xf32>
    %broadcast_in_dim3A_442 = arith.constant 8 : i32
    %broadcast_in_dim3A_443 = vector.broadcast %broadcast_in_dim3A_442 : i32 to vector<16xi32>
    %gather3A_444 = tpu.vector_load_idx %arg9[%add3A_136, %broadcast_in_dim3A_443] : memref<128x128xf32, #tpu.memory_space<vmem>>[vector<16xi32>, vector<16xi32>], vector<16xf32>,
    %gather3A_445 = tpu.vector_load_idx %arg9[%add3A_139, %broadcast_in_dim3A_443] : memref<128x128xf32, #tpu.memory_space<vmem>>[vector<16xi32>, vector<16xi32>], vector<16xf32>,
    %add3A_446 = arith.constant 64 : i32
    %add3A_447 = vector.broadcast %add3A_446 : i32 to vector<16xi32>
    %add3A_448 = arith.addi %add3A_447, %add3A_136 : vector<16xi32>
    %gather3A_449 = tpu.vector_load_idx %arg9[%add3A_448, %broadcast_in_dim3A_443] : memref<128x128xf32, #tpu.memory_space<vmem>>[vector<16xi32>, vector<16xi32>], vector<16xf32>,
    %add3A_450 = arith.constant 64 : i32
    %add3A_451 = vector.broadcast %add3A_450 : i32 to vector<16xi32>
    %add3A_452 = arith.addi %add3A_451, %add3A_139 : vector<16xi32>
    %gather3A_453 = tpu.vector_load_idx %arg9[%add3A_452, %broadcast_in_dim3A_443] : memref<128x128xf32, #tpu.memory_space<vmem>>[vector<16xi32>, vector<16xi32>], vector<16xf32>,
    %gather3A_454 = tpu.vector_load_idx %arg10[%add3A_136, %broadcast_in_dim3A_443] : memref<64x128xf32, #tpu.memory_space<vmem>>[vector<16xi32>, vector<16xi32>], vector<16xf32>,
    %gather3A_455 = tpu.vector_load_idx %arg10[%add3A_139, %broadcast_in_dim3A_443] : memref<64x128xf32, #tpu.memory_space<vmem>>[vector<16xi32>, vector<16xi32>], vector<16xf32>,
    %add3A_456 = arith.addf %gather3A_444, %gather3A_454 : vector<16xf32>
    %sub3A_457 = arith.subf %add3A_456, %gather3A_449 : vector<16xf32>
    %abs3A_458 = math.absf %sub3A_457 : vector<16xf32>
    %add3A_459 = arith.addf %gather3A_445, %gather3A_455 : vector<16xf32>
    %sub3A_460 = arith.subf %add3A_459, %gather3A_453 : vector<16xf32>
    %abs3A_461 = math.absf %sub3A_460 : vector<16xf32>
    %mul3A_462 = arith.mulf %abs3A_458, %abs3A_458 : vector<16xf32>
    %add3A_463 = arith.addf %add3A_425, %mul3A_462 : vector<16xf32>
    %mul3A_464 = arith.mulf %abs3A_461, %abs3A_461 : vector<16xf32>
    %add3A_465 = arith.addf %add3A_427, %mul3A_464 : vector<16xf32>
    %mul3A_466 = arith.mulf %abs3A_458, %abs3A_461 : vector<16xf32>
    %add3A_467 = arith.addf %add3A_429, %mul3A_466 : vector<16xf32>
    %mul3A_468 = arith.mulf %gather3A_444, %gather3A_444 : vector<16xf32>
    %add3A_469 = arith.addf %add3A_433, %mul3A_468 : vector<16xf32>
    %mul3A_470 = arith.mulf %gather3A_445, %gather3A_445 : vector<16xf32>
    %add3A_471 = arith.addf %add3A_469, %mul3A_470 : vector<16xf32>
    %mul3A_472 = arith.mulf %gather3A_454, %gather3A_454 : vector<16xf32>
    %add3A_473 = arith.addf %add3A_437, %mul3A_472 : vector<16xf32>
    %mul3A_474 = arith.mulf %gather3A_455, %gather3A_455 : vector<16xf32>
    %add3A_475 = arith.addf %add3A_473, %mul3A_474 : vector<16xf32>
    %mul3A_476 = arith.mulf %gather3A_449, %gather3A_449 : vector<16xf32>
    %add3A_477 = arith.addf %add3A_441, %mul3A_476 : vector<16xf32>
    %mul3A_478 = arith.mulf %gather3A_453, %gather3A_453 : vector<16xf32>
    %add3A_479 = arith.addf %add3A_477, %mul3A_478 : vector<16xf32>
    %broadcast_in_dim3A_480 = arith.constant 9 : i32
    %broadcast_in_dim3A_481 = vector.broadcast %broadcast_in_dim3A_480 : i32 to vector<16xi32>
    %gather3A_482 = tpu.vector_load_idx %arg9[%add3A_136, %broadcast_in_dim3A_481] : memref<128x128xf32, #tpu.memory_space<vmem>>[vector<16xi32>, vector<16xi32>], vector<16xf32>,
    %gather3A_483 = tpu.vector_load_idx %arg9[%add3A_139, %broadcast_in_dim3A_481] : memref<128x128xf32, #tpu.memory_space<vmem>>[vector<16xi32>, vector<16xi32>], vector<16xf32>,
    %add3A_484 = arith.constant 64 : i32
    %add3A_485 = vector.broadcast %add3A_484 : i32 to vector<16xi32>
    %add3A_486 = arith.addi %add3A_485, %add3A_136 : vector<16xi32>
    %gather3A_487 = tpu.vector_load_idx %arg9[%add3A_486, %broadcast_in_dim3A_481] : memref<128x128xf32, #tpu.memory_space<vmem>>[vector<16xi32>, vector<16xi32>], vector<16xf32>,
    %add3A_488 = arith.constant 64 : i32
    %add3A_489 = vector.broadcast %add3A_488 : i32 to vector<16xi32>
    %add3A_490 = arith.addi %add3A_489, %add3A_139 : vector<16xi32>
    %gather3A_491 = tpu.vector_load_idx %arg9[%add3A_490, %broadcast_in_dim3A_481] : memref<128x128xf32, #tpu.memory_space<vmem>>[vector<16xi32>, vector<16xi32>], vector<16xf32>,
    %gather3A_492 = tpu.vector_load_idx %arg10[%add3A_136, %broadcast_in_dim3A_481] : memref<64x128xf32, #tpu.memory_space<vmem>>[vector<16xi32>, vector<16xi32>], vector<16xf32>,
    %gather3A_493 = tpu.vector_load_idx %arg10[%add3A_139, %broadcast_in_dim3A_481] : memref<64x128xf32, #tpu.memory_space<vmem>>[vector<16xi32>, vector<16xi32>], vector<16xf32>,
    %add3A_494 = arith.addf %gather3A_482, %gather3A_492 : vector<16xf32>
    %sub3A_495 = arith.subf %add3A_494, %gather3A_487 : vector<16xf32>
    %abs3A_496 = math.absf %sub3A_495 : vector<16xf32>
    %add3A_497 = arith.addf %gather3A_483, %gather3A_493 : vector<16xf32>
    %sub3A_498 = arith.subf %add3A_497, %gather3A_491 : vector<16xf32>
    %abs3A_499 = math.absf %sub3A_498 : vector<16xf32>
    %mul3A_500 = arith.mulf %abs3A_496, %abs3A_496 : vector<16xf32>
    %add3A_501 = arith.addf %add3A_463, %mul3A_500 : vector<16xf32>
    %mul3A_502 = arith.mulf %abs3A_499, %abs3A_499 : vector<16xf32>
    %add3A_503 = arith.addf %add3A_465, %mul3A_502 : vector<16xf32>
    %mul3A_504 = arith.mulf %abs3A_496, %abs3A_499 : vector<16xf32>
    %add3A_505 = arith.addf %add3A_467, %mul3A_504 : vector<16xf32>
    %mul3A_506 = arith.mulf %gather3A_482, %gather3A_482 : vector<16xf32>
    %add3A_507 = arith.addf %add3A_471, %mul3A_506 : vector<16xf32>
    %mul3A_508 = arith.mulf %gather3A_483, %gather3A_483 : vector<16xf32>
    %add3A_509 = arith.addf %add3A_507, %mul3A_508 : vector<16xf32>
    %mul3A_510 = arith.mulf %gather3A_492, %gather3A_492 : vector<16xf32>
    %add3A_511 = arith.addf %add3A_475, %mul3A_510 : vector<16xf32>
    %mul3A_512 = arith.mulf %gather3A_493, %gather3A_493 : vector<16xf32>
    %add3A_513 = arith.addf %add3A_511, %mul3A_512 : vector<16xf32>
    %mul3A_514 = arith.mulf %gather3A_487, %gather3A_487 : vector<16xf32>
    %add3A_515 = arith.addf %add3A_479, %mul3A_514 : vector<16xf32>
    %mul3A_516 = arith.mulf %gather3A_491, %gather3A_491 : vector<16xf32>
    %add3A_517 = arith.addf %add3A_515, %mul3A_516 : vector<16xf32>
    %broadcast_in_dim3A_518 = arith.constant 10 : i32
    %broadcast_in_dim3A_519 = vector.broadcast %broadcast_in_dim3A_518 : i32 to vector<16xi32>
    %gather3A_520 = tpu.vector_load_idx %arg9[%add3A_136, %broadcast_in_dim3A_519] : memref<128x128xf32, #tpu.memory_space<vmem>>[vector<16xi32>, vector<16xi32>], vector<16xf32>,
    %gather3A_521 = tpu.vector_load_idx %arg9[%add3A_139, %broadcast_in_dim3A_519] : memref<128x128xf32, #tpu.memory_space<vmem>>[vector<16xi32>, vector<16xi32>], vector<16xf32>,
    %add3A_522 = arith.constant 64 : i32
    %add3A_523 = vector.broadcast %add3A_522 : i32 to vector<16xi32>
    %add3A_524 = arith.addi %add3A_523, %add3A_136 : vector<16xi32>
    %gather3A_525 = tpu.vector_load_idx %arg9[%add3A_524, %broadcast_in_dim3A_519] : memref<128x128xf32, #tpu.memory_space<vmem>>[vector<16xi32>, vector<16xi32>], vector<16xf32>,
    %add3A_526 = arith.constant 64 : i32
    %add3A_527 = vector.broadcast %add3A_526 : i32 to vector<16xi32>
    %add3A_528 = arith.addi %add3A_527, %add3A_139 : vector<16xi32>
    %gather3A_529 = tpu.vector_load_idx %arg9[%add3A_528, %broadcast_in_dim3A_519] : memref<128x128xf32, #tpu.memory_space<vmem>>[vector<16xi32>, vector<16xi32>], vector<16xf32>,
    %gather3A_530 = tpu.vector_load_idx %arg10[%add3A_136, %broadcast_in_dim3A_519] : memref<64x128xf32, #tpu.memory_space<vmem>>[vector<16xi32>, vector<16xi32>], vector<16xf32>,
    %gather3A_531 = tpu.vector_load_idx %arg10[%add3A_139, %broadcast_in_dim3A_519] : memref<64x128xf32, #tpu.memory_space<vmem>>[vector<16xi32>, vector<16xi32>], vector<16xf32>,
    %add3A_532 = arith.addf %gather3A_520, %gather3A_530 : vector<16xf32>
    %sub3A_533 = arith.subf %add3A_532, %gather3A_525 : vector<16xf32>
    %abs3A_534 = math.absf %sub3A_533 : vector<16xf32>
    %add3A_535 = arith.addf %gather3A_521, %gather3A_531 : vector<16xf32>
    %sub3A_536 = arith.subf %add3A_535, %gather3A_529 : vector<16xf32>
    %abs3A_537 = math.absf %sub3A_536 : vector<16xf32>
    %mul3A_538 = arith.mulf %abs3A_534, %abs3A_534 : vector<16xf32>
    %add3A_539 = arith.addf %add3A_501, %mul3A_538 : vector<16xf32>
    %mul3A_540 = arith.mulf %abs3A_537, %abs3A_537 : vector<16xf32>
    %add3A_541 = arith.addf %add3A_503, %mul3A_540 : vector<16xf32>
    %mul3A_542 = arith.mulf %abs3A_534, %abs3A_537 : vector<16xf32>
    %add3A_543 = arith.addf %add3A_505, %mul3A_542 : vector<16xf32>
    %mul3A_544 = arith.mulf %gather3A_520, %gather3A_520 : vector<16xf32>
    %add3A_545 = arith.addf %add3A_509, %mul3A_544 : vector<16xf32>
    %mul3A_546 = arith.mulf %gather3A_521, %gather3A_521 : vector<16xf32>
    %add3A_547 = arith.addf %add3A_545, %mul3A_546 : vector<16xf32>
    %mul3A_548 = arith.mulf %gather3A_530, %gather3A_530 : vector<16xf32>
    %add3A_549 = arith.addf %add3A_513, %mul3A_548 : vector<16xf32>
    %mul3A_550 = arith.mulf %gather3A_531, %gather3A_531 : vector<16xf32>
    %add3A_551 = arith.addf %add3A_549, %mul3A_550 : vector<16xf32>
    %mul3A_552 = arith.mulf %gather3A_525, %gather3A_525 : vector<16xf32>
    %add3A_553 = arith.addf %add3A_517, %mul3A_552 : vector<16xf32>
    %mul3A_554 = arith.mulf %gather3A_529, %gather3A_529 : vector<16xf32>
    %add3A_555 = arith.addf %add3A_553, %mul3A_554 : vector<16xf32>
    %broadcast_in_dim3A_556 = arith.constant 11 : i32
    %broadcast_in_dim3A_557 = vector.broadcast %broadcast_in_dim3A_556 : i32 to vector<16xi32>
    %gather3A_558 = tpu.vector_load_idx %arg9[%add3A_136, %broadcast_in_dim3A_557] : memref<128x128xf32, #tpu.memory_space<vmem>>[vector<16xi32>, vector<16xi32>], vector<16xf32>,
    %gather3A_559 = tpu.vector_load_idx %arg9[%add3A_139, %broadcast_in_dim3A_557] : memref<128x128xf32, #tpu.memory_space<vmem>>[vector<16xi32>, vector<16xi32>], vector<16xf32>,
    %add3A_560 = arith.constant 64 : i32
    %add3A_561 = vector.broadcast %add3A_560 : i32 to vector<16xi32>
    %add3A_562 = arith.addi %add3A_561, %add3A_136 : vector<16xi32>
    %gather3A_563 = tpu.vector_load_idx %arg9[%add3A_562, %broadcast_in_dim3A_557] : memref<128x128xf32, #tpu.memory_space<vmem>>[vector<16xi32>, vector<16xi32>], vector<16xf32>,
    %add3A_564 = arith.constant 64 : i32
    %add3A_565 = vector.broadcast %add3A_564 : i32 to vector<16xi32>
    %add3A_566 = arith.addi %add3A_565, %add3A_139 : vector<16xi32>
    %gather3A_567 = tpu.vector_load_idx %arg9[%add3A_566, %broadcast_in_dim3A_557] : memref<128x128xf32, #tpu.memory_space<vmem>>[vector<16xi32>, vector<16xi32>], vector<16xf32>,
    %gather3A_568 = tpu.vector_load_idx %arg10[%add3A_136, %broadcast_in_dim3A_557] : memref<64x128xf32, #tpu.memory_space<vmem>>[vector<16xi32>, vector<16xi32>], vector<16xf32>,
    %gather3A_569 = tpu.vector_load_idx %arg10[%add3A_139, %broadcast_in_dim3A_557] : memref<64x128xf32, #tpu.memory_space<vmem>>[vector<16xi32>, vector<16xi32>], vector<16xf32>,
    %add3A_570 = arith.addf %gather3A_558, %gather3A_568 : vector<16xf32>
    %sub3A_571 = arith.subf %add3A_570, %gather3A_563 : vector<16xf32>
    %abs3A_572 = math.absf %sub3A_571 : vector<16xf32>
    %add3A_573 = arith.addf %gather3A_559, %gather3A_569 : vector<16xf32>
    %sub3A_574 = arith.subf %add3A_573, %gather3A_567 : vector<16xf32>
    %abs3A_575 = math.absf %sub3A_574 : vector<16xf32>
    %mul3A_576 = arith.mulf %abs3A_572, %abs3A_572 : vector<16xf32>
    %add3A_577 = arith.addf %add3A_539, %mul3A_576 : vector<16xf32>
    %mul3A_578 = arith.mulf %abs3A_575, %abs3A_575 : vector<16xf32>
    %add3A_579 = arith.addf %add3A_541, %mul3A_578 : vector<16xf32>
    %mul3A_580 = arith.mulf %abs3A_572, %abs3A_575 : vector<16xf32>
    %add3A_581 = arith.addf %add3A_543, %mul3A_580 : vector<16xf32>
    %mul3A_582 = arith.mulf %gather3A_558, %gather3A_558 : vector<16xf32>
    %add3A_583 = arith.addf %add3A_547, %mul3A_582 : vector<16xf32>
    %mul3A_584 = arith.mulf %gather3A_559, %gather3A_559 : vector<16xf32>
    %add3A_585 = arith.addf %add3A_583, %mul3A_584 : vector<16xf32>
    %mul3A_586 = arith.mulf %gather3A_568, %gather3A_568 : vector<16xf32>
    %add3A_587 = arith.addf %add3A_551, %mul3A_586 : vector<16xf32>
    %mul3A_588 = arith.mulf %gather3A_569, %gather3A_569 : vector<16xf32>
    %add3A_589 = arith.addf %add3A_587, %mul3A_588 : vector<16xf32>
    %mul3A_590 = arith.mulf %gather3A_563, %gather3A_563 : vector<16xf32>
    %add3A_591 = arith.addf %add3A_555, %mul3A_590 : vector<16xf32>
    %mul3A_592 = arith.mulf %gather3A_567, %gather3A_567 : vector<16xf32>
    %add3A_593 = arith.addf %add3A_591, %mul3A_592 : vector<16xf32>
    %broadcast_in_dim3A_594 = arith.constant 12 : i32
    %broadcast_in_dim3A_595 = vector.broadcast %broadcast_in_dim3A_594 : i32 to vector<16xi32>
    %gather3A_596 = tpu.vector_load_idx %arg9[%add3A_136, %broadcast_in_dim3A_595] : memref<128x128xf32, #tpu.memory_space<vmem>>[vector<16xi32>, vector<16xi32>], vector<16xf32>,
    %gather3A_597 = tpu.vector_load_idx %arg9[%add3A_139, %broadcast_in_dim3A_595] : memref<128x128xf32, #tpu.memory_space<vmem>>[vector<16xi32>, vector<16xi32>], vector<16xf32>,
    %add3A_598 = arith.constant 64 : i32
    %add3A_599 = vector.broadcast %add3A_598 : i32 to vector<16xi32>
    %add3A_600 = arith.addi %add3A_599, %add3A_136 : vector<16xi32>
    %gather3A_601 = tpu.vector_load_idx %arg9[%add3A_600, %broadcast_in_dim3A_595] : memref<128x128xf32, #tpu.memory_space<vmem>>[vector<16xi32>, vector<16xi32>], vector<16xf32>,
    %add3A_602 = arith.constant 64 : i32
    %add3A_603 = vector.broadcast %add3A_602 : i32 to vector<16xi32>
    %add3A_604 = arith.addi %add3A_603, %add3A_139 : vector<16xi32>
    %gather3A_605 = tpu.vector_load_idx %arg9[%add3A_604, %broadcast_in_dim3A_595] : memref<128x128xf32, #tpu.memory_space<vmem>>[vector<16xi32>, vector<16xi32>], vector<16xf32>,
    %gather3A_606 = tpu.vector_load_idx %arg10[%add3A_136, %broadcast_in_dim3A_595] : memref<64x128xf32, #tpu.memory_space<vmem>>[vector<16xi32>, vector<16xi32>], vector<16xf32>,
    %gather3A_607 = tpu.vector_load_idx %arg10[%add3A_139, %broadcast_in_dim3A_595] : memref<64x128xf32, #tpu.memory_space<vmem>>[vector<16xi32>, vector<16xi32>], vector<16xf32>,
    %add3A_608 = arith.addf %gather3A_596, %gather3A_606 : vector<16xf32>
    %sub3A_609 = arith.subf %add3A_608, %gather3A_601 : vector<16xf32>
    %abs3A_610 = math.absf %sub3A_609 : vector<16xf32>
    %add3A_611 = arith.addf %gather3A_597, %gather3A_607 : vector<16xf32>
    %sub3A_612 = arith.subf %add3A_611, %gather3A_605 : vector<16xf32>
    %abs3A_613 = math.absf %sub3A_612 : vector<16xf32>
    %mul3A_614 = arith.mulf %abs3A_610, %abs3A_610 : vector<16xf32>
    %add3A_615 = arith.addf %add3A_577, %mul3A_614 : vector<16xf32>
    %mul3A_616 = arith.mulf %abs3A_613, %abs3A_613 : vector<16xf32>
    %add3A_617 = arith.addf %add3A_579, %mul3A_616 : vector<16xf32>
    %mul3A_618 = arith.mulf %abs3A_610, %abs3A_613 : vector<16xf32>
    %add3A_619 = arith.addf %add3A_581, %mul3A_618 : vector<16xf32>
    %mul3A_620 = arith.mulf %gather3A_596, %gather3A_596 : vector<16xf32>
    %add3A_621 = arith.addf %add3A_585, %mul3A_620 : vector<16xf32>
    %mul3A_622 = arith.mulf %gather3A_597, %gather3A_597 : vector<16xf32>
    %add3A_623 = arith.addf %add3A_621, %mul3A_622 : vector<16xf32>
    %mul3A_624 = arith.mulf %gather3A_606, %gather3A_606 : vector<16xf32>
    %add3A_625 = arith.addf %add3A_589, %mul3A_624 : vector<16xf32>
    %mul3A_626 = arith.mulf %gather3A_607, %gather3A_607 : vector<16xf32>
    %add3A_627 = arith.addf %add3A_625, %mul3A_626 : vector<16xf32>
    %mul3A_628 = arith.mulf %gather3A_601, %gather3A_601 : vector<16xf32>
    %add3A_629 = arith.addf %add3A_593, %mul3A_628 : vector<16xf32>
    %mul3A_630 = arith.mulf %gather3A_605, %gather3A_605 : vector<16xf32>
    %add3A_631 = arith.addf %add3A_629, %mul3A_630 : vector<16xf32>
    %broadcast_in_dim3A_632 = arith.constant 13 : i32
    %broadcast_in_dim3A_633 = vector.broadcast %broadcast_in_dim3A_632 : i32 to vector<16xi32>
    %gather3A_634 = tpu.vector_load_idx %arg9[%add3A_136, %broadcast_in_dim3A_633] : memref<128x128xf32, #tpu.memory_space<vmem>>[vector<16xi32>, vector<16xi32>], vector<16xf32>,
    %gather3A_635 = tpu.vector_load_idx %arg9[%add3A_139, %broadcast_in_dim3A_633] : memref<128x128xf32, #tpu.memory_space<vmem>>[vector<16xi32>, vector<16xi32>], vector<16xf32>,
    %add3A_636 = arith.constant 64 : i32
    %add3A_637 = vector.broadcast %add3A_636 : i32 to vector<16xi32>
    %add3A_638 = arith.addi %add3A_637, %add3A_136 : vector<16xi32>
    %gather3A_639 = tpu.vector_load_idx %arg9[%add3A_638, %broadcast_in_dim3A_633] : memref<128x128xf32, #tpu.memory_space<vmem>>[vector<16xi32>, vector<16xi32>], vector<16xf32>,
    %add3A_640 = arith.constant 64 : i32
    %add3A_641 = vector.broadcast %add3A_640 : i32 to vector<16xi32>
    %add3A_642 = arith.addi %add3A_641, %add3A_139 : vector<16xi32>
    %gather3A_643 = tpu.vector_load_idx %arg9[%add3A_642, %broadcast_in_dim3A_633] : memref<128x128xf32, #tpu.memory_space<vmem>>[vector<16xi32>, vector<16xi32>], vector<16xf32>,
    %gather3A_644 = tpu.vector_load_idx %arg10[%add3A_136, %broadcast_in_dim3A_633] : memref<64x128xf32, #tpu.memory_space<vmem>>[vector<16xi32>, vector<16xi32>], vector<16xf32>,
    %gather3A_645 = tpu.vector_load_idx %arg10[%add3A_139, %broadcast_in_dim3A_633] : memref<64x128xf32, #tpu.memory_space<vmem>>[vector<16xi32>, vector<16xi32>], vector<16xf32>,
    %add3A_646 = arith.addf %gather3A_634, %gather3A_644 : vector<16xf32>
    %sub3A_647 = arith.subf %add3A_646, %gather3A_639 : vector<16xf32>
    %abs3A_648 = math.absf %sub3A_647 : vector<16xf32>
    %add3A_649 = arith.addf %gather3A_635, %gather3A_645 : vector<16xf32>
    %sub3A_650 = arith.subf %add3A_649, %gather3A_643 : vector<16xf32>
    %abs3A_651 = math.absf %sub3A_650 : vector<16xf32>
    %mul3A_652 = arith.mulf %abs3A_648, %abs3A_648 : vector<16xf32>
    %add3A_653 = arith.addf %add3A_615, %mul3A_652 : vector<16xf32>
    %mul3A_654 = arith.mulf %abs3A_651, %abs3A_651 : vector<16xf32>
    %add3A_655 = arith.addf %add3A_617, %mul3A_654 : vector<16xf32>
    %mul3A_656 = arith.mulf %abs3A_648, %abs3A_651 : vector<16xf32>
    %add3A_657 = arith.addf %add3A_619, %mul3A_656 : vector<16xf32>
    %mul3A_658 = arith.mulf %gather3A_634, %gather3A_634 : vector<16xf32>
    %add3A_659 = arith.addf %add3A_623, %mul3A_658 : vector<16xf32>
    %mul3A_660 = arith.mulf %gather3A_635, %gather3A_635 : vector<16xf32>
    %add3A_661 = arith.addf %add3A_659, %mul3A_660 : vector<16xf32>
    %mul3A_662 = arith.mulf %gather3A_644, %gather3A_644 : vector<16xf32>
    %add3A_663 = arith.addf %add3A_627, %mul3A_662 : vector<16xf32>
    %mul3A_664 = arith.mulf %gather3A_645, %gather3A_645 : vector<16xf32>
    %add3A_665 = arith.addf %add3A_663, %mul3A_664 : vector<16xf32>
    %mul3A_666 = arith.mulf %gather3A_639, %gather3A_639 : vector<16xf32>
    %add3A_667 = arith.addf %add3A_631, %mul3A_666 : vector<16xf32>
    %mul3A_668 = arith.mulf %gather3A_643, %gather3A_643 : vector<16xf32>
    %add3A_669 = arith.addf %add3A_667, %mul3A_668 : vector<16xf32>
    %broadcast_in_dim3A_670 = arith.constant 14 : i32
    %broadcast_in_dim3A_671 = vector.broadcast %broadcast_in_dim3A_670 : i32 to vector<16xi32>
    %gather3A_672 = tpu.vector_load_idx %arg9[%add3A_136, %broadcast_in_dim3A_671] : memref<128x128xf32, #tpu.memory_space<vmem>>[vector<16xi32>, vector<16xi32>], vector<16xf32>,
    %gather3A_673 = tpu.vector_load_idx %arg9[%add3A_139, %broadcast_in_dim3A_671] : memref<128x128xf32, #tpu.memory_space<vmem>>[vector<16xi32>, vector<16xi32>], vector<16xf32>,
    %add3A_674 = arith.constant 64 : i32
    %add3A_675 = vector.broadcast %add3A_674 : i32 to vector<16xi32>
    %add3A_676 = arith.addi %add3A_675, %add3A_136 : vector<16xi32>
    %gather3A_677 = tpu.vector_load_idx %arg9[%add3A_676, %broadcast_in_dim3A_671] : memref<128x128xf32, #tpu.memory_space<vmem>>[vector<16xi32>, vector<16xi32>], vector<16xf32>,
    %add3A_678 = arith.constant 64 : i32
    %add3A_679 = vector.broadcast %add3A_678 : i32 to vector<16xi32>
    %add3A_680 = arith.addi %add3A_679, %add3A_139 : vector<16xi32>
    %gather3A_681 = tpu.vector_load_idx %arg9[%add3A_680, %broadcast_in_dim3A_671] : memref<128x128xf32, #tpu.memory_space<vmem>>[vector<16xi32>, vector<16xi32>], vector<16xf32>,
    %gather3A_682 = tpu.vector_load_idx %arg10[%add3A_136, %broadcast_in_dim3A_671] : memref<64x128xf32, #tpu.memory_space<vmem>>[vector<16xi32>, vector<16xi32>], vector<16xf32>,
    %gather3A_683 = tpu.vector_load_idx %arg10[%add3A_139, %broadcast_in_dim3A_671] : memref<64x128xf32, #tpu.memory_space<vmem>>[vector<16xi32>, vector<16xi32>], vector<16xf32>,
    %add3A_684 = arith.addf %gather3A_672, %gather3A_682 : vector<16xf32>
    %sub3A_685 = arith.subf %add3A_684, %gather3A_677 : vector<16xf32>
    %abs3A_686 = math.absf %sub3A_685 : vector<16xf32>
    %add3A_687 = arith.addf %gather3A_673, %gather3A_683 : vector<16xf32>
    %sub3A_688 = arith.subf %add3A_687, %gather3A_681 : vector<16xf32>
    %abs3A_689 = math.absf %sub3A_688 : vector<16xf32>
    %mul3A_690 = arith.mulf %abs3A_686, %abs3A_686 : vector<16xf32>
    %add3A_691 = arith.addf %add3A_653, %mul3A_690 : vector<16xf32>
    %mul3A_692 = arith.mulf %abs3A_689, %abs3A_689 : vector<16xf32>
    %add3A_693 = arith.addf %add3A_655, %mul3A_692 : vector<16xf32>
    %mul3A_694 = arith.mulf %abs3A_686, %abs3A_689 : vector<16xf32>
    %add3A_695 = arith.addf %add3A_657, %mul3A_694 : vector<16xf32>
    %mul3A_696 = arith.mulf %gather3A_672, %gather3A_672 : vector<16xf32>
    %add3A_697 = arith.addf %add3A_661, %mul3A_696 : vector<16xf32>
    %mul3A_698 = arith.mulf %gather3A_673, %gather3A_673 : vector<16xf32>
    %add3A_699 = arith.addf %add3A_697, %mul3A_698 : vector<16xf32>
    %mul3A_700 = arith.mulf %gather3A_682, %gather3A_682 : vector<16xf32>
    %add3A_701 = arith.addf %add3A_665, %mul3A_700 : vector<16xf32>
    %mul3A_702 = arith.mulf %gather3A_683, %gather3A_683 : vector<16xf32>
    %add3A_703 = arith.addf %add3A_701, %mul3A_702 : vector<16xf32>
    %mul3A_704 = arith.mulf %gather3A_677, %gather3A_677 : vector<16xf32>
    %add3A_705 = arith.addf %add3A_669, %mul3A_704 : vector<16xf32>
    %mul3A_706 = arith.mulf %gather3A_681, %gather3A_681 : vector<16xf32>
    %add3A_707 = arith.addf %add3A_705, %mul3A_706 : vector<16xf32>
    %broadcast_in_dim3A_708 = arith.constant 15 : i32
    %broadcast_in_dim3A_709 = vector.broadcast %broadcast_in_dim3A_708 : i32 to vector<16xi32>
    %gather3A_710 = tpu.vector_load_idx %arg9[%add3A_136, %broadcast_in_dim3A_709] : memref<128x128xf32, #tpu.memory_space<vmem>>[vector<16xi32>, vector<16xi32>], vector<16xf32>,
    %gather3A_711 = tpu.vector_load_idx %arg9[%add3A_139, %broadcast_in_dim3A_709] : memref<128x128xf32, #tpu.memory_space<vmem>>[vector<16xi32>, vector<16xi32>], vector<16xf32>,
    %add3A_712 = arith.constant 64 : i32
    %add3A_713 = vector.broadcast %add3A_712 : i32 to vector<16xi32>
    %add3A_714 = arith.addi %add3A_713, %add3A_136 : vector<16xi32>
    %gather3A_715 = tpu.vector_load_idx %arg9[%add3A_714, %broadcast_in_dim3A_709] : memref<128x128xf32, #tpu.memory_space<vmem>>[vector<16xi32>, vector<16xi32>], vector<16xf32>,
    %add3A_716 = arith.constant 64 : i32
    %add3A_717 = vector.broadcast %add3A_716 : i32 to vector<16xi32>
    %add3A_718 = arith.addi %add3A_717, %add3A_139 : vector<16xi32>
    %gather3A_719 = tpu.vector_load_idx %arg9[%add3A_718, %broadcast_in_dim3A_709] : memref<128x128xf32, #tpu.memory_space<vmem>>[vector<16xi32>, vector<16xi32>], vector<16xf32>,
    %gather3A_720 = tpu.vector_load_idx %arg10[%add3A_136, %broadcast_in_dim3A_709] : memref<64x128xf32, #tpu.memory_space<vmem>>[vector<16xi32>, vector<16xi32>], vector<16xf32>,
    %gather3A_721 = tpu.vector_load_idx %arg10[%add3A_139, %broadcast_in_dim3A_709] : memref<64x128xf32, #tpu.memory_space<vmem>>[vector<16xi32>, vector<16xi32>], vector<16xf32>,
    %add3A_722 = arith.addf %gather3A_710, %gather3A_720 : vector<16xf32>
    %sub3A_723 = arith.subf %add3A_722, %gather3A_715 : vector<16xf32>
    %abs3A_724 = math.absf %sub3A_723 : vector<16xf32>
    %add3A_725 = arith.addf %gather3A_711, %gather3A_721 : vector<16xf32>
    %sub3A_726 = arith.subf %add3A_725, %gather3A_719 : vector<16xf32>
    %abs3A_727 = math.absf %sub3A_726 : vector<16xf32>
    %mul3A_728 = arith.mulf %abs3A_724, %abs3A_724 : vector<16xf32>
    %add3A_729 = arith.addf %add3A_691, %mul3A_728 : vector<16xf32>
    %mul3A_730 = arith.mulf %abs3A_727, %abs3A_727 : vector<16xf32>
    %add3A_731 = arith.addf %add3A_693, %mul3A_730 : vector<16xf32>
    %mul3A_732 = arith.mulf %abs3A_724, %abs3A_727 : vector<16xf32>
    %add3A_733 = arith.addf %add3A_695, %mul3A_732 : vector<16xf32>
    %mul3A_734 = arith.mulf %gather3A_710, %gather3A_710 : vector<16xf32>
    %add3A_735 = arith.addf %add3A_699, %mul3A_734 : vector<16xf32>
    %mul3A_736 = arith.mulf %gather3A_711, %gather3A_711 : vector<16xf32>
    %add3A_737 = arith.addf %add3A_735, %mul3A_736 : vector<16xf32>
    %mul3A_738 = arith.mulf %gather3A_720, %gather3A_720 : vector<16xf32>
    %add3A_739 = arith.addf %add3A_703, %mul3A_738 : vector<16xf32>
    %mul3A_740 = arith.mulf %gather3A_721, %gather3A_721 : vector<16xf32>
    %add3A_741 = arith.addf %add3A_739, %mul3A_740 : vector<16xf32>
    %mul3A_742 = arith.mulf %gather3A_715, %gather3A_715 : vector<16xf32>
    %add3A_743 = arith.addf %add3A_707, %mul3A_742 : vector<16xf32>
    %mul3A_744 = arith.mulf %gather3A_719, %gather3A_719 : vector<16xf32>
    %add3A_745 = arith.addf %add3A_743, %mul3A_744 : vector<16xf32>
    %broadcast_in_dim3A_746 = arith.constant 16 : i32
    %broadcast_in_dim3A_747 = vector.broadcast %broadcast_in_dim3A_746 : i32 to vector<16xi32>
    %gather3A_748 = tpu.vector_load_idx %arg9[%add3A_136, %broadcast_in_dim3A_747] : memref<128x128xf32, #tpu.memory_space<vmem>>[vector<16xi32>, vector<16xi32>], vector<16xf32>,
    %gather3A_749 = tpu.vector_load_idx %arg9[%add3A_139, %broadcast_in_dim3A_747] : memref<128x128xf32, #tpu.memory_space<vmem>>[vector<16xi32>, vector<16xi32>], vector<16xf32>,
    %add3A_750 = arith.constant 64 : i32
    %add3A_751 = vector.broadcast %add3A_750 : i32 to vector<16xi32>
    %add3A_752 = arith.addi %add3A_751, %add3A_136 : vector<16xi32>
    %gather3A_753 = tpu.vector_load_idx %arg9[%add3A_752, %broadcast_in_dim3A_747] : memref<128x128xf32, #tpu.memory_space<vmem>>[vector<16xi32>, vector<16xi32>], vector<16xf32>,
    %add3A_754 = arith.constant 64 : i32
    %add3A_755 = vector.broadcast %add3A_754 : i32 to vector<16xi32>
    %add3A_756 = arith.addi %add3A_755, %add3A_139 : vector<16xi32>
    %gather3A_757 = tpu.vector_load_idx %arg9[%add3A_756, %broadcast_in_dim3A_747] : memref<128x128xf32, #tpu.memory_space<vmem>>[vector<16xi32>, vector<16xi32>], vector<16xf32>,
    %gather3A_758 = tpu.vector_load_idx %arg10[%add3A_136, %broadcast_in_dim3A_747] : memref<64x128xf32, #tpu.memory_space<vmem>>[vector<16xi32>, vector<16xi32>], vector<16xf32>,
    %gather3A_759 = tpu.vector_load_idx %arg10[%add3A_139, %broadcast_in_dim3A_747] : memref<64x128xf32, #tpu.memory_space<vmem>>[vector<16xi32>, vector<16xi32>], vector<16xf32>,
    %add3A_760 = arith.addf %gather3A_748, %gather3A_758 : vector<16xf32>
    %sub3A_761 = arith.subf %add3A_760, %gather3A_753 : vector<16xf32>
    %abs3A_762 = math.absf %sub3A_761 : vector<16xf32>
    %add3A_763 = arith.addf %gather3A_749, %gather3A_759 : vector<16xf32>
    %sub3A_764 = arith.subf %add3A_763, %gather3A_757 : vector<16xf32>
    %abs3A_765 = math.absf %sub3A_764 : vector<16xf32>
    %mul3A_766 = arith.mulf %abs3A_762, %abs3A_762 : vector<16xf32>
    %add3A_767 = arith.addf %add3A_729, %mul3A_766 : vector<16xf32>
    %mul3A_768 = arith.mulf %abs3A_765, %abs3A_765 : vector<16xf32>
    %add3A_769 = arith.addf %add3A_731, %mul3A_768 : vector<16xf32>
    %mul3A_770 = arith.mulf %abs3A_762, %abs3A_765 : vector<16xf32>
    %add3A_771 = arith.addf %add3A_733, %mul3A_770 : vector<16xf32>
    %mul3A_772 = arith.mulf %gather3A_748, %gather3A_748 : vector<16xf32>
    %add3A_773 = arith.addf %add3A_737, %mul3A_772 : vector<16xf32>
    %mul3A_774 = arith.mulf %gather3A_749, %gather3A_749 : vector<16xf32>
    %add3A_775 = arith.addf %add3A_773, %mul3A_774 : vector<16xf32>
    %mul3A_776 = arith.mulf %gather3A_758, %gather3A_758 : vector<16xf32>
    %add3A_777 = arith.addf %add3A_741, %mul3A_776 : vector<16xf32>
    %mul3A_778 = arith.mulf %gather3A_759, %gather3A_759 : vector<16xf32>
    %add3A_779 = arith.addf %add3A_777, %mul3A_778 : vector<16xf32>
    %mul3A_780 = arith.mulf %gather3A_753, %gather3A_753 : vector<16xf32>
    %add3A_781 = arith.addf %add3A_745, %mul3A_780 : vector<16xf32>
    %mul3A_782 = arith.mulf %gather3A_757, %gather3A_757 : vector<16xf32>
    %add3A_783 = arith.addf %add3A_781, %mul3A_782 : vector<16xf32>
    %broadcast_in_dim3A_784 = arith.constant 17 : i32
    %broadcast_in_dim3A_785 = vector.broadcast %broadcast_in_dim3A_784 : i32 to vector<16xi32>
    %gather3A_786 = tpu.vector_load_idx %arg9[%add3A_136, %broadcast_in_dim3A_785] : memref<128x128xf32, #tpu.memory_space<vmem>>[vector<16xi32>, vector<16xi32>], vector<16xf32>,
    %gather3A_787 = tpu.vector_load_idx %arg9[%add3A_139, %broadcast_in_dim3A_785] : memref<128x128xf32, #tpu.memory_space<vmem>>[vector<16xi32>, vector<16xi32>], vector<16xf32>,
    %add3A_788 = arith.constant 64 : i32
    %add3A_789 = vector.broadcast %add3A_788 : i32 to vector<16xi32>
    %add3A_790 = arith.addi %add3A_789, %add3A_136 : vector<16xi32>
    %gather3A_791 = tpu.vector_load_idx %arg9[%add3A_790, %broadcast_in_dim3A_785] : memref<128x128xf32, #tpu.memory_space<vmem>>[vector<16xi32>, vector<16xi32>], vector<16xf32>,
    %add3A_792 = arith.constant 64 : i32
    %add3A_793 = vector.broadcast %add3A_792 : i32 to vector<16xi32>
    %add3A_794 = arith.addi %add3A_793, %add3A_139 : vector<16xi32>
    %gather3A_795 = tpu.vector_load_idx %arg9[%add3A_794, %broadcast_in_dim3A_785] : memref<128x128xf32, #tpu.memory_space<vmem>>[vector<16xi32>, vector<16xi32>], vector<16xf32>,
    %gather3A_796 = tpu.vector_load_idx %arg10[%add3A_136, %broadcast_in_dim3A_785] : memref<64x128xf32, #tpu.memory_space<vmem>>[vector<16xi32>, vector<16xi32>], vector<16xf32>,
    %gather3A_797 = tpu.vector_load_idx %arg10[%add3A_139, %broadcast_in_dim3A_785] : memref<64x128xf32, #tpu.memory_space<vmem>>[vector<16xi32>, vector<16xi32>], vector<16xf32>,
    %add3A_798 = arith.addf %gather3A_786, %gather3A_796 : vector<16xf32>
    %sub3A_799 = arith.subf %add3A_798, %gather3A_791 : vector<16xf32>
    %abs3A_800 = math.absf %sub3A_799 : vector<16xf32>
    %add3A_801 = arith.addf %gather3A_787, %gather3A_797 : vector<16xf32>
    %sub3A_802 = arith.subf %add3A_801, %gather3A_795 : vector<16xf32>
    %abs3A_803 = math.absf %sub3A_802 : vector<16xf32>
    %mul3A_804 = arith.mulf %abs3A_800, %abs3A_800 : vector<16xf32>
    %add3A_805 = arith.addf %add3A_767, %mul3A_804 : vector<16xf32>
    %mul3A_806 = arith.mulf %abs3A_803, %abs3A_803 : vector<16xf32>
    %add3A_807 = arith.addf %add3A_769, %mul3A_806 : vector<16xf32>
    %mul3A_808 = arith.mulf %abs3A_800, %abs3A_803 : vector<16xf32>
    %add3A_809 = arith.addf %add3A_771, %mul3A_808 : vector<16xf32>
    %mul3A_810 = arith.mulf %gather3A_786, %gather3A_786 : vector<16xf32>
    %add3A_811 = arith.addf %add3A_775, %mul3A_810 : vector<16xf32>
    %mul3A_812 = arith.mulf %gather3A_787, %gather3A_787 : vector<16xf32>
    %add3A_813 = arith.addf %add3A_811, %mul3A_812 : vector<16xf32>
    %mul3A_814 = arith.mulf %gather3A_796, %gather3A_796 : vector<16xf32>
    %add3A_815 = arith.addf %add3A_779, %mul3A_814 : vector<16xf32>
    %mul3A_816 = arith.mulf %gather3A_797, %gather3A_797 : vector<16xf32>
    %add3A_817 = arith.addf %add3A_815, %mul3A_816 : vector<16xf32>
    %mul3A_818 = arith.mulf %gather3A_791, %gather3A_791 : vector<16xf32>
    %add3A_819 = arith.addf %add3A_783, %mul3A_818 : vector<16xf32>
    %mul3A_820 = arith.mulf %gather3A_795, %gather3A_795 : vector<16xf32>
    %add3A_821 = arith.addf %add3A_819, %mul3A_820 : vector<16xf32>
    %broadcast_in_dim3A_822 = arith.constant 18 : i32
    %broadcast_in_dim3A_823 = vector.broadcast %broadcast_in_dim3A_822 : i32 to vector<16xi32>
    %gather3A_824 = tpu.vector_load_idx %arg9[%add3A_136, %broadcast_in_dim3A_823] : memref<128x128xf32, #tpu.memory_space<vmem>>[vector<16xi32>, vector<16xi32>], vector<16xf32>,
    %gather3A_825 = tpu.vector_load_idx %arg9[%add3A_139, %broadcast_in_dim3A_823] : memref<128x128xf32, #tpu.memory_space<vmem>>[vector<16xi32>, vector<16xi32>], vector<16xf32>,
    %add3A_826 = arith.constant 64 : i32
    %add3A_827 = vector.broadcast %add3A_826 : i32 to vector<16xi32>
    %add3A_828 = arith.addi %add3A_827, %add3A_136 : vector<16xi32>
    %gather3A_829 = tpu.vector_load_idx %arg9[%add3A_828, %broadcast_in_dim3A_823] : memref<128x128xf32, #tpu.memory_space<vmem>>[vector<16xi32>, vector<16xi32>], vector<16xf32>,
    %add3A_830 = arith.constant 64 : i32
    %add3A_831 = vector.broadcast %add3A_830 : i32 to vector<16xi32>
    %add3A_832 = arith.addi %add3A_831, %add3A_139 : vector<16xi32>
    %gather3A_833 = tpu.vector_load_idx %arg9[%add3A_832, %broadcast_in_dim3A_823] : memref<128x128xf32, #tpu.memory_space<vmem>>[vector<16xi32>, vector<16xi32>], vector<16xf32>,
    %gather3A_834 = tpu.vector_load_idx %arg10[%add3A_136, %broadcast_in_dim3A_823] : memref<64x128xf32, #tpu.memory_space<vmem>>[vector<16xi32>, vector<16xi32>], vector<16xf32>,
    %gather3A_835 = tpu.vector_load_idx %arg10[%add3A_139, %broadcast_in_dim3A_823] : memref<64x128xf32, #tpu.memory_space<vmem>>[vector<16xi32>, vector<16xi32>], vector<16xf32>,
    %add3A_836 = arith.addf %gather3A_824, %gather3A_834 : vector<16xf32>
    %sub3A_837 = arith.subf %add3A_836, %gather3A_829 : vector<16xf32>
    %abs3A_838 = math.absf %sub3A_837 : vector<16xf32>
    %add3A_839 = arith.addf %gather3A_825, %gather3A_835 : vector<16xf32>
    %sub3A_840 = arith.subf %add3A_839, %gather3A_833 : vector<16xf32>
    %abs3A_841 = math.absf %sub3A_840 : vector<16xf32>
    %mul3A_842 = arith.mulf %abs3A_838, %abs3A_838 : vector<16xf32>
    %add3A_843 = arith.addf %add3A_805, %mul3A_842 : vector<16xf32>
    %mul3A_844 = arith.mulf %abs3A_841, %abs3A_841 : vector<16xf32>
    %add3A_845 = arith.addf %add3A_807, %mul3A_844 : vector<16xf32>
    %mul3A_846 = arith.mulf %abs3A_838, %abs3A_841 : vector<16xf32>
    %add3A_847 = arith.addf %add3A_809, %mul3A_846 : vector<16xf32>
    %mul3A_848 = arith.mulf %gather3A_824, %gather3A_824 : vector<16xf32>
    %add3A_849 = arith.addf %add3A_813, %mul3A_848 : vector<16xf32>
    %mul3A_850 = arith.mulf %gather3A_825, %gather3A_825 : vector<16xf32>
    %add3A_851 = arith.addf %add3A_849, %mul3A_850 : vector<16xf32>
    %mul3A_852 = arith.mulf %gather3A_834, %gather3A_834 : vector<16xf32>
    %add3A_853 = arith.addf %add3A_817, %mul3A_852 : vector<16xf32>
    %mul3A_854 = arith.mulf %gather3A_835, %gather3A_835 : vector<16xf32>
    %add3A_855 = arith.addf %add3A_853, %mul3A_854 : vector<16xf32>
    %mul3A_856 = arith.mulf %gather3A_829, %gather3A_829 : vector<16xf32>
    %add3A_857 = arith.addf %add3A_821, %mul3A_856 : vector<16xf32>
    %mul3A_858 = arith.mulf %gather3A_833, %gather3A_833 : vector<16xf32>
    %add3A_859 = arith.addf %add3A_857, %mul3A_858 : vector<16xf32>
    %broadcast_in_dim3A_860 = arith.constant 19 : i32
    %broadcast_in_dim3A_861 = vector.broadcast %broadcast_in_dim3A_860 : i32 to vector<16xi32>
    %gather3A_862 = tpu.vector_load_idx %arg9[%add3A_136, %broadcast_in_dim3A_861] : memref<128x128xf32, #tpu.memory_space<vmem>>[vector<16xi32>, vector<16xi32>], vector<16xf32>,
    %gather3A_863 = tpu.vector_load_idx %arg9[%add3A_139, %broadcast_in_dim3A_861] : memref<128x128xf32, #tpu.memory_space<vmem>>[vector<16xi32>, vector<16xi32>], vector<16xf32>,
    %add3A_864 = arith.constant 64 : i32
    %add3A_865 = vector.broadcast %add3A_864 : i32 to vector<16xi32>
    %add3A_866 = arith.addi %add3A_865, %add3A_136 : vector<16xi32>
    %gather3A_867 = tpu.vector_load_idx %arg9[%add3A_866, %broadcast_in_dim3A_861] : memref<128x128xf32, #tpu.memory_space<vmem>>[vector<16xi32>, vector<16xi32>], vector<16xf32>,
    %add3A_868 = arith.constant 64 : i32
    %add3A_869 = vector.broadcast %add3A_868 : i32 to vector<16xi32>
    %add3A_870 = arith.addi %add3A_869, %add3A_139 : vector<16xi32>
    %gather3A_871 = tpu.vector_load_idx %arg9[%add3A_870, %broadcast_in_dim3A_861] : memref<128x128xf32, #tpu.memory_space<vmem>>[vector<16xi32>, vector<16xi32>], vector<16xf32>,
    %gather3A_872 = tpu.vector_load_idx %arg10[%add3A_136, %broadcast_in_dim3A_861] : memref<64x128xf32, #tpu.memory_space<vmem>>[vector<16xi32>, vector<16xi32>], vector<16xf32>,
    %gather3A_873 = tpu.vector_load_idx %arg10[%add3A_139, %broadcast_in_dim3A_861] : memref<64x128xf32, #tpu.memory_space<vmem>>[vector<16xi32>, vector<16xi32>], vector<16xf32>,
    %add3A_874 = arith.addf %gather3A_862, %gather3A_872 : vector<16xf32>
    %sub3A_875 = arith.subf %add3A_874, %gather3A_867 : vector<16xf32>
    %abs3A_876 = math.absf %sub3A_875 : vector<16xf32>
    %add3A_877 = arith.addf %gather3A_863, %gather3A_873 : vector<16xf32>
    %sub3A_878 = arith.subf %add3A_877, %gather3A_871 : vector<16xf32>
    %abs3A_879 = math.absf %sub3A_878 : vector<16xf32>
    %mul3A_880 = arith.mulf %abs3A_876, %abs3A_876 : vector<16xf32>
    %add3A_881 = arith.addf %add3A_843, %mul3A_880 : vector<16xf32>
    %mul3A_882 = arith.mulf %abs3A_879, %abs3A_879 : vector<16xf32>
    %add3A_883 = arith.addf %add3A_845, %mul3A_882 : vector<16xf32>
    %mul3A_884 = arith.mulf %abs3A_876, %abs3A_879 : vector<16xf32>
    %add3A_885 = arith.addf %add3A_847, %mul3A_884 : vector<16xf32>
    %mul3A_886 = arith.mulf %gather3A_862, %gather3A_862 : vector<16xf32>
    %add3A_887 = arith.addf %add3A_851, %mul3A_886 : vector<16xf32>
    %mul3A_888 = arith.mulf %gather3A_863, %gather3A_863 : vector<16xf32>
    %add3A_889 = arith.addf %add3A_887, %mul3A_888 : vector<16xf32>
    %mul3A_890 = arith.mulf %gather3A_872, %gather3A_872 : vector<16xf32>
    %add3A_891 = arith.addf %add3A_855, %mul3A_890 : vector<16xf32>
    %mul3A_892 = arith.mulf %gather3A_873, %gather3A_873 : vector<16xf32>
    %add3A_893 = arith.addf %add3A_891, %mul3A_892 : vector<16xf32>
    %mul3A_894 = arith.mulf %gather3A_867, %gather3A_867 : vector<16xf32>
    %add3A_895 = arith.addf %add3A_859, %mul3A_894 : vector<16xf32>
    %mul3A_896 = arith.mulf %gather3A_871, %gather3A_871 : vector<16xf32>
    %add3A_897 = arith.addf %add3A_895, %mul3A_896 : vector<16xf32>
    %broadcast_in_dim3A_898 = arith.constant 20 : i32
    %broadcast_in_dim3A_899 = vector.broadcast %broadcast_in_dim3A_898 : i32 to vector<16xi32>
    %gather3A_900 = tpu.vector_load_idx %arg9[%add3A_136, %broadcast_in_dim3A_899] : memref<128x128xf32, #tpu.memory_space<vmem>>[vector<16xi32>, vector<16xi32>], vector<16xf32>,
    %gather3A_901 = tpu.vector_load_idx %arg9[%add3A_139, %broadcast_in_dim3A_899] : memref<128x128xf32, #tpu.memory_space<vmem>>[vector<16xi32>, vector<16xi32>], vector<16xf32>,
    %add3A_902 = arith.constant 64 : i32
    %add3A_903 = vector.broadcast %add3A_902 : i32 to vector<16xi32>
    %add3A_904 = arith.addi %add3A_903, %add3A_136 : vector<16xi32>
    %gather3A_905 = tpu.vector_load_idx %arg9[%add3A_904, %broadcast_in_dim3A_899] : memref<128x128xf32, #tpu.memory_space<vmem>>[vector<16xi32>, vector<16xi32>], vector<16xf32>,
    %add3A_906 = arith.constant 64 : i32
    %add3A_907 = vector.broadcast %add3A_906 : i32 to vector<16xi32>
    %add3A_908 = arith.addi %add3A_907, %add3A_139 : vector<16xi32>
    %gather3A_909 = tpu.vector_load_idx %arg9[%add3A_908, %broadcast_in_dim3A_899] : memref<128x128xf32, #tpu.memory_space<vmem>>[vector<16xi32>, vector<16xi32>], vector<16xf32>,
    %gather3A_910 = tpu.vector_load_idx %arg10[%add3A_136, %broadcast_in_dim3A_899] : memref<64x128xf32, #tpu.memory_space<vmem>>[vector<16xi32>, vector<16xi32>], vector<16xf32>,
    %gather3A_911 = tpu.vector_load_idx %arg10[%add3A_139, %broadcast_in_dim3A_899] : memref<64x128xf32, #tpu.memory_space<vmem>>[vector<16xi32>, vector<16xi32>], vector<16xf32>,
    %add3A_912 = arith.addf %gather3A_900, %gather3A_910 : vector<16xf32>
    %sub3A_913 = arith.subf %add3A_912, %gather3A_905 : vector<16xf32>
    %abs3A_914 = math.absf %sub3A_913 : vector<16xf32>
    %add3A_915 = arith.addf %gather3A_901, %gather3A_911 : vector<16xf32>
    %sub3A_916 = arith.subf %add3A_915, %gather3A_909 : vector<16xf32>
    %abs3A_917 = math.absf %sub3A_916 : vector<16xf32>
    %mul3A_918 = arith.mulf %abs3A_914, %abs3A_914 : vector<16xf32>
    %add3A_919 = arith.addf %add3A_881, %mul3A_918 : vector<16xf32>
    %mul3A_920 = arith.mulf %abs3A_917, %abs3A_917 : vector<16xf32>
    %add3A_921 = arith.addf %add3A_883, %mul3A_920 : vector<16xf32>
    %mul3A_922 = arith.mulf %abs3A_914, %abs3A_917 : vector<16xf32>
    %add3A_923 = arith.addf %add3A_885, %mul3A_922 : vector<16xf32>
    %mul3A_924 = arith.mulf %gather3A_900, %gather3A_900 : vector<16xf32>
    %add3A_925 = arith.addf %add3A_889, %mul3A_924 : vector<16xf32>
    %mul3A_926 = arith.mulf %gather3A_901, %gather3A_901 : vector<16xf32>
    %add3A_927 = arith.addf %add3A_925, %mul3A_926 : vector<16xf32>
    %mul3A_928 = arith.mulf %gather3A_910, %gather3A_910 : vector<16xf32>
    %add3A_929 = arith.addf %add3A_893, %mul3A_928 : vector<16xf32>
    %mul3A_930 = arith.mulf %gather3A_911, %gather3A_911 : vector<16xf32>
    %add3A_931 = arith.addf %add3A_929, %mul3A_930 : vector<16xf32>
    %mul3A_932 = arith.mulf %gather3A_905, %gather3A_905 : vector<16xf32>
    %add3A_933 = arith.addf %add3A_897, %mul3A_932 : vector<16xf32>
    %mul3A_934 = arith.mulf %gather3A_909, %gather3A_909 : vector<16xf32>
    %add3A_935 = arith.addf %add3A_933, %mul3A_934 : vector<16xf32>
    %broadcast_in_dim3A_936 = arith.constant 21 : i32
    %broadcast_in_dim3A_937 = vector.broadcast %broadcast_in_dim3A_936 : i32 to vector<16xi32>
    %gather3A_938 = tpu.vector_load_idx %arg9[%add3A_136, %broadcast_in_dim3A_937] : memref<128x128xf32, #tpu.memory_space<vmem>>[vector<16xi32>, vector<16xi32>], vector<16xf32>,
    %gather3A_939 = tpu.vector_load_idx %arg9[%add3A_139, %broadcast_in_dim3A_937] : memref<128x128xf32, #tpu.memory_space<vmem>>[vector<16xi32>, vector<16xi32>], vector<16xf32>,
    %add3A_940 = arith.constant 64 : i32
    %add3A_941 = vector.broadcast %add3A_940 : i32 to vector<16xi32>
    %add3A_942 = arith.addi %add3A_941, %add3A_136 : vector<16xi32>
    %gather3A_943 = tpu.vector_load_idx %arg9[%add3A_942, %broadcast_in_dim3A_937] : memref<128x128xf32, #tpu.memory_space<vmem>>[vector<16xi32>, vector<16xi32>], vector<16xf32>,
    %add3A_944 = arith.constant 64 : i32
    %add3A_945 = vector.broadcast %add3A_944 : i32 to vector<16xi32>
    %add3A_946 = arith.addi %add3A_945, %add3A_139 : vector<16xi32>
    %gather3A_947 = tpu.vector_load_idx %arg9[%add3A_946, %broadcast_in_dim3A_937] : memref<128x128xf32, #tpu.memory_space<vmem>>[vector<16xi32>, vector<16xi32>], vector<16xf32>,
    %gather3A_948 = tpu.vector_load_idx %arg10[%add3A_136, %broadcast_in_dim3A_937] : memref<64x128xf32, #tpu.memory_space<vmem>>[vector<16xi32>, vector<16xi32>], vector<16xf32>,
    %gather3A_949 = tpu.vector_load_idx %arg10[%add3A_139, %broadcast_in_dim3A_937] : memref<64x128xf32, #tpu.memory_space<vmem>>[vector<16xi32>, vector<16xi32>], vector<16xf32>,
    %add3A_950 = arith.addf %gather3A_938, %gather3A_948 : vector<16xf32>
    %sub3A_951 = arith.subf %add3A_950, %gather3A_943 : vector<16xf32>
    %abs3A_952 = math.absf %sub3A_951 : vector<16xf32>
    %add3A_953 = arith.addf %gather3A_939, %gather3A_949 : vector<16xf32>
    %sub3A_954 = arith.subf %add3A_953, %gather3A_947 : vector<16xf32>
    %abs3A_955 = math.absf %sub3A_954 : vector<16xf32>
    %mul3A_956 = arith.mulf %abs3A_952, %abs3A_952 : vector<16xf32>
    %add3A_957 = arith.addf %add3A_919, %mul3A_956 : vector<16xf32>
    %mul3A_958 = arith.mulf %abs3A_955, %abs3A_955 : vector<16xf32>
    %add3A_959 = arith.addf %add3A_921, %mul3A_958 : vector<16xf32>
    %mul3A_960 = arith.mulf %abs3A_952, %abs3A_955 : vector<16xf32>
    %add3A_961 = arith.addf %add3A_923, %mul3A_960 : vector<16xf32>
    %mul3A_962 = arith.mulf %gather3A_938, %gather3A_938 : vector<16xf32>
    %add3A_963 = arith.addf %add3A_927, %mul3A_962 : vector<16xf32>
    %mul3A_964 = arith.mulf %gather3A_939, %gather3A_939 : vector<16xf32>
    %add3A_965 = arith.addf %add3A_963, %mul3A_964 : vector<16xf32>
    %mul3A_966 = arith.mulf %gather3A_948, %gather3A_948 : vector<16xf32>
    %add3A_967 = arith.addf %add3A_931, %mul3A_966 : vector<16xf32>
    %mul3A_968 = arith.mulf %gather3A_949, %gather3A_949 : vector<16xf32>
    %add3A_969 = arith.addf %add3A_967, %mul3A_968 : vector<16xf32>
    %mul3A_970 = arith.mulf %gather3A_943, %gather3A_943 : vector<16xf32>
    %add3A_971 = arith.addf %add3A_935, %mul3A_970 : vector<16xf32>
    %mul3A_972 = arith.mulf %gather3A_947, %gather3A_947 : vector<16xf32>
    %add3A_973 = arith.addf %add3A_971, %mul3A_972 : vector<16xf32>
    %broadcast_in_dim3A_974 = arith.constant 22 : i32
    %broadcast_in_dim3A_975 = vector.broadcast %broadcast_in_dim3A_974 : i32 to vector<16xi32>
    %gather3A_976 = tpu.vector_load_idx %arg9[%add3A_136, %broadcast_in_dim3A_975] : memref<128x128xf32, #tpu.memory_space<vmem>>[vector<16xi32>, vector<16xi32>], vector<16xf32>,
    %gather3A_977 = tpu.vector_load_idx %arg9[%add3A_139, %broadcast_in_dim3A_975] : memref<128x128xf32, #tpu.memory_space<vmem>>[vector<16xi32>, vector<16xi32>], vector<16xf32>,
    %add3A_978 = arith.constant 64 : i32
    %add3A_979 = vector.broadcast %add3A_978 : i32 to vector<16xi32>
    %add3A_980 = arith.addi %add3A_979, %add3A_136 : vector<16xi32>
    %gather3A_981 = tpu.vector_load_idx %arg9[%add3A_980, %broadcast_in_dim3A_975] : memref<128x128xf32, #tpu.memory_space<vmem>>[vector<16xi32>, vector<16xi32>], vector<16xf32>,
    %add3A_982 = arith.constant 64 : i32
    %add3A_983 = vector.broadcast %add3A_982 : i32 to vector<16xi32>
    %add3A_984 = arith.addi %add3A_983, %add3A_139 : vector<16xi32>
    %gather3A_985 = tpu.vector_load_idx %arg9[%add3A_984, %broadcast_in_dim3A_975] : memref<128x128xf32, #tpu.memory_space<vmem>>[vector<16xi32>, vector<16xi32>], vector<16xf32>,
    %gather3A_986 = tpu.vector_load_idx %arg10[%add3A_136, %broadcast_in_dim3A_975] : memref<64x128xf32, #tpu.memory_space<vmem>>[vector<16xi32>, vector<16xi32>], vector<16xf32>,
    %gather3A_987 = tpu.vector_load_idx %arg10[%add3A_139, %broadcast_in_dim3A_975] : memref<64x128xf32, #tpu.memory_space<vmem>>[vector<16xi32>, vector<16xi32>], vector<16xf32>,
    %add3A_988 = arith.addf %gather3A_976, %gather3A_986 : vector<16xf32>
    %sub3A_989 = arith.subf %add3A_988, %gather3A_981 : vector<16xf32>
    %abs3A_990 = math.absf %sub3A_989 : vector<16xf32>
    %add3A_991 = arith.addf %gather3A_977, %gather3A_987 : vector<16xf32>
    %sub3A_992 = arith.subf %add3A_991, %gather3A_985 : vector<16xf32>
    %abs3A_993 = math.absf %sub3A_992 : vector<16xf32>
    %mul3A_994 = arith.mulf %abs3A_990, %abs3A_990 : vector<16xf32>
    %add3A_995 = arith.addf %add3A_957, %mul3A_994 : vector<16xf32>
    %mul3A_996 = arith.mulf %abs3A_993, %abs3A_993 : vector<16xf32>
    %add3A_997 = arith.addf %add3A_959, %mul3A_996 : vector<16xf32>
    %mul3A_998 = arith.mulf %abs3A_990, %abs3A_993 : vector<16xf32>
    %add3A_999 = arith.addf %add3A_961, %mul3A_998 : vector<16xf32>
    %mul3A_1000 = arith.mulf %gather3A_976, %gather3A_976 : vector<16xf32>
    %add3A_1001 = arith.addf %add3A_965, %mul3A_1000 : vector<16xf32>
    %mul3A_1002 = arith.mulf %gather3A_977, %gather3A_977 : vector<16xf32>
    %add3A_1003 = arith.addf %add3A_1001, %mul3A_1002 : vector<16xf32>
    %mul3A_1004 = arith.mulf %gather3A_986, %gather3A_986 : vector<16xf32>
    %add3A_1005 = arith.addf %add3A_969, %mul3A_1004 : vector<16xf32>
    %mul3A_1006 = arith.mulf %gather3A_987, %gather3A_987 : vector<16xf32>
    %add3A_1007 = arith.addf %add3A_1005, %mul3A_1006 : vector<16xf32>
    %mul3A_1008 = arith.mulf %gather3A_981, %gather3A_981 : vector<16xf32>
    %add3A_1009 = arith.addf %add3A_973, %mul3A_1008 : vector<16xf32>
    %mul3A_1010 = arith.mulf %gather3A_985, %gather3A_985 : vector<16xf32>
    %add3A_1011 = arith.addf %add3A_1009, %mul3A_1010 : vector<16xf32>
    %broadcast_in_dim3A_1012 = arith.constant 23 : i32
    %broadcast_in_dim3A_1013 = vector.broadcast %broadcast_in_dim3A_1012 : i32 to vector<16xi32>
    %gather3A_1014 = tpu.vector_load_idx %arg9[%add3A_136, %broadcast_in_dim3A_1013] : memref<128x128xf32, #tpu.memory_space<vmem>>[vector<16xi32>, vector<16xi32>], vector<16xf32>,
    %gather3A_1015 = tpu.vector_load_idx %arg9[%add3A_139, %broadcast_in_dim3A_1013] : memref<128x128xf32, #tpu.memory_space<vmem>>[vector<16xi32>, vector<16xi32>], vector<16xf32>,
    %add3A_1016 = arith.constant 64 : i32
    %add3A_1017 = vector.broadcast %add3A_1016 : i32 to vector<16xi32>
    %add3A_1018 = arith.addi %add3A_1017, %add3A_136 : vector<16xi32>
    %gather3A_1019 = tpu.vector_load_idx %arg9[%add3A_1018, %broadcast_in_dim3A_1013] : memref<128x128xf32, #tpu.memory_space<vmem>>[vector<16xi32>, vector<16xi32>], vector<16xf32>,
    %add3A_1020 = arith.constant 64 : i32
    %add3A_1021 = vector.broadcast %add3A_1020 : i32 to vector<16xi32>
    %add3A_1022 = arith.addi %add3A_1021, %add3A_139 : vector<16xi32>
    %gather3A_1023 = tpu.vector_load_idx %arg9[%add3A_1022, %broadcast_in_dim3A_1013] : memref<128x128xf32, #tpu.memory_space<vmem>>[vector<16xi32>, vector<16xi32>], vector<16xf32>,
    %gather3A_1024 = tpu.vector_load_idx %arg10[%add3A_136, %broadcast_in_dim3A_1013] : memref<64x128xf32, #tpu.memory_space<vmem>>[vector<16xi32>, vector<16xi32>], vector<16xf32>,
    %gather3A_1025 = tpu.vector_load_idx %arg10[%add3A_139, %broadcast_in_dim3A_1013] : memref<64x128xf32, #tpu.memory_space<vmem>>[vector<16xi32>, vector<16xi32>], vector<16xf32>,
    %add3A_1026 = arith.addf %gather3A_1014, %gather3A_1024 : vector<16xf32>
    %sub3A_1027 = arith.subf %add3A_1026, %gather3A_1019 : vector<16xf32>
    %abs3A_1028 = math.absf %sub3A_1027 : vector<16xf32>
    %add3A_1029 = arith.addf %gather3A_1015, %gather3A_1025 : vector<16xf32>
    %sub3A_1030 = arith.subf %add3A_1029, %gather3A_1023 : vector<16xf32>
    %abs3A_1031 = math.absf %sub3A_1030 : vector<16xf32>
    %mul3A_1032 = arith.mulf %abs3A_1028, %abs3A_1028 : vector<16xf32>
    %add3A_1033 = arith.addf %add3A_995, %mul3A_1032 : vector<16xf32>
    %mul3A_1034 = arith.mulf %abs3A_1031, %abs3A_1031 : vector<16xf32>
    %add3A_1035 = arith.addf %add3A_997, %mul3A_1034 : vector<16xf32>
    %mul3A_1036 = arith.mulf %abs3A_1028, %abs3A_1031 : vector<16xf32>
    %add3A_1037 = arith.addf %add3A_999, %mul3A_1036 : vector<16xf32>
    %mul3A_1038 = arith.mulf %gather3A_1014, %gather3A_1014 : vector<16xf32>
    %add3A_1039 = arith.addf %add3A_1003, %mul3A_1038 : vector<16xf32>
    %mul3A_1040 = arith.mulf %gather3A_1015, %gather3A_1015 : vector<16xf32>
    %add3A_1041 = arith.addf %add3A_1039, %mul3A_1040 : vector<16xf32>
    %mul3A_1042 = arith.mulf %gather3A_1024, %gather3A_1024 : vector<16xf32>
    %add3A_1043 = arith.addf %add3A_1007, %mul3A_1042 : vector<16xf32>
    %mul3A_1044 = arith.mulf %gather3A_1025, %gather3A_1025 : vector<16xf32>
    %add3A_1045 = arith.addf %add3A_1043, %mul3A_1044 : vector<16xf32>
    %mul3A_1046 = arith.mulf %gather3A_1019, %gather3A_1019 : vector<16xf32>
    %add3A_1047 = arith.addf %add3A_1011, %mul3A_1046 : vector<16xf32>
    %mul3A_1048 = arith.mulf %gather3A_1023, %gather3A_1023 : vector<16xf32>
    %add3A_1049 = arith.addf %add3A_1047, %mul3A_1048 : vector<16xf32>
    %broadcast_in_dim3A_1050 = arith.constant 24 : i32
    %broadcast_in_dim3A_1051 = vector.broadcast %broadcast_in_dim3A_1050 : i32 to vector<16xi32>
    %gather3A_1052 = tpu.vector_load_idx %arg9[%add3A_136, %broadcast_in_dim3A_1051] : memref<128x128xf32, #tpu.memory_space<vmem>>[vector<16xi32>, vector<16xi32>], vector<16xf32>,
    %gather3A_1053 = tpu.vector_load_idx %arg9[%add3A_139, %broadcast_in_dim3A_1051] : memref<128x128xf32, #tpu.memory_space<vmem>>[vector<16xi32>, vector<16xi32>], vector<16xf32>,
    %add3A_1054 = arith.constant 64 : i32
    %add3A_1055 = vector.broadcast %add3A_1054 : i32 to vector<16xi32>
    %add3A_1056 = arith.addi %add3A_1055, %add3A_136 : vector<16xi32>
    %gather3A_1057 = tpu.vector_load_idx %arg9[%add3A_1056, %broadcast_in_dim3A_1051] : memref<128x128xf32, #tpu.memory_space<vmem>>[vector<16xi32>, vector<16xi32>], vector<16xf32>,
    %add3A_1058 = arith.constant 64 : i32
    %add3A_1059 = vector.broadcast %add3A_1058 : i32 to vector<16xi32>
    %add3A_1060 = arith.addi %add3A_1059, %add3A_139 : vector<16xi32>
    %gather3A_1061 = tpu.vector_load_idx %arg9[%add3A_1060, %broadcast_in_dim3A_1051] : memref<128x128xf32, #tpu.memory_space<vmem>>[vector<16xi32>, vector<16xi32>], vector<16xf32>,
    %gather3A_1062 = tpu.vector_load_idx %arg10[%add3A_136, %broadcast_in_dim3A_1051] : memref<64x128xf32, #tpu.memory_space<vmem>>[vector<16xi32>, vector<16xi32>], vector<16xf32>,
    %gather3A_1063 = tpu.vector_load_idx %arg10[%add3A_139, %broadcast_in_dim3A_1051] : memref<64x128xf32, #tpu.memory_space<vmem>>[vector<16xi32>, vector<16xi32>], vector<16xf32>,
    %add3A_1064 = arith.addf %gather3A_1052, %gather3A_1062 : vector<16xf32>
    %sub3A_1065 = arith.subf %add3A_1064, %gather3A_1057 : vector<16xf32>
    %abs3A_1066 = math.absf %sub3A_1065 : vector<16xf32>
    %add3A_1067 = arith.addf %gather3A_1053, %gather3A_1063 : vector<16xf32>
    %sub3A_1068 = arith.subf %add3A_1067, %gather3A_1061 : vector<16xf32>
    %abs3A_1069 = math.absf %sub3A_1068 : vector<16xf32>
    %mul3A_1070 = arith.mulf %abs3A_1066, %abs3A_1066 : vector<16xf32>
    %add3A_1071 = arith.addf %add3A_1033, %mul3A_1070 : vector<16xf32>
    %mul3A_1072 = arith.mulf %abs3A_1069, %abs3A_1069 : vector<16xf32>
    %add3A_1073 = arith.addf %add3A_1035, %mul3A_1072 : vector<16xf32>
    %mul3A_1074 = arith.mulf %abs3A_1066, %abs3A_1069 : vector<16xf32>
    %add3A_1075 = arith.addf %add3A_1037, %mul3A_1074 : vector<16xf32>
    %mul3A_1076 = arith.mulf %gather3A_1052, %gather3A_1052 : vector<16xf32>
    %add3A_1077 = arith.addf %add3A_1041, %mul3A_1076 : vector<16xf32>
    %mul3A_1078 = arith.mulf %gather3A_1053, %gather3A_1053 : vector<16xf32>
    %add3A_1079 = arith.addf %add3A_1077, %mul3A_1078 : vector<16xf32>
    %mul3A_1080 = arith.mulf %gather3A_1062, %gather3A_1062 : vector<16xf32>
    %add3A_1081 = arith.addf %add3A_1045, %mul3A_1080 : vector<16xf32>
    %mul3A_1082 = arith.mulf %gather3A_1063, %gather3A_1063 : vector<16xf32>
    %add3A_1083 = arith.addf %add3A_1081, %mul3A_1082 : vector<16xf32>
    %mul3A_1084 = arith.mulf %gather3A_1057, %gather3A_1057 : vector<16xf32>
    %add3A_1085 = arith.addf %add3A_1049, %mul3A_1084 : vector<16xf32>
    %mul3A_1086 = arith.mulf %gather3A_1061, %gather3A_1061 : vector<16xf32>
    %add3A_1087 = arith.addf %add3A_1085, %mul3A_1086 : vector<16xf32>
    %broadcast_in_dim3A_1088 = arith.constant 25 : i32
    %broadcast_in_dim3A_1089 = vector.broadcast %broadcast_in_dim3A_1088 : i32 to vector<16xi32>
    %gather3A_1090 = tpu.vector_load_idx %arg9[%add3A_136, %broadcast_in_dim3A_1089] : memref<128x128xf32, #tpu.memory_space<vmem>>[vector<16xi32>, vector<16xi32>], vector<16xf32>,
    %gather3A_1091 = tpu.vector_load_idx %arg9[%add3A_139, %broadcast_in_dim3A_1089] : memref<128x128xf32, #tpu.memory_space<vmem>>[vector<16xi32>, vector<16xi32>], vector<16xf32>,
    %add3A_1092 = arith.constant 64 : i32
    %add3A_1093 = vector.broadcast %add3A_1092 : i32 to vector<16xi32>
    %add3A_1094 = arith.addi %add3A_1093, %add3A_136 : vector<16xi32>
    %gather3A_1095 = tpu.vector_load_idx %arg9[%add3A_1094, %broadcast_in_dim3A_1089] : memref<128x128xf32, #tpu.memory_space<vmem>>[vector<16xi32>, vector<16xi32>], vector<16xf32>,
    %add3A_1096 = arith.constant 64 : i32
    %add3A_1097 = vector.broadcast %add3A_1096 : i32 to vector<16xi32>
    %add3A_1098 = arith.addi %add3A_1097, %add3A_139 : vector<16xi32>
    %gather3A_1099 = tpu.vector_load_idx %arg9[%add3A_1098, %broadcast_in_dim3A_1089] : memref<128x128xf32, #tpu.memory_space<vmem>>[vector<16xi32>, vector<16xi32>], vector<16xf32>,
    %gather3A_1100 = tpu.vector_load_idx %arg10[%add3A_136, %broadcast_in_dim3A_1089] : memref<64x128xf32, #tpu.memory_space<vmem>>[vector<16xi32>, vector<16xi32>], vector<16xf32>,
    %gather3A_1101 = tpu.vector_load_idx %arg10[%add3A_139, %broadcast_in_dim3A_1089] : memref<64x128xf32, #tpu.memory_space<vmem>>[vector<16xi32>, vector<16xi32>], vector<16xf32>,
    %add3A_1102 = arith.addf %gather3A_1090, %gather3A_1100 : vector<16xf32>
    %sub3A_1103 = arith.subf %add3A_1102, %gather3A_1095 : vector<16xf32>
    %abs3A_1104 = math.absf %sub3A_1103 : vector<16xf32>
    %add3A_1105 = arith.addf %gather3A_1091, %gather3A_1101 : vector<16xf32>
    %sub3A_1106 = arith.subf %add3A_1105, %gather3A_1099 : vector<16xf32>
    %abs3A_1107 = math.absf %sub3A_1106 : vector<16xf32>
    %mul3A_1108 = arith.mulf %abs3A_1104, %abs3A_1104 : vector<16xf32>
    %add3A_1109 = arith.addf %add3A_1071, %mul3A_1108 : vector<16xf32>
    %mul3A_1110 = arith.mulf %abs3A_1107, %abs3A_1107 : vector<16xf32>
    %add3A_1111 = arith.addf %add3A_1073, %mul3A_1110 : vector<16xf32>
    %mul3A_1112 = arith.mulf %abs3A_1104, %abs3A_1107 : vector<16xf32>
    %add3A_1113 = arith.addf %add3A_1075, %mul3A_1112 : vector<16xf32>
    %mul3A_1114 = arith.mulf %gather3A_1090, %gather3A_1090 : vector<16xf32>
    %add3A_1115 = arith.addf %add3A_1079, %mul3A_1114 : vector<16xf32>
    %mul3A_1116 = arith.mulf %gather3A_1091, %gather3A_1091 : vector<16xf32>
    %add3A_1117 = arith.addf %add3A_1115, %mul3A_1116 : vector<16xf32>
    %mul3A_1118 = arith.mulf %gather3A_1100, %gather3A_1100 : vector<16xf32>
    %add3A_1119 = arith.addf %add3A_1083, %mul3A_1118 : vector<16xf32>
    %mul3A_1120 = arith.mulf %gather3A_1101, %gather3A_1101 : vector<16xf32>
    %add3A_1121 = arith.addf %add3A_1119, %mul3A_1120 : vector<16xf32>
    %mul3A_1122 = arith.mulf %gather3A_1095, %gather3A_1095 : vector<16xf32>
    %add3A_1123 = arith.addf %add3A_1087, %mul3A_1122 : vector<16xf32>
    %mul3A_1124 = arith.mulf %gather3A_1099, %gather3A_1099 : vector<16xf32>
    %add3A_1125 = arith.addf %add3A_1123, %mul3A_1124 : vector<16xf32>
    %broadcast_in_dim3A_1126 = arith.constant 26 : i32
    %broadcast_in_dim3A_1127 = vector.broadcast %broadcast_in_dim3A_1126 : i32 to vector<16xi32>
    %gather3A_1128 = tpu.vector_load_idx %arg9[%add3A_136, %broadcast_in_dim3A_1127] : memref<128x128xf32, #tpu.memory_space<vmem>>[vector<16xi32>, vector<16xi32>], vector<16xf32>,
    %gather3A_1129 = tpu.vector_load_idx %arg9[%add3A_139, %broadcast_in_dim3A_1127] : memref<128x128xf32, #tpu.memory_space<vmem>>[vector<16xi32>, vector<16xi32>], vector<16xf32>,
    %add3A_1130 = arith.constant 64 : i32
    %add3A_1131 = vector.broadcast %add3A_1130 : i32 to vector<16xi32>
    %add3A_1132 = arith.addi %add3A_1131, %add3A_136 : vector<16xi32>
    %gather3A_1133 = tpu.vector_load_idx %arg9[%add3A_1132, %broadcast_in_dim3A_1127] : memref<128x128xf32, #tpu.memory_space<vmem>>[vector<16xi32>, vector<16xi32>], vector<16xf32>,
    %add3A_1134 = arith.constant 64 : i32
    %add3A_1135 = vector.broadcast %add3A_1134 : i32 to vector<16xi32>
    %add3A_1136 = arith.addi %add3A_1135, %add3A_139 : vector<16xi32>
    %gather3A_1137 = tpu.vector_load_idx %arg9[%add3A_1136, %broadcast_in_dim3A_1127] : memref<128x128xf32, #tpu.memory_space<vmem>>[vector<16xi32>, vector<16xi32>], vector<16xf32>,
    %gather3A_1138 = tpu.vector_load_idx %arg10[%add3A_136, %broadcast_in_dim3A_1127] : memref<64x128xf32, #tpu.memory_space<vmem>>[vector<16xi32>, vector<16xi32>], vector<16xf32>,
    %gather3A_1139 = tpu.vector_load_idx %arg10[%add3A_139, %broadcast_in_dim3A_1127] : memref<64x128xf32, #tpu.memory_space<vmem>>[vector<16xi32>, vector<16xi32>], vector<16xf32>,
    %add3A_1140 = arith.addf %gather3A_1128, %gather3A_1138 : vector<16xf32>
    %sub3A_1141 = arith.subf %add3A_1140, %gather3A_1133 : vector<16xf32>
    %abs3A_1142 = math.absf %sub3A_1141 : vector<16xf32>
    %add3A_1143 = arith.addf %gather3A_1129, %gather3A_1139 : vector<16xf32>
    %sub3A_1144 = arith.subf %add3A_1143, %gather3A_1137 : vector<16xf32>
    %abs3A_1145 = math.absf %sub3A_1144 : vector<16xf32>
    %mul3A_1146 = arith.mulf %abs3A_1142, %abs3A_1142 : vector<16xf32>
    %add3A_1147 = arith.addf %add3A_1109, %mul3A_1146 : vector<16xf32>
    %mul3A_1148 = arith.mulf %abs3A_1145, %abs3A_1145 : vector<16xf32>
    %add3A_1149 = arith.addf %add3A_1111, %mul3A_1148 : vector<16xf32>
    %mul3A_1150 = arith.mulf %abs3A_1142, %abs3A_1145 : vector<16xf32>
    %add3A_1151 = arith.addf %add3A_1113, %mul3A_1150 : vector<16xf32>
    %mul3A_1152 = arith.mulf %gather3A_1128, %gather3A_1128 : vector<16xf32>
    %add3A_1153 = arith.addf %add3A_1117, %mul3A_1152 : vector<16xf32>
    %mul3A_1154 = arith.mulf %gather3A_1129, %gather3A_1129 : vector<16xf32>
    %add3A_1155 = arith.addf %add3A_1153, %mul3A_1154 : vector<16xf32>
    %mul3A_1156 = arith.mulf %gather3A_1138, %gather3A_1138 : vector<16xf32>
    %add3A_1157 = arith.addf %add3A_1121, %mul3A_1156 : vector<16xf32>
    %mul3A_1158 = arith.mulf %gather3A_1139, %gather3A_1139 : vector<16xf32>
    %add3A_1159 = arith.addf %add3A_1157, %mul3A_1158 : vector<16xf32>
    %mul3A_1160 = arith.mulf %gather3A_1133, %gather3A_1133 : vector<16xf32>
    %add3A_1161 = arith.addf %add3A_1125, %mul3A_1160 : vector<16xf32>
    %mul3A_1162 = arith.mulf %gather3A_1137, %gather3A_1137 : vector<16xf32>
    %add3A_1163 = arith.addf %add3A_1161, %mul3A_1162 : vector<16xf32>
    %broadcast_in_dim3A_1164 = arith.constant 27 : i32
    %broadcast_in_dim3A_1165 = vector.broadcast %broadcast_in_dim3A_1164 : i32 to vector<16xi32>
    %gather3A_1166 = tpu.vector_load_idx %arg9[%add3A_136, %broadcast_in_dim3A_1165] : memref<128x128xf32, #tpu.memory_space<vmem>>[vector<16xi32>, vector<16xi32>], vector<16xf32>,
    %gather3A_1167 = tpu.vector_load_idx %arg9[%add3A_139, %broadcast_in_dim3A_1165] : memref<128x128xf32, #tpu.memory_space<vmem>>[vector<16xi32>, vector<16xi32>], vector<16xf32>,
    %add3A_1168 = arith.constant 64 : i32
    %add3A_1169 = vector.broadcast %add3A_1168 : i32 to vector<16xi32>
    %add3A_1170 = arith.addi %add3A_1169, %add3A_136 : vector<16xi32>
    %gather3A_1171 = tpu.vector_load_idx %arg9[%add3A_1170, %broadcast_in_dim3A_1165] : memref<128x128xf32, #tpu.memory_space<vmem>>[vector<16xi32>, vector<16xi32>], vector<16xf32>,
    %add3A_1172 = arith.constant 64 : i32
    %add3A_1173 = vector.broadcast %add3A_1172 : i32 to vector<16xi32>
    %add3A_1174 = arith.addi %add3A_1173, %add3A_139 : vector<16xi32>
    %gather3A_1175 = tpu.vector_load_idx %arg9[%add3A_1174, %broadcast_in_dim3A_1165] : memref<128x128xf32, #tpu.memory_space<vmem>>[vector<16xi32>, vector<16xi32>], vector<16xf32>,
    %gather3A_1176 = tpu.vector_load_idx %arg10[%add3A_136, %broadcast_in_dim3A_1165] : memref<64x128xf32, #tpu.memory_space<vmem>>[vector<16xi32>, vector<16xi32>], vector<16xf32>,
    %gather3A_1177 = tpu.vector_load_idx %arg10[%add3A_139, %broadcast_in_dim3A_1165] : memref<64x128xf32, #tpu.memory_space<vmem>>[vector<16xi32>, vector<16xi32>], vector<16xf32>,
    %add3A_1178 = arith.addf %gather3A_1166, %gather3A_1176 : vector<16xf32>
    %sub3A_1179 = arith.subf %add3A_1178, %gather3A_1171 : vector<16xf32>
    %abs3A_1180 = math.absf %sub3A_1179 : vector<16xf32>
    %add3A_1181 = arith.addf %gather3A_1167, %gather3A_1177 : vector<16xf32>
    %sub3A_1182 = arith.subf %add3A_1181, %gather3A_1175 : vector<16xf32>
    %abs3A_1183 = math.absf %sub3A_1182 : vector<16xf32>
    %mul3A_1184 = arith.mulf %abs3A_1180, %abs3A_1180 : vector<16xf32>
    %add3A_1185 = arith.addf %add3A_1147, %mul3A_1184 : vector<16xf32>
    %mul3A_1186 = arith.mulf %abs3A_1183, %abs3A_1183 : vector<16xf32>
    %add3A_1187 = arith.addf %add3A_1149, %mul3A_1186 : vector<16xf32>
    %mul3A_1188 = arith.mulf %abs3A_1180, %abs3A_1183 : vector<16xf32>
    %add3A_1189 = arith.addf %add3A_1151, %mul3A_1188 : vector<16xf32>
    %mul3A_1190 = arith.mulf %gather3A_1166, %gather3A_1166 : vector<16xf32>
    %add3A_1191 = arith.addf %add3A_1155, %mul3A_1190 : vector<16xf32>
    %mul3A_1192 = arith.mulf %gather3A_1167, %gather3A_1167 : vector<16xf32>
    %add3A_1193 = arith.addf %add3A_1191, %mul3A_1192 : vector<16xf32>
    %mul3A_1194 = arith.mulf %gather3A_1176, %gather3A_1176 : vector<16xf32>
    %add3A_1195 = arith.addf %add3A_1159, %mul3A_1194 : vector<16xf32>
    %mul3A_1196 = arith.mulf %gather3A_1177, %gather3A_1177 : vector<16xf32>
    %add3A_1197 = arith.addf %add3A_1195, %mul3A_1196 : vector<16xf32>
    %mul3A_1198 = arith.mulf %gather3A_1171, %gather3A_1171 : vector<16xf32>
    %add3A_1199 = arith.addf %add3A_1163, %mul3A_1198 : vector<16xf32>
    %mul3A_1200 = arith.mulf %gather3A_1175, %gather3A_1175 : vector<16xf32>
    %add3A_1201 = arith.addf %add3A_1199, %mul3A_1200 : vector<16xf32>
    %broadcast_in_dim3A_1202 = arith.constant 28 : i32
    %broadcast_in_dim3A_1203 = vector.broadcast %broadcast_in_dim3A_1202 : i32 to vector<16xi32>
    %gather3A_1204 = tpu.vector_load_idx %arg9[%add3A_136, %broadcast_in_dim3A_1203] : memref<128x128xf32, #tpu.memory_space<vmem>>[vector<16xi32>, vector<16xi32>], vector<16xf32>,
    %gather3A_1205 = tpu.vector_load_idx %arg9[%add3A_139, %broadcast_in_dim3A_1203] : memref<128x128xf32, #tpu.memory_space<vmem>>[vector<16xi32>, vector<16xi32>], vector<16xf32>,
    %add3A_1206 = arith.constant 64 : i32
    %add3A_1207 = vector.broadcast %add3A_1206 : i32 to vector<16xi32>
    %add3A_1208 = arith.addi %add3A_1207, %add3A_136 : vector<16xi32>
    %gather3A_1209 = tpu.vector_load_idx %arg9[%add3A_1208, %broadcast_in_dim3A_1203] : memref<128x128xf32, #tpu.memory_space<vmem>>[vector<16xi32>, vector<16xi32>], vector<16xf32>,
    %add3A_1210 = arith.constant 64 : i32
    %add3A_1211 = vector.broadcast %add3A_1210 : i32 to vector<16xi32>
    %add3A_1212 = arith.addi %add3A_1211, %add3A_139 : vector<16xi32>
    %gather3A_1213 = tpu.vector_load_idx %arg9[%add3A_1212, %broadcast_in_dim3A_1203] : memref<128x128xf32, #tpu.memory_space<vmem>>[vector<16xi32>, vector<16xi32>], vector<16xf32>,
    %gather3A_1214 = tpu.vector_load_idx %arg10[%add3A_136, %broadcast_in_dim3A_1203] : memref<64x128xf32, #tpu.memory_space<vmem>>[vector<16xi32>, vector<16xi32>], vector<16xf32>,
    %gather3A_1215 = tpu.vector_load_idx %arg10[%add3A_139, %broadcast_in_dim3A_1203] : memref<64x128xf32, #tpu.memory_space<vmem>>[vector<16xi32>, vector<16xi32>], vector<16xf32>,
    %add3A_1216 = arith.addf %gather3A_1204, %gather3A_1214 : vector<16xf32>
    %sub3A_1217 = arith.subf %add3A_1216, %gather3A_1209 : vector<16xf32>
    %abs3A_1218 = math.absf %sub3A_1217 : vector<16xf32>
    %add3A_1219 = arith.addf %gather3A_1205, %gather3A_1215 : vector<16xf32>
    %sub3A_1220 = arith.subf %add3A_1219, %gather3A_1213 : vector<16xf32>
    %abs3A_1221 = math.absf %sub3A_1220 : vector<16xf32>
    %mul3A_1222 = arith.mulf %abs3A_1218, %abs3A_1218 : vector<16xf32>
    %add3A_1223 = arith.addf %add3A_1185, %mul3A_1222 : vector<16xf32>
    %mul3A_1224 = arith.mulf %abs3A_1221, %abs3A_1221 : vector<16xf32>
    %add3A_1225 = arith.addf %add3A_1187, %mul3A_1224 : vector<16xf32>
    %mul3A_1226 = arith.mulf %abs3A_1218, %abs3A_1221 : vector<16xf32>
    %add3A_1227 = arith.addf %add3A_1189, %mul3A_1226 : vector<16xf32>
    %mul3A_1228 = arith.mulf %gather3A_1204, %gather3A_1204 : vector<16xf32>
    %add3A_1229 = arith.addf %add3A_1193, %mul3A_1228 : vector<16xf32>
    %mul3A_1230 = arith.mulf %gather3A_1205, %gather3A_1205 : vector<16xf32>
    %add3A_1231 = arith.addf %add3A_1229, %mul3A_1230 : vector<16xf32>
    %mul3A_1232 = arith.mulf %gather3A_1214, %gather3A_1214 : vector<16xf32>
    %add3A_1233 = arith.addf %add3A_1197, %mul3A_1232 : vector<16xf32>
    %mul3A_1234 = arith.mulf %gather3A_1215, %gather3A_1215 : vector<16xf32>
    %add3A_1235 = arith.addf %add3A_1233, %mul3A_1234 : vector<16xf32>
    %mul3A_1236 = arith.mulf %gather3A_1209, %gather3A_1209 : vector<16xf32>
    %add3A_1237 = arith.addf %add3A_1201, %mul3A_1236 : vector<16xf32>
    %mul3A_1238 = arith.mulf %gather3A_1213, %gather3A_1213 : vector<16xf32>
    %add3A_1239 = arith.addf %add3A_1237, %mul3A_1238 : vector<16xf32>
    %broadcast_in_dim3A_1240 = arith.constant 29 : i32
    %broadcast_in_dim3A_1241 = vector.broadcast %broadcast_in_dim3A_1240 : i32 to vector<16xi32>
    %gather3A_1242 = tpu.vector_load_idx %arg9[%add3A_136, %broadcast_in_dim3A_1241] : memref<128x128xf32, #tpu.memory_space<vmem>>[vector<16xi32>, vector<16xi32>], vector<16xf32>,
    %gather3A_1243 = tpu.vector_load_idx %arg9[%add3A_139, %broadcast_in_dim3A_1241] : memref<128x128xf32, #tpu.memory_space<vmem>>[vector<16xi32>, vector<16xi32>], vector<16xf32>,
    %add3A_1244 = arith.constant 64 : i32
    %add3A_1245 = vector.broadcast %add3A_1244 : i32 to vector<16xi32>
    %add3A_1246 = arith.addi %add3A_1245, %add3A_136 : vector<16xi32>
    %gather3A_1247 = tpu.vector_load_idx %arg9[%add3A_1246, %broadcast_in_dim3A_1241] : memref<128x128xf32, #tpu.memory_space<vmem>>[vector<16xi32>, vector<16xi32>], vector<16xf32>,
    %add3A_1248 = arith.constant 64 : i32
    %add3A_1249 = vector.broadcast %add3A_1248 : i32 to vector<16xi32>
    %add3A_1250 = arith.addi %add3A_1249, %add3A_139 : vector<16xi32>
    %gather3A_1251 = tpu.vector_load_idx %arg9[%add3A_1250, %broadcast_in_dim3A_1241] : memref<128x128xf32, #tpu.memory_space<vmem>>[vector<16xi32>, vector<16xi32>], vector<16xf32>,
    %gather3A_1252 = tpu.vector_load_idx %arg10[%add3A_136, %broadcast_in_dim3A_1241] : memref<64x128xf32, #tpu.memory_space<vmem>>[vector<16xi32>, vector<16xi32>], vector<16xf32>,
    %gather3A_1253 = tpu.vector_load_idx %arg10[%add3A_139, %broadcast_in_dim3A_1241] : memref<64x128xf32, #tpu.memory_space<vmem>>[vector<16xi32>, vector<16xi32>], vector<16xf32>,
    %add3A_1254 = arith.addf %gather3A_1242, %gather3A_1252 : vector<16xf32>
    %sub3A_1255 = arith.subf %add3A_1254, %gather3A_1247 : vector<16xf32>
    %abs3A_1256 = math.absf %sub3A_1255 : vector<16xf32>
    %add3A_1257 = arith.addf %gather3A_1243, %gather3A_1253 : vector<16xf32>
    %sub3A_1258 = arith.subf %add3A_1257, %gather3A_1251 : vector<16xf32>
    %abs3A_1259 = math.absf %sub3A_1258 : vector<16xf32>
    %mul3A_1260 = arith.mulf %abs3A_1256, %abs3A_1256 : vector<16xf32>
    %add3A_1261 = arith.addf %add3A_1223, %mul3A_1260 : vector<16xf32>
    %mul3A_1262 = arith.mulf %abs3A_1259, %abs3A_1259 : vector<16xf32>
    %add3A_1263 = arith.addf %add3A_1225, %mul3A_1262 : vector<16xf32>
    %mul3A_1264 = arith.mulf %abs3A_1256, %abs3A_1259 : vector<16xf32>
    %add3A_1265 = arith.addf %add3A_1227, %mul3A_1264 : vector<16xf32>
    %mul3A_1266 = arith.mulf %gather3A_1242, %gather3A_1242 : vector<16xf32>
    %add3A_1267 = arith.addf %add3A_1231, %mul3A_1266 : vector<16xf32>
    %mul3A_1268 = arith.mulf %gather3A_1243, %gather3A_1243 : vector<16xf32>
    %add3A_1269 = arith.addf %add3A_1267, %mul3A_1268 : vector<16xf32>
    %mul3A_1270 = arith.mulf %gather3A_1252, %gather3A_1252 : vector<16xf32>
    %add3A_1271 = arith.addf %add3A_1235, %mul3A_1270 : vector<16xf32>
    %mul3A_1272 = arith.mulf %gather3A_1253, %gather3A_1253 : vector<16xf32>
    %add3A_1273 = arith.addf %add3A_1271, %mul3A_1272 : vector<16xf32>
    %mul3A_1274 = arith.mulf %gather3A_1247, %gather3A_1247 : vector<16xf32>
    %add3A_1275 = arith.addf %add3A_1239, %mul3A_1274 : vector<16xf32>
    %mul3A_1276 = arith.mulf %gather3A_1251, %gather3A_1251 : vector<16xf32>
    %add3A_1277 = arith.addf %add3A_1275, %mul3A_1276 : vector<16xf32>
    %broadcast_in_dim3A_1278 = arith.constant 30 : i32
    %broadcast_in_dim3A_1279 = vector.broadcast %broadcast_in_dim3A_1278 : i32 to vector<16xi32>
    %gather3A_1280 = tpu.vector_load_idx %arg9[%add3A_136, %broadcast_in_dim3A_1279] : memref<128x128xf32, #tpu.memory_space<vmem>>[vector<16xi32>, vector<16xi32>], vector<16xf32>,
    %gather3A_1281 = tpu.vector_load_idx %arg9[%add3A_139, %broadcast_in_dim3A_1279] : memref<128x128xf32, #tpu.memory_space<vmem>>[vector<16xi32>, vector<16xi32>], vector<16xf32>,
    %add3A_1282 = arith.constant 64 : i32
    %add3A_1283 = vector.broadcast %add3A_1282 : i32 to vector<16xi32>
    %add3A_1284 = arith.addi %add3A_1283, %add3A_136 : vector<16xi32>
    %gather3A_1285 = tpu.vector_load_idx %arg9[%add3A_1284, %broadcast_in_dim3A_1279] : memref<128x128xf32, #tpu.memory_space<vmem>>[vector<16xi32>, vector<16xi32>], vector<16xf32>,
    %add3A_1286 = arith.constant 64 : i32
    %add3A_1287 = vector.broadcast %add3A_1286 : i32 to vector<16xi32>
    %add3A_1288 = arith.addi %add3A_1287, %add3A_139 : vector<16xi32>
    %gather3A_1289 = tpu.vector_load_idx %arg9[%add3A_1288, %broadcast_in_dim3A_1279] : memref<128x128xf32, #tpu.memory_space<vmem>>[vector<16xi32>, vector<16xi32>], vector<16xf32>,
    %gather3A_1290 = tpu.vector_load_idx %arg10[%add3A_136, %broadcast_in_dim3A_1279] : memref<64x128xf32, #tpu.memory_space<vmem>>[vector<16xi32>, vector<16xi32>], vector<16xf32>,
    %gather3A_1291 = tpu.vector_load_idx %arg10[%add3A_139, %broadcast_in_dim3A_1279] : memref<64x128xf32, #tpu.memory_space<vmem>>[vector<16xi32>, vector<16xi32>], vector<16xf32>,
    %add3A_1292 = arith.addf %gather3A_1280, %gather3A_1290 : vector<16xf32>
    %sub3A_1293 = arith.subf %add3A_1292, %gather3A_1285 : vector<16xf32>
    %abs3A_1294 = math.absf %sub3A_1293 : vector<16xf32>
    %add3A_1295 = arith.addf %gather3A_1281, %gather3A_1291 : vector<16xf32>
    %sub3A_1296 = arith.subf %add3A_1295, %gather3A_1289 : vector<16xf32>
    %abs3A_1297 = math.absf %sub3A_1296 : vector<16xf32>
    %mul3A_1298 = arith.mulf %abs3A_1294, %abs3A_1294 : vector<16xf32>
    %add3A_1299 = arith.addf %add3A_1261, %mul3A_1298 : vector<16xf32>
    %mul3A_1300 = arith.mulf %abs3A_1297, %abs3A_1297 : vector<16xf32>
    %add3A_1301 = arith.addf %add3A_1263, %mul3A_1300 : vector<16xf32>
    %mul3A_1302 = arith.mulf %abs3A_1294, %abs3A_1297 : vector<16xf32>
    %add3A_1303 = arith.addf %add3A_1265, %mul3A_1302 : vector<16xf32>
    %mul3A_1304 = arith.mulf %gather3A_1280, %gather3A_1280 : vector<16xf32>
    %add3A_1305 = arith.addf %add3A_1269, %mul3A_1304 : vector<16xf32>
    %mul3A_1306 = arith.mulf %gather3A_1281, %gather3A_1281 : vector<16xf32>
    %add3A_1307 = arith.addf %add3A_1305, %mul3A_1306 : vector<16xf32>
    %mul3A_1308 = arith.mulf %gather3A_1290, %gather3A_1290 : vector<16xf32>
    %add3A_1309 = arith.addf %add3A_1273, %mul3A_1308 : vector<16xf32>
    %mul3A_1310 = arith.mulf %gather3A_1291, %gather3A_1291 : vector<16xf32>
    %add3A_1311 = arith.addf %add3A_1309, %mul3A_1310 : vector<16xf32>
    %mul3A_1312 = arith.mulf %gather3A_1285, %gather3A_1285 : vector<16xf32>
    %add3A_1313 = arith.addf %add3A_1277, %mul3A_1312 : vector<16xf32>
    %mul3A_1314 = arith.mulf %gather3A_1289, %gather3A_1289 : vector<16xf32>
    %add3A_1315 = arith.addf %add3A_1313, %mul3A_1314 : vector<16xf32>
    %broadcast_in_dim3A_1316 = arith.constant 31 : i32
    %broadcast_in_dim3A_1317 = vector.broadcast %broadcast_in_dim3A_1316 : i32 to vector<16xi32>
    %gather3A_1318 = tpu.vector_load_idx %arg9[%add3A_136, %broadcast_in_dim3A_1317] : memref<128x128xf32, #tpu.memory_space<vmem>>[vector<16xi32>, vector<16xi32>], vector<16xf32>,
    %gather3A_1319 = tpu.vector_load_idx %arg9[%add3A_139, %broadcast_in_dim3A_1317] : memref<128x128xf32, #tpu.memory_space<vmem>>[vector<16xi32>, vector<16xi32>], vector<16xf32>,
    %add3A_1320 = arith.constant 64 : i32
    %add3A_1321 = vector.broadcast %add3A_1320 : i32 to vector<16xi32>
    %add3A_1322 = arith.addi %add3A_1321, %add3A_136 : vector<16xi32>
    %gather3A_1323 = tpu.vector_load_idx %arg9[%add3A_1322, %broadcast_in_dim3A_1317] : memref<128x128xf32, #tpu.memory_space<vmem>>[vector<16xi32>, vector<16xi32>], vector<16xf32>,
    %add3A_1324 = arith.constant 64 : i32
    %add3A_1325 = vector.broadcast %add3A_1324 : i32 to vector<16xi32>
    %add3A_1326 = arith.addi %add3A_1325, %add3A_139 : vector<16xi32>
    %gather3A_1327 = tpu.vector_load_idx %arg9[%add3A_1326, %broadcast_in_dim3A_1317] : memref<128x128xf32, #tpu.memory_space<vmem>>[vector<16xi32>, vector<16xi32>], vector<16xf32>,
    %gather3A_1328 = tpu.vector_load_idx %arg10[%add3A_136, %broadcast_in_dim3A_1317] : memref<64x128xf32, #tpu.memory_space<vmem>>[vector<16xi32>, vector<16xi32>], vector<16xf32>,
    %gather3A_1329 = tpu.vector_load_idx %arg10[%add3A_139, %broadcast_in_dim3A_1317] : memref<64x128xf32, #tpu.memory_space<vmem>>[vector<16xi32>, vector<16xi32>], vector<16xf32>,
    %add3A_1330 = arith.addf %gather3A_1318, %gather3A_1328 : vector<16xf32>
    %sub3A_1331 = arith.subf %add3A_1330, %gather3A_1323 : vector<16xf32>
    %abs3A_1332 = math.absf %sub3A_1331 : vector<16xf32>
    %add3A_1333 = arith.addf %gather3A_1319, %gather3A_1329 : vector<16xf32>
    %sub3A_1334 = arith.subf %add3A_1333, %gather3A_1327 : vector<16xf32>
    %abs3A_1335 = math.absf %sub3A_1334 : vector<16xf32>
    %mul3A_1336 = arith.mulf %abs3A_1332, %abs3A_1332 : vector<16xf32>
    %add3A_1337 = arith.addf %add3A_1299, %mul3A_1336 : vector<16xf32>
    %mul3A_1338 = arith.mulf %abs3A_1335, %abs3A_1335 : vector<16xf32>
    %add3A_1339 = arith.addf %add3A_1301, %mul3A_1338 : vector<16xf32>
    %mul3A_1340 = arith.mulf %abs3A_1332, %abs3A_1335 : vector<16xf32>
    %add3A_1341 = arith.addf %add3A_1303, %mul3A_1340 : vector<16xf32>
    %mul3A_1342 = arith.mulf %gather3A_1318, %gather3A_1318 : vector<16xf32>
    %add3A_1343 = arith.addf %add3A_1307, %mul3A_1342 : vector<16xf32>
    %mul3A_1344 = arith.mulf %gather3A_1319, %gather3A_1319 : vector<16xf32>
    %add3A_1345 = arith.addf %add3A_1343, %mul3A_1344 : vector<16xf32>
    %mul3A_1346 = arith.mulf %gather3A_1328, %gather3A_1328 : vector<16xf32>
    %add3A_1347 = arith.addf %add3A_1311, %mul3A_1346 : vector<16xf32>
    %mul3A_1348 = arith.mulf %gather3A_1329, %gather3A_1329 : vector<16xf32>
    %add3A_1349 = arith.addf %add3A_1347, %mul3A_1348 : vector<16xf32>
    %mul3A_1350 = arith.mulf %gather3A_1323, %gather3A_1323 : vector<16xf32>
    %add3A_1351 = arith.addf %add3A_1315, %mul3A_1350 : vector<16xf32>
    %mul3A_1352 = arith.mulf %gather3A_1327, %gather3A_1327 : vector<16xf32>
    %add3A_1353 = arith.addf %add3A_1351, %mul3A_1352 : vector<16xf32>
    %mul3A_1354 = arith.constant 2.000000e+00 : f32
    %mul3A_1355 = vector.broadcast %mul3A_1354 : f32 to vector<16xf32>
    %mul3A_1356 = arith.mulf %mul3A_1355, %add3A_1341 : vector<16xf32>
    %mul3A_1357 = arith.mulf %mul3A_1356, %add3A_1341 : vector<16xf32>
    %mul3A_1358 = arith.mulf %add3A_1337, %add3A_1337 : vector<16xf32>
    %sub3A_1359 = arith.subf %mul3A_1357, %mul3A_1358 : vector<16xf32>
    %mul3A_1360 = arith.mulf %add3A_1339, %add3A_1339 : vector<16xf32>
    %sub3A_1361 = arith.subf %sub3A_1359, %mul3A_1360 : vector<16xf32>
    %add3A_1362 = arith.constant 1.000000e+00 : f32
    %add3A_1363 = vector.broadcast %add3A_1362 : f32 to vector<16xf32>
    %add3A_1364 = arith.addf %sub3A_1361, %add3A_1363 : vector<16xf32>
    %max3A = arith.constant 0.000000e+00 : f32
    %max3A_1365 = vector.broadcast %max3A : f32 to vector<16xf32>
    %max3A_1366 = arith.maximumf %add3A_1364, %max3A_1365 : vector<16xf32>
    %add3A_1367 = arith.addf %broadcast_in_dim3A_1, %max3A_1366 : vector<16xf32>
    %sub3A_1368 = arith.subf %broadcast_in_dim3A_1, %sub3A_1361 : vector<16xf32>
    %add3A_1369 = arith.constant 16 : i32
    %add3A_1370 = vector.broadcast %add3A_1369 : i32 to vector<16xi32>
    %add3A_1371 = arith.addi %add3A_1370, %iota3A : vector<16xi32>
    %add3A_1372 = arith.constant 48 : i32
    %add3A_1373 = vector.broadcast %add3A_1372 : i32 to vector<16xi32>
    %add3A_1374 = arith.addi %add3A_1373, %iota3A : vector<16xi32>
    %broadcast_in_dim3A_1375 = arith.constant 0 : i32
    %broadcast_in_dim3A_1376 = vector.broadcast %broadcast_in_dim3A_1375 : i32 to vector<16xi32>
    %gather3A_1377 = tpu.vector_load_idx %arg9[%add3A_1371, %broadcast_in_dim3A_1376] : memref<128x128xf32, #tpu.memory_space<vmem>>[vector<16xi32>, vector<16xi32>], vector<16xf32>,
    %gather3A_1378 = tpu.vector_load_idx %arg9[%add3A_1374, %broadcast_in_dim3A_1376] : memref<128x128xf32, #tpu.memory_space<vmem>>[vector<16xi32>, vector<16xi32>], vector<16xf32>,
    %add3A_1379 = arith.constant 64 : i32
    %add3A_1380 = vector.broadcast %add3A_1379 : i32 to vector<16xi32>
    %add3A_1381 = arith.addi %add3A_1380, %add3A_1371 : vector<16xi32>
    %gather3A_1382 = tpu.vector_load_idx %arg9[%add3A_1381, %broadcast_in_dim3A_1376] : memref<128x128xf32, #tpu.memory_space<vmem>>[vector<16xi32>, vector<16xi32>], vector<16xf32>,
    %add3A_1383 = arith.constant 64 : i32
    %add3A_1384 = vector.broadcast %add3A_1383 : i32 to vector<16xi32>
    %add3A_1385 = arith.addi %add3A_1384, %add3A_1374 : vector<16xi32>
    %gather3A_1386 = tpu.vector_load_idx %arg9[%add3A_1385, %broadcast_in_dim3A_1376] : memref<128x128xf32, #tpu.memory_space<vmem>>[vector<16xi32>, vector<16xi32>], vector<16xf32>,
    %gather3A_1387 = tpu.vector_load_idx %arg10[%add3A_1371, %broadcast_in_dim3A_1376] : memref<64x128xf32, #tpu.memory_space<vmem>>[vector<16xi32>, vector<16xi32>], vector<16xf32>,
    %gather3A_1388 = tpu.vector_load_idx %arg10[%add3A_1374, %broadcast_in_dim3A_1376] : memref<64x128xf32, #tpu.memory_space<vmem>>[vector<16xi32>, vector<16xi32>], vector<16xf32>,
    %add3A_1389 = arith.addf %gather3A_1377, %gather3A_1387 : vector<16xf32>
    %sub3A_1390 = arith.subf %add3A_1389, %gather3A_1382 : vector<16xf32>
    %abs3A_1391 = math.absf %sub3A_1390 : vector<16xf32>
    %add3A_1392 = arith.addf %gather3A_1378, %gather3A_1388 : vector<16xf32>
    %sub3A_1393 = arith.subf %add3A_1392, %gather3A_1386 : vector<16xf32>
    %abs3A_1394 = math.absf %sub3A_1393 : vector<16xf32>
    %mul3A_1395 = arith.mulf %abs3A_1391, %abs3A_1391 : vector<16xf32>
    %add3A_1396 = arith.addf %broadcast_in_dim3A_1, %mul3A_1395 : vector<16xf32>
    %mul3A_1397 = arith.mulf %abs3A_1394, %abs3A_1394 : vector<16xf32>
    %add3A_1398 = arith.addf %broadcast_in_dim3A_1, %mul3A_1397 : vector<16xf32>
    %mul3A_1399 = arith.mulf %abs3A_1391, %abs3A_1394 : vector<16xf32>
    %add3A_1400 = arith.addf %broadcast_in_dim3A_1, %mul3A_1399 : vector<16xf32>
    %mul3A_1401 = arith.mulf %gather3A_1377, %gather3A_1377 : vector<16xf32>
    %add3A_1402 = arith.addf %add3A_1345, %mul3A_1401 : vector<16xf32>
    %mul3A_1403 = arith.mulf %gather3A_1378, %gather3A_1378 : vector<16xf32>
    %add3A_1404 = arith.addf %add3A_1402, %mul3A_1403 : vector<16xf32>
    %mul3A_1405 = arith.mulf %gather3A_1387, %gather3A_1387 : vector<16xf32>
    %add3A_1406 = arith.addf %add3A_1349, %mul3A_1405 : vector<16xf32>
    %mul3A_1407 = arith.mulf %gather3A_1388, %gather3A_1388 : vector<16xf32>
    %add3A_1408 = arith.addf %add3A_1406, %mul3A_1407 : vector<16xf32>
    %mul3A_1409 = arith.mulf %gather3A_1382, %gather3A_1382 : vector<16xf32>
    %add3A_1410 = arith.addf %add3A_1353, %mul3A_1409 : vector<16xf32>
    %mul3A_1411 = arith.mulf %gather3A_1386, %gather3A_1386 : vector<16xf32>
    %add3A_1412 = arith.addf %add3A_1410, %mul3A_1411 : vector<16xf32>
    %broadcast_in_dim3A_1413 = arith.constant 1 : i32
    %broadcast_in_dim3A_1414 = vector.broadcast %broadcast_in_dim3A_1413 : i32 to vector<16xi32>
    %gather3A_1415 = tpu.vector_load_idx %arg9[%add3A_1371, %broadcast_in_dim3A_1414] : memref<128x128xf32, #tpu.memory_space<vmem>>[vector<16xi32>, vector<16xi32>], vector<16xf32>,
    %gather3A_1416 = tpu.vector_load_idx %arg9[%add3A_1374, %broadcast_in_dim3A_1414] : memref<128x128xf32, #tpu.memory_space<vmem>>[vector<16xi32>, vector<16xi32>], vector<16xf32>,
    %add3A_1417 = arith.constant 64 : i32
    %add3A_1418 = vector.broadcast %add3A_1417 : i32 to vector<16xi32>
    %add3A_1419 = arith.addi %add3A_1418, %add3A_1371 : vector<16xi32>
    %gather3A_1420 = tpu.vector_load_idx %arg9[%add3A_1419, %broadcast_in_dim3A_1414] : memref<128x128xf32, #tpu.memory_space<vmem>>[vector<16xi32>, vector<16xi32>], vector<16xf32>,
    %add3A_1421 = arith.constant 64 : i32
    %add3A_1422 = vector.broadcast %add3A_1421 : i32 to vector<16xi32>
    %add3A_1423 = arith.addi %add3A_1422, %add3A_1374 : vector<16xi32>
    %gather3A_1424 = tpu.vector_load_idx %arg9[%add3A_1423, %broadcast_in_dim3A_1414] : memref<128x128xf32, #tpu.memory_space<vmem>>[vector<16xi32>, vector<16xi32>], vector<16xf32>,
    %gather3A_1425 = tpu.vector_load_idx %arg10[%add3A_1371, %broadcast_in_dim3A_1414] : memref<64x128xf32, #tpu.memory_space<vmem>>[vector<16xi32>, vector<16xi32>], vector<16xf32>,
    %gather3A_1426 = tpu.vector_load_idx %arg10[%add3A_1374, %broadcast_in_dim3A_1414] : memref<64x128xf32, #tpu.memory_space<vmem>>[vector<16xi32>, vector<16xi32>], vector<16xf32>,
    %add3A_1427 = arith.addf %gather3A_1415, %gather3A_1425 : vector<16xf32>
    %sub3A_1428 = arith.subf %add3A_1427, %gather3A_1420 : vector<16xf32>
    %abs3A_1429 = math.absf %sub3A_1428 : vector<16xf32>
    %add3A_1430 = arith.addf %gather3A_1416, %gather3A_1426 : vector<16xf32>
    %sub3A_1431 = arith.subf %add3A_1430, %gather3A_1424 : vector<16xf32>
    %abs3A_1432 = math.absf %sub3A_1431 : vector<16xf32>
    %mul3A_1433 = arith.mulf %abs3A_1429, %abs3A_1429 : vector<16xf32>
    %add3A_1434 = arith.addf %add3A_1396, %mul3A_1433 : vector<16xf32>
    %mul3A_1435 = arith.mulf %abs3A_1432, %abs3A_1432 : vector<16xf32>
    %add3A_1436 = arith.addf %add3A_1398, %mul3A_1435 : vector<16xf32>
    %mul3A_1437 = arith.mulf %abs3A_1429, %abs3A_1432 : vector<16xf32>
    %add3A_1438 = arith.addf %add3A_1400, %mul3A_1437 : vector<16xf32>
    %mul3A_1439 = arith.mulf %gather3A_1415, %gather3A_1415 : vector<16xf32>
    %add3A_1440 = arith.addf %add3A_1404, %mul3A_1439 : vector<16xf32>
    %mul3A_1441 = arith.mulf %gather3A_1416, %gather3A_1416 : vector<16xf32>
    %add3A_1442 = arith.addf %add3A_1440, %mul3A_1441 : vector<16xf32>
    %mul3A_1443 = arith.mulf %gather3A_1425, %gather3A_1425 : vector<16xf32>
    %add3A_1444 = arith.addf %add3A_1408, %mul3A_1443 : vector<16xf32>
    %mul3A_1445 = arith.mulf %gather3A_1426, %gather3A_1426 : vector<16xf32>
    %add3A_1446 = arith.addf %add3A_1444, %mul3A_1445 : vector<16xf32>
    %mul3A_1447 = arith.mulf %gather3A_1420, %gather3A_1420 : vector<16xf32>
    %add3A_1448 = arith.addf %add3A_1412, %mul3A_1447 : vector<16xf32>
    %mul3A_1449 = arith.mulf %gather3A_1424, %gather3A_1424 : vector<16xf32>
    %add3A_1450 = arith.addf %add3A_1448, %mul3A_1449 : vector<16xf32>
    %broadcast_in_dim3A_1451 = arith.constant 2 : i32
    %broadcast_in_dim3A_1452 = vector.broadcast %broadcast_in_dim3A_1451 : i32 to vector<16xi32>
    %gather3A_1453 = tpu.vector_load_idx %arg9[%add3A_1371, %broadcast_in_dim3A_1452] : memref<128x128xf32, #tpu.memory_space<vmem>>[vector<16xi32>, vector<16xi32>], vector<16xf32>,
    %gather3A_1454 = tpu.vector_load_idx %arg9[%add3A_1374, %broadcast_in_dim3A_1452] : memref<128x128xf32, #tpu.memory_space<vmem>>[vector<16xi32>, vector<16xi32>], vector<16xf32>,
    %add3A_1455 = arith.constant 64 : i32
    %add3A_1456 = vector.broadcast %add3A_1455 : i32 to vector<16xi32>
    %add3A_1457 = arith.addi %add3A_1456, %add3A_1371 : vector<16xi32>
    %gather3A_1458 = tpu.vector_load_idx %arg9[%add3A_1457, %broadcast_in_dim3A_1452] : memref<128x128xf32, #tpu.memory_space<vmem>>[vector<16xi32>, vector<16xi32>], vector<16xf32>,
    %add3A_1459 = arith.constant 64 : i32
    %add3A_1460 = vector.broadcast %add3A_1459 : i32 to vector<16xi32>
    %add3A_1461 = arith.addi %add3A_1460, %add3A_1374 : vector<16xi32>
    %gather3A_1462 = tpu.vector_load_idx %arg9[%add3A_1461, %broadcast_in_dim3A_1452] : memref<128x128xf32, #tpu.memory_space<vmem>>[vector<16xi32>, vector<16xi32>], vector<16xf32>,
    %gather3A_1463 = tpu.vector_load_idx %arg10[%add3A_1371, %broadcast_in_dim3A_1452] : memref<64x128xf32, #tpu.memory_space<vmem>>[vector<16xi32>, vector<16xi32>], vector<16xf32>,
    %gather3A_1464 = tpu.vector_load_idx %arg10[%add3A_1374, %broadcast_in_dim3A_1452] : memref<64x128xf32, #tpu.memory_space<vmem>>[vector<16xi32>, vector<16xi32>], vector<16xf32>,
    %add3A_1465 = arith.addf %gather3A_1453, %gather3A_1463 : vector<16xf32>
    %sub3A_1466 = arith.subf %add3A_1465, %gather3A_1458 : vector<16xf32>
    %abs3A_1467 = math.absf %sub3A_1466 : vector<16xf32>
    %add3A_1468 = arith.addf %gather3A_1454, %gather3A_1464 : vector<16xf32>
    %sub3A_1469 = arith.subf %add3A_1468, %gather3A_1462 : vector<16xf32>
    %abs3A_1470 = math.absf %sub3A_1469 : vector<16xf32>
    %mul3A_1471 = arith.mulf %abs3A_1467, %abs3A_1467 : vector<16xf32>
    %add3A_1472 = arith.addf %add3A_1434, %mul3A_1471 : vector<16xf32>
    %mul3A_1473 = arith.mulf %abs3A_1470, %abs3A_1470 : vector<16xf32>
    %add3A_1474 = arith.addf %add3A_1436, %mul3A_1473 : vector<16xf32>
    %mul3A_1475 = arith.mulf %abs3A_1467, %abs3A_1470 : vector<16xf32>
    %add3A_1476 = arith.addf %add3A_1438, %mul3A_1475 : vector<16xf32>
    %mul3A_1477 = arith.mulf %gather3A_1453, %gather3A_1453 : vector<16xf32>
    %add3A_1478 = arith.addf %add3A_1442, %mul3A_1477 : vector<16xf32>
    %mul3A_1479 = arith.mulf %gather3A_1454, %gather3A_1454 : vector<16xf32>
    %add3A_1480 = arith.addf %add3A_1478, %mul3A_1479 : vector<16xf32>
    %mul3A_1481 = arith.mulf %gather3A_1463, %gather3A_1463 : vector<16xf32>
    %add3A_1482 = arith.addf %add3A_1446, %mul3A_1481 : vector<16xf32>
    %mul3A_1483 = arith.mulf %gather3A_1464, %gather3A_1464 : vector<16xf32>
    %add3A_1484 = arith.addf %add3A_1482, %mul3A_1483 : vector<16xf32>
    %mul3A_1485 = arith.mulf %gather3A_1458, %gather3A_1458 : vector<16xf32>
    %add3A_1486 = arith.addf %add3A_1450, %mul3A_1485 : vector<16xf32>
    %mul3A_1487 = arith.mulf %gather3A_1462, %gather3A_1462 : vector<16xf32>
    %add3A_1488 = arith.addf %add3A_1486, %mul3A_1487 : vector<16xf32>
    %broadcast_in_dim3A_1489 = arith.constant 3 : i32
    %broadcast_in_dim3A_1490 = vector.broadcast %broadcast_in_dim3A_1489 : i32 to vector<16xi32>
    %gather3A_1491 = tpu.vector_load_idx %arg9[%add3A_1371, %broadcast_in_dim3A_1490] : memref<128x128xf32, #tpu.memory_space<vmem>>[vector<16xi32>, vector<16xi32>], vector<16xf32>,
    %gather3A_1492 = tpu.vector_load_idx %arg9[%add3A_1374, %broadcast_in_dim3A_1490] : memref<128x128xf32, #tpu.memory_space<vmem>>[vector<16xi32>, vector<16xi32>], vector<16xf32>,
    %add3A_1493 = arith.constant 64 : i32
    %add3A_1494 = vector.broadcast %add3A_1493 : i32 to vector<16xi32>
    %add3A_1495 = arith.addi %add3A_1494, %add3A_1371 : vector<16xi32>
    %gather3A_1496 = tpu.vector_load_idx %arg9[%add3A_1495, %broadcast_in_dim3A_1490] : memref<128x128xf32, #tpu.memory_space<vmem>>[vector<16xi32>, vector<16xi32>], vector<16xf32>,
    %add3A_1497 = arith.constant 64 : i32
    %add3A_1498 = vector.broadcast %add3A_1497 : i32 to vector<16xi32>
    %add3A_1499 = arith.addi %add3A_1498, %add3A_1374 : vector<16xi32>
    %gather3A_1500 = tpu.vector_load_idx %arg9[%add3A_1499, %broadcast_in_dim3A_1490] : memref<128x128xf32, #tpu.memory_space<vmem>>[vector<16xi32>, vector<16xi32>], vector<16xf32>,
    %gather3A_1501 = tpu.vector_load_idx %arg10[%add3A_1371, %broadcast_in_dim3A_1490] : memref<64x128xf32, #tpu.memory_space<vmem>>[vector<16xi32>, vector<16xi32>], vector<16xf32>,
    %gather3A_1502 = tpu.vector_load_idx %arg10[%add3A_1374, %broadcast_in_dim3A_1490] : memref<64x128xf32, #tpu.memory_space<vmem>>[vector<16xi32>, vector<16xi32>], vector<16xf32>,
    %add3A_1503 = arith.addf %gather3A_1491, %gather3A_1501 : vector<16xf32>
    %sub3A_1504 = arith.subf %add3A_1503, %gather3A_1496 : vector<16xf32>
    %abs3A_1505 = math.absf %sub3A_1504 : vector<16xf32>
    %add3A_1506 = arith.addf %gather3A_1492, %gather3A_1502 : vector<16xf32>
    %sub3A_1507 = arith.subf %add3A_1506, %gather3A_1500 : vector<16xf32>
    %abs3A_1508 = math.absf %sub3A_1507 : vector<16xf32>
    %mul3A_1509 = arith.mulf %abs3A_1505, %abs3A_1505 : vector<16xf32>
    %add3A_1510 = arith.addf %add3A_1472, %mul3A_1509 : vector<16xf32>
    %mul3A_1511 = arith.mulf %abs3A_1508, %abs3A_1508 : vector<16xf32>
    %add3A_1512 = arith.addf %add3A_1474, %mul3A_1511 : vector<16xf32>
    %mul3A_1513 = arith.mulf %abs3A_1505, %abs3A_1508 : vector<16xf32>
    %add3A_1514 = arith.addf %add3A_1476, %mul3A_1513 : vector<16xf32>
    %mul3A_1515 = arith.mulf %gather3A_1491, %gather3A_1491 : vector<16xf32>
    %add3A_1516 = arith.addf %add3A_1480, %mul3A_1515 : vector<16xf32>
    %mul3A_1517 = arith.mulf %gather3A_1492, %gather3A_1492 : vector<16xf32>
    %add3A_1518 = arith.addf %add3A_1516, %mul3A_1517 : vector<16xf32>
    %mul3A_1519 = arith.mulf %gather3A_1501, %gather3A_1501 : vector<16xf32>
    %add3A_1520 = arith.addf %add3A_1484, %mul3A_1519 : vector<16xf32>
    %mul3A_1521 = arith.mulf %gather3A_1502, %gather3A_1502 : vector<16xf32>
    %add3A_1522 = arith.addf %add3A_1520, %mul3A_1521 : vector<16xf32>
    %mul3A_1523 = arith.mulf %gather3A_1496, %gather3A_1496 : vector<16xf32>
    %add3A_1524 = arith.addf %add3A_1488, %mul3A_1523 : vector<16xf32>
    %mul3A_1525 = arith.mulf %gather3A_1500, %gather3A_1500 : vector<16xf32>
    %add3A_1526 = arith.addf %add3A_1524, %mul3A_1525 : vector<16xf32>
    %broadcast_in_dim3A_1527 = arith.constant 4 : i32
    %broadcast_in_dim3A_1528 = vector.broadcast %broadcast_in_dim3A_1527 : i32 to vector<16xi32>
    %gather3A_1529 = tpu.vector_load_idx %arg9[%add3A_1371, %broadcast_in_dim3A_1528] : memref<128x128xf32, #tpu.memory_space<vmem>>[vector<16xi32>, vector<16xi32>], vector<16xf32>,
    %gather3A_1530 = tpu.vector_load_idx %arg9[%add3A_1374, %broadcast_in_dim3A_1528] : memref<128x128xf32, #tpu.memory_space<vmem>>[vector<16xi32>, vector<16xi32>], vector<16xf32>,
    %add3A_1531 = arith.constant 64 : i32
    %add3A_1532 = vector.broadcast %add3A_1531 : i32 to vector<16xi32>
    %add3A_1533 = arith.addi %add3A_1532, %add3A_1371 : vector<16xi32>
    %gather3A_1534 = tpu.vector_load_idx %arg9[%add3A_1533, %broadcast_in_dim3A_1528] : memref<128x128xf32, #tpu.memory_space<vmem>>[vector<16xi32>, vector<16xi32>], vector<16xf32>,
    %add3A_1535 = arith.constant 64 : i32
    %add3A_1536 = vector.broadcast %add3A_1535 : i32 to vector<16xi32>
    %add3A_1537 = arith.addi %add3A_1536, %add3A_1374 : vector<16xi32>
    %gather3A_1538 = tpu.vector_load_idx %arg9[%add3A_1537, %broadcast_in_dim3A_1528] : memref<128x128xf32, #tpu.memory_space<vmem>>[vector<16xi32>, vector<16xi32>], vector<16xf32>,
    %gather3A_1539 = tpu.vector_load_idx %arg10[%add3A_1371, %broadcast_in_dim3A_1528] : memref<64x128xf32, #tpu.memory_space<vmem>>[vector<16xi32>, vector<16xi32>], vector<16xf32>,
    %gather3A_1540 = tpu.vector_load_idx %arg10[%add3A_1374, %broadcast_in_dim3A_1528] : memref<64x128xf32, #tpu.memory_space<vmem>>[vector<16xi32>, vector<16xi32>], vector<16xf32>,
    %add3A_1541 = arith.addf %gather3A_1529, %gather3A_1539 : vector<16xf32>
    %sub3A_1542 = arith.subf %add3A_1541, %gather3A_1534 : vector<16xf32>
    %abs3A_1543 = math.absf %sub3A_1542 : vector<16xf32>
    %add3A_1544 = arith.addf %gather3A_1530, %gather3A_1540 : vector<16xf32>
    %sub3A_1545 = arith.subf %add3A_1544, %gather3A_1538 : vector<16xf32>
    %abs3A_1546 = math.absf %sub3A_1545 : vector<16xf32>
    %mul3A_1547 = arith.mulf %abs3A_1543, %abs3A_1543 : vector<16xf32>
    %add3A_1548 = arith.addf %add3A_1510, %mul3A_1547 : vector<16xf32>
    %mul3A_1549 = arith.mulf %abs3A_1546, %abs3A_1546 : vector<16xf32>
    %add3A_1550 = arith.addf %add3A_1512, %mul3A_1549 : vector<16xf32>
    %mul3A_1551 = arith.mulf %abs3A_1543, %abs3A_1546 : vector<16xf32>
    %add3A_1552 = arith.addf %add3A_1514, %mul3A_1551 : vector<16xf32>
    %mul3A_1553 = arith.mulf %gather3A_1529, %gather3A_1529 : vector<16xf32>
    %add3A_1554 = arith.addf %add3A_1518, %mul3A_1553 : vector<16xf32>
    %mul3A_1555 = arith.mulf %gather3A_1530, %gather3A_1530 : vector<16xf32>
    %add3A_1556 = arith.addf %add3A_1554, %mul3A_1555 : vector<16xf32>
    %mul3A_1557 = arith.mulf %gather3A_1539, %gather3A_1539 : vector<16xf32>
    %add3A_1558 = arith.addf %add3A_1522, %mul3A_1557 : vector<16xf32>
    %mul3A_1559 = arith.mulf %gather3A_1540, %gather3A_1540 : vector<16xf32>
    %add3A_1560 = arith.addf %add3A_1558, %mul3A_1559 : vector<16xf32>
    %mul3A_1561 = arith.mulf %gather3A_1534, %gather3A_1534 : vector<16xf32>
    %add3A_1562 = arith.addf %add3A_1526, %mul3A_1561 : vector<16xf32>
    %mul3A_1563 = arith.mulf %gather3A_1538, %gather3A_1538 : vector<16xf32>
    %add3A_1564 = arith.addf %add3A_1562, %mul3A_1563 : vector<16xf32>
    %broadcast_in_dim3A_1565 = arith.constant 5 : i32
    %broadcast_in_dim3A_1566 = vector.broadcast %broadcast_in_dim3A_1565 : i32 to vector<16xi32>
    %gather3A_1567 = tpu.vector_load_idx %arg9[%add3A_1371, %broadcast_in_dim3A_1566] : memref<128x128xf32, #tpu.memory_space<vmem>>[vector<16xi32>, vector<16xi32>], vector<16xf32>,
    %gather3A_1568 = tpu.vector_load_idx %arg9[%add3A_1374, %broadcast_in_dim3A_1566] : memref<128x128xf32, #tpu.memory_space<vmem>>[vector<16xi32>, vector<16xi32>], vector<16xf32>,
    %add3A_1569 = arith.constant 64 : i32
    %add3A_1570 = vector.broadcast %add3A_1569 : i32 to vector<16xi32>
    %add3A_1571 = arith.addi %add3A_1570, %add3A_1371 : vector<16xi32>
    %gather3A_1572 = tpu.vector_load_idx %arg9[%add3A_1571, %broadcast_in_dim3A_1566] : memref<128x128xf32, #tpu.memory_space<vmem>>[vector<16xi32>, vector<16xi32>], vector<16xf32>,
    %add3A_1573 = arith.constant 64 : i32
    %add3A_1574 = vector.broadcast %add3A_1573 : i32 to vector<16xi32>
    %add3A_1575 = arith.addi %add3A_1574, %add3A_1374 : vector<16xi32>
    %gather3A_1576 = tpu.vector_load_idx %arg9[%add3A_1575, %broadcast_in_dim3A_1566] : memref<128x128xf32, #tpu.memory_space<vmem>>[vector<16xi32>, vector<16xi32>], vector<16xf32>,
    %gather3A_1577 = tpu.vector_load_idx %arg10[%add3A_1371, %broadcast_in_dim3A_1566] : memref<64x128xf32, #tpu.memory_space<vmem>>[vector<16xi32>, vector<16xi32>], vector<16xf32>,
    %gather3A_1578 = tpu.vector_load_idx %arg10[%add3A_1374, %broadcast_in_dim3A_1566] : memref<64x128xf32, #tpu.memory_space<vmem>>[vector<16xi32>, vector<16xi32>], vector<16xf32>,
    %add3A_1579 = arith.addf %gather3A_1567, %gather3A_1577 : vector<16xf32>
    %sub3A_1580 = arith.subf %add3A_1579, %gather3A_1572 : vector<16xf32>
    %abs3A_1581 = math.absf %sub3A_1580 : vector<16xf32>
    %add3A_1582 = arith.addf %gather3A_1568, %gather3A_1578 : vector<16xf32>
    %sub3A_1583 = arith.subf %add3A_1582, %gather3A_1576 : vector<16xf32>
    %abs3A_1584 = math.absf %sub3A_1583 : vector<16xf32>
    %mul3A_1585 = arith.mulf %abs3A_1581, %abs3A_1581 : vector<16xf32>
    %add3A_1586 = arith.addf %add3A_1548, %mul3A_1585 : vector<16xf32>
    %mul3A_1587 = arith.mulf %abs3A_1584, %abs3A_1584 : vector<16xf32>
    %add3A_1588 = arith.addf %add3A_1550, %mul3A_1587 : vector<16xf32>
    %mul3A_1589 = arith.mulf %abs3A_1581, %abs3A_1584 : vector<16xf32>
    %add3A_1590 = arith.addf %add3A_1552, %mul3A_1589 : vector<16xf32>
    %mul3A_1591 = arith.mulf %gather3A_1567, %gather3A_1567 : vector<16xf32>
    %add3A_1592 = arith.addf %add3A_1556, %mul3A_1591 : vector<16xf32>
    %mul3A_1593 = arith.mulf %gather3A_1568, %gather3A_1568 : vector<16xf32>
    %add3A_1594 = arith.addf %add3A_1592, %mul3A_1593 : vector<16xf32>
    %mul3A_1595 = arith.mulf %gather3A_1577, %gather3A_1577 : vector<16xf32>
    %add3A_1596 = arith.addf %add3A_1560, %mul3A_1595 : vector<16xf32>
    %mul3A_1597 = arith.mulf %gather3A_1578, %gather3A_1578 : vector<16xf32>
    %add3A_1598 = arith.addf %add3A_1596, %mul3A_1597 : vector<16xf32>
    %mul3A_1599 = arith.mulf %gather3A_1572, %gather3A_1572 : vector<16xf32>
    %add3A_1600 = arith.addf %add3A_1564, %mul3A_1599 : vector<16xf32>
    %mul3A_1601 = arith.mulf %gather3A_1576, %gather3A_1576 : vector<16xf32>
    %add3A_1602 = arith.addf %add3A_1600, %mul3A_1601 : vector<16xf32>
    %broadcast_in_dim3A_1603 = arith.constant 6 : i32
    %broadcast_in_dim3A_1604 = vector.broadcast %broadcast_in_dim3A_1603 : i32 to vector<16xi32>
    %gather3A_1605 = tpu.vector_load_idx %arg9[%add3A_1371, %broadcast_in_dim3A_1604] : memref<128x128xf32, #tpu.memory_space<vmem>>[vector<16xi32>, vector<16xi32>], vector<16xf32>,
    %gather3A_1606 = tpu.vector_load_idx %arg9[%add3A_1374, %broadcast_in_dim3A_1604] : memref<128x128xf32, #tpu.memory_space<vmem>>[vector<16xi32>, vector<16xi32>], vector<16xf32>,
    %add3A_1607 = arith.constant 64 : i32
    %add3A_1608 = vector.broadcast %add3A_1607 : i32 to vector<16xi32>
    %add3A_1609 = arith.addi %add3A_1608, %add3A_1371 : vector<16xi32>
    %gather3A_1610 = tpu.vector_load_idx %arg9[%add3A_1609, %broadcast_in_dim3A_1604] : memref<128x128xf32, #tpu.memory_space<vmem>>[vector<16xi32>, vector<16xi32>], vector<16xf32>,
    %add3A_1611 = arith.constant 64 : i32
    %add3A_1612 = vector.broadcast %add3A_1611 : i32 to vector<16xi32>
    %add3A_1613 = arith.addi %add3A_1612, %add3A_1374 : vector<16xi32>
    %gather3A_1614 = tpu.vector_load_idx %arg9[%add3A_1613, %broadcast_in_dim3A_1604] : memref<128x128xf32, #tpu.memory_space<vmem>>[vector<16xi32>, vector<16xi32>], vector<16xf32>,
    %gather3A_1615 = tpu.vector_load_idx %arg10[%add3A_1371, %broadcast_in_dim3A_1604] : memref<64x128xf32, #tpu.memory_space<vmem>>[vector<16xi32>, vector<16xi32>], vector<16xf32>,
    %gather3A_1616 = tpu.vector_load_idx %arg10[%add3A_1374, %broadcast_in_dim3A_1604] : memref<64x128xf32, #tpu.memory_space<vmem>>[vector<16xi32>, vector<16xi32>], vector<16xf32>,
    %add3A_1617 = arith.addf %gather3A_1605, %gather3A_1615 : vector<16xf32>
    %sub3A_1618 = arith.subf %add3A_1617, %gather3A_1610 : vector<16xf32>
    %abs3A_1619 = math.absf %sub3A_1618 : vector<16xf32>
    %add3A_1620 = arith.addf %gather3A_1606, %gather3A_1616 : vector<16xf32>
    %sub3A_1621 = arith.subf %add3A_1620, %gather3A_1614 : vector<16xf32>
    %abs3A_1622 = math.absf %sub3A_1621 : vector<16xf32>
    %mul3A_1623 = arith.mulf %abs3A_1619, %abs3A_1619 : vector<16xf32>
    %add3A_1624 = arith.addf %add3A_1586, %mul3A_1623 : vector<16xf32>
    %mul3A_1625 = arith.mulf %abs3A_1622, %abs3A_1622 : vector<16xf32>
    %add3A_1626 = arith.addf %add3A_1588, %mul3A_1625 : vector<16xf32>
    %mul3A_1627 = arith.mulf %abs3A_1619, %abs3A_1622 : vector<16xf32>
    %add3A_1628 = arith.addf %add3A_1590, %mul3A_1627 : vector<16xf32>
    %mul3A_1629 = arith.mulf %gather3A_1605, %gather3A_1605 : vector<16xf32>
    %add3A_1630 = arith.addf %add3A_1594, %mul3A_1629 : vector<16xf32>
    %mul3A_1631 = arith.mulf %gather3A_1606, %gather3A_1606 : vector<16xf32>
    %add3A_1632 = arith.addf %add3A_1630, %mul3A_1631 : vector<16xf32>
    %mul3A_1633 = arith.mulf %gather3A_1615, %gather3A_1615 : vector<16xf32>
    %add3A_1634 = arith.addf %add3A_1598, %mul3A_1633 : vector<16xf32>
    %mul3A_1635 = arith.mulf %gather3A_1616, %gather3A_1616 : vector<16xf32>
    %add3A_1636 = arith.addf %add3A_1634, %mul3A_1635 : vector<16xf32>
    %mul3A_1637 = arith.mulf %gather3A_1610, %gather3A_1610 : vector<16xf32>
    %add3A_1638 = arith.addf %add3A_1602, %mul3A_1637 : vector<16xf32>
    %mul3A_1639 = arith.mulf %gather3A_1614, %gather3A_1614 : vector<16xf32>
    %add3A_1640 = arith.addf %add3A_1638, %mul3A_1639 : vector<16xf32>
    %broadcast_in_dim3A_1641 = arith.constant 7 : i32
    %broadcast_in_dim3A_1642 = vector.broadcast %broadcast_in_dim3A_1641 : i32 to vector<16xi32>
    %gather3A_1643 = tpu.vector_load_idx %arg9[%add3A_1371, %broadcast_in_dim3A_1642] : memref<128x128xf32, #tpu.memory_space<vmem>>[vector<16xi32>, vector<16xi32>], vector<16xf32>,
    %gather3A_1644 = tpu.vector_load_idx %arg9[%add3A_1374, %broadcast_in_dim3A_1642] : memref<128x128xf32, #tpu.memory_space<vmem>>[vector<16xi32>, vector<16xi32>], vector<16xf32>,
    %add3A_1645 = arith.constant 64 : i32
    %add3A_1646 = vector.broadcast %add3A_1645 : i32 to vector<16xi32>
    %add3A_1647 = arith.addi %add3A_1646, %add3A_1371 : vector<16xi32>
    %gather3A_1648 = tpu.vector_load_idx %arg9[%add3A_1647, %broadcast_in_dim3A_1642] : memref<128x128xf32, #tpu.memory_space<vmem>>[vector<16xi32>, vector<16xi32>], vector<16xf32>,
    %add3A_1649 = arith.constant 64 : i32
    %add3A_1650 = vector.broadcast %add3A_1649 : i32 to vector<16xi32>
    %add3A_1651 = arith.addi %add3A_1650, %add3A_1374 : vector<16xi32>
    %gather3A_1652 = tpu.vector_load_idx %arg9[%add3A_1651, %broadcast_in_dim3A_1642] : memref<128x128xf32, #tpu.memory_space<vmem>>[vector<16xi32>, vector<16xi32>], vector<16xf32>,
    %gather3A_1653 = tpu.vector_load_idx %arg10[%add3A_1371, %broadcast_in_dim3A_1642] : memref<64x128xf32, #tpu.memory_space<vmem>>[vector<16xi32>, vector<16xi32>], vector<16xf32>,
    %gather3A_1654 = tpu.vector_load_idx %arg10[%add3A_1374, %broadcast_in_dim3A_1642] : memref<64x128xf32, #tpu.memory_space<vmem>>[vector<16xi32>, vector<16xi32>], vector<16xf32>,
    %add3A_1655 = arith.addf %gather3A_1643, %gather3A_1653 : vector<16xf32>
    %sub3A_1656 = arith.subf %add3A_1655, %gather3A_1648 : vector<16xf32>
    %abs3A_1657 = math.absf %sub3A_1656 : vector<16xf32>
    %add3A_1658 = arith.addf %gather3A_1644, %gather3A_1654 : vector<16xf32>
    %sub3A_1659 = arith.subf %add3A_1658, %gather3A_1652 : vector<16xf32>
    %abs3A_1660 = math.absf %sub3A_1659 : vector<16xf32>
    %mul3A_1661 = arith.mulf %abs3A_1657, %abs3A_1657 : vector<16xf32>
    %add3A_1662 = arith.addf %add3A_1624, %mul3A_1661 : vector<16xf32>
    %mul3A_1663 = arith.mulf %abs3A_1660, %abs3A_1660 : vector<16xf32>
    %add3A_1664 = arith.addf %add3A_1626, %mul3A_1663 : vector<16xf32>
    %mul3A_1665 = arith.mulf %abs3A_1657, %abs3A_1660 : vector<16xf32>
    %add3A_1666 = arith.addf %add3A_1628, %mul3A_1665 : vector<16xf32>
    %mul3A_1667 = arith.mulf %gather3A_1643, %gather3A_1643 : vector<16xf32>
    %add3A_1668 = arith.addf %add3A_1632, %mul3A_1667 : vector<16xf32>
    %mul3A_1669 = arith.mulf %gather3A_1644, %gather3A_1644 : vector<16xf32>
    %add3A_1670 = arith.addf %add3A_1668, %mul3A_1669 : vector<16xf32>
    %mul3A_1671 = arith.mulf %gather3A_1653, %gather3A_1653 : vector<16xf32>
    %add3A_1672 = arith.addf %add3A_1636, %mul3A_1671 : vector<16xf32>
    %mul3A_1673 = arith.mulf %gather3A_1654, %gather3A_1654 : vector<16xf32>
    %add3A_1674 = arith.addf %add3A_1672, %mul3A_1673 : vector<16xf32>
    %mul3A_1675 = arith.mulf %gather3A_1648, %gather3A_1648 : vector<16xf32>
    %add3A_1676 = arith.addf %add3A_1640, %mul3A_1675 : vector<16xf32>
    %mul3A_1677 = arith.mulf %gather3A_1652, %gather3A_1652 : vector<16xf32>
    %add3A_1678 = arith.addf %add3A_1676, %mul3A_1677 : vector<16xf32>
    %broadcast_in_dim3A_1679 = arith.constant 8 : i32
    %broadcast_in_dim3A_1680 = vector.broadcast %broadcast_in_dim3A_1679 : i32 to vector<16xi32>
    %gather3A_1681 = tpu.vector_load_idx %arg9[%add3A_1371, %broadcast_in_dim3A_1680] : memref<128x128xf32, #tpu.memory_space<vmem>>[vector<16xi32>, vector<16xi32>], vector<16xf32>,
    %gather3A_1682 = tpu.vector_load_idx %arg9[%add3A_1374, %broadcast_in_dim3A_1680] : memref<128x128xf32, #tpu.memory_space<vmem>>[vector<16xi32>, vector<16xi32>], vector<16xf32>,
    %add3A_1683 = arith.constant 64 : i32
    %add3A_1684 = vector.broadcast %add3A_1683 : i32 to vector<16xi32>
    %add3A_1685 = arith.addi %add3A_1684, %add3A_1371 : vector<16xi32>
    %gather3A_1686 = tpu.vector_load_idx %arg9[%add3A_1685, %broadcast_in_dim3A_1680] : memref<128x128xf32, #tpu.memory_space<vmem>>[vector<16xi32>, vector<16xi32>], vector<16xf32>,
    %add3A_1687 = arith.constant 64 : i32
    %add3A_1688 = vector.broadcast %add3A_1687 : i32 to vector<16xi32>
    %add3A_1689 = arith.addi %add3A_1688, %add3A_1374 : vector<16xi32>
    %gather3A_1690 = tpu.vector_load_idx %arg9[%add3A_1689, %broadcast_in_dim3A_1680] : memref<128x128xf32, #tpu.memory_space<vmem>>[vector<16xi32>, vector<16xi32>], vector<16xf32>,
    %gather3A_1691 = tpu.vector_load_idx %arg10[%add3A_1371, %broadcast_in_dim3A_1680] : memref<64x128xf32, #tpu.memory_space<vmem>>[vector<16xi32>, vector<16xi32>], vector<16xf32>,
    %gather3A_1692 = tpu.vector_load_idx %arg10[%add3A_1374, %broadcast_in_dim3A_1680] : memref<64x128xf32, #tpu.memory_space<vmem>>[vector<16xi32>, vector<16xi32>], vector<16xf32>,
    %add3A_1693 = arith.addf %gather3A_1681, %gather3A_1691 : vector<16xf32>
    %sub3A_1694 = arith.subf %add3A_1693, %gather3A_1686 : vector<16xf32>
    %abs3A_1695 = math.absf %sub3A_1694 : vector<16xf32>
    %add3A_1696 = arith.addf %gather3A_1682, %gather3A_1692 : vector<16xf32>
    %sub3A_1697 = arith.subf %add3A_1696, %gather3A_1690 : vector<16xf32>
    %abs3A_1698 = math.absf %sub3A_1697 : vector<16xf32>
    %mul3A_1699 = arith.mulf %abs3A_1695, %abs3A_1695 : vector<16xf32>
    %add3A_1700 = arith.addf %add3A_1662, %mul3A_1699 : vector<16xf32>
    %mul3A_1701 = arith.mulf %abs3A_1698, %abs3A_1698 : vector<16xf32>
    %add3A_1702 = arith.addf %add3A_1664, %mul3A_1701 : vector<16xf32>
    %mul3A_1703 = arith.mulf %abs3A_1695, %abs3A_1698 : vector<16xf32>
    %add3A_1704 = arith.addf %add3A_1666, %mul3A_1703 : vector<16xf32>
    %mul3A_1705 = arith.mulf %gather3A_1681, %gather3A_1681 : vector<16xf32>
    %add3A_1706 = arith.addf %add3A_1670, %mul3A_1705 : vector<16xf32>
    %mul3A_1707 = arith.mulf %gather3A_1682, %gather3A_1682 : vector<16xf32>
    %add3A_1708 = arith.addf %add3A_1706, %mul3A_1707 : vector<16xf32>
    %mul3A_1709 = arith.mulf %gather3A_1691, %gather3A_1691 : vector<16xf32>
    %add3A_1710 = arith.addf %add3A_1674, %mul3A_1709 : vector<16xf32>
    %mul3A_1711 = arith.mulf %gather3A_1692, %gather3A_1692 : vector<16xf32>
    %add3A_1712 = arith.addf %add3A_1710, %mul3A_1711 : vector<16xf32>
    %mul3A_1713 = arith.mulf %gather3A_1686, %gather3A_1686 : vector<16xf32>
    %add3A_1714 = arith.addf %add3A_1678, %mul3A_1713 : vector<16xf32>
    %mul3A_1715 = arith.mulf %gather3A_1690, %gather3A_1690 : vector<16xf32>
    %add3A_1716 = arith.addf %add3A_1714, %mul3A_1715 : vector<16xf32>
    %broadcast_in_dim3A_1717 = arith.constant 9 : i32
    %broadcast_in_dim3A_1718 = vector.broadcast %broadcast_in_dim3A_1717 : i32 to vector<16xi32>
    %gather3A_1719 = tpu.vector_load_idx %arg9[%add3A_1371, %broadcast_in_dim3A_1718] : memref<128x128xf32, #tpu.memory_space<vmem>>[vector<16xi32>, vector<16xi32>], vector<16xf32>,
    %gather3A_1720 = tpu.vector_load_idx %arg9[%add3A_1374, %broadcast_in_dim3A_1718] : memref<128x128xf32, #tpu.memory_space<vmem>>[vector<16xi32>, vector<16xi32>], vector<16xf32>,
    %add3A_1721 = arith.constant 64 : i32
    %add3A_1722 = vector.broadcast %add3A_1721 : i32 to vector<16xi32>
    %add3A_1723 = arith.addi %add3A_1722, %add3A_1371 : vector<16xi32>
    %gather3A_1724 = tpu.vector_load_idx %arg9[%add3A_1723, %broadcast_in_dim3A_1718] : memref<128x128xf32, #tpu.memory_space<vmem>>[vector<16xi32>, vector<16xi32>], vector<16xf32>,
    %add3A_1725 = arith.constant 64 : i32
    %add3A_1726 = vector.broadcast %add3A_1725 : i32 to vector<16xi32>
    %add3A_1727 = arith.addi %add3A_1726, %add3A_1374 : vector<16xi32>
    %gather3A_1728 = tpu.vector_load_idx %arg9[%add3A_1727, %broadcast_in_dim3A_1718] : memref<128x128xf32, #tpu.memory_space<vmem>>[vector<16xi32>, vector<16xi32>], vector<16xf32>,
    %gather3A_1729 = tpu.vector_load_idx %arg10[%add3A_1371, %broadcast_in_dim3A_1718] : memref<64x128xf32, #tpu.memory_space<vmem>>[vector<16xi32>, vector<16xi32>], vector<16xf32>,
    %gather3A_1730 = tpu.vector_load_idx %arg10[%add3A_1374, %broadcast_in_dim3A_1718] : memref<64x128xf32, #tpu.memory_space<vmem>>[vector<16xi32>, vector<16xi32>], vector<16xf32>,
    %add3A_1731 = arith.addf %gather3A_1719, %gather3A_1729 : vector<16xf32>
    %sub3A_1732 = arith.subf %add3A_1731, %gather3A_1724 : vector<16xf32>
    %abs3A_1733 = math.absf %sub3A_1732 : vector<16xf32>
    %add3A_1734 = arith.addf %gather3A_1720, %gather3A_1730 : vector<16xf32>
    %sub3A_1735 = arith.subf %add3A_1734, %gather3A_1728 : vector<16xf32>
    %abs3A_1736 = math.absf %sub3A_1735 : vector<16xf32>
    %mul3A_1737 = arith.mulf %abs3A_1733, %abs3A_1733 : vector<16xf32>
    %add3A_1738 = arith.addf %add3A_1700, %mul3A_1737 : vector<16xf32>
    %mul3A_1739 = arith.mulf %abs3A_1736, %abs3A_1736 : vector<16xf32>
    %add3A_1740 = arith.addf %add3A_1702, %mul3A_1739 : vector<16xf32>
    %mul3A_1741 = arith.mulf %abs3A_1733, %abs3A_1736 : vector<16xf32>
    %add3A_1742 = arith.addf %add3A_1704, %mul3A_1741 : vector<16xf32>
    %mul3A_1743 = arith.mulf %gather3A_1719, %gather3A_1719 : vector<16xf32>
    %add3A_1744 = arith.addf %add3A_1708, %mul3A_1743 : vector<16xf32>
    %mul3A_1745 = arith.mulf %gather3A_1720, %gather3A_1720 : vector<16xf32>
    %add3A_1746 = arith.addf %add3A_1744, %mul3A_1745 : vector<16xf32>
    %mul3A_1747 = arith.mulf %gather3A_1729, %gather3A_1729 : vector<16xf32>
    %add3A_1748 = arith.addf %add3A_1712, %mul3A_1747 : vector<16xf32>
    %mul3A_1749 = arith.mulf %gather3A_1730, %gather3A_1730 : vector<16xf32>
    %add3A_1750 = arith.addf %add3A_1748, %mul3A_1749 : vector<16xf32>
    %mul3A_1751 = arith.mulf %gather3A_1724, %gather3A_1724 : vector<16xf32>
    %add3A_1752 = arith.addf %add3A_1716, %mul3A_1751 : vector<16xf32>
    %mul3A_1753 = arith.mulf %gather3A_1728, %gather3A_1728 : vector<16xf32>
    %add3A_1754 = arith.addf %add3A_1752, %mul3A_1753 : vector<16xf32>
    %broadcast_in_dim3A_1755 = arith.constant 10 : i32
    %broadcast_in_dim3A_1756 = vector.broadcast %broadcast_in_dim3A_1755 : i32 to vector<16xi32>
    %gather3A_1757 = tpu.vector_load_idx %arg9[%add3A_1371, %broadcast_in_dim3A_1756] : memref<128x128xf32, #tpu.memory_space<vmem>>[vector<16xi32>, vector<16xi32>], vector<16xf32>,
    %gather3A_1758 = tpu.vector_load_idx %arg9[%add3A_1374, %broadcast_in_dim3A_1756] : memref<128x128xf32, #tpu.memory_space<vmem>>[vector<16xi32>, vector<16xi32>], vector<16xf32>,
    %add3A_1759 = arith.constant 64 : i32
    %add3A_1760 = vector.broadcast %add3A_1759 : i32 to vector<16xi32>
    %add3A_1761 = arith.addi %add3A_1760, %add3A_1371 : vector<16xi32>
    %gather3A_1762 = tpu.vector_load_idx %arg9[%add3A_1761, %broadcast_in_dim3A_1756] : memref<128x128xf32, #tpu.memory_space<vmem>>[vector<16xi32>, vector<16xi32>], vector<16xf32>,
    %add3A_1763 = arith.constant 64 : i32
    %add3A_1764 = vector.broadcast %add3A_1763 : i32 to vector<16xi32>
    %add3A_1765 = arith.addi %add3A_1764, %add3A_1374 : vector<16xi32>
    %gather3A_1766 = tpu.vector_load_idx %arg9[%add3A_1765, %broadcast_in_dim3A_1756] : memref<128x128xf32, #tpu.memory_space<vmem>>[vector<16xi32>, vector<16xi32>], vector<16xf32>,
    %gather3A_1767 = tpu.vector_load_idx %arg10[%add3A_1371, %broadcast_in_dim3A_1756] : memref<64x128xf32, #tpu.memory_space<vmem>>[vector<16xi32>, vector<16xi32>], vector<16xf32>,
    %gather3A_1768 = tpu.vector_load_idx %arg10[%add3A_1374, %broadcast_in_dim3A_1756] : memref<64x128xf32, #tpu.memory_space<vmem>>[vector<16xi32>, vector<16xi32>], vector<16xf32>,
    %add3A_1769 = arith.addf %gather3A_1757, %gather3A_1767 : vector<16xf32>
    %sub3A_1770 = arith.subf %add3A_1769, %gather3A_1762 : vector<16xf32>
    %abs3A_1771 = math.absf %sub3A_1770 : vector<16xf32>
    %add3A_1772 = arith.addf %gather3A_1758, %gather3A_1768 : vector<16xf32>
    %sub3A_1773 = arith.subf %add3A_1772, %gather3A_1766 : vector<16xf32>
    %abs3A_1774 = math.absf %sub3A_1773 : vector<16xf32>
    %mul3A_1775 = arith.mulf %abs3A_1771, %abs3A_1771 : vector<16xf32>
    %add3A_1776 = arith.addf %add3A_1738, %mul3A_1775 : vector<16xf32>
    %mul3A_1777 = arith.mulf %abs3A_1774, %abs3A_1774 : vector<16xf32>
    %add3A_1778 = arith.addf %add3A_1740, %mul3A_1777 : vector<16xf32>
    %mul3A_1779 = arith.mulf %abs3A_1771, %abs3A_1774 : vector<16xf32>
    %add3A_1780 = arith.addf %add3A_1742, %mul3A_1779 : vector<16xf32>
    %mul3A_1781 = arith.mulf %gather3A_1757, %gather3A_1757 : vector<16xf32>
    %add3A_1782 = arith.addf %add3A_1746, %mul3A_1781 : vector<16xf32>
    %mul3A_1783 = arith.mulf %gather3A_1758, %gather3A_1758 : vector<16xf32>
    %add3A_1784 = arith.addf %add3A_1782, %mul3A_1783 : vector<16xf32>
    %mul3A_1785 = arith.mulf %gather3A_1767, %gather3A_1767 : vector<16xf32>
    %add3A_1786 = arith.addf %add3A_1750, %mul3A_1785 : vector<16xf32>
    %mul3A_1787 = arith.mulf %gather3A_1768, %gather3A_1768 : vector<16xf32>
    %add3A_1788 = arith.addf %add3A_1786, %mul3A_1787 : vector<16xf32>
    %mul3A_1789 = arith.mulf %gather3A_1762, %gather3A_1762 : vector<16xf32>
    %add3A_1790 = arith.addf %add3A_1754, %mul3A_1789 : vector<16xf32>
    %mul3A_1791 = arith.mulf %gather3A_1766, %gather3A_1766 : vector<16xf32>
    %add3A_1792 = arith.addf %add3A_1790, %mul3A_1791 : vector<16xf32>
    %broadcast_in_dim3A_1793 = arith.constant 11 : i32
    %broadcast_in_dim3A_1794 = vector.broadcast %broadcast_in_dim3A_1793 : i32 to vector<16xi32>
    %gather3A_1795 = tpu.vector_load_idx %arg9[%add3A_1371, %broadcast_in_dim3A_1794] : memref<128x128xf32, #tpu.memory_space<vmem>>[vector<16xi32>, vector<16xi32>], vector<16xf32>,
    %gather3A_1796 = tpu.vector_load_idx %arg9[%add3A_1374, %broadcast_in_dim3A_1794] : memref<128x128xf32, #tpu.memory_space<vmem>>[vector<16xi32>, vector<16xi32>], vector<16xf32>,
    %add3A_1797 = arith.constant 64 : i32
    %add3A_1798 = vector.broadcast %add3A_1797 : i32 to vector<16xi32>
    %add3A_1799 = arith.addi %add3A_1798, %add3A_1371 : vector<16xi32>
    %gather3A_1800 = tpu.vector_load_idx %arg9[%add3A_1799, %broadcast_in_dim3A_1794] : memref<128x128xf32, #tpu.memory_space<vmem>>[vector<16xi32>, vector<16xi32>], vector<16xf32>,
    %add3A_1801 = arith.constant 64 : i32
    %add3A_1802 = vector.broadcast %add3A_1801 : i32 to vector<16xi32>
    %add3A_1803 = arith.addi %add3A_1802, %add3A_1374 : vector<16xi32>
    %gather3A_1804 = tpu.vector_load_idx %arg9[%add3A_1803, %broadcast_in_dim3A_1794] : memref<128x128xf32, #tpu.memory_space<vmem>>[vector<16xi32>, vector<16xi32>], vector<16xf32>,
    %gather3A_1805 = tpu.vector_load_idx %arg10[%add3A_1371, %broadcast_in_dim3A_1794] : memref<64x128xf32, #tpu.memory_space<vmem>>[vector<16xi32>, vector<16xi32>], vector<16xf32>,
    %gather3A_1806 = tpu.vector_load_idx %arg10[%add3A_1374, %broadcast_in_dim3A_1794] : memref<64x128xf32, #tpu.memory_space<vmem>>[vector<16xi32>, vector<16xi32>], vector<16xf32>,
    %add3A_1807 = arith.addf %gather3A_1795, %gather3A_1805 : vector<16xf32>
    %sub3A_1808 = arith.subf %add3A_1807, %gather3A_1800 : vector<16xf32>
    %abs3A_1809 = math.absf %sub3A_1808 : vector<16xf32>
    %add3A_1810 = arith.addf %gather3A_1796, %gather3A_1806 : vector<16xf32>
    %sub3A_1811 = arith.subf %add3A_1810, %gather3A_1804 : vector<16xf32>
    %abs3A_1812 = math.absf %sub3A_1811 : vector<16xf32>
    %mul3A_1813 = arith.mulf %abs3A_1809, %abs3A_1809 : vector<16xf32>
    %add3A_1814 = arith.addf %add3A_1776, %mul3A_1813 : vector<16xf32>
    %mul3A_1815 = arith.mulf %abs3A_1812, %abs3A_1812 : vector<16xf32>
    %add3A_1816 = arith.addf %add3A_1778, %mul3A_1815 : vector<16xf32>
    %mul3A_1817 = arith.mulf %abs3A_1809, %abs3A_1812 : vector<16xf32>
    %add3A_1818 = arith.addf %add3A_1780, %mul3A_1817 : vector<16xf32>
    %mul3A_1819 = arith.mulf %gather3A_1795, %gather3A_1795 : vector<16xf32>
    %add3A_1820 = arith.addf %add3A_1784, %mul3A_1819 : vector<16xf32>
    %mul3A_1821 = arith.mulf %gather3A_1796, %gather3A_1796 : vector<16xf32>
    %add3A_1822 = arith.addf %add3A_1820, %mul3A_1821 : vector<16xf32>
    %mul3A_1823 = arith.mulf %gather3A_1805, %gather3A_1805 : vector<16xf32>
    %add3A_1824 = arith.addf %add3A_1788, %mul3A_1823 : vector<16xf32>
    %mul3A_1825 = arith.mulf %gather3A_1806, %gather3A_1806 : vector<16xf32>
    %add3A_1826 = arith.addf %add3A_1824, %mul3A_1825 : vector<16xf32>
    %mul3A_1827 = arith.mulf %gather3A_1800, %gather3A_1800 : vector<16xf32>
    %add3A_1828 = arith.addf %add3A_1792, %mul3A_1827 : vector<16xf32>
    %mul3A_1829 = arith.mulf %gather3A_1804, %gather3A_1804 : vector<16xf32>
    %add3A_1830 = arith.addf %add3A_1828, %mul3A_1829 : vector<16xf32>
    %broadcast_in_dim3A_1831 = arith.constant 12 : i32
    %broadcast_in_dim3A_1832 = vector.broadcast %broadcast_in_dim3A_1831 : i32 to vector<16xi32>
    %gather3A_1833 = tpu.vector_load_idx %arg9[%add3A_1371, %broadcast_in_dim3A_1832] : memref<128x128xf32, #tpu.memory_space<vmem>>[vector<16xi32>, vector<16xi32>], vector<16xf32>,
    %gather3A_1834 = tpu.vector_load_idx %arg9[%add3A_1374, %broadcast_in_dim3A_1832] : memref<128x128xf32, #tpu.memory_space<vmem>>[vector<16xi32>, vector<16xi32>], vector<16xf32>,
    %add3A_1835 = arith.constant 64 : i32
    %add3A_1836 = vector.broadcast %add3A_1835 : i32 to vector<16xi32>
    %add3A_1837 = arith.addi %add3A_1836, %add3A_1371 : vector<16xi32>
    %gather3A_1838 = tpu.vector_load_idx %arg9[%add3A_1837, %broadcast_in_dim3A_1832] : memref<128x128xf32, #tpu.memory_space<vmem>>[vector<16xi32>, vector<16xi32>], vector<16xf32>,
    %add3A_1839 = arith.constant 64 : i32
    %add3A_1840 = vector.broadcast %add3A_1839 : i32 to vector<16xi32>
    %add3A_1841 = arith.addi %add3A_1840, %add3A_1374 : vector<16xi32>
    %gather3A_1842 = tpu.vector_load_idx %arg9[%add3A_1841, %broadcast_in_dim3A_1832] : memref<128x128xf32, #tpu.memory_space<vmem>>[vector<16xi32>, vector<16xi32>], vector<16xf32>,
    %gather3A_1843 = tpu.vector_load_idx %arg10[%add3A_1371, %broadcast_in_dim3A_1832] : memref<64x128xf32, #tpu.memory_space<vmem>>[vector<16xi32>, vector<16xi32>], vector<16xf32>,
    %gather3A_1844 = tpu.vector_load_idx %arg10[%add3A_1374, %broadcast_in_dim3A_1832] : memref<64x128xf32, #tpu.memory_space<vmem>>[vector<16xi32>, vector<16xi32>], vector<16xf32>,
    %add3A_1845 = arith.addf %gather3A_1833, %gather3A_1843 : vector<16xf32>
    %sub3A_1846 = arith.subf %add3A_1845, %gather3A_1838 : vector<16xf32>
    %abs3A_1847 = math.absf %sub3A_1846 : vector<16xf32>
    %add3A_1848 = arith.addf %gather3A_1834, %gather3A_1844 : vector<16xf32>
    %sub3A_1849 = arith.subf %add3A_1848, %gather3A_1842 : vector<16xf32>
    %abs3A_1850 = math.absf %sub3A_1849 : vector<16xf32>
    %mul3A_1851 = arith.mulf %abs3A_1847, %abs3A_1847 : vector<16xf32>
    %add3A_1852 = arith.addf %add3A_1814, %mul3A_1851 : vector<16xf32>
    %mul3A_1853 = arith.mulf %abs3A_1850, %abs3A_1850 : vector<16xf32>
    %add3A_1854 = arith.addf %add3A_1816, %mul3A_1853 : vector<16xf32>
    %mul3A_1855 = arith.mulf %abs3A_1847, %abs3A_1850 : vector<16xf32>
    %add3A_1856 = arith.addf %add3A_1818, %mul3A_1855 : vector<16xf32>
    %mul3A_1857 = arith.mulf %gather3A_1833, %gather3A_1833 : vector<16xf32>
    %add3A_1858 = arith.addf %add3A_1822, %mul3A_1857 : vector<16xf32>
    %mul3A_1859 = arith.mulf %gather3A_1834, %gather3A_1834 : vector<16xf32>
    %add3A_1860 = arith.addf %add3A_1858, %mul3A_1859 : vector<16xf32>
    %mul3A_1861 = arith.mulf %gather3A_1843, %gather3A_1843 : vector<16xf32>
    %add3A_1862 = arith.addf %add3A_1826, %mul3A_1861 : vector<16xf32>
    %mul3A_1863 = arith.mulf %gather3A_1844, %gather3A_1844 : vector<16xf32>
    %add3A_1864 = arith.addf %add3A_1862, %mul3A_1863 : vector<16xf32>
    %mul3A_1865 = arith.mulf %gather3A_1838, %gather3A_1838 : vector<16xf32>
    %add3A_1866 = arith.addf %add3A_1830, %mul3A_1865 : vector<16xf32>
    %mul3A_1867 = arith.mulf %gather3A_1842, %gather3A_1842 : vector<16xf32>
    %add3A_1868 = arith.addf %add3A_1866, %mul3A_1867 : vector<16xf32>
    %broadcast_in_dim3A_1869 = arith.constant 13 : i32
    %broadcast_in_dim3A_1870 = vector.broadcast %broadcast_in_dim3A_1869 : i32 to vector<16xi32>
    %gather3A_1871 = tpu.vector_load_idx %arg9[%add3A_1371, %broadcast_in_dim3A_1870] : memref<128x128xf32, #tpu.memory_space<vmem>>[vector<16xi32>, vector<16xi32>], vector<16xf32>,
    %gather3A_1872 = tpu.vector_load_idx %arg9[%add3A_1374, %broadcast_in_dim3A_1870] : memref<128x128xf32, #tpu.memory_space<vmem>>[vector<16xi32>, vector<16xi32>], vector<16xf32>,
    %add3A_1873 = arith.constant 64 : i32
    %add3A_1874 = vector.broadcast %add3A_1873 : i32 to vector<16xi32>
    %add3A_1875 = arith.addi %add3A_1874, %add3A_1371 : vector<16xi32>
    %gather3A_1876 = tpu.vector_load_idx %arg9[%add3A_1875, %broadcast_in_dim3A_1870] : memref<128x128xf32, #tpu.memory_space<vmem>>[vector<16xi32>, vector<16xi32>], vector<16xf32>,
    %add3A_1877 = arith.constant 64 : i32
    %add3A_1878 = vector.broadcast %add3A_1877 : i32 to vector<16xi32>
    %add3A_1879 = arith.addi %add3A_1878, %add3A_1374 : vector<16xi32>
    %gather3A_1880 = tpu.vector_load_idx %arg9[%add3A_1879, %broadcast_in_dim3A_1870] : memref<128x128xf32, #tpu.memory_space<vmem>>[vector<16xi32>, vector<16xi32>], vector<16xf32>,
    %gather3A_1881 = tpu.vector_load_idx %arg10[%add3A_1371, %broadcast_in_dim3A_1870] : memref<64x128xf32, #tpu.memory_space<vmem>>[vector<16xi32>, vector<16xi32>], vector<16xf32>,
    %gather3A_1882 = tpu.vector_load_idx %arg10[%add3A_1374, %broadcast_in_dim3A_1870] : memref<64x128xf32, #tpu.memory_space<vmem>>[vector<16xi32>, vector<16xi32>], vector<16xf32>,
    %add3A_1883 = arith.addf %gather3A_1871, %gather3A_1881 : vector<16xf32>
    %sub3A_1884 = arith.subf %add3A_1883, %gather3A_1876 : vector<16xf32>
    %abs3A_1885 = math.absf %sub3A_1884 : vector<16xf32>
    %add3A_1886 = arith.addf %gather3A_1872, %gather3A_1882 : vector<16xf32>
    %sub3A_1887 = arith.subf %add3A_1886, %gather3A_1880 : vector<16xf32>
    %abs3A_1888 = math.absf %sub3A_1887 : vector<16xf32>
    %mul3A_1889 = arith.mulf %abs3A_1885, %abs3A_1885 : vector<16xf32>
    %add3A_1890 = arith.addf %add3A_1852, %mul3A_1889 : vector<16xf32>
    %mul3A_1891 = arith.mulf %abs3A_1888, %abs3A_1888 : vector<16xf32>
    %add3A_1892 = arith.addf %add3A_1854, %mul3A_1891 : vector<16xf32>
    %mul3A_1893 = arith.mulf %abs3A_1885, %abs3A_1888 : vector<16xf32>
    %add3A_1894 = arith.addf %add3A_1856, %mul3A_1893 : vector<16xf32>
    %mul3A_1895 = arith.mulf %gather3A_1871, %gather3A_1871 : vector<16xf32>
    %add3A_1896 = arith.addf %add3A_1860, %mul3A_1895 : vector<16xf32>
    %mul3A_1897 = arith.mulf %gather3A_1872, %gather3A_1872 : vector<16xf32>
    %add3A_1898 = arith.addf %add3A_1896, %mul3A_1897 : vector<16xf32>
    %mul3A_1899 = arith.mulf %gather3A_1881, %gather3A_1881 : vector<16xf32>
    %add3A_1900 = arith.addf %add3A_1864, %mul3A_1899 : vector<16xf32>
    %mul3A_1901 = arith.mulf %gather3A_1882, %gather3A_1882 : vector<16xf32>
    %add3A_1902 = arith.addf %add3A_1900, %mul3A_1901 : vector<16xf32>
    %mul3A_1903 = arith.mulf %gather3A_1876, %gather3A_1876 : vector<16xf32>
    %add3A_1904 = arith.addf %add3A_1868, %mul3A_1903 : vector<16xf32>
    %mul3A_1905 = arith.mulf %gather3A_1880, %gather3A_1880 : vector<16xf32>
    %add3A_1906 = arith.addf %add3A_1904, %mul3A_1905 : vector<16xf32>
    %broadcast_in_dim3A_1907 = arith.constant 14 : i32
    %broadcast_in_dim3A_1908 = vector.broadcast %broadcast_in_dim3A_1907 : i32 to vector<16xi32>
    %gather3A_1909 = tpu.vector_load_idx %arg9[%add3A_1371, %broadcast_in_dim3A_1908] : memref<128x128xf32, #tpu.memory_space<vmem>>[vector<16xi32>, vector<16xi32>], vector<16xf32>,
    %gather3A_1910 = tpu.vector_load_idx %arg9[%add3A_1374, %broadcast_in_dim3A_1908] : memref<128x128xf32, #tpu.memory_space<vmem>>[vector<16xi32>, vector<16xi32>], vector<16xf32>,
    %add3A_1911 = arith.constant 64 : i32
    %add3A_1912 = vector.broadcast %add3A_1911 : i32 to vector<16xi32>
    %add3A_1913 = arith.addi %add3A_1912, %add3A_1371 : vector<16xi32>
    %gather3A_1914 = tpu.vector_load_idx %arg9[%add3A_1913, %broadcast_in_dim3A_1908] : memref<128x128xf32, #tpu.memory_space<vmem>>[vector<16xi32>, vector<16xi32>], vector<16xf32>,
    %add3A_1915 = arith.constant 64 : i32
    %add3A_1916 = vector.broadcast %add3A_1915 : i32 to vector<16xi32>
    %add3A_1917 = arith.addi %add3A_1916, %add3A_1374 : vector<16xi32>
    %gather3A_1918 = tpu.vector_load_idx %arg9[%add3A_1917, %broadcast_in_dim3A_1908] : memref<128x128xf32, #tpu.memory_space<vmem>>[vector<16xi32>, vector<16xi32>], vector<16xf32>,
    %gather3A_1919 = tpu.vector_load_idx %arg10[%add3A_1371, %broadcast_in_dim3A_1908] : memref<64x128xf32, #tpu.memory_space<vmem>>[vector<16xi32>, vector<16xi32>], vector<16xf32>,
    %gather3A_1920 = tpu.vector_load_idx %arg10[%add3A_1374, %broadcast_in_dim3A_1908] : memref<64x128xf32, #tpu.memory_space<vmem>>[vector<16xi32>, vector<16xi32>], vector<16xf32>,
    %add3A_1921 = arith.addf %gather3A_1909, %gather3A_1919 : vector<16xf32>
    %sub3A_1922 = arith.subf %add3A_1921, %gather3A_1914 : vector<16xf32>
    %abs3A_1923 = math.absf %sub3A_1922 : vector<16xf32>
    %add3A_1924 = arith.addf %gather3A_1910, %gather3A_1920 : vector<16xf32>
    %sub3A_1925 = arith.subf %add3A_1924, %gather3A_1918 : vector<16xf32>
    %abs3A_1926 = math.absf %sub3A_1925 : vector<16xf32>
    %mul3A_1927 = arith.mulf %abs3A_1923, %abs3A_1923 : vector<16xf32>
    %add3A_1928 = arith.addf %add3A_1890, %mul3A_1927 : vector<16xf32>
    %mul3A_1929 = arith.mulf %abs3A_1926, %abs3A_1926 : vector<16xf32>
    %add3A_1930 = arith.addf %add3A_1892, %mul3A_1929 : vector<16xf32>
    %mul3A_1931 = arith.mulf %abs3A_1923, %abs3A_1926 : vector<16xf32>
    %add3A_1932 = arith.addf %add3A_1894, %mul3A_1931 : vector<16xf32>
    %mul3A_1933 = arith.mulf %gather3A_1909, %gather3A_1909 : vector<16xf32>
    %add3A_1934 = arith.addf %add3A_1898, %mul3A_1933 : vector<16xf32>
    %mul3A_1935 = arith.mulf %gather3A_1910, %gather3A_1910 : vector<16xf32>
    %add3A_1936 = arith.addf %add3A_1934, %mul3A_1935 : vector<16xf32>
    %mul3A_1937 = arith.mulf %gather3A_1919, %gather3A_1919 : vector<16xf32>
    %add3A_1938 = arith.addf %add3A_1902, %mul3A_1937 : vector<16xf32>
    %mul3A_1939 = arith.mulf %gather3A_1920, %gather3A_1920 : vector<16xf32>
    %add3A_1940 = arith.addf %add3A_1938, %mul3A_1939 : vector<16xf32>
    %mul3A_1941 = arith.mulf %gather3A_1914, %gather3A_1914 : vector<16xf32>
    %add3A_1942 = arith.addf %add3A_1906, %mul3A_1941 : vector<16xf32>
    %mul3A_1943 = arith.mulf %gather3A_1918, %gather3A_1918 : vector<16xf32>
    %add3A_1944 = arith.addf %add3A_1942, %mul3A_1943 : vector<16xf32>
    %broadcast_in_dim3A_1945 = arith.constant 15 : i32
    %broadcast_in_dim3A_1946 = vector.broadcast %broadcast_in_dim3A_1945 : i32 to vector<16xi32>
    %gather3A_1947 = tpu.vector_load_idx %arg9[%add3A_1371, %broadcast_in_dim3A_1946] : memref<128x128xf32, #tpu.memory_space<vmem>>[vector<16xi32>, vector<16xi32>], vector<16xf32>,
    %gather3A_1948 = tpu.vector_load_idx %arg9[%add3A_1374, %broadcast_in_dim3A_1946] : memref<128x128xf32, #tpu.memory_space<vmem>>[vector<16xi32>, vector<16xi32>], vector<16xf32>,
    %add3A_1949 = arith.constant 64 : i32
    %add3A_1950 = vector.broadcast %add3A_1949 : i32 to vector<16xi32>
    %add3A_1951 = arith.addi %add3A_1950, %add3A_1371 : vector<16xi32>
    %gather3A_1952 = tpu.vector_load_idx %arg9[%add3A_1951, %broadcast_in_dim3A_1946] : memref<128x128xf32, #tpu.memory_space<vmem>>[vector<16xi32>, vector<16xi32>], vector<16xf32>,
    %add3A_1953 = arith.constant 64 : i32
    %add3A_1954 = vector.broadcast %add3A_1953 : i32 to vector<16xi32>
    %add3A_1955 = arith.addi %add3A_1954, %add3A_1374 : vector<16xi32>
    %gather3A_1956 = tpu.vector_load_idx %arg9[%add3A_1955, %broadcast_in_dim3A_1946] : memref<128x128xf32, #tpu.memory_space<vmem>>[vector<16xi32>, vector<16xi32>], vector<16xf32>,
    %gather3A_1957 = tpu.vector_load_idx %arg10[%add3A_1371, %broadcast_in_dim3A_1946] : memref<64x128xf32, #tpu.memory_space<vmem>>[vector<16xi32>, vector<16xi32>], vector<16xf32>,
    %gather3A_1958 = tpu.vector_load_idx %arg10[%add3A_1374, %broadcast_in_dim3A_1946] : memref<64x128xf32, #tpu.memory_space<vmem>>[vector<16xi32>, vector<16xi32>], vector<16xf32>,
    %add3A_1959 = arith.addf %gather3A_1947, %gather3A_1957 : vector<16xf32>
    %sub3A_1960 = arith.subf %add3A_1959, %gather3A_1952 : vector<16xf32>
    %abs3A_1961 = math.absf %sub3A_1960 : vector<16xf32>
    %add3A_1962 = arith.addf %gather3A_1948, %gather3A_1958 : vector<16xf32>
    %sub3A_1963 = arith.subf %add3A_1962, %gather3A_1956 : vector<16xf32>
    %abs3A_1964 = math.absf %sub3A_1963 : vector<16xf32>
    %mul3A_1965 = arith.mulf %abs3A_1961, %abs3A_1961 : vector<16xf32>
    %add3A_1966 = arith.addf %add3A_1928, %mul3A_1965 : vector<16xf32>
    %mul3A_1967 = arith.mulf %abs3A_1964, %abs3A_1964 : vector<16xf32>
    %add3A_1968 = arith.addf %add3A_1930, %mul3A_1967 : vector<16xf32>
    %mul3A_1969 = arith.mulf %abs3A_1961, %abs3A_1964 : vector<16xf32>
    %add3A_1970 = arith.addf %add3A_1932, %mul3A_1969 : vector<16xf32>
    %mul3A_1971 = arith.mulf %gather3A_1947, %gather3A_1947 : vector<16xf32>
    %add3A_1972 = arith.addf %add3A_1936, %mul3A_1971 : vector<16xf32>
    %mul3A_1973 = arith.mulf %gather3A_1948, %gather3A_1948 : vector<16xf32>
    %add3A_1974 = arith.addf %add3A_1972, %mul3A_1973 : vector<16xf32>
    %mul3A_1975 = arith.mulf %gather3A_1957, %gather3A_1957 : vector<16xf32>
    %add3A_1976 = arith.addf %add3A_1940, %mul3A_1975 : vector<16xf32>
    %mul3A_1977 = arith.mulf %gather3A_1958, %gather3A_1958 : vector<16xf32>
    %add3A_1978 = arith.addf %add3A_1976, %mul3A_1977 : vector<16xf32>
    %mul3A_1979 = arith.mulf %gather3A_1952, %gather3A_1952 : vector<16xf32>
    %add3A_1980 = arith.addf %add3A_1944, %mul3A_1979 : vector<16xf32>
    %mul3A_1981 = arith.mulf %gather3A_1956, %gather3A_1956 : vector<16xf32>
    %add3A_1982 = arith.addf %add3A_1980, %mul3A_1981 : vector<16xf32>
    %broadcast_in_dim3A_1983 = arith.constant 16 : i32
    %broadcast_in_dim3A_1984 = vector.broadcast %broadcast_in_dim3A_1983 : i32 to vector<16xi32>
    %gather3A_1985 = tpu.vector_load_idx %arg9[%add3A_1371, %broadcast_in_dim3A_1984] : memref<128x128xf32, #tpu.memory_space<vmem>>[vector<16xi32>, vector<16xi32>], vector<16xf32>,
    %gather3A_1986 = tpu.vector_load_idx %arg9[%add3A_1374, %broadcast_in_dim3A_1984] : memref<128x128xf32, #tpu.memory_space<vmem>>[vector<16xi32>, vector<16xi32>], vector<16xf32>,
    %add3A_1987 = arith.constant 64 : i32
    %add3A_1988 = vector.broadcast %add3A_1987 : i32 to vector<16xi32>
    %add3A_1989 = arith.addi %add3A_1988, %add3A_1371 : vector<16xi32>
    %gather3A_1990 = tpu.vector_load_idx %arg9[%add3A_1989, %broadcast_in_dim3A_1984] : memref<128x128xf32, #tpu.memory_space<vmem>>[vector<16xi32>, vector<16xi32>], vector<16xf32>,
    %add3A_1991 = arith.constant 64 : i32
    %add3A_1992 = vector.broadcast %add3A_1991 : i32 to vector<16xi32>
    %add3A_1993 = arith.addi %add3A_1992, %add3A_1374 : vector<16xi32>
    %gather3A_1994 = tpu.vector_load_idx %arg9[%add3A_1993, %broadcast_in_dim3A_1984] : memref<128x128xf32, #tpu.memory_space<vmem>>[vector<16xi32>, vector<16xi32>], vector<16xf32>,
    %gather3A_1995 = tpu.vector_load_idx %arg10[%add3A_1371, %broadcast_in_dim3A_1984] : memref<64x128xf32, #tpu.memory_space<vmem>>[vector<16xi32>, vector<16xi32>], vector<16xf32>,
    %gather3A_1996 = tpu.vector_load_idx %arg10[%add3A_1374, %broadcast_in_dim3A_1984] : memref<64x128xf32, #tpu.memory_space<vmem>>[vector<16xi32>, vector<16xi32>], vector<16xf32>,
    %add3A_1997 = arith.addf %gather3A_1985, %gather3A_1995 : vector<16xf32>
    %sub3A_1998 = arith.subf %add3A_1997, %gather3A_1990 : vector<16xf32>
    %abs3A_1999 = math.absf %sub3A_1998 : vector<16xf32>
    %add3A_2000 = arith.addf %gather3A_1986, %gather3A_1996 : vector<16xf32>
    %sub3A_2001 = arith.subf %add3A_2000, %gather3A_1994 : vector<16xf32>
    %abs3A_2002 = math.absf %sub3A_2001 : vector<16xf32>
    %mul3A_2003 = arith.mulf %abs3A_1999, %abs3A_1999 : vector<16xf32>
    %add3A_2004 = arith.addf %add3A_1966, %mul3A_2003 : vector<16xf32>
    %mul3A_2005 = arith.mulf %abs3A_2002, %abs3A_2002 : vector<16xf32>
    %add3A_2006 = arith.addf %add3A_1968, %mul3A_2005 : vector<16xf32>
    %mul3A_2007 = arith.mulf %abs3A_1999, %abs3A_2002 : vector<16xf32>
    %add3A_2008 = arith.addf %add3A_1970, %mul3A_2007 : vector<16xf32>
    %mul3A_2009 = arith.mulf %gather3A_1985, %gather3A_1985 : vector<16xf32>
    %add3A_2010 = arith.addf %add3A_1974, %mul3A_2009 : vector<16xf32>
    %mul3A_2011 = arith.mulf %gather3A_1986, %gather3A_1986 : vector<16xf32>
    %add3A_2012 = arith.addf %add3A_2010, %mul3A_2011 : vector<16xf32>
    %mul3A_2013 = arith.mulf %gather3A_1995, %gather3A_1995 : vector<16xf32>
    %add3A_2014 = arith.addf %add3A_1978, %mul3A_2013 : vector<16xf32>
    %mul3A_2015 = arith.mulf %gather3A_1996, %gather3A_1996 : vector<16xf32>
    %add3A_2016 = arith.addf %add3A_2014, %mul3A_2015 : vector<16xf32>
    %mul3A_2017 = arith.mulf %gather3A_1990, %gather3A_1990 : vector<16xf32>
    %add3A_2018 = arith.addf %add3A_1982, %mul3A_2017 : vector<16xf32>
    %mul3A_2019 = arith.mulf %gather3A_1994, %gather3A_1994 : vector<16xf32>
    %add3A_2020 = arith.addf %add3A_2018, %mul3A_2019 : vector<16xf32>
    %broadcast_in_dim3A_2021 = arith.constant 17 : i32
    %broadcast_in_dim3A_2022 = vector.broadcast %broadcast_in_dim3A_2021 : i32 to vector<16xi32>
    %gather3A_2023 = tpu.vector_load_idx %arg9[%add3A_1371, %broadcast_in_dim3A_2022] : memref<128x128xf32, #tpu.memory_space<vmem>>[vector<16xi32>, vector<16xi32>], vector<16xf32>,
    %gather3A_2024 = tpu.vector_load_idx %arg9[%add3A_1374, %broadcast_in_dim3A_2022] : memref<128x128xf32, #tpu.memory_space<vmem>>[vector<16xi32>, vector<16xi32>], vector<16xf32>,
    %add3A_2025 = arith.constant 64 : i32
    %add3A_2026 = vector.broadcast %add3A_2025 : i32 to vector<16xi32>
    %add3A_2027 = arith.addi %add3A_2026, %add3A_1371 : vector<16xi32>
    %gather3A_2028 = tpu.vector_load_idx %arg9[%add3A_2027, %broadcast_in_dim3A_2022] : memref<128x128xf32, #tpu.memory_space<vmem>>[vector<16xi32>, vector<16xi32>], vector<16xf32>,
    %add3A_2029 = arith.constant 64 : i32
    %add3A_2030 = vector.broadcast %add3A_2029 : i32 to vector<16xi32>
    %add3A_2031 = arith.addi %add3A_2030, %add3A_1374 : vector<16xi32>
    %gather3A_2032 = tpu.vector_load_idx %arg9[%add3A_2031, %broadcast_in_dim3A_2022] : memref<128x128xf32, #tpu.memory_space<vmem>>[vector<16xi32>, vector<16xi32>], vector<16xf32>,
    %gather3A_2033 = tpu.vector_load_idx %arg10[%add3A_1371, %broadcast_in_dim3A_2022] : memref<64x128xf32, #tpu.memory_space<vmem>>[vector<16xi32>, vector<16xi32>], vector<16xf32>,
    %gather3A_2034 = tpu.vector_load_idx %arg10[%add3A_1374, %broadcast_in_dim3A_2022] : memref<64x128xf32, #tpu.memory_space<vmem>>[vector<16xi32>, vector<16xi32>], vector<16xf32>,
    %add3A_2035 = arith.addf %gather3A_2023, %gather3A_2033 : vector<16xf32>
    %sub3A_2036 = arith.subf %add3A_2035, %gather3A_2028 : vector<16xf32>
    %abs3A_2037 = math.absf %sub3A_2036 : vector<16xf32>
    %add3A_2038 = arith.addf %gather3A_2024, %gather3A_2034 : vector<16xf32>
    %sub3A_2039 = arith.subf %add3A_2038, %gather3A_2032 : vector<16xf32>
    %abs3A_2040 = math.absf %sub3A_2039 : vector<16xf32>
    %mul3A_2041 = arith.mulf %abs3A_2037, %abs3A_2037 : vector<16xf32>
    %add3A_2042 = arith.addf %add3A_2004, %mul3A_2041 : vector<16xf32>
    %mul3A_2043 = arith.mulf %abs3A_2040, %abs3A_2040 : vector<16xf32>
    %add3A_2044 = arith.addf %add3A_2006, %mul3A_2043 : vector<16xf32>
    %mul3A_2045 = arith.mulf %abs3A_2037, %abs3A_2040 : vector<16xf32>
    %add3A_2046 = arith.addf %add3A_2008, %mul3A_2045 : vector<16xf32>
    %mul3A_2047 = arith.mulf %gather3A_2023, %gather3A_2023 : vector<16xf32>
    %add3A_2048 = arith.addf %add3A_2012, %mul3A_2047 : vector<16xf32>
    %mul3A_2049 = arith.mulf %gather3A_2024, %gather3A_2024 : vector<16xf32>
    %add3A_2050 = arith.addf %add3A_2048, %mul3A_2049 : vector<16xf32>
    %mul3A_2051 = arith.mulf %gather3A_2033, %gather3A_2033 : vector<16xf32>
    %add3A_2052 = arith.addf %add3A_2016, %mul3A_2051 : vector<16xf32>
    %mul3A_2053 = arith.mulf %gather3A_2034, %gather3A_2034 : vector<16xf32>
    %add3A_2054 = arith.addf %add3A_2052, %mul3A_2053 : vector<16xf32>
    %mul3A_2055 = arith.mulf %gather3A_2028, %gather3A_2028 : vector<16xf32>
    %add3A_2056 = arith.addf %add3A_2020, %mul3A_2055 : vector<16xf32>
    %mul3A_2057 = arith.mulf %gather3A_2032, %gather3A_2032 : vector<16xf32>
    %add3A_2058 = arith.addf %add3A_2056, %mul3A_2057 : vector<16xf32>
    %broadcast_in_dim3A_2059 = arith.constant 18 : i32
    %broadcast_in_dim3A_2060 = vector.broadcast %broadcast_in_dim3A_2059 : i32 to vector<16xi32>
    %gather3A_2061 = tpu.vector_load_idx %arg9[%add3A_1371, %broadcast_in_dim3A_2060] : memref<128x128xf32, #tpu.memory_space<vmem>>[vector<16xi32>, vector<16xi32>], vector<16xf32>,
    %gather3A_2062 = tpu.vector_load_idx %arg9[%add3A_1374, %broadcast_in_dim3A_2060] : memref<128x128xf32, #tpu.memory_space<vmem>>[vector<16xi32>, vector<16xi32>], vector<16xf32>,
    %add3A_2063 = arith.constant 64 : i32
    %add3A_2064 = vector.broadcast %add3A_2063 : i32 to vector<16xi32>
    %add3A_2065 = arith.addi %add3A_2064, %add3A_1371 : vector<16xi32>
    %gather3A_2066 = tpu.vector_load_idx %arg9[%add3A_2065, %broadcast_in_dim3A_2060] : memref<128x128xf32, #tpu.memory_space<vmem>>[vector<16xi32>, vector<16xi32>], vector<16xf32>,
    %add3A_2067 = arith.constant 64 : i32
    %add3A_2068 = vector.broadcast %add3A_2067 : i32 to vector<16xi32>
    %add3A_2069 = arith.addi %add3A_2068, %add3A_1374 : vector<16xi32>
    %gather3A_2070 = tpu.vector_load_idx %arg9[%add3A_2069, %broadcast_in_dim3A_2060] : memref<128x128xf32, #tpu.memory_space<vmem>>[vector<16xi32>, vector<16xi32>], vector<16xf32>,
    %gather3A_2071 = tpu.vector_load_idx %arg10[%add3A_1371, %broadcast_in_dim3A_2060] : memref<64x128xf32, #tpu.memory_space<vmem>>[vector<16xi32>, vector<16xi32>], vector<16xf32>,
    %gather3A_2072 = tpu.vector_load_idx %arg10[%add3A_1374, %broadcast_in_dim3A_2060] : memref<64x128xf32, #tpu.memory_space<vmem>>[vector<16xi32>, vector<16xi32>], vector<16xf32>,
    %add3A_2073 = arith.addf %gather3A_2061, %gather3A_2071 : vector<16xf32>
    %sub3A_2074 = arith.subf %add3A_2073, %gather3A_2066 : vector<16xf32>
    %abs3A_2075 = math.absf %sub3A_2074 : vector<16xf32>
    %add3A_2076 = arith.addf %gather3A_2062, %gather3A_2072 : vector<16xf32>
    %sub3A_2077 = arith.subf %add3A_2076, %gather3A_2070 : vector<16xf32>
    %abs3A_2078 = math.absf %sub3A_2077 : vector<16xf32>
    %mul3A_2079 = arith.mulf %abs3A_2075, %abs3A_2075 : vector<16xf32>
    %add3A_2080 = arith.addf %add3A_2042, %mul3A_2079 : vector<16xf32>
    %mul3A_2081 = arith.mulf %abs3A_2078, %abs3A_2078 : vector<16xf32>
    %add3A_2082 = arith.addf %add3A_2044, %mul3A_2081 : vector<16xf32>
    %mul3A_2083 = arith.mulf %abs3A_2075, %abs3A_2078 : vector<16xf32>
    %add3A_2084 = arith.addf %add3A_2046, %mul3A_2083 : vector<16xf32>
    %mul3A_2085 = arith.mulf %gather3A_2061, %gather3A_2061 : vector<16xf32>
    %add3A_2086 = arith.addf %add3A_2050, %mul3A_2085 : vector<16xf32>
    %mul3A_2087 = arith.mulf %gather3A_2062, %gather3A_2062 : vector<16xf32>
    %add3A_2088 = arith.addf %add3A_2086, %mul3A_2087 : vector<16xf32>
    %mul3A_2089 = arith.mulf %gather3A_2071, %gather3A_2071 : vector<16xf32>
    %add3A_2090 = arith.addf %add3A_2054, %mul3A_2089 : vector<16xf32>
    %mul3A_2091 = arith.mulf %gather3A_2072, %gather3A_2072 : vector<16xf32>
    %add3A_2092 = arith.addf %add3A_2090, %mul3A_2091 : vector<16xf32>
    %mul3A_2093 = arith.mulf %gather3A_2066, %gather3A_2066 : vector<16xf32>
    %add3A_2094 = arith.addf %add3A_2058, %mul3A_2093 : vector<16xf32>
    %mul3A_2095 = arith.mulf %gather3A_2070, %gather3A_2070 : vector<16xf32>
    %add3A_2096 = arith.addf %add3A_2094, %mul3A_2095 : vector<16xf32>
    %broadcast_in_dim3A_2097 = arith.constant 19 : i32
    %broadcast_in_dim3A_2098 = vector.broadcast %broadcast_in_dim3A_2097 : i32 to vector<16xi32>
    %gather3A_2099 = tpu.vector_load_idx %arg9[%add3A_1371, %broadcast_in_dim3A_2098] : memref<128x128xf32, #tpu.memory_space<vmem>>[vector<16xi32>, vector<16xi32>], vector<16xf32>,
    %gather3A_2100 = tpu.vector_load_idx %arg9[%add3A_1374, %broadcast_in_dim3A_2098] : memref<128x128xf32, #tpu.memory_space<vmem>>[vector<16xi32>, vector<16xi32>], vector<16xf32>,
    %add3A_2101 = arith.constant 64 : i32
    %add3A_2102 = vector.broadcast %add3A_2101 : i32 to vector<16xi32>
    %add3A_2103 = arith.addi %add3A_2102, %add3A_1371 : vector<16xi32>
    %gather3A_2104 = tpu.vector_load_idx %arg9[%add3A_2103, %broadcast_in_dim3A_2098] : memref<128x128xf32, #tpu.memory_space<vmem>>[vector<16xi32>, vector<16xi32>], vector<16xf32>,
    %add3A_2105 = arith.constant 64 : i32
    %add3A_2106 = vector.broadcast %add3A_2105 : i32 to vector<16xi32>
    %add3A_2107 = arith.addi %add3A_2106, %add3A_1374 : vector<16xi32>
    %gather3A_2108 = tpu.vector_load_idx %arg9[%add3A_2107, %broadcast_in_dim3A_2098] : memref<128x128xf32, #tpu.memory_space<vmem>>[vector<16xi32>, vector<16xi32>], vector<16xf32>,
    %gather3A_2109 = tpu.vector_load_idx %arg10[%add3A_1371, %broadcast_in_dim3A_2098] : memref<64x128xf32, #tpu.memory_space<vmem>>[vector<16xi32>, vector<16xi32>], vector<16xf32>,
    %gather3A_2110 = tpu.vector_load_idx %arg10[%add3A_1374, %broadcast_in_dim3A_2098] : memref<64x128xf32, #tpu.memory_space<vmem>>[vector<16xi32>, vector<16xi32>], vector<16xf32>,
    %add3A_2111 = arith.addf %gather3A_2099, %gather3A_2109 : vector<16xf32>
    %sub3A_2112 = arith.subf %add3A_2111, %gather3A_2104 : vector<16xf32>
    %abs3A_2113 = math.absf %sub3A_2112 : vector<16xf32>
    %add3A_2114 = arith.addf %gather3A_2100, %gather3A_2110 : vector<16xf32>
    %sub3A_2115 = arith.subf %add3A_2114, %gather3A_2108 : vector<16xf32>
    %abs3A_2116 = math.absf %sub3A_2115 : vector<16xf32>
    %mul3A_2117 = arith.mulf %abs3A_2113, %abs3A_2113 : vector<16xf32>
    %add3A_2118 = arith.addf %add3A_2080, %mul3A_2117 : vector<16xf32>
    %mul3A_2119 = arith.mulf %abs3A_2116, %abs3A_2116 : vector<16xf32>
    %add3A_2120 = arith.addf %add3A_2082, %mul3A_2119 : vector<16xf32>
    %mul3A_2121 = arith.mulf %abs3A_2113, %abs3A_2116 : vector<16xf32>
    %add3A_2122 = arith.addf %add3A_2084, %mul3A_2121 : vector<16xf32>
    %mul3A_2123 = arith.mulf %gather3A_2099, %gather3A_2099 : vector<16xf32>
    %add3A_2124 = arith.addf %add3A_2088, %mul3A_2123 : vector<16xf32>
    %mul3A_2125 = arith.mulf %gather3A_2100, %gather3A_2100 : vector<16xf32>
    %add3A_2126 = arith.addf %add3A_2124, %mul3A_2125 : vector<16xf32>
    %mul3A_2127 = arith.mulf %gather3A_2109, %gather3A_2109 : vector<16xf32>
    %add3A_2128 = arith.addf %add3A_2092, %mul3A_2127 : vector<16xf32>
    %mul3A_2129 = arith.mulf %gather3A_2110, %gather3A_2110 : vector<16xf32>
    %add3A_2130 = arith.addf %add3A_2128, %mul3A_2129 : vector<16xf32>
    %mul3A_2131 = arith.mulf %gather3A_2104, %gather3A_2104 : vector<16xf32>
    %add3A_2132 = arith.addf %add3A_2096, %mul3A_2131 : vector<16xf32>
    %mul3A_2133 = arith.mulf %gather3A_2108, %gather3A_2108 : vector<16xf32>
    %add3A_2134 = arith.addf %add3A_2132, %mul3A_2133 : vector<16xf32>
    %broadcast_in_dim3A_2135 = arith.constant 20 : i32
    %broadcast_in_dim3A_2136 = vector.broadcast %broadcast_in_dim3A_2135 : i32 to vector<16xi32>
    %gather3A_2137 = tpu.vector_load_idx %arg9[%add3A_1371, %broadcast_in_dim3A_2136] : memref<128x128xf32, #tpu.memory_space<vmem>>[vector<16xi32>, vector<16xi32>], vector<16xf32>,
    %gather3A_2138 = tpu.vector_load_idx %arg9[%add3A_1374, %broadcast_in_dim3A_2136] : memref<128x128xf32, #tpu.memory_space<vmem>>[vector<16xi32>, vector<16xi32>], vector<16xf32>,
    %add3A_2139 = arith.constant 64 : i32
    %add3A_2140 = vector.broadcast %add3A_2139 : i32 to vector<16xi32>
    %add3A_2141 = arith.addi %add3A_2140, %add3A_1371 : vector<16xi32>
    %gather3A_2142 = tpu.vector_load_idx %arg9[%add3A_2141, %broadcast_in_dim3A_2136] : memref<128x128xf32, #tpu.memory_space<vmem>>[vector<16xi32>, vector<16xi32>], vector<16xf32>,
    %add3A_2143 = arith.constant 64 : i32
    %add3A_2144 = vector.broadcast %add3A_2143 : i32 to vector<16xi32>
    %add3A_2145 = arith.addi %add3A_2144, %add3A_1374 : vector<16xi32>
    %gather3A_2146 = tpu.vector_load_idx %arg9[%add3A_2145, %broadcast_in_dim3A_2136] : memref<128x128xf32, #tpu.memory_space<vmem>>[vector<16xi32>, vector<16xi32>], vector<16xf32>,
    %gather3A_2147 = tpu.vector_load_idx %arg10[%add3A_1371, %broadcast_in_dim3A_2136] : memref<64x128xf32, #tpu.memory_space<vmem>>[vector<16xi32>, vector<16xi32>], vector<16xf32>,
    %gather3A_2148 = tpu.vector_load_idx %arg10[%add3A_1374, %broadcast_in_dim3A_2136] : memref<64x128xf32, #tpu.memory_space<vmem>>[vector<16xi32>, vector<16xi32>], vector<16xf32>,
    %add3A_2149 = arith.addf %gather3A_2137, %gather3A_2147 : vector<16xf32>
    %sub3A_2150 = arith.subf %add3A_2149, %gather3A_2142 : vector<16xf32>
    %abs3A_2151 = math.absf %sub3A_2150 : vector<16xf32>
    %add3A_2152 = arith.addf %gather3A_2138, %gather3A_2148 : vector<16xf32>
    %sub3A_2153 = arith.subf %add3A_2152, %gather3A_2146 : vector<16xf32>
    %abs3A_2154 = math.absf %sub3A_2153 : vector<16xf32>
    %mul3A_2155 = arith.mulf %abs3A_2151, %abs3A_2151 : vector<16xf32>
    %add3A_2156 = arith.addf %add3A_2118, %mul3A_2155 : vector<16xf32>
    %mul3A_2157 = arith.mulf %abs3A_2154, %abs3A_2154 : vector<16xf32>
    %add3A_2158 = arith.addf %add3A_2120, %mul3A_2157 : vector<16xf32>
    %mul3A_2159 = arith.mulf %abs3A_2151, %abs3A_2154 : vector<16xf32>
    %add3A_2160 = arith.addf %add3A_2122, %mul3A_2159 : vector<16xf32>
    %mul3A_2161 = arith.mulf %gather3A_2137, %gather3A_2137 : vector<16xf32>
    %add3A_2162 = arith.addf %add3A_2126, %mul3A_2161 : vector<16xf32>
    %mul3A_2163 = arith.mulf %gather3A_2138, %gather3A_2138 : vector<16xf32>
    %add3A_2164 = arith.addf %add3A_2162, %mul3A_2163 : vector<16xf32>
    %mul3A_2165 = arith.mulf %gather3A_2147, %gather3A_2147 : vector<16xf32>
    %add3A_2166 = arith.addf %add3A_2130, %mul3A_2165 : vector<16xf32>
    %mul3A_2167 = arith.mulf %gather3A_2148, %gather3A_2148 : vector<16xf32>
    %add3A_2168 = arith.addf %add3A_2166, %mul3A_2167 : vector<16xf32>
    %mul3A_2169 = arith.mulf %gather3A_2142, %gather3A_2142 : vector<16xf32>
    %add3A_2170 = arith.addf %add3A_2134, %mul3A_2169 : vector<16xf32>
    %mul3A_2171 = arith.mulf %gather3A_2146, %gather3A_2146 : vector<16xf32>
    %add3A_2172 = arith.addf %add3A_2170, %mul3A_2171 : vector<16xf32>
    %broadcast_in_dim3A_2173 = arith.constant 21 : i32
    %broadcast_in_dim3A_2174 = vector.broadcast %broadcast_in_dim3A_2173 : i32 to vector<16xi32>
    %gather3A_2175 = tpu.vector_load_idx %arg9[%add3A_1371, %broadcast_in_dim3A_2174] : memref<128x128xf32, #tpu.memory_space<vmem>>[vector<16xi32>, vector<16xi32>], vector<16xf32>,
    %gather3A_2176 = tpu.vector_load_idx %arg9[%add3A_1374, %broadcast_in_dim3A_2174] : memref<128x128xf32, #tpu.memory_space<vmem>>[vector<16xi32>, vector<16xi32>], vector<16xf32>,
    %add3A_2177 = arith.constant 64 : i32
    %add3A_2178 = vector.broadcast %add3A_2177 : i32 to vector<16xi32>
    %add3A_2179 = arith.addi %add3A_2178, %add3A_1371 : vector<16xi32>
    %gather3A_2180 = tpu.vector_load_idx %arg9[%add3A_2179, %broadcast_in_dim3A_2174] : memref<128x128xf32, #tpu.memory_space<vmem>>[vector<16xi32>, vector<16xi32>], vector<16xf32>,
    %add3A_2181 = arith.constant 64 : i32
    %add3A_2182 = vector.broadcast %add3A_2181 : i32 to vector<16xi32>
    %add3A_2183 = arith.addi %add3A_2182, %add3A_1374 : vector<16xi32>
    %gather3A_2184 = tpu.vector_load_idx %arg9[%add3A_2183, %broadcast_in_dim3A_2174] : memref<128x128xf32, #tpu.memory_space<vmem>>[vector<16xi32>, vector<16xi32>], vector<16xf32>,
    %gather3A_2185 = tpu.vector_load_idx %arg10[%add3A_1371, %broadcast_in_dim3A_2174] : memref<64x128xf32, #tpu.memory_space<vmem>>[vector<16xi32>, vector<16xi32>], vector<16xf32>,
    %gather3A_2186 = tpu.vector_load_idx %arg10[%add3A_1374, %broadcast_in_dim3A_2174] : memref<64x128xf32, #tpu.memory_space<vmem>>[vector<16xi32>, vector<16xi32>], vector<16xf32>,
    %add3A_2187 = arith.addf %gather3A_2175, %gather3A_2185 : vector<16xf32>
    %sub3A_2188 = arith.subf %add3A_2187, %gather3A_2180 : vector<16xf32>
    %abs3A_2189 = math.absf %sub3A_2188 : vector<16xf32>
    %add3A_2190 = arith.addf %gather3A_2176, %gather3A_2186 : vector<16xf32>
    %sub3A_2191 = arith.subf %add3A_2190, %gather3A_2184 : vector<16xf32>
    %abs3A_2192 = math.absf %sub3A_2191 : vector<16xf32>
    %mul3A_2193 = arith.mulf %abs3A_2189, %abs3A_2189 : vector<16xf32>
    %add3A_2194 = arith.addf %add3A_2156, %mul3A_2193 : vector<16xf32>
    %mul3A_2195 = arith.mulf %abs3A_2192, %abs3A_2192 : vector<16xf32>
    %add3A_2196 = arith.addf %add3A_2158, %mul3A_2195 : vector<16xf32>
    %mul3A_2197 = arith.mulf %abs3A_2189, %abs3A_2192 : vector<16xf32>
    %add3A_2198 = arith.addf %add3A_2160, %mul3A_2197 : vector<16xf32>
    %mul3A_2199 = arith.mulf %gather3A_2175, %gather3A_2175 : vector<16xf32>
    %add3A_2200 = arith.addf %add3A_2164, %mul3A_2199 : vector<16xf32>
    %mul3A_2201 = arith.mulf %gather3A_2176, %gather3A_2176 : vector<16xf32>
    %add3A_2202 = arith.addf %add3A_2200, %mul3A_2201 : vector<16xf32>
    %mul3A_2203 = arith.mulf %gather3A_2185, %gather3A_2185 : vector<16xf32>
    %add3A_2204 = arith.addf %add3A_2168, %mul3A_2203 : vector<16xf32>
    %mul3A_2205 = arith.mulf %gather3A_2186, %gather3A_2186 : vector<16xf32>
    %add3A_2206 = arith.addf %add3A_2204, %mul3A_2205 : vector<16xf32>
    %mul3A_2207 = arith.mulf %gather3A_2180, %gather3A_2180 : vector<16xf32>
    %add3A_2208 = arith.addf %add3A_2172, %mul3A_2207 : vector<16xf32>
    %mul3A_2209 = arith.mulf %gather3A_2184, %gather3A_2184 : vector<16xf32>
    %add3A_2210 = arith.addf %add3A_2208, %mul3A_2209 : vector<16xf32>
    %broadcast_in_dim3A_2211 = arith.constant 22 : i32
    %broadcast_in_dim3A_2212 = vector.broadcast %broadcast_in_dim3A_2211 : i32 to vector<16xi32>
    %gather3A_2213 = tpu.vector_load_idx %arg9[%add3A_1371, %broadcast_in_dim3A_2212] : memref<128x128xf32, #tpu.memory_space<vmem>>[vector<16xi32>, vector<16xi32>], vector<16xf32>,
    %gather3A_2214 = tpu.vector_load_idx %arg9[%add3A_1374, %broadcast_in_dim3A_2212] : memref<128x128xf32, #tpu.memory_space<vmem>>[vector<16xi32>, vector<16xi32>], vector<16xf32>,
    %add3A_2215 = arith.constant 64 : i32
    %add3A_2216 = vector.broadcast %add3A_2215 : i32 to vector<16xi32>
    %add3A_2217 = arith.addi %add3A_2216, %add3A_1371 : vector<16xi32>
    %gather3A_2218 = tpu.vector_load_idx %arg9[%add3A_2217, %broadcast_in_dim3A_2212] : memref<128x128xf32, #tpu.memory_space<vmem>>[vector<16xi32>, vector<16xi32>], vector<16xf32>,
    %add3A_2219 = arith.constant 64 : i32
    %add3A_2220 = vector.broadcast %add3A_2219 : i32 to vector<16xi32>
    %add3A_2221 = arith.addi %add3A_2220, %add3A_1374 : vector<16xi32>
    %gather3A_2222 = tpu.vector_load_idx %arg9[%add3A_2221, %broadcast_in_dim3A_2212] : memref<128x128xf32, #tpu.memory_space<vmem>>[vector<16xi32>, vector<16xi32>], vector<16xf32>,
    %gather3A_2223 = tpu.vector_load_idx %arg10[%add3A_1371, %broadcast_in_dim3A_2212] : memref<64x128xf32, #tpu.memory_space<vmem>>[vector<16xi32>, vector<16xi32>], vector<16xf32>,
    %gather3A_2224 = tpu.vector_load_idx %arg10[%add3A_1374, %broadcast_in_dim3A_2212] : memref<64x128xf32, #tpu.memory_space<vmem>>[vector<16xi32>, vector<16xi32>], vector<16xf32>,
    %add3A_2225 = arith.addf %gather3A_2213, %gather3A_2223 : vector<16xf32>
    %sub3A_2226 = arith.subf %add3A_2225, %gather3A_2218 : vector<16xf32>
    %abs3A_2227 = math.absf %sub3A_2226 : vector<16xf32>
    %add3A_2228 = arith.addf %gather3A_2214, %gather3A_2224 : vector<16xf32>
    %sub3A_2229 = arith.subf %add3A_2228, %gather3A_2222 : vector<16xf32>
    %abs3A_2230 = math.absf %sub3A_2229 : vector<16xf32>
    %mul3A_2231 = arith.mulf %abs3A_2227, %abs3A_2227 : vector<16xf32>
    %add3A_2232 = arith.addf %add3A_2194, %mul3A_2231 : vector<16xf32>
    %mul3A_2233 = arith.mulf %abs3A_2230, %abs3A_2230 : vector<16xf32>
    %add3A_2234 = arith.addf %add3A_2196, %mul3A_2233 : vector<16xf32>
    %mul3A_2235 = arith.mulf %abs3A_2227, %abs3A_2230 : vector<16xf32>
    %add3A_2236 = arith.addf %add3A_2198, %mul3A_2235 : vector<16xf32>
    %mul3A_2237 = arith.mulf %gather3A_2213, %gather3A_2213 : vector<16xf32>
    %add3A_2238 = arith.addf %add3A_2202, %mul3A_2237 : vector<16xf32>
    %mul3A_2239 = arith.mulf %gather3A_2214, %gather3A_2214 : vector<16xf32>
    %add3A_2240 = arith.addf %add3A_2238, %mul3A_2239 : vector<16xf32>
    %mul3A_2241 = arith.mulf %gather3A_2223, %gather3A_2223 : vector<16xf32>
    %add3A_2242 = arith.addf %add3A_2206, %mul3A_2241 : vector<16xf32>
    %mul3A_2243 = arith.mulf %gather3A_2224, %gather3A_2224 : vector<16xf32>
    %add3A_2244 = arith.addf %add3A_2242, %mul3A_2243 : vector<16xf32>
    %mul3A_2245 = arith.mulf %gather3A_2218, %gather3A_2218 : vector<16xf32>
    %add3A_2246 = arith.addf %add3A_2210, %mul3A_2245 : vector<16xf32>
    %mul3A_2247 = arith.mulf %gather3A_2222, %gather3A_2222 : vector<16xf32>
    %add3A_2248 = arith.addf %add3A_2246, %mul3A_2247 : vector<16xf32>
    %broadcast_in_dim3A_2249 = arith.constant 23 : i32
    %broadcast_in_dim3A_2250 = vector.broadcast %broadcast_in_dim3A_2249 : i32 to vector<16xi32>
    %gather3A_2251 = tpu.vector_load_idx %arg9[%add3A_1371, %broadcast_in_dim3A_2250] : memref<128x128xf32, #tpu.memory_space<vmem>>[vector<16xi32>, vector<16xi32>], vector<16xf32>,
    %gather3A_2252 = tpu.vector_load_idx %arg9[%add3A_1374, %broadcast_in_dim3A_2250] : memref<128x128xf32, #tpu.memory_space<vmem>>[vector<16xi32>, vector<16xi32>], vector<16xf32>,
    %add3A_2253 = arith.constant 64 : i32
    %add3A_2254 = vector.broadcast %add3A_2253 : i32 to vector<16xi32>
    %add3A_2255 = arith.addi %add3A_2254, %add3A_1371 : vector<16xi32>
    %gather3A_2256 = tpu.vector_load_idx %arg9[%add3A_2255, %broadcast_in_dim3A_2250] : memref<128x128xf32, #tpu.memory_space<vmem>>[vector<16xi32>, vector<16xi32>], vector<16xf32>,
    %add3A_2257 = arith.constant 64 : i32
    %add3A_2258 = vector.broadcast %add3A_2257 : i32 to vector<16xi32>
    %add3A_2259 = arith.addi %add3A_2258, %add3A_1374 : vector<16xi32>
    %gather3A_2260 = tpu.vector_load_idx %arg9[%add3A_2259, %broadcast_in_dim3A_2250] : memref<128x128xf32, #tpu.memory_space<vmem>>[vector<16xi32>, vector<16xi32>], vector<16xf32>,
    %gather3A_2261 = tpu.vector_load_idx %arg10[%add3A_1371, %broadcast_in_dim3A_2250] : memref<64x128xf32, #tpu.memory_space<vmem>>[vector<16xi32>, vector<16xi32>], vector<16xf32>,
    %gather3A_2262 = tpu.vector_load_idx %arg10[%add3A_1374, %broadcast_in_dim3A_2250] : memref<64x128xf32, #tpu.memory_space<vmem>>[vector<16xi32>, vector<16xi32>], vector<16xf32>,
    %add3A_2263 = arith.addf %gather3A_2251, %gather3A_2261 : vector<16xf32>
    %sub3A_2264 = arith.subf %add3A_2263, %gather3A_2256 : vector<16xf32>
    %abs3A_2265 = math.absf %sub3A_2264 : vector<16xf32>
    %add3A_2266 = arith.addf %gather3A_2252, %gather3A_2262 : vector<16xf32>
    %sub3A_2267 = arith.subf %add3A_2266, %gather3A_2260 : vector<16xf32>
    %abs3A_2268 = math.absf %sub3A_2267 : vector<16xf32>
    %mul3A_2269 = arith.mulf %abs3A_2265, %abs3A_2265 : vector<16xf32>
    %add3A_2270 = arith.addf %add3A_2232, %mul3A_2269 : vector<16xf32>
    %mul3A_2271 = arith.mulf %abs3A_2268, %abs3A_2268 : vector<16xf32>
    %add3A_2272 = arith.addf %add3A_2234, %mul3A_2271 : vector<16xf32>
    %mul3A_2273 = arith.mulf %abs3A_2265, %abs3A_2268 : vector<16xf32>
    %add3A_2274 = arith.addf %add3A_2236, %mul3A_2273 : vector<16xf32>
    %mul3A_2275 = arith.mulf %gather3A_2251, %gather3A_2251 : vector<16xf32>
    %add3A_2276 = arith.addf %add3A_2240, %mul3A_2275 : vector<16xf32>
    %mul3A_2277 = arith.mulf %gather3A_2252, %gather3A_2252 : vector<16xf32>
    %add3A_2278 = arith.addf %add3A_2276, %mul3A_2277 : vector<16xf32>
    %mul3A_2279 = arith.mulf %gather3A_2261, %gather3A_2261 : vector<16xf32>
    %add3A_2280 = arith.addf %add3A_2244, %mul3A_2279 : vector<16xf32>
    %mul3A_2281 = arith.mulf %gather3A_2262, %gather3A_2262 : vector<16xf32>
    %add3A_2282 = arith.addf %add3A_2280, %mul3A_2281 : vector<16xf32>
    %mul3A_2283 = arith.mulf %gather3A_2256, %gather3A_2256 : vector<16xf32>
    %add3A_2284 = arith.addf %add3A_2248, %mul3A_2283 : vector<16xf32>
    %mul3A_2285 = arith.mulf %gather3A_2260, %gather3A_2260 : vector<16xf32>
    %add3A_2286 = arith.addf %add3A_2284, %mul3A_2285 : vector<16xf32>
    %broadcast_in_dim3A_2287 = arith.constant 24 : i32
    %broadcast_in_dim3A_2288 = vector.broadcast %broadcast_in_dim3A_2287 : i32 to vector<16xi32>
    %gather3A_2289 = tpu.vector_load_idx %arg9[%add3A_1371, %broadcast_in_dim3A_2288] : memref<128x128xf32, #tpu.memory_space<vmem>>[vector<16xi32>, vector<16xi32>], vector<16xf32>,
    %gather3A_2290 = tpu.vector_load_idx %arg9[%add3A_1374, %broadcast_in_dim3A_2288] : memref<128x128xf32, #tpu.memory_space<vmem>>[vector<16xi32>, vector<16xi32>], vector<16xf32>,
    %add3A_2291 = arith.constant 64 : i32
    %add3A_2292 = vector.broadcast %add3A_2291 : i32 to vector<16xi32>
    %add3A_2293 = arith.addi %add3A_2292, %add3A_1371 : vector<16xi32>
    %gather3A_2294 = tpu.vector_load_idx %arg9[%add3A_2293, %broadcast_in_dim3A_2288] : memref<128x128xf32, #tpu.memory_space<vmem>>[vector<16xi32>, vector<16xi32>], vector<16xf32>,
    %add3A_2295 = arith.constant 64 : i32
    %add3A_2296 = vector.broadcast %add3A_2295 : i32 to vector<16xi32>
    %add3A_2297 = arith.addi %add3A_2296, %add3A_1374 : vector<16xi32>
    %gather3A_2298 = tpu.vector_load_idx %arg9[%add3A_2297, %broadcast_in_dim3A_2288] : memref<128x128xf32, #tpu.memory_space<vmem>>[vector<16xi32>, vector<16xi32>], vector<16xf32>,
    %gather3A_2299 = tpu.vector_load_idx %arg10[%add3A_1371, %broadcast_in_dim3A_2288] : memref<64x128xf32, #tpu.memory_space<vmem>>[vector<16xi32>, vector<16xi32>], vector<16xf32>,
    %gather3A_2300 = tpu.vector_load_idx %arg10[%add3A_1374, %broadcast_in_dim3A_2288] : memref<64x128xf32, #tpu.memory_space<vmem>>[vector<16xi32>, vector<16xi32>], vector<16xf32>,
    %add3A_2301 = arith.addf %gather3A_2289, %gather3A_2299 : vector<16xf32>
    %sub3A_2302 = arith.subf %add3A_2301, %gather3A_2294 : vector<16xf32>
    %abs3A_2303 = math.absf %sub3A_2302 : vector<16xf32>
    %add3A_2304 = arith.addf %gather3A_2290, %gather3A_2300 : vector<16xf32>
    %sub3A_2305 = arith.subf %add3A_2304, %gather3A_2298 : vector<16xf32>
    %abs3A_2306 = math.absf %sub3A_2305 : vector<16xf32>
    %mul3A_2307 = arith.mulf %abs3A_2303, %abs3A_2303 : vector<16xf32>
    %add3A_2308 = arith.addf %add3A_2270, %mul3A_2307 : vector<16xf32>
    %mul3A_2309 = arith.mulf %abs3A_2306, %abs3A_2306 : vector<16xf32>
    %add3A_2310 = arith.addf %add3A_2272, %mul3A_2309 : vector<16xf32>
    %mul3A_2311 = arith.mulf %abs3A_2303, %abs3A_2306 : vector<16xf32>
    %add3A_2312 = arith.addf %add3A_2274, %mul3A_2311 : vector<16xf32>
    %mul3A_2313 = arith.mulf %gather3A_2289, %gather3A_2289 : vector<16xf32>
    %add3A_2314 = arith.addf %add3A_2278, %mul3A_2313 : vector<16xf32>
    %mul3A_2315 = arith.mulf %gather3A_2290, %gather3A_2290 : vector<16xf32>
    %add3A_2316 = arith.addf %add3A_2314, %mul3A_2315 : vector<16xf32>
    %mul3A_2317 = arith.mulf %gather3A_2299, %gather3A_2299 : vector<16xf32>
    %add3A_2318 = arith.addf %add3A_2282, %mul3A_2317 : vector<16xf32>
    %mul3A_2319 = arith.mulf %gather3A_2300, %gather3A_2300 : vector<16xf32>
    %add3A_2320 = arith.addf %add3A_2318, %mul3A_2319 : vector<16xf32>
    %mul3A_2321 = arith.mulf %gather3A_2294, %gather3A_2294 : vector<16xf32>
    %add3A_2322 = arith.addf %add3A_2286, %mul3A_2321 : vector<16xf32>
    %mul3A_2323 = arith.mulf %gather3A_2298, %gather3A_2298 : vector<16xf32>
    %add3A_2324 = arith.addf %add3A_2322, %mul3A_2323 : vector<16xf32>
    %broadcast_in_dim3A_2325 = arith.constant 25 : i32
    %broadcast_in_dim3A_2326 = vector.broadcast %broadcast_in_dim3A_2325 : i32 to vector<16xi32>
    %gather3A_2327 = tpu.vector_load_idx %arg9[%add3A_1371, %broadcast_in_dim3A_2326] : memref<128x128xf32, #tpu.memory_space<vmem>>[vector<16xi32>, vector<16xi32>], vector<16xf32>,
    %gather3A_2328 = tpu.vector_load_idx %arg9[%add3A_1374, %broadcast_in_dim3A_2326] : memref<128x128xf32, #tpu.memory_space<vmem>>[vector<16xi32>, vector<16xi32>], vector<16xf32>,
    %add3A_2329 = arith.constant 64 : i32
    %add3A_2330 = vector.broadcast %add3A_2329 : i32 to vector<16xi32>
    %add3A_2331 = arith.addi %add3A_2330, %add3A_1371 : vector<16xi32>
    %gather3A_2332 = tpu.vector_load_idx %arg9[%add3A_2331, %broadcast_in_dim3A_2326] : memref<128x128xf32, #tpu.memory_space<vmem>>[vector<16xi32>, vector<16xi32>], vector<16xf32>,
    %add3A_2333 = arith.constant 64 : i32
    %add3A_2334 = vector.broadcast %add3A_2333 : i32 to vector<16xi32>
    %add3A_2335 = arith.addi %add3A_2334, %add3A_1374 : vector<16xi32>
    %gather3A_2336 = tpu.vector_load_idx %arg9[%add3A_2335, %broadcast_in_dim3A_2326] : memref<128x128xf32, #tpu.memory_space<vmem>>[vector<16xi32>, vector<16xi32>], vector<16xf32>,
    %gather3A_2337 = tpu.vector_load_idx %arg10[%add3A_1371, %broadcast_in_dim3A_2326] : memref<64x128xf32, #tpu.memory_space<vmem>>[vector<16xi32>, vector<16xi32>], vector<16xf32>,
    %gather3A_2338 = tpu.vector_load_idx %arg10[%add3A_1374, %broadcast_in_dim3A_2326] : memref<64x128xf32, #tpu.memory_space<vmem>>[vector<16xi32>, vector<16xi32>], vector<16xf32>,
    %add3A_2339 = arith.addf %gather3A_2327, %gather3A_2337 : vector<16xf32>
    %sub3A_2340 = arith.subf %add3A_2339, %gather3A_2332 : vector<16xf32>
    %abs3A_2341 = math.absf %sub3A_2340 : vector<16xf32>
    %add3A_2342 = arith.addf %gather3A_2328, %gather3A_2338 : vector<16xf32>
    %sub3A_2343 = arith.subf %add3A_2342, %gather3A_2336 : vector<16xf32>
    %abs3A_2344 = math.absf %sub3A_2343 : vector<16xf32>
    %mul3A_2345 = arith.mulf %abs3A_2341, %abs3A_2341 : vector<16xf32>
    %add3A_2346 = arith.addf %add3A_2308, %mul3A_2345 : vector<16xf32>
    %mul3A_2347 = arith.mulf %abs3A_2344, %abs3A_2344 : vector<16xf32>
    %add3A_2348 = arith.addf %add3A_2310, %mul3A_2347 : vector<16xf32>
    %mul3A_2349 = arith.mulf %abs3A_2341, %abs3A_2344 : vector<16xf32>
    %add3A_2350 = arith.addf %add3A_2312, %mul3A_2349 : vector<16xf32>
    %mul3A_2351 = arith.mulf %gather3A_2327, %gather3A_2327 : vector<16xf32>
    %add3A_2352 = arith.addf %add3A_2316, %mul3A_2351 : vector<16xf32>
    %mul3A_2353 = arith.mulf %gather3A_2328, %gather3A_2328 : vector<16xf32>
    %add3A_2354 = arith.addf %add3A_2352, %mul3A_2353 : vector<16xf32>
    %mul3A_2355 = arith.mulf %gather3A_2337, %gather3A_2337 : vector<16xf32>
    %add3A_2356 = arith.addf %add3A_2320, %mul3A_2355 : vector<16xf32>
    %mul3A_2357 = arith.mulf %gather3A_2338, %gather3A_2338 : vector<16xf32>
    %add3A_2358 = arith.addf %add3A_2356, %mul3A_2357 : vector<16xf32>
    %mul3A_2359 = arith.mulf %gather3A_2332, %gather3A_2332 : vector<16xf32>
    %add3A_2360 = arith.addf %add3A_2324, %mul3A_2359 : vector<16xf32>
    %mul3A_2361 = arith.mulf %gather3A_2336, %gather3A_2336 : vector<16xf32>
    %add3A_2362 = arith.addf %add3A_2360, %mul3A_2361 : vector<16xf32>
    %broadcast_in_dim3A_2363 = arith.constant 26 : i32
    %broadcast_in_dim3A_2364 = vector.broadcast %broadcast_in_dim3A_2363 : i32 to vector<16xi32>
    %gather3A_2365 = tpu.vector_load_idx %arg9[%add3A_1371, %broadcast_in_dim3A_2364] : memref<128x128xf32, #tpu.memory_space<vmem>>[vector<16xi32>, vector<16xi32>], vector<16xf32>,
    %gather3A_2366 = tpu.vector_load_idx %arg9[%add3A_1374, %broadcast_in_dim3A_2364] : memref<128x128xf32, #tpu.memory_space<vmem>>[vector<16xi32>, vector<16xi32>], vector<16xf32>,
    %add3A_2367 = arith.constant 64 : i32
    %add3A_2368 = vector.broadcast %add3A_2367 : i32 to vector<16xi32>
    %add3A_2369 = arith.addi %add3A_2368, %add3A_1371 : vector<16xi32>
    %gather3A_2370 = tpu.vector_load_idx %arg9[%add3A_2369, %broadcast_in_dim3A_2364] : memref<128x128xf32, #tpu.memory_space<vmem>>[vector<16xi32>, vector<16xi32>], vector<16xf32>,
    %add3A_2371 = arith.constant 64 : i32
    %add3A_2372 = vector.broadcast %add3A_2371 : i32 to vector<16xi32>
    %add3A_2373 = arith.addi %add3A_2372, %add3A_1374 : vector<16xi32>
    %gather3A_2374 = tpu.vector_load_idx %arg9[%add3A_2373, %broadcast_in_dim3A_2364] : memref<128x128xf32, #tpu.memory_space<vmem>>[vector<16xi32>, vector<16xi32>], vector<16xf32>,
    %gather3A_2375 = tpu.vector_load_idx %arg10[%add3A_1371, %broadcast_in_dim3A_2364] : memref<64x128xf32, #tpu.memory_space<vmem>>[vector<16xi32>, vector<16xi32>], vector<16xf32>,
    %gather3A_2376 = tpu.vector_load_idx %arg10[%add3A_1374, %broadcast_in_dim3A_2364] : memref<64x128xf32, #tpu.memory_space<vmem>>[vector<16xi32>, vector<16xi32>], vector<16xf32>,
    %add3A_2377 = arith.addf %gather3A_2365, %gather3A_2375 : vector<16xf32>
    %sub3A_2378 = arith.subf %add3A_2377, %gather3A_2370 : vector<16xf32>
    %abs3A_2379 = math.absf %sub3A_2378 : vector<16xf32>
    %add3A_2380 = arith.addf %gather3A_2366, %gather3A_2376 : vector<16xf32>
    %sub3A_2381 = arith.subf %add3A_2380, %gather3A_2374 : vector<16xf32>
    %abs3A_2382 = math.absf %sub3A_2381 : vector<16xf32>
    %mul3A_2383 = arith.mulf %abs3A_2379, %abs3A_2379 : vector<16xf32>
    %add3A_2384 = arith.addf %add3A_2346, %mul3A_2383 : vector<16xf32>
    %mul3A_2385 = arith.mulf %abs3A_2382, %abs3A_2382 : vector<16xf32>
    %add3A_2386 = arith.addf %add3A_2348, %mul3A_2385 : vector<16xf32>
    %mul3A_2387 = arith.mulf %abs3A_2379, %abs3A_2382 : vector<16xf32>
    %add3A_2388 = arith.addf %add3A_2350, %mul3A_2387 : vector<16xf32>
    %mul3A_2389 = arith.mulf %gather3A_2365, %gather3A_2365 : vector<16xf32>
    %add3A_2390 = arith.addf %add3A_2354, %mul3A_2389 : vector<16xf32>
    %mul3A_2391 = arith.mulf %gather3A_2366, %gather3A_2366 : vector<16xf32>
    %add3A_2392 = arith.addf %add3A_2390, %mul3A_2391 : vector<16xf32>
    %mul3A_2393 = arith.mulf %gather3A_2375, %gather3A_2375 : vector<16xf32>
    %add3A_2394 = arith.addf %add3A_2358, %mul3A_2393 : vector<16xf32>
    %mul3A_2395 = arith.mulf %gather3A_2376, %gather3A_2376 : vector<16xf32>
    %add3A_2396 = arith.addf %add3A_2394, %mul3A_2395 : vector<16xf32>
    %mul3A_2397 = arith.mulf %gather3A_2370, %gather3A_2370 : vector<16xf32>
    %add3A_2398 = arith.addf %add3A_2362, %mul3A_2397 : vector<16xf32>
    %mul3A_2399 = arith.mulf %gather3A_2374, %gather3A_2374 : vector<16xf32>
    %add3A_2400 = arith.addf %add3A_2398, %mul3A_2399 : vector<16xf32>
    %broadcast_in_dim3A_2401 = arith.constant 27 : i32
    %broadcast_in_dim3A_2402 = vector.broadcast %broadcast_in_dim3A_2401 : i32 to vector<16xi32>
    %gather3A_2403 = tpu.vector_load_idx %arg9[%add3A_1371, %broadcast_in_dim3A_2402] : memref<128x128xf32, #tpu.memory_space<vmem>>[vector<16xi32>, vector<16xi32>], vector<16xf32>,
    %gather3A_2404 = tpu.vector_load_idx %arg9[%add3A_1374, %broadcast_in_dim3A_2402] : memref<128x128xf32, #tpu.memory_space<vmem>>[vector<16xi32>, vector<16xi32>], vector<16xf32>,
    %add3A_2405 = arith.constant 64 : i32
    %add3A_2406 = vector.broadcast %add3A_2405 : i32 to vector<16xi32>
    %add3A_2407 = arith.addi %add3A_2406, %add3A_1371 : vector<16xi32>
    %gather3A_2408 = tpu.vector_load_idx %arg9[%add3A_2407, %broadcast_in_dim3A_2402] : memref<128x128xf32, #tpu.memory_space<vmem>>[vector<16xi32>, vector<16xi32>], vector<16xf32>,
    %add3A_2409 = arith.constant 64 : i32
    %add3A_2410 = vector.broadcast %add3A_2409 : i32 to vector<16xi32>
    %add3A_2411 = arith.addi %add3A_2410, %add3A_1374 : vector<16xi32>
    %gather3A_2412 = tpu.vector_load_idx %arg9[%add3A_2411, %broadcast_in_dim3A_2402] : memref<128x128xf32, #tpu.memory_space<vmem>>[vector<16xi32>, vector<16xi32>], vector<16xf32>,
    %gather3A_2413 = tpu.vector_load_idx %arg10[%add3A_1371, %broadcast_in_dim3A_2402] : memref<64x128xf32, #tpu.memory_space<vmem>>[vector<16xi32>, vector<16xi32>], vector<16xf32>,
    %gather3A_2414 = tpu.vector_load_idx %arg10[%add3A_1374, %broadcast_in_dim3A_2402] : memref<64x128xf32, #tpu.memory_space<vmem>>[vector<16xi32>, vector<16xi32>], vector<16xf32>,
    %add3A_2415 = arith.addf %gather3A_2403, %gather3A_2413 : vector<16xf32>
    %sub3A_2416 = arith.subf %add3A_2415, %gather3A_2408 : vector<16xf32>
    %abs3A_2417 = math.absf %sub3A_2416 : vector<16xf32>
    %add3A_2418 = arith.addf %gather3A_2404, %gather3A_2414 : vector<16xf32>
    %sub3A_2419 = arith.subf %add3A_2418, %gather3A_2412 : vector<16xf32>
    %abs3A_2420 = math.absf %sub3A_2419 : vector<16xf32>
    %mul3A_2421 = arith.mulf %abs3A_2417, %abs3A_2417 : vector<16xf32>
    %add3A_2422 = arith.addf %add3A_2384, %mul3A_2421 : vector<16xf32>
    %mul3A_2423 = arith.mulf %abs3A_2420, %abs3A_2420 : vector<16xf32>
    %add3A_2424 = arith.addf %add3A_2386, %mul3A_2423 : vector<16xf32>
    %mul3A_2425 = arith.mulf %abs3A_2417, %abs3A_2420 : vector<16xf32>
    %add3A_2426 = arith.addf %add3A_2388, %mul3A_2425 : vector<16xf32>
    %mul3A_2427 = arith.mulf %gather3A_2403, %gather3A_2403 : vector<16xf32>
    %add3A_2428 = arith.addf %add3A_2392, %mul3A_2427 : vector<16xf32>
    %mul3A_2429 = arith.mulf %gather3A_2404, %gather3A_2404 : vector<16xf32>
    %add3A_2430 = arith.addf %add3A_2428, %mul3A_2429 : vector<16xf32>
    %mul3A_2431 = arith.mulf %gather3A_2413, %gather3A_2413 : vector<16xf32>
    %add3A_2432 = arith.addf %add3A_2396, %mul3A_2431 : vector<16xf32>
    %mul3A_2433 = arith.mulf %gather3A_2414, %gather3A_2414 : vector<16xf32>
    %add3A_2434 = arith.addf %add3A_2432, %mul3A_2433 : vector<16xf32>
    %mul3A_2435 = arith.mulf %gather3A_2408, %gather3A_2408 : vector<16xf32>
    %add3A_2436 = arith.addf %add3A_2400, %mul3A_2435 : vector<16xf32>
    %mul3A_2437 = arith.mulf %gather3A_2412, %gather3A_2412 : vector<16xf32>
    %add3A_2438 = arith.addf %add3A_2436, %mul3A_2437 : vector<16xf32>
    %broadcast_in_dim3A_2439 = arith.constant 28 : i32
    %broadcast_in_dim3A_2440 = vector.broadcast %broadcast_in_dim3A_2439 : i32 to vector<16xi32>
    %gather3A_2441 = tpu.vector_load_idx %arg9[%add3A_1371, %broadcast_in_dim3A_2440] : memref<128x128xf32, #tpu.memory_space<vmem>>[vector<16xi32>, vector<16xi32>], vector<16xf32>,
    %gather3A_2442 = tpu.vector_load_idx %arg9[%add3A_1374, %broadcast_in_dim3A_2440] : memref<128x128xf32, #tpu.memory_space<vmem>>[vector<16xi32>, vector<16xi32>], vector<16xf32>,
    %add3A_2443 = arith.constant 64 : i32
    %add3A_2444 = vector.broadcast %add3A_2443 : i32 to vector<16xi32>
    %add3A_2445 = arith.addi %add3A_2444, %add3A_1371 : vector<16xi32>
    %gather3A_2446 = tpu.vector_load_idx %arg9[%add3A_2445, %broadcast_in_dim3A_2440] : memref<128x128xf32, #tpu.memory_space<vmem>>[vector<16xi32>, vector<16xi32>], vector<16xf32>,
    %add3A_2447 = arith.constant 64 : i32
    %add3A_2448 = vector.broadcast %add3A_2447 : i32 to vector<16xi32>
    %add3A_2449 = arith.addi %add3A_2448, %add3A_1374 : vector<16xi32>
    %gather3A_2450 = tpu.vector_load_idx %arg9[%add3A_2449, %broadcast_in_dim3A_2440] : memref<128x128xf32, #tpu.memory_space<vmem>>[vector<16xi32>, vector<16xi32>], vector<16xf32>,
    %gather3A_2451 = tpu.vector_load_idx %arg10[%add3A_1371, %broadcast_in_dim3A_2440] : memref<64x128xf32, #tpu.memory_space<vmem>>[vector<16xi32>, vector<16xi32>], vector<16xf32>,
    %gather3A_2452 = tpu.vector_load_idx %arg10[%add3A_1374, %broadcast_in_dim3A_2440] : memref<64x128xf32, #tpu.memory_space<vmem>>[vector<16xi32>, vector<16xi32>], vector<16xf32>,
    %add3A_2453 = arith.addf %gather3A_2441, %gather3A_2451 : vector<16xf32>
    %sub3A_2454 = arith.subf %add3A_2453, %gather3A_2446 : vector<16xf32>
    %abs3A_2455 = math.absf %sub3A_2454 : vector<16xf32>
    %add3A_2456 = arith.addf %gather3A_2442, %gather3A_2452 : vector<16xf32>
    %sub3A_2457 = arith.subf %add3A_2456, %gather3A_2450 : vector<16xf32>
    %abs3A_2458 = math.absf %sub3A_2457 : vector<16xf32>
    %mul3A_2459 = arith.mulf %abs3A_2455, %abs3A_2455 : vector<16xf32>
    %add3A_2460 = arith.addf %add3A_2422, %mul3A_2459 : vector<16xf32>
    %mul3A_2461 = arith.mulf %abs3A_2458, %abs3A_2458 : vector<16xf32>
    %add3A_2462 = arith.addf %add3A_2424, %mul3A_2461 : vector<16xf32>
    %mul3A_2463 = arith.mulf %abs3A_2455, %abs3A_2458 : vector<16xf32>
    %add3A_2464 = arith.addf %add3A_2426, %mul3A_2463 : vector<16xf32>
    %mul3A_2465 = arith.mulf %gather3A_2441, %gather3A_2441 : vector<16xf32>
    %add3A_2466 = arith.addf %add3A_2430, %mul3A_2465 : vector<16xf32>
    %mul3A_2467 = arith.mulf %gather3A_2442, %gather3A_2442 : vector<16xf32>
    %add3A_2468 = arith.addf %add3A_2466, %mul3A_2467 : vector<16xf32>
    %mul3A_2469 = arith.mulf %gather3A_2451, %gather3A_2451 : vector<16xf32>
    %add3A_2470 = arith.addf %add3A_2434, %mul3A_2469 : vector<16xf32>
    %mul3A_2471 = arith.mulf %gather3A_2452, %gather3A_2452 : vector<16xf32>
    %add3A_2472 = arith.addf %add3A_2470, %mul3A_2471 : vector<16xf32>
    %mul3A_2473 = arith.mulf %gather3A_2446, %gather3A_2446 : vector<16xf32>
    %add3A_2474 = arith.addf %add3A_2438, %mul3A_2473 : vector<16xf32>
    %mul3A_2475 = arith.mulf %gather3A_2450, %gather3A_2450 : vector<16xf32>
    %add3A_2476 = arith.addf %add3A_2474, %mul3A_2475 : vector<16xf32>
    %broadcast_in_dim3A_2477 = arith.constant 29 : i32
    %broadcast_in_dim3A_2478 = vector.broadcast %broadcast_in_dim3A_2477 : i32 to vector<16xi32>
    %gather3A_2479 = tpu.vector_load_idx %arg9[%add3A_1371, %broadcast_in_dim3A_2478] : memref<128x128xf32, #tpu.memory_space<vmem>>[vector<16xi32>, vector<16xi32>], vector<16xf32>,
    %gather3A_2480 = tpu.vector_load_idx %arg9[%add3A_1374, %broadcast_in_dim3A_2478] : memref<128x128xf32, #tpu.memory_space<vmem>>[vector<16xi32>, vector<16xi32>], vector<16xf32>,
    %add3A_2481 = arith.constant 64 : i32
    %add3A_2482 = vector.broadcast %add3A_2481 : i32 to vector<16xi32>
    %add3A_2483 = arith.addi %add3A_2482, %add3A_1371 : vector<16xi32>
    %gather3A_2484 = tpu.vector_load_idx %arg9[%add3A_2483, %broadcast_in_dim3A_2478] : memref<128x128xf32, #tpu.memory_space<vmem>>[vector<16xi32>, vector<16xi32>], vector<16xf32>,
    %add3A_2485 = arith.constant 64 : i32
    %add3A_2486 = vector.broadcast %add3A_2485 : i32 to vector<16xi32>
    %add3A_2487 = arith.addi %add3A_2486, %add3A_1374 : vector<16xi32>
    %gather3A_2488 = tpu.vector_load_idx %arg9[%add3A_2487, %broadcast_in_dim3A_2478] : memref<128x128xf32, #tpu.memory_space<vmem>>[vector<16xi32>, vector<16xi32>], vector<16xf32>,
    %gather3A_2489 = tpu.vector_load_idx %arg10[%add3A_1371, %broadcast_in_dim3A_2478] : memref<64x128xf32, #tpu.memory_space<vmem>>[vector<16xi32>, vector<16xi32>], vector<16xf32>,
    %gather3A_2490 = tpu.vector_load_idx %arg10[%add3A_1374, %broadcast_in_dim3A_2478] : memref<64x128xf32, #tpu.memory_space<vmem>>[vector<16xi32>, vector<16xi32>], vector<16xf32>,
    %add3A_2491 = arith.addf %gather3A_2479, %gather3A_2489 : vector<16xf32>
    %sub3A_2492 = arith.subf %add3A_2491, %gather3A_2484 : vector<16xf32>
    %abs3A_2493 = math.absf %sub3A_2492 : vector<16xf32>
    %add3A_2494 = arith.addf %gather3A_2480, %gather3A_2490 : vector<16xf32>
    %sub3A_2495 = arith.subf %add3A_2494, %gather3A_2488 : vector<16xf32>
    %abs3A_2496 = math.absf %sub3A_2495 : vector<16xf32>
    %mul3A_2497 = arith.mulf %abs3A_2493, %abs3A_2493 : vector<16xf32>
    %add3A_2498 = arith.addf %add3A_2460, %mul3A_2497 : vector<16xf32>
    %mul3A_2499 = arith.mulf %abs3A_2496, %abs3A_2496 : vector<16xf32>
    %add3A_2500 = arith.addf %add3A_2462, %mul3A_2499 : vector<16xf32>
    %mul3A_2501 = arith.mulf %abs3A_2493, %abs3A_2496 : vector<16xf32>
    %add3A_2502 = arith.addf %add3A_2464, %mul3A_2501 : vector<16xf32>
    %mul3A_2503 = arith.mulf %gather3A_2479, %gather3A_2479 : vector<16xf32>
    %add3A_2504 = arith.addf %add3A_2468, %mul3A_2503 : vector<16xf32>
    %mul3A_2505 = arith.mulf %gather3A_2480, %gather3A_2480 : vector<16xf32>
    %add3A_2506 = arith.addf %add3A_2504, %mul3A_2505 : vector<16xf32>
    %mul3A_2507 = arith.mulf %gather3A_2489, %gather3A_2489 : vector<16xf32>
    %add3A_2508 = arith.addf %add3A_2472, %mul3A_2507 : vector<16xf32>
    %mul3A_2509 = arith.mulf %gather3A_2490, %gather3A_2490 : vector<16xf32>
    %add3A_2510 = arith.addf %add3A_2508, %mul3A_2509 : vector<16xf32>
    %mul3A_2511 = arith.mulf %gather3A_2484, %gather3A_2484 : vector<16xf32>
    %add3A_2512 = arith.addf %add3A_2476, %mul3A_2511 : vector<16xf32>
    %mul3A_2513 = arith.mulf %gather3A_2488, %gather3A_2488 : vector<16xf32>
    %add3A_2514 = arith.addf %add3A_2512, %mul3A_2513 : vector<16xf32>
    %broadcast_in_dim3A_2515 = arith.constant 30 : i32
    %broadcast_in_dim3A_2516 = vector.broadcast %broadcast_in_dim3A_2515 : i32 to vector<16xi32>
    %gather3A_2517 = tpu.vector_load_idx %arg9[%add3A_1371, %broadcast_in_dim3A_2516] : memref<128x128xf32, #tpu.memory_space<vmem>>[vector<16xi32>, vector<16xi32>], vector<16xf32>,
    %gather3A_2518 = tpu.vector_load_idx %arg9[%add3A_1374, %broadcast_in_dim3A_2516] : memref<128x128xf32, #tpu.memory_space<vmem>>[vector<16xi32>, vector<16xi32>], vector<16xf32>,
    %add3A_2519 = arith.constant 64 : i32
    %add3A_2520 = vector.broadcast %add3A_2519 : i32 to vector<16xi32>
    %add3A_2521 = arith.addi %add3A_2520, %add3A_1371 : vector<16xi32>
    %gather3A_2522 = tpu.vector_load_idx %arg9[%add3A_2521, %broadcast_in_dim3A_2516] : memref<128x128xf32, #tpu.memory_space<vmem>>[vector<16xi32>, vector<16xi32>], vector<16xf32>,
    %add3A_2523 = arith.constant 64 : i32
    %add3A_2524 = vector.broadcast %add3A_2523 : i32 to vector<16xi32>
    %add3A_2525 = arith.addi %add3A_2524, %add3A_1374 : vector<16xi32>
    %gather3A_2526 = tpu.vector_load_idx %arg9[%add3A_2525, %broadcast_in_dim3A_2516] : memref<128x128xf32, #tpu.memory_space<vmem>>[vector<16xi32>, vector<16xi32>], vector<16xf32>,
    %gather3A_2527 = tpu.vector_load_idx %arg10[%add3A_1371, %broadcast_in_dim3A_2516] : memref<64x128xf32, #tpu.memory_space<vmem>>[vector<16xi32>, vector<16xi32>], vector<16xf32>,
    %gather3A_2528 = tpu.vector_load_idx %arg10[%add3A_1374, %broadcast_in_dim3A_2516] : memref<64x128xf32, #tpu.memory_space<vmem>>[vector<16xi32>, vector<16xi32>], vector<16xf32>,
    %add3A_2529 = arith.addf %gather3A_2517, %gather3A_2527 : vector<16xf32>
    %sub3A_2530 = arith.subf %add3A_2529, %gather3A_2522 : vector<16xf32>
    %abs3A_2531 = math.absf %sub3A_2530 : vector<16xf32>
    %add3A_2532 = arith.addf %gather3A_2518, %gather3A_2528 : vector<16xf32>
    %sub3A_2533 = arith.subf %add3A_2532, %gather3A_2526 : vector<16xf32>
    %abs3A_2534 = math.absf %sub3A_2533 : vector<16xf32>
    %mul3A_2535 = arith.mulf %abs3A_2531, %abs3A_2531 : vector<16xf32>
    %add3A_2536 = arith.addf %add3A_2498, %mul3A_2535 : vector<16xf32>
    %mul3A_2537 = arith.mulf %abs3A_2534, %abs3A_2534 : vector<16xf32>
    %add3A_2538 = arith.addf %add3A_2500, %mul3A_2537 : vector<16xf32>
    %mul3A_2539 = arith.mulf %abs3A_2531, %abs3A_2534 : vector<16xf32>
    %add3A_2540 = arith.addf %add3A_2502, %mul3A_2539 : vector<16xf32>
    %mul3A_2541 = arith.mulf %gather3A_2517, %gather3A_2517 : vector<16xf32>
    %add3A_2542 = arith.addf %add3A_2506, %mul3A_2541 : vector<16xf32>
    %mul3A_2543 = arith.mulf %gather3A_2518, %gather3A_2518 : vector<16xf32>
    %add3A_2544 = arith.addf %add3A_2542, %mul3A_2543 : vector<16xf32>
    %mul3A_2545 = arith.mulf %gather3A_2527, %gather3A_2527 : vector<16xf32>
    %add3A_2546 = arith.addf %add3A_2510, %mul3A_2545 : vector<16xf32>
    %mul3A_2547 = arith.mulf %gather3A_2528, %gather3A_2528 : vector<16xf32>
    %add3A_2548 = arith.addf %add3A_2546, %mul3A_2547 : vector<16xf32>
    %mul3A_2549 = arith.mulf %gather3A_2522, %gather3A_2522 : vector<16xf32>
    %add3A_2550 = arith.addf %add3A_2514, %mul3A_2549 : vector<16xf32>
    %mul3A_2551 = arith.mulf %gather3A_2526, %gather3A_2526 : vector<16xf32>
    %add3A_2552 = arith.addf %add3A_2550, %mul3A_2551 : vector<16xf32>
    %broadcast_in_dim3A_2553 = arith.constant 31 : i32
    %broadcast_in_dim3A_2554 = vector.broadcast %broadcast_in_dim3A_2553 : i32 to vector<16xi32>
    %gather3A_2555 = tpu.vector_load_idx %arg9[%add3A_1371, %broadcast_in_dim3A_2554] : memref<128x128xf32, #tpu.memory_space<vmem>>[vector<16xi32>, vector<16xi32>], vector<16xf32>,
    %gather3A_2556 = tpu.vector_load_idx %arg9[%add3A_1374, %broadcast_in_dim3A_2554] : memref<128x128xf32, #tpu.memory_space<vmem>>[vector<16xi32>, vector<16xi32>], vector<16xf32>,
    %add3A_2557 = arith.constant 64 : i32
    %add3A_2558 = vector.broadcast %add3A_2557 : i32 to vector<16xi32>
    %add3A_2559 = arith.addi %add3A_2558, %add3A_1371 : vector<16xi32>
    %gather3A_2560 = tpu.vector_load_idx %arg9[%add3A_2559, %broadcast_in_dim3A_2554] : memref<128x128xf32, #tpu.memory_space<vmem>>[vector<16xi32>, vector<16xi32>], vector<16xf32>,
    %add3A_2561 = arith.constant 64 : i32
    %add3A_2562 = vector.broadcast %add3A_2561 : i32 to vector<16xi32>
    %add3A_2563 = arith.addi %add3A_2562, %add3A_1374 : vector<16xi32>
    %gather3A_2564 = tpu.vector_load_idx %arg9[%add3A_2563, %broadcast_in_dim3A_2554] : memref<128x128xf32, #tpu.memory_space<vmem>>[vector<16xi32>, vector<16xi32>], vector<16xf32>,
    %gather3A_2565 = tpu.vector_load_idx %arg10[%add3A_1371, %broadcast_in_dim3A_2554] : memref<64x128xf32, #tpu.memory_space<vmem>>[vector<16xi32>, vector<16xi32>], vector<16xf32>,
    %gather3A_2566 = tpu.vector_load_idx %arg10[%add3A_1374, %broadcast_in_dim3A_2554] : memref<64x128xf32, #tpu.memory_space<vmem>>[vector<16xi32>, vector<16xi32>], vector<16xf32>,
    %add3A_2567 = arith.addf %gather3A_2555, %gather3A_2565 : vector<16xf32>
    %sub3A_2568 = arith.subf %add3A_2567, %gather3A_2560 : vector<16xf32>
    %abs3A_2569 = math.absf %sub3A_2568 : vector<16xf32>
    %add3A_2570 = arith.addf %gather3A_2556, %gather3A_2566 : vector<16xf32>
    %sub3A_2571 = arith.subf %add3A_2570, %gather3A_2564 : vector<16xf32>
    %abs3A_2572 = math.absf %sub3A_2571 : vector<16xf32>
    %mul3A_2573 = arith.mulf %abs3A_2569, %abs3A_2569 : vector<16xf32>
    %add3A_2574 = arith.addf %add3A_2536, %mul3A_2573 : vector<16xf32>
    %mul3A_2575 = arith.mulf %abs3A_2572, %abs3A_2572 : vector<16xf32>
    %add3A_2576 = arith.addf %add3A_2538, %mul3A_2575 : vector<16xf32>
    %mul3A_2577 = arith.mulf %abs3A_2569, %abs3A_2572 : vector<16xf32>
    %add3A_2578 = arith.addf %add3A_2540, %mul3A_2577 : vector<16xf32>
    %mul3A_2579 = arith.mulf %gather3A_2555, %gather3A_2555 : vector<16xf32>
    %add3A_2580 = arith.addf %add3A_2544, %mul3A_2579 : vector<16xf32>
    %mul3A_2581 = arith.mulf %gather3A_2556, %gather3A_2556 : vector<16xf32>
    %add3A_2582 = arith.addf %add3A_2580, %mul3A_2581 : vector<16xf32>
    %mul3A_2583 = arith.mulf %gather3A_2565, %gather3A_2565 : vector<16xf32>
    %add3A_2584 = arith.addf %add3A_2548, %mul3A_2583 : vector<16xf32>
    %mul3A_2585 = arith.mulf %gather3A_2566, %gather3A_2566 : vector<16xf32>
    %add3A_2586 = arith.addf %add3A_2584, %mul3A_2585 : vector<16xf32>
    %mul3A_2587 = arith.mulf %gather3A_2560, %gather3A_2560 : vector<16xf32>
    %add3A_2588 = arith.addf %add3A_2552, %mul3A_2587 : vector<16xf32>
    %mul3A_2589 = arith.mulf %gather3A_2564, %gather3A_2564 : vector<16xf32>
    %add3A_2590 = arith.addf %add3A_2588, %mul3A_2589 : vector<16xf32>
    %mul3A_2591 = arith.constant 2.000000e+00 : f32
    %mul3A_2592 = vector.broadcast %mul3A_2591 : f32 to vector<16xf32>
    %mul3A_2593 = arith.mulf %mul3A_2592, %add3A_2578 : vector<16xf32>
    %mul3A_2594 = arith.mulf %mul3A_2593, %add3A_2578 : vector<16xf32>
    %mul3A_2595 = arith.mulf %add3A_2574, %add3A_2574 : vector<16xf32>
    %sub3A_2596 = arith.subf %mul3A_2594, %mul3A_2595 : vector<16xf32>
    %mul3A_2597 = arith.mulf %add3A_2576, %add3A_2576 : vector<16xf32>
    %sub3A_2598 = arith.subf %sub3A_2596, %mul3A_2597 : vector<16xf32>
    %add3A_2599 = arith.constant 1.000000e+00 : f32
    %add3A_2600 = vector.broadcast %add3A_2599 : f32 to vector<16xf32>
    %add3A_2601 = arith.addf %sub3A_2598, %add3A_2600 : vector<16xf32>
    %max3A_2602 = arith.constant 0.000000e+00 : f32
    %max3A_2603 = vector.broadcast %max3A_2602 : f32 to vector<16xf32>
    %max3A_2604 = arith.maximumf %add3A_2601, %max3A_2603 : vector<16xf32>
    %add3A_2605 = arith.addf %add3A_1367, %max3A_2604 : vector<16xf32>
    %sub3A_2606 = arith.subf %sub3A_1368, %sub3A_2598 : vector<16xf32>
    %reduce_sum3A = arith.constant true
    %reduce_sum3A_2607 = vector.broadcast %reduce_sum3A : i1 to vector<16xi1>
    %reduce_sum3A_2608 = tpu.scan <sum>, %add3A_2605 masked %reduce_sum3A_2607 : vector<16xf32>, vector<16xi1> -> vector<16xf32>
    %reduce_sum3A_2609 = vector.extract %reduce_sum3A_2608[15] : f32 from vector<16xf32>
    %reduce_sum3A_2610 = arith.constant true
    %reduce_sum3A_2611 = vector.broadcast %reduce_sum3A_2610 : i1 to vector<16xi1>
    %reduce_sum3A_2612 = tpu.scan <sum>, %sub3A_2606 masked %reduce_sum3A_2611 : vector<16xf32>, vector<16xi1> -> vector<16xf32>
    %reduce_sum3A_2613 = vector.extract %reduce_sum3A_2612[15] : f32 from vector<16xf32>
    %reduce_sum3A_2614 = arith.constant true
    %reduce_sum3A_2615 = vector.broadcast %reduce_sum3A_2614 : i1 to vector<16xi1>
    %reduce_sum3A_2616 = tpu.scan <sum>, %add3A_2582 masked %reduce_sum3A_2615 : vector<16xf32>, vector<16xi1> -> vector<16xf32>
    %reduce_sum3A_2617 = vector.extract %reduce_sum3A_2616[15] : f32 from vector<16xf32>
    %reduce_sum3A_2618 = arith.constant true
    %reduce_sum3A_2619 = vector.broadcast %reduce_sum3A_2618 : i1 to vector<16xi1>
    %reduce_sum3A_2620 = tpu.scan <sum>, %add3A_2586 masked %reduce_sum3A_2619 : vector<16xf32>, vector<16xi1> -> vector<16xf32>
    %reduce_sum3A_2621 = vector.extract %reduce_sum3A_2620[15] : f32 from vector<16xf32>
    %reduce_sum3A_2622 = arith.constant true
    %reduce_sum3A_2623 = vector.broadcast %reduce_sum3A_2622 : i1 to vector<16xi1>
    %reduce_sum3A_2624 = tpu.scan <sum>, %add3A_2590 masked %reduce_sum3A_2623 : vector<16xf32>, vector<16xi1> -> vector<16xf32>
    %reduce_sum3A_2625 = vector.extract %reduce_sum3A_2624[15] : f32 from vector<16xf32>
    %eq3A = arith.constant 0 : i32
    %eq3A_2626 = vector.broadcast %eq3A : i32 to vector<16xi32>
    %eq3A_2627 = arith.cmpi eq, %iota3A, %eq3A_2626 : vector<16xi32>
    %eq3A_2628 = arith.constant 1 : i32
    %eq3A_2629 = vector.broadcast %eq3A_2628 : i32 to vector<16xi32>
    %eq3A_2630 = arith.cmpi eq, %iota3A, %eq3A_2629 : vector<16xi32>
    %eq3A_2631 = arith.constant 2 : i32
    %eq3A_2632 = vector.broadcast %eq3A_2631 : i32 to vector<16xi32>
    %eq3A_2633 = arith.cmpi eq, %iota3A, %eq3A_2632 : vector<16xi32>
    %eq3A_2634 = arith.constant 3 : i32
    %eq3A_2635 = vector.broadcast %eq3A_2634 : i32 to vector<16xi32>
    %eq3A_2636 = arith.cmpi eq, %iota3A, %eq3A_2635 : vector<16xi32>
    %eq3A_2637 = arith.constant 4 : i32
    %eq3A_2638 = vector.broadcast %eq3A_2637 : i32 to vector<16xi32>
    %eq3A_2639 = arith.cmpi eq, %iota3A, %eq3A_2638 : vector<16xi32>
    %jit3A = arith.constant 0.000000e+00 : f32
    %broadcast_in_dim3A_2640 = vector.broadcast %reduce_sum3A_2625 : f32 to vector<16xf32>
    %broadcast_in_dim3A_2641 = vector.broadcast %jit3A : f32 to vector<16xf32>
    %select_n3A = arith.select %eq3A_2639, %broadcast_in_dim3A_2640, %broadcast_in_dim3A_2641 : vector<16xi1>, vector<16xf32>
    %broadcast_in_dim3A_2642 = vector.broadcast %reduce_sum3A_2621 : f32 to vector<16xf32>
    %select_n3A_2643 = arith.select %eq3A_2636, %broadcast_in_dim3A_2642, %select_n3A : vector<16xi1>, vector<16xf32>
    %broadcast_in_dim3A_2644 = vector.broadcast %reduce_sum3A_2617 : f32 to vector<16xf32>
    %select_n3A_2645 = arith.select %eq3A_2633, %broadcast_in_dim3A_2644, %select_n3A_2643 : vector<16xi1>, vector<16xf32>
    %broadcast_in_dim3A_2646 = vector.broadcast %reduce_sum3A_2613 : f32 to vector<16xf32>
    %select_n3A_2647 = arith.select %eq3A_2630, %broadcast_in_dim3A_2646, %select_n3A_2645 : vector<16xi1>, vector<16xf32>
    %broadcast_in_dim3A_2648 = vector.broadcast %reduce_sum3A_2609 : f32 to vector<16xf32>
    %select_n3A_2649 = arith.select %eq3A_2627, %broadcast_in_dim3A_2648, %select_n3A_2647 : vector<16xi1>, vector<16xf32>
    %swap3A_2650 = arith.constant 0 : index
    %swap3A_2651 = tpu.vector_load %arg11[%swap3A_2650] {strides = array<i32>} : memref<16xf32, #tpu.memory_space<vmem>>, vector<16xf32>,
    tpu.vector_store %arg11[%swap3A_2650], %select_n3A_2649 {strides = array<i32>} : memref<16xf32, #tpu.memory_space<vmem>>, vector<16xf32>,
    "tpu.region"() ({
      %run_scoped3A = tpu.sem_alloc : memref<!tpu.dma_semaphore, #tpu.memory_space<semaphore_mem>>
      %dma_start3A_2652 = arith.constant 0 : i32
      %dma_start3A_2653 = tpu.memref_slice %arg5[%add3A, %dma_start3A_2652] : memref<32x16xf32, #tpu.memory_space<hbm>> -> memref<1x16xf32, #tpu.memory_space<hbm>>
      %dma_start3A_2654 = tpu.memref_squeeze %dma_start3A_2653 : memref<1x16xf32, #tpu.memory_space<hbm>> -> memref<16xf32, #tpu.memory_space<hbm>>
      %dma_start3A_2655 = arith.constant 0 : i32
      %dma_start3A_2656 = tpu.memref_slice %arg5[%add3A, %dma_start3A_2655] : memref<32x16xf32, #tpu.memory_space<hbm>> -> memref<1x16xf32, #tpu.memory_space<hbm>>
      %dma_start3A_2657 = tpu.memref_squeeze %dma_start3A_2656 : memref<1x16xf32, #tpu.memory_space<hbm>> -> memref<16xf32, #tpu.memory_space<hbm>>
      tpu.enqueue_dma source(%arg11 : memref<16xf32, #tpu.memory_space<vmem>>) target(%dma_start3A_2657 : memref<16xf32, #tpu.memory_space<hbm>>) target_semaphore(%run_scoped3A : memref<!tpu.dma_semaphore, #tpu.memory_space<semaphore_mem>>)
      %dma_wait3A_2658 = arith.constant 0 : i32
      %dma_wait3A_2659 = tpu.memref_slice %arg5[%add3A, %dma_wait3A_2658] : memref<32x16xf32, #tpu.memory_space<hbm>> -> memref<1x16xf32, #tpu.memory_space<hbm>>
      %dma_wait3A_2660 = tpu.memref_squeeze %dma_wait3A_2659 : memref<1x16xf32, #tpu.memory_space<hbm>> -> memref<16xf32, #tpu.memory_space<hbm>>
      %dma_wait3A_2661 = arith.constant 0 : i32
      %dma_wait3A_2662 = tpu.memref_slice %arg5[%add3A, %dma_wait3A_2661] : memref<32x16xf32, #tpu.memory_space<hbm>> -> memref<1x16xf32, #tpu.memory_space<hbm>>
      %dma_wait3A_2663 = tpu.memref_squeeze %dma_wait3A_2662 : memref<1x16xf32, #tpu.memory_space<hbm>> -> memref<16xf32, #tpu.memory_space<hbm>>
      tpu.wait_dma2 semaphore(%run_scoped3A : memref<!tpu.dma_semaphore, #tpu.memory_space<semaphore_mem>>) src(%arg11 : memref<16xf32, #tpu.memory_space<vmem>>) dst(%dma_wait3A_2663 : memref<16xf32, #tpu.memory_space<hbm>>)
      tpu.yield
    }) : () -> ()
    return
  }
}

</mosaic_0001>

<sc_bundles>
// kernel: kernel.3.cloned.1.call-start
scs
__scs_entry_jumppad:
0x0: {  	(pc) =	sbr.rel $0x88, $3  }
0x1: {  	(tag) =	ssettag $0x0;
	lr =	simm.s32 $0x1  }
0x2: {  	[smem:$0x3F9E] =	sst lr;
	_ =	strace $0xD0000000  }
0x3: {  	_ = 	snop  }
0x4: {  	_ = 	snop  }
0x5: {  	_ = 	snop  }
0x6: {  	_ = 	snop  }
0x7: {  	_ = 	snop  }
__scs_overlays_trampoline_lowered:
0x8: {  	[smem:$0x3FAD] =	sst s0  }
0x9: {  	[smem:$0x3FAE] =	sst s1  }
0xa: {  	[smem:$0x3FAF] =	sst s2  }
0xb: {  	[smem:$0x3FB0] =	sst s3  }
0xc: {  	[smem:$0x3FB1] =	sst s4  }
0xd: {  	[smem:$0x3FB2] =	sst s5  }
0xe: {  	[smem:$0x3FB3] =	sst s6  }
0xf: {  	[smem:$0x3FB4] =	sst s7  }
0x10: {  	[smem:$0x3FB5] =	sst s8  }
0x11: {  	[smem:$0x3FB6] =	sst s9;
	s0 =	simm.s32 @!p0 $0x0  }
0x12: {  	s1 =	sld [smem:$0x3F9C];
	s0 =	simm.s32 @p0 $0x1  }
0x13: {  	[smem:$0x3FB7] =	sst s0;
	s0 =	simm.s32 @!p1 $0x0  }
0x14: {  	s2 =	sld [smem:$0x3F9B];
	s0 =	simm.s32 @p1 $0x1  }
0x15: {  	[smem:$0x3FB8] =	sst s0;
	s0 =	simm.s32 @!p2 $0x0  }
0x16: {  	s3 =	sld [smem:$0x3FDB];
	s0 =	simm.s32 @p2 $0x1  }
0x17: {  	s4 =	simm.s32 $0x1BF5;
	[smem:$0x3FBA] =	sst s0  }
0x18: {  	s0 =	sld [smem:$0x3F9D];
	_ =	swait.ge [sflag:s4], $0x0  }
0x19: {  	s7 =	sld [smem:$0x3F9E]  }
0x1a: {  	s8 =	sadd.s32 $0xFFFFE003, lr  }
0x1b: {  	s9 =	sadd.s32 $0xFFFFFEF7, lr;
	s5 =	simm.s32 $0xFFFFFFFF;
	p2 =	slt.u32 s8, $0xFFFFF086  }
0x1c: {  	p1 =	slt.u32 s9, $0xF7A;
	s5 =	simm.s32 @!p2 $0x0  }
0x1d: {  	s5 =	simm.s32 @p1 $0x1;
	p0 =	seq.s32 s7, s2  }
0x1e: {  	s7 =	smul.u32 @!p0 $0xF7A, s2;
	p2 =	seq.s32 @!p0 s5, $0x0  }
0x1f: {  	s9 =	smul.u32 $0xF7A, s1;
	s8 =	simm.s32 @!p0 $0x1BF5;
	p2 =	por !p2, p0  }
0x20: {  	[sflag:s8] =	ssyncset.s32 @!p0 $0xFFFFF086;
	s6 =	sadd.s32 @!p0 s3, s7;
	s7 =	simm.s32 @!p0 $0x108  }
0x21: {  	s3 =	sadd.s32 s3, s9;
	s6 =	sadd.s32 @!p0 $0x88, s6;
	s7 =	simm.s32 @p2 $0x1082  }
0x22: {  	[simem:s7], [sflag:s8] =	dma.local @!p0 [hbm:s6], $0xF7A  }
0x23: {  	s9 =	sor.u32 $0xD0000000, s2;
	s6 =	simm.s32 $0x108;
	_ =	swait.ge @!p0 [sflag:s8], $0x0  }
0x24: {  	s3 =	sadd.s32 $0x88, s3;
	s6 =	simm.s32 @!p1 $0x1082;
	[sflag:s4] =	ssyncset.s32 $0xFFFFF086  }
0x25: {  	[simem:s6], [sflag:s4] =	dma.local [hbm:s3], $0xF7A  }
0x26: {  	[smem:$0x3F9E] =	sst s1;
	(tag) =	ssettag s2;
	_ =	strace s9  }
0x27: {  	s1 =	sld [smem:$0x3FAE]  }
0x28: {  	s2 =	sld [smem:$0x3FAF]  }
0x29: {  	s4 =	sld [smem:$0x3FB1]  }
0x2a: {  	p0 =	seq.s32 s5, $0x0;
	s5 =	sld [smem:$0x3FB2]  }
0x2b: {  	s6 =	sld [smem:$0x3FB3]  }
0x2c: {  	s7 =	sld [smem:$0x3FB4]  }
0x2d: {  	s3 =	simm.s32 $0x108;
	s8 =	sld [smem:$0x3FB5]  }
0x2e: {  	s3 =	simm.s32 @!p0 $0x1082;
	s9 =	sld [smem:$0x3FB6]  }
0x2f: {  	lr =	sadd.s32 s0, s3;
	s0 =	sld [smem:$0x3FAD]  }
0x30: {  	s3 =	sld [smem:$0x3FB0]  }
0x31: {  	[smem:$0x3FB9] =	sst s10  }
0x32: {  	s10 =	sld [smem:$0x3FB7];
	_ =	sdelay $0x3  }
0x33: {  	p0 =	seq.s32 s10, $0x1;
	s10 =	sld [smem:$0x3FB9];
	_ =	sdelay $0x3  }
0x34: {  	[smem:$0x3FB9] =	sst s10  }
0x35: {  	s10 =	sld [smem:$0x3FB8];
	_ =	sdelay $0x3  }
0x36: {  	p1 =	seq.s32 s10, $0x1;
	s10 =	sld [smem:$0x3FB9];
	_ =	sdelay $0x3  }
0x37: {  	[smem:$0x3FB9] =	sst s10  }
0x38: {  	s10 =	sld [smem:$0x3FBA]  }
0x39: {  	_ = 	snop;
	(pc) =	sbr.ind lr, $3  }
0x3a: {  	_ = 	snop  }
0x3b: {  	_ = 	snop  }
0x3c: {  	p2 =	seq.s32 s10, $0x1;
	s10 =	sld [smem:$0x3FB9]  }
0x3d: {  	_ =	shalt  }
0x3e: {  	_ =	shalt  }
0x3f: {  	_ =	shalt  }
0x40: {  	_ =	shalt  }
0x41: {  	_ =	shalt  }
0x42: {  	_ =	shalt  }
0x43: {  	_ =	shalt  }
0x44: {  	_ =	shalt  }
0x45: {  	_ =	shalt  }
0x46: {  	_ =	shalt  }
0x47: {  	_ =	shalt  }
0x48: {  	_ =	shalt  }
0x49: {  	_ =	shalt  }
0x4a: {  	_ =	shalt  }
0x4b: {  	_ =	shalt  }
0x4c: {  	_ =	shalt  }
0x4d: {  	_ =	shalt  }
0x4e: {  	_ =	shalt  }
0x4f: {  	_ =	shalt  }
0x50: {  	_ =	shalt  }
0x51: {  	_ =	shalt  }
0x52: {  	_ =	shalt  }
0x53: {  	_ =	shalt  }
0x54: {  	_ =	shalt  }
0x55: {  	_ =	shalt  }
0x56: {  	_ =	shalt  }
0x57: {  	_ =	shalt  }
0x58: {  	_ =	shalt  }
0x59: {  	_ =	shalt  }
0x5a: {  	_ =	shalt  }
0x5b: {  	_ =	shalt  }
0x5c: {  	_ =	shalt  }
0x5d: {  	_ =	shalt  }
0x5e: {  	_ =	shalt  }
0x5f: {  	_ =	shalt  }
0x60: {  	_ =	shalt  }
0x61: {  	_ =	shalt  }
0x62: {  	_ =	shalt  }
0x63: {  	_ =	shalt  }
0x64: {  	_ =	shalt  }
0x65: {  	_ =	shalt  }
0x66: {  	_ =	shalt  }
0x67: {  	_ =	shalt  }
0x68: {  	_ =	shalt  }
0x69: {  	_ =	shalt  }
0x6a: {  	_ =	shalt  }
0x6b: {  	_ =	shalt  }
0x6c: {  	_ =	shalt  }
0x6d: {  	_ =	shalt  }
0x6e: {  	_ =	shalt  }
0x6f: {  	_ =	shalt  }
0x70: {  	_ =	shalt  }
0x71: {  	_ =	shalt  }
0x72: {  	_ =	shalt  }
0x73: {  	_ =	shalt  }
0x74: {  	_ =	shalt  }
0x75: {  	_ =	shalt  }
0x76: {  	_ =	shalt  }
0x77: {  	_ =	shalt  }
0x78: {  	_ =	shalt  }
0x79: {  	_ =	shalt  }
0x7a: {  	_ =	shalt  }
0x7b: {  	_ =	shalt  }
0x7c: {  	_ =	shalt  }
0x7d: {  	_ =	shalt  }
0x7e: {  	_ =	shalt  }
0x7f: {  	_ =	shalt  }
0x80: {  	_ =	shalt  }
0x81: {  	_ =	shalt  }
0x82: {  	_ =	shalt  }
0x83: {  	_ =	shalt  }
0x84: {  	_ =	shalt  }
0x85: {  	_ =	shalt  }
0x86: {  	_ =	shalt  }
0x87: {  	_ =	shalt  }
.Lfunc_end0:
.L_simem_size_0:
called_computation_lowered:
.L_overlay_start_0:
0x88: {  	s2 =	sld [smem:$0x3FD9]  }
0x89: {  	s3 =	sld [smem:$0x3FFE];
	_ =	sdelay $0x1  }
0x8a: {  	s1 =	srdreg.scid  }
0x8b: {  	s0 =	sand.u32 $0x1, s1  }
0x8c: {  	s16 =	sshll.u32 s0, $0xA;
	s2 =	sadd.s32 s3, s2  }
0x8d: {  	s2 =	sadd.s32 s2, s16  }
0x8e: {  	[smem:$0x3FC5] =	sst s2  }
0x8f: {  	_ = 	snop  }
0x90: {  	(tm) =	ssettm $0x1  }
0x91: {  	s17 =	sld [smem:$0x3FFB];
	_ =	sdelay $0x3  }
0x92: {  	_ =	strace s17  }
0x93: {  	s2 =	sld [smem:$0x3FFC];
	_ =	sdelay $0x3  }
0x94: {  	_ =	strace s2  }
0x95: {  	s2 =	sld [smem:$0x3FFD];
	_ =	sdelay $0x3  }
0x96: {  	_ =	strace s2  }
0x97: {  	_ =	strace $0x8FFFFFFF  }
0x98: {  	s18 =	sld [smem:$0x3FDB];
	_ =	sdelay $0x1  }
0x99: {  	s19 =	simm.s32 $_scs_section_size  }
0x9a: {  	s4 =	simm.s32 $_size__tile_overlayer_lowered;
	s5 =	simm.s32 $_tile_overlayer_lowered  }
0x9b: {  	s22 =	simm.s32 $0x1BFF;
	s21 =	sshll.u32 s5, $0x1;
	s2 =	sadd.s32 s19, s18  }
0x9c: {  	s6 =	simm.s32 $0x0;
	s20 =	sshll.u32 s4, $0x1;
	s4 =	sadd.s32 s21, s2  }
0x9d: {  	[timem:s6], [sflag:s22] =	dma.local [hbm:s4], s20  }
0x9e: {  	_ =	swait.ge [sflag:s22], s20  }
0x9f: {  	s3 =	ssub.s32 $0x0, s20;
	[sflag:s22] =	ssyncset.done $0x0  }
0xa0: {  	[sflag:s22] =	ssyncadd.s32 s3;
	_ =	sdelay $0x1  }
0xa1: {  	s23 =	simm.s32 $0x1B8B  }
0xa2: {  	_ =	swait.ge [sflag:s23], $0x1  }
0xa3: {  	[sflag:s23] =	ssyncset.done $0x0  }
0xa4: {  	s25 =	simm.s32 $0x1B8E;
	s24 =	sld [smem:$0x3FFE];
	[sflag:s23] =	ssyncadd.s32 $0xFFFFFFFF  }
0xa5: {  	s26 =	simm.s32 $execute0_lowered;
	[smem:$0x3FD2] =	sst s25  }
0xa6: {  	s4 =	sshll.u32 s26, $0x1;
	_ =	strace $0x80000046;
	[dreg:$0x1] =	wrdreg $0xFFFFFFFF  }
0xa7: {  	s28 =	simm.s32 $_size_execute0_lowered;
	s2 =	sadd.s32 s2, s4;
	[dreg:$0x0] =	wrdreg $0x0  }
0xa8: {  	s4 =	sshll.u32 s28, $0x1;
	[dreg:$0x2] =	wrdreg s2  }
0xa9: {  	[dreg:$0x3] =	wrdreg s4  }
0xaa: {  	[dreg:$0x4] =	wrdreg $0xC0  }
0xab: {  	_ =	task [dreg:s6], $0x5FFFF  }
0xac: {  	[dreg:$0x1] =	wrdreg $0xFFFFFFFF  }
0xad: {  	[dreg:$0x0] =	wrdreg $0x60  }
0xae: {  	[dreg:$0x2] =	wrdreg s24  }
0xaf: {  	[dreg:$0x3] =	wrdreg $0x9  }
0xb0: {  	_ =	task.clear_ibuf [dreg:s6], $0x4FFFF;
	_ =	strace $0x90000046  }
0xb1: {  	s29 =	simm.s32 $0x9;
	_ =	strace $0x80000048  }
0xb2: {  	_ =	swait.ge [sflag:s29], $0x1  }
0xb3: {  	[sflag:s29] =	ssyncadd.s32 $0xFFFFFFFF  }
0xb4: {  	_ =	strace $0x90000048  }
0xb5: {  	_ =	sfence  }
0xb6: {  	s30 =	sld [smem:$0x0];
	_ =	sdelay $0x2  }
0xb7: {  	s31 =	sshll.u32 s1, $0xD;
	s1 =	sshrl.u32 s1, $0x2  }
0xb8: {  	s3 =	sand.u32 $0x4000, s31;
	s1 =	sadd.s32 s1, s30  }
0xb9: {  	s0 =	sor.u32 s3, s0;
	s1 =	sshll.u32 s1, $0x11  }
0xba: {  	s0 =	sor.u32 s1, s0  }
0xbb: {  	s0 =	sadd.s32 $0x8F2B, s0  }
0xbc: {  	[sflag:s0] =	ssyncadd.remote.s32 $0x1  }
0xbd: {  	_ =	sfence.sel $0xFFFF  }
0xbe: {  	[dreg:$0x0] =	wrdreg $0xFFFFFFFF;
	(pc) =	sbr.abs _section_cstart, $3  }
0xbf: {  	[dreg:$0x1] =	wrdreg $0xFFFFFFFF  }
0xc0: {  	_ =	task.clear_ibuf [dreg:s6], $0x2FFFF;
	_ =	strace $0x9FFFFFFF  }
0xc1: {  	(tm) =	ssettm $0x7FFFFFFF  }
tec
execute0_lowered:
.L_overlay_start_1:
0x0: {  	(tag) =	ssettag $0x1  }
0x1: {  	v7 =	vlaneseq.u32  }
0x2: {  	v0 =	vmul.u32 $0x3, v7;
	_ =	sdelay $0x1  }
0x3: {  	v1 =	vadd.s32 $0x2, v0  }
0x4: {  	[tilespmem:$0x1FE20] =	vst v1;
	v1 =	vadd.s32 $0x1, v0  }
0x5: {  	[tilespmem:$0x1FE30] =	vst v1;
	v1 =	vadd.s32 $0x30, v0  }
0x6: {  	[tilespmem:$0x1FE40] =	vst v1;
	v1 =	vadd.s32 $0x32, v0  }
0x7: {  	[tilespmem:$0x1FE50] =	vst v1;
	v1 =	vadd.s32 $0x31, v0  }
0x8: {  	[tilespmem:$0x1FE60] =	vst v1;
	v1 =	vadd.s32 $0x60, v0  }
0x9: {  	[tilespmem:$0x1FE70] =	vst v1;
	v1 =	vadd.s32 $0x62, v0  }
0xa: {  	[tilespmem:$0x1FE80] =	vst v1;
	v1 =	vadd.s32 $0x61, v0  }
0xb: {  	[tilespmem:$0x1FE90] =	vst v1;
	v1 =	vadd.s32 $0x90, v0  }
0xc: {  	v7 =	vmul.u32 $0x80, v7;
	[tilespmem:$0x1FEA0] =	vst v1;
	v1 =	vadd.s32 $0x92, v0  }
0xd: {  	[tilespmem:$0x1FEB0] =	vst v1;
	v1 =	vadd.s32 $0x91, v0  }
0xe: {  	[tilespmem:$0x1FEC0] =	vst v1;
	v1 =	vor.u32 $0x2000, v7  }
0xf: {  	[tilespmem:$0x1FED0] =	vst v1;
	v1 =	vor.u32 $0x3000, v7  }
0x10: {  	vm0 =	vcmask $0x1310;
	[tilespmem:$0x1FEE0] =	vst v1;
	v1 =	vor.u32 $0x2001, v7  }
0x11: {  	vm1 =	vcmask $0x3F10;
	vm2 =	vcmask $0x3F0C;
	[tilespmem:$0x1FEF0] =	vst v1;
	v1 =	vor.u32 $0x3001, v7  }
0x12: {  	vm3 =	vcmask $0x3F08;
	vm4 =	vcmask $0x3F04;
	[tilespmem:$0x1FF00] =	vst v1;
	v1 =	vor.u32 $0x2002, v7  }
0x13: {  	v13 =	vor.u32 $0x1000, v7;
	v16 =	vor.u32 $0x1, v7;
	[tilespmem:$0x1FF10] =	vst v1;
	v1 =	vor.u32 $0x3002, v7  }
0x14: {  	v17 =	vor.u32 $0x1001, v7;
	v20 =	vor.u32 $0x2, v7;
	[tilespmem:$0x1FF20] =	vst v1;
	v1 =	vor.u32 $0x2003, v7  }
0x15: {  	v21 =	vor.u32 $0x1002, v7;
	v24 =	vor.u32 $0x3, v7;
	[tilespmem:$0x1FF30] =	vst v1;
	v1 =	vor.u32 $0x3003, v7  }
0x16: {  	s1 =	srdreg.scid;
	s0 =	stileid.u32;
	v25 =	vor.u32 $0x1003, v7;
	v28 =	vor.u32 $0x4, v7;
	[tilespmem:$0x1FF40] =	vst v1;
	v1 =	vor.u32 $0x2004, v7  }
0x17: {  	s5 =	rddreg [dreg:$0x0];
	s2 =	simm.s32 $0x0;
	s10 =	simm.s32 $0x1;
	v29 =	vor.u32 $0x1004, v7;
	v32 =	vor.u32 $0x5, v7;
	[tilespmem:$0x1FF50] =	vst v1;
	v1 =	vor.u32 $0x3004, v7  }
0x18: {  	s11 =	simm.s32 $0x80;
	s12 =	simm.s32 $0x100;
	s13 =	simm.s32 $0x200;
	v33 =	vor.u32 $0x1005, v7;
	v36 =	vor.u32 $0x6, v7;
	[tilespmem:$0x1FF60] =	vst v1;
	v1 =	vor.u32 $0x2005, v7  }
0x19: {  	s14 =	simm.s32 $0x40;
	s15 =	simm.s32 $0x180;
	s16 =	simm.s32 $0x4200;
	v37 =	vor.u32 $0x1006, v7;
	v40 =	vor.u32 $0x7, v7;
	[tilespmem:$0x1FF70] =	vst v1;
	v1 =	vor.u32 $0x3005, v7  }
0x1a: {  	s17 =	simm.s32 $0x2;
	s18 =	simm.s32 $0x6200;
	s19 =	simm.s32 $0x3;
	v41 =	vor.u32 $0x1007, v7;
	v44 =	vor.u32 $0x8, v7;
	[tilespmem:$0x1FF80] =	vst v1;
	v1 =	vor.u32 $0x2006, v7  }
0x1b: {  	s3 =	sand.u32 $0x1, s1;
	s31 =	sshll.u32 s0, $0x1;
	s1 =	rddreg [dreg:$0x1];
	v45 =	vor.u32 $0x1008, v7;
	v48 =	vor.u32 $0x9, v7;
	[tilespmem:$0x1FF90] =	vst v1;
	v1 =	vor.u32 $0x3006, v7  }
0x1c: {  	[smem:$0x7FF] =	sst s2;
	s4 =	sor.u32 s3, s31;
	s7 =	ssub.s32 $0x2, s3;
	v49 =	vor.u32 $0x1009, v7;
	v51 =	vor.u32 $0x3009, v7;
	[tilespmem:$0x1FFA0] =	vst v1;
	v1 =	vor.u32 $0x2007, v7  }
0x1d: {  	s3 =	sadd.s32 $0x600, s5;
	s6 =	smul.u32 $0x60, s4;
	s8 =	sshll.u32 s4, $0x4;
	v52 =	vor.u32 $0xA, v7;
	v53 =	vor.u32 $0x100A, v7;
	[tilespmem:$0x1FFB0] =	vst v1;
	v1 =	vor.u32 $0x3007, v7  }
0x1e: {  	s9 =	sshrl.u32 s7, $0x1;
	s4 =	sadd.s32 $0x27800, s5;
	v54 =	vor.u32 $0x200A, v7;
	v55 =	vor.u32 $0x300A, v7;
	s8 =	sadd.s32 s8, s5;
	[tilespmem:$0x1FFC0] =	vst v1;
	v1 =	vor.u32 $0x2008, v7  }
0x1f: {  	v56 =	vor.u32 $0xB, v7;
	v57 =	vor.u32 $0x100B, v7;
	s9 =	ssub.s32 s7, s9;
	s6 =	sshrl.u32 s6, $0x3;
	_ =	strace $0x80000047;
	[tilespmem:$0x1FFD0] =	vst v1;
	v1 =	vor.u32 $0x3008, v7  }
0x20: {  	v58 =	vor.u32 $0x200B, v7;
	v59 =	vor.u32 $0x300B, v7;
	s7 =	sadd.s32 $0x4EE00, s8;
	s8 =	smax.u32 s9, $0x1;
	s6 =	sadd.s32 s6, s5;
	[tilespmem:$0x1FFE0] =	vst v1;
	v1 =	vor.u32 $0x2009, v7  }
0x21: {  	v60 =	vor.u32 $0xC, v7;
	v61 =	vor.u32 $0x100C, v7;
	v62 =	vor.u32 $0x200C, v7;
	s9 =	simm.s32 $0x60;
	s5 =	sadd.s32 $0x4EA00, s6;
	s6 =	sadd.s32 $0x4EB80, s6;
	[tilespmem:$0x1FFF0] =	vst v1  }
.LBB2_1:
0x22: {  	[tilespmem:s2], [sflag:$0x1] =	stream.linear.gather [hbm4b:s5+s2], $0x60, $0x38;
	[tilespmem:$0x6280] =	vst v63  }
0x23: {  	_ = 	snop  }
0x24: {  	[tilespmem:s9], [sflag:$0x1] =	stream.linear.gather [hbm4b:s6+s2], $0x60, $0x38;
	[tilespmem:$0x6280] =	vst v63  }
0x25: {  	_ =	swait.ge [sflag:s10], $0x60  }
0x26: {  	[sflag:s10] =	ssyncset.done $0x0  }
0x27: {  	[sflag:s10] =	ssyncadd.s32 $0xFFFFFFA0  }
0x28: {  	_ =	swait.ge [sflag:s10], $0x60  }
0x29: {  	[sflag:s10] =	ssyncset.done $0x0;
	v1 =	vld [tilespmem:$0x1FE20]  }
0x2a: {  	[sflag:s10] =	ssyncadd.s32 $0xFFFFFFA0  }
0x2b: {  	v63 =	vld.idx.msk [tilespmem:v0+s2+$0x0], $0xffff;
	_ =	sdelay $0x4  }
0x2c: {  	[tilespmem:$0x100] =	vst v63  }
0x2d: {  	v63 =	vld.idx.msk [tilespmem:v1+s2+$0x0], $0xffff  }
0x2e: {  	v1 =	vld [tilespmem:$0x1FE30];
	_ =	sdelay $0x6  }
0x2f: {  	[tilespmem:$0x140] =	vst v63  }
0x30: {  	v63 =	vld.idx.msk [tilespmem:v1+s2+$0x0], $0xffff  }
0x31: {  	v1 =	vld [tilespmem:$0x1FE40];
	_ =	sdelay $0x6  }
0x32: {  	[tilespmem:$0x180] =	vst v63  }
0x33: {  	v63 =	vld.idx.msk [tilespmem:v1+s2+$0x0], $0xffff  }
0x34: {  	v1 =	vld [tilespmem:$0x1FE50];
	_ =	sdelay $0x6  }
0x35: {  	[tilespmem:$0x110] =	vst v63  }
0x36: {  	v63 =	vld.idx.msk [tilespmem:v1+s2+$0x0], $0xffff  }
0x37: {  	v1 =	vld [tilespmem:$0x1FE60];
	_ =	sdelay $0x6  }
0x38: {  	[tilespmem:$0x150] =	vst v63  }
0x39: {  	v63 =	vld.idx.msk [tilespmem:v1+s2+$0x0], $0xffff  }
0x3a: {  	v1 =	vld [tilespmem:$0x1FE70];
	_ =	sdelay $0x6  }
0x3b: {  	[tilespmem:$0x190] =	vst v63  }
0x3c: {  	v63 =	vld.idx.msk [tilespmem:v1+s2+$0x0], $0xffff  }
0x3d: {  	v1 =	vld [tilespmem:$0x1FE80];
	_ =	sdelay $0x6  }
0x3e: {  	[tilespmem:$0x120] =	vst v63  }
0x3f: {  	v63 =	vld.idx.msk [tilespmem:v1+s2+$0x0], $0xffff  }
0x40: {  	v1 =	vld [tilespmem:$0x1FE90];
	_ =	sdelay $0x6  }
0x41: {  	[tilespmem:$0x160] =	vst v63  }
0x42: {  	v63 =	vld.idx.msk [tilespmem:v1+s2+$0x0], $0xffff  }
0x43: {  	v1 =	vld [tilespmem:$0x1FEA0];
	_ =	sdelay $0x6  }
0x44: {  	[tilespmem:$0x1A0] =	vst v63  }
0x45: {  	v63 =	vld.idx.msk [tilespmem:v1+s2+$0x0], $0xffff  }
0x46: {  	v1 =	vld [tilespmem:$0x1FEB0];
	_ =	sdelay $0x6  }
0x47: {  	[tilespmem:$0x130] =	vst v63  }
0x48: {  	v63 =	vld.idx.msk [tilespmem:v1+s2+$0x0], $0xffff  }
0x49: {  	v1 =	vld [tilespmem:$0x1FEC0];
	_ =	sdelay $0x6  }
0x4a: {  	[tilespmem:$0x170] =	vst v63  }
0x4b: {  	v63 =	vld.idx.msk [tilespmem:v1+s2+$0x0], $0xffff;
	_ =	sdelay $0x4  }
0x4c: {  	[tilespmem:$0x1B0] =	vst v63  }
0x4d: {  	[tilespmem:s13], [sflag:$0x2] =	stream.indirect.gather [hbm4b:s3+s11], $0x80, s12, s11, $0xb8;
	[tilespmem:$0x6280] =	vst v63  }
0x4e: {  	_ = 	snop  }
0x4f: {  	[tilespmem:s16], [sflag:$0x2] =	stream.indirect.gather [hbm4b:s4+s14], $0x80, s15, s14, $0xb8;
	[tilespmem:$0x6280] =	vst v63  }
0x50: {  	_ =	swait.ge [sflag:s17], $0x4000  }
0x51: {  	[sflag:s17] =	ssyncset.done $0x0  }
0x52: {  	[sflag:s17] =	ssyncadd.s32 $0xFFFFC000  }
0x53: {  	_ =	swait.ge [sflag:s17], $0x2000  }
0x54: {  	v2 =	vld [tilespmem:$0x1FED0]  }
0x55: {  	v5 =	vld [tilespmem:$0x1FEE0]  }
0x56: {  	v14 =	vld [tilespmem:$0x1FEF0]  }
0x57: {  	[sflag:s17] =	ssyncset.done $0x0;
	v15 =	vld [tilespmem:$0x1FF00]  }
0x58: {  	v34 =	vld [tilespmem:$0x1FF10];
	[sflag:s17] =	ssyncadd.s32 $0xFFFFE000  }
0x59: {  	v38 =	vld.idx.msk [tilespmem:v7+s13+$0x0], $0xffff  }
0x5a: {  	v1 =	vld.idx.msk [tilespmem:v13+s13+$0x0], $0xffff  }
0x5b: {  	v3 =	vld.idx.msk [tilespmem:v7+s16+$0x0], $0xffff  }
0x5c: {  	v4 =	vld.idx.msk [tilespmem:v13+s16+$0x0], $0xffff  }
0x5d: {  	v2 =	vld.idx.msk [tilespmem:v2+s13+$0x0], $0xffff  }
0x5e: {  	v5 =	vld.idx.msk [tilespmem:v5+s13+$0x0], $0xffff  }
0x5f: {  	v6 =	vld.idx.msk [tilespmem:v16+s13+$0x0], $0xffff  }
0x60: {  	v8 =	vld.idx.msk [tilespmem:v17+s13+$0x0], $0xffff;
	v10 =	vadd.f32 v3, v38  }
0x61: {  	v9 =	vld.idx.msk [tilespmem:v16+s16+$0x0], $0xffff;
	v11 =	vadd.f32 v4, v1  }
0x62: {  	v12 =	vld.idx.msk [tilespmem:v17+s16+$0x0], $0xffff;
	v10 =	vsub.f32 v10, v2  }
0x63: {  	v23 =	vld.idx.msk [tilespmem:v20+s13+$0x0], $0xffff;
	v11 =	vsub.f32 v11, v5;
	v2 =	vmul.f32 v2, v2;
	v5 =	vmul.f32 v5, v5  }
0x64: {  	v14 =	vld.idx.msk [tilespmem:v14+s13+$0x0], $0xffff  }
0x65: {  	v39 =	vmul.f32 v38, v38;
	v1 =	vmul.f32 v1, v1;
	v2 =	vadd.f32 v5, v2;
	v5 =	vld [tilespmem:$0x1FF20]  }
0x66: {  	v3 =	vmul.f32 v3, v3;
	v4 =	vmul.f32 v4, v4;
	v15 =	vld.idx.msk [tilespmem:v15+s13+$0x0], $0xffff  }
0x67: {  	v27 =	vld.idx.msk [tilespmem:v20+s16+$0x0], $0xffff  }
0x68: {  	v1 =	vadd.f32 v1, v39;
	v3 =	vadd.f32 v4, v3;
	v4 =	vmul.f32 v6, v6  }
0x69: {  	v22 =	vadd.f32 v9, v6;
	v42 =	vadd.f32 v12, v8;
	v46 =	vld.idx.msk [tilespmem:v34+s13+$0x0], $0xffff  }
0x6a: {  	v26 =	vld.idx.msk [tilespmem:v21+s13+$0x0], $0xffff;
	v1 =	vadd.f32 v4, v1  }
0x6b: {  	v31 =	vld.idx.msk [tilespmem:v21+s16+$0x0], $0xffff;
	v4 =	vmul.f32 v8, v8;
	v22 =	vsub.f32 v22, v14;
	v63 =	vsub.f32 v42, v15  }
0x6c: {  	v8 =	vadd.f32 v27, v23;
	v18 =	vmul.f32 v10, v10;
	v10 =	vmul.f32 v11, v10  }
0x6d: {  	v30 =	vmul.f32 v22, v22;
	v22 =	vmul.f32 v63, v22;
	v5 =	vld.idx.msk [tilespmem:v5+s13+$0x0], $0xffff  }
0x6e: {  	v1 =	vadd.f32 v4, v1;
	v4 =	vmul.f32 v14, v14;
	v8 =	vsub.f32 v8, v46  }
0x6f: {  	v10 =	vand.u32 $0x7FFFFFFF, v10;
	v6 =	vadd.f32 v30, v18;
	v18 =	vand.u32 $0x7FFFFFFF, v22  }
0x70: {  	v10 =	vadd.f32 v18, v10;
	v18 =	vadd.f32 v31, v26  }
0x71: {  	v2 =	vadd.f32 v4, v2;
	v4 =	vmul.f32 v15, v15;
	v15 =	vmul.f32 v8, v8  }
0x72: {  	v47 =	vmul.f32 v12, v12;
	v12 =	vsub.f32 v18, v5  }
0x73: {  	v2 =	vadd.f32 v4, v2;
	v4 =	vadd.f32 v15, v6;
	v6 =	vld [tilespmem:$0x1FF40]  }
0x74: {  	v50 =	vmul.f32 v12, v12;
	v8 =	vmul.f32 v12, v8;
	v12 =	vld [tilespmem:$0x1FF30];
	_ =	sdelay $0x1  }
0x75: {  	v19 =	vmul.f32 v11, v11;
	v43 =	vmul.f32 v63, v63  }
0x76: {  	v14 =	vld.idx.msk [tilespmem:v25+s13+$0x0], $0xffff  }
0x77: {  	v11 =	vadd.f32 v43, v19;
	v19 =	vld.idx.msk [tilespmem:v24+s13+$0x0], $0xffff  }
0x78: {  	v22 =	vld.idx.msk [tilespmem:v25+s16+$0x0], $0xffff  }
0x79: {  	v18 =	vld.idx.msk [tilespmem:v24+s16+$0x0], $0xffff  }
0x7a: {  	v6 =	vld.idx.msk [tilespmem:v6+s13+$0x0], $0xffff  }
0x7b: {  	v12 =	vld.idx.msk [tilespmem:v12+s13+$0x0], $0xffff  }
0x7c: {  	v34 =	vmul.f32 v23, v23  }
0x7d: {  	v15 =	vadd.f32 v22, v14  }
0x7e: {  	v38 =	vmul.f32 v27, v27;
	v1 =	vadd.f32 v34, v1;
	v35 =	vadd.f32 v18, v19  }
0x7f: {  	v26 =	vmul.f32 v26, v26;
	v8 =	vand.u32 $0x7FFFFFFF, v8;
	v15 =	vsub.f32 v15, v6  }
0x80: {  	v27 =	vmul.f32 v46, v46;
	v8 =	vadd.f32 v8, v10;
	v10 =	vsub.f32 v35, v12  }
0x81: {  	v43 =	vld [tilespmem:$0x1FF60];
	v1 =	vadd.f32 v26, v1;
	v26 =	vmul.f32 v15, v15  }
0x82: {  	v2 =	vadd.f32 v27, v2;
	v27 =	vmul.f32 v10, v10;
	v10 =	vmul.f32 v15, v10;
	v15 =	vld [tilespmem:$0x1FF50];
	_ =	sdelay $0x2  }
0x83: {  	v23 =	vld.idx.msk [tilespmem:v28+s13+$0x0], $0xffff  }
0x84: {  	v42 =	vld.idx.msk [tilespmem:v29+s16+$0x0], $0xffff;
	v5 =	vmul.f32 v5, v5  }
0x85: {  	v9 =	vmul.f32 v9, v9;
	v30 =	vld.idx.msk [tilespmem:v29+s13+$0x0], $0xffff  }
0x86: {  	v39 =	vmul.f32 v31, v31;
	v31 =	vld.idx.msk [tilespmem:v28+s16+$0x0], $0xffff;
	v2 =	vadd.f32 v5, v2;
	v5 =	vmul.f32 v19, v19  }
0x87: {  	v3 =	vadd.f32 v9, v3;
	v9 =	vadd.f32 v50, v11;
	v11 =	vld.idx.msk [tilespmem:v43+s13+$0x0], $0xffff  }
0x88: {  	v1 =	vadd.f32 v5, v1;
	v5 =	vmul.f32 v14, v14;
	v15 =	vld.idx.msk [tilespmem:v15+s13+$0x0], $0xffff  }
0x89: {  	v46 =	vmul.f32 v18, v18  }
0x8a: {  	v18 =	vadd.f32 v42, v30;
	v1 =	vadd.f32 v5, v1;
	v5 =	vmul.f32 v12, v12  }
0x8b: {  	v14 =	vadd.f32 v31, v23  }
0x8c: {  	v18 =	vsub.f32 v18, v11;
	v2 =	vadd.f32 v5, v2;
	v5 =	vmul.f32 v6, v6  }
0x8d: {  	v12 =	vsub.f32 v14, v15  }
0x8e: {  	v50 =	vmul.f32 v18, v18;
	v2 =	vadd.f32 v5, v2;
	v5 =	vld [tilespmem:$0x1FF80]  }
0x8f: {  	v6 =	vmul.f32 v12, v12;
	v12 =	vmul.f32 v18, v12;
	v18 =	vld [tilespmem:$0x1FF70];
	_ =	sdelay $0x2  }
0x90: {  	v3 =	vadd.f32 v47, v3;
	v47 =	vmul.f32 v22, v22;
	v22 =	vld.idx.msk [tilespmem:v32+s16+$0x0], $0xffff  }
0x91: {  	v9 =	vadd.f32 v26, v9;
	v26 =	vld.idx.msk [tilespmem:v33+s16+$0x0], $0xffff  }
0x92: {  	v14 =	vld.idx.msk [tilespmem:v33+s13+$0x0], $0xffff  }
0x93: {  	v19 =	vld.idx.msk [tilespmem:v32+s13+$0x0], $0xffff  }
0x94: {  	v3 =	vadd.f32 v38, v3;
	v5 =	vld.idx.msk [tilespmem:v5+s13+$0x0], $0xffff  }
0x95: {  	v18 =	vld.idx.msk [tilespmem:v18+s13+$0x0], $0xffff  }
0x96: {  	v3 =	vadd.f32 v39, v3;
	v35 =	vmul.f32 v23, v23  }
0x97: {  	v4 =	vadd.f32 v27, v4;
	v34 =	vand.u32 $0x7FFFFFFF, v12;
	v12 =	vadd.f32 v26, v14  }
0x98: {  	v38 =	vadd.f32 v22, v19;
	v1 =	vadd.f32 v35, v1  }
0x99: {  	v27 =	vmul.f32 v30, v30;
	v4 =	vadd.f32 v6, v4;
	v12 =	vsub.f32 v12, v5  }
0x9a: {  	v15 =	vmul.f32 v15, v15;
	v6 =	vadd.f32 v50, v9;
	v9 =	vsub.f32 v38, v18  }
0x9b: {  	v3 =	vadd.f32 v46, v3;
	v46 =	vld [tilespmem:$0x1FFA0];
	v1 =	vadd.f32 v27, v1;
	v27 =	vmul.f32 v12, v12  }
0x9c: {  	v2 =	vadd.f32 v15, v2;
	v15 =	vmul.f32 v9, v9;
	v9 =	vmul.f32 v12, v9;
	v12 =	vld [tilespmem:$0x1FF90];
	_ =	sdelay $0x2  }
0x9d: {  	v63 =	vld.idx.msk [tilespmem:v37+s16+$0x0], $0xffff  }
0x9e: {  	v39 =	vmul.f32 v31, v31;
	v31 =	vld.idx.msk [tilespmem:v36+s16+$0x0], $0xffff  }
0x9f: {  	v11 =	vmul.f32 v11, v11;
	v30 =	vld.idx.msk [tilespmem:v37+s13+$0x0], $0xffff  }
0xa0: {  	v23 =	vld.idx.msk [tilespmem:v36+s13+$0x0], $0xffff;
	v10 =	vand.u32 $0x7FFFFFFF, v10  }
0xa1: {  	v8 =	vadd.f32 v10, v8;
	v2 =	vadd.f32 v11, v2;
	v11 =	vld.idx.msk [tilespmem:v46+s13+$0x0], $0xffff  }
0xa2: {  	v12 =	vld.idx.msk [tilespmem:v12+s13+$0x0], $0xffff  }
0xa3: {  	v8 =	vadd.f32 v34, v8  }
0xa4: {  	v34 =	vmul.f32 v18, v18;
	v4 =	vadd.f32 v15, v4;
	v15 =	vadd.f32 v63, v30  }
0xa5: {  	v3 =	vadd.f32 v47, v3;
	v47 =	vmul.f32 v14, v14;
	v14 =	vadd.f32 v31, v23  }
0xa6: {  	v5 =	vmul.f32 v5, v5;
	v2 =	vadd.f32 v34, v2;
	v15 =	vsub.f32 v15, v11  }
0xa7: {  	v14 =	vsub.f32 v14, v12  }
0xa8: {  	v3 =	vadd.f32 v39, v3;
	v2 =	vadd.f32 v5, v2;
	v5 =	vld [tilespmem:$0x1FFC0];
	v39 =	vmul.f32 v15, v15  }
0xa9: {  	v38 =	vmul.f32 v14, v14;
	v14 =	vmul.f32 v15, v14;
	v15 =	vld [tilespmem:$0x1FFB0];
	_ =	sdelay $0x1  }
0xaa: {  	v43 =	vmul.f32 v19, v19;
	v19 =	vld.idx.msk [tilespmem:v40+s13+$0x0], $0xffff  }
0xab: {  	v50 =	vmul.f32 v22, v22;
	v22 =	vld.idx.msk [tilespmem:v40+s16+$0x0], $0xffff  }
0xac: {  	v35 =	vmul.f32 v26, v26;
	v26 =	vld.idx.msk [tilespmem:v41+s16+$0x0], $0xffff  }
0xad: {  	v42 =	vmul.f32 v42, v42;
	v18 =	vld.idx.msk [tilespmem:v41+s13+$0x0], $0xffff;
	_ =	sdelay $0x1  }
0xae: {  	v3 =	vadd.f32 v42, v3;
	v1 =	vadd.f32 v43, v1;
	v5 =	vld.idx.msk [tilespmem:v5+s13+$0x0], $0xffff  }
0xaf: {  	v15 =	vld.idx.msk [tilespmem:v15+s13+$0x0], $0xffff  }
0xb0: {  	v43 =	vmul.f32 v23, v23;
	v3 =	vadd.f32 v50, v3;
	v1 =	vadd.f32 v47, v1  }
0xb1: {  	v46 =	vadd.f32 v22, v19;
	v42 =	vand.u32 $0x7FFFFFFF, v14;
	v14 =	vadd.f32 v26, v18  }
0xb2: {  	v1 =	vadd.f32 v43, v1;
	v6 =	vadd.f32 v27, v6  }
0xb3: {  	v27 =	vmul.f32 v30, v30;
	v9 =	vand.u32 $0x7FFFFFFF, v9;
	v14 =	vsub.f32 v14, v5  }
0xb4: {  	v8 =	vadd.f32 v9, v8;
	v12 =	vmul.f32 v12, v12;
	v9 =	vsub.f32 v46, v15  }
0xb5: {  	v3 =	vadd.f32 v35, v3;
	v35 =	vld [tilespmem:$0x1FFE0];
	v1 =	vadd.f32 v27, v1;
	v27 =	vmul.f32 v14, v14  }
0xb6: {  	v2 =	vadd.f32 v12, v2;
	v12 =	vmul.f32 v9, v9;
	v9 =	vmul.f32 v14, v9;
	v14 =	vld [tilespmem:$0x1FFD0];
	_ =	sdelay $0x2  }
0xb7: {  	v23 =	vld.idx.msk [tilespmem:v44+s13+$0x0], $0xffff  }
0xb8: {  	v50 =	vmul.f32 v63, v63;
	v30 =	vld.idx.msk [tilespmem:v45+s13+$0x0], $0xffff  }
0xb9: {  	v47 =	vmul.f32 v31, v31;
	v63 =	vld.idx.msk [tilespmem:v45+s16+$0x0], $0xffff;
	v11 =	vmul.f32 v11, v11  }
0xba: {  	v31 =	vld.idx.msk [tilespmem:v44+s16+$0x0], $0xffff  }
0xbb: {  	v3 =	vadd.f32 v47, v3;
	v2 =	vadd.f32 v11, v2;
	v11 =	vld.idx.msk [tilespmem:v35+s13+$0x0], $0xffff  }
0xbc: {  	v14 =	vld.idx.msk [tilespmem:v14+s13+$0x0], $0xffff  }
0xbd: {  	v3 =	vadd.f32 v50, v3;
	v4 =	vadd.f32 v38, v4  }
0xbe: {  	v34 =	vmul.f32 v19, v19;
	v38 =	vmul.f32 v18, v18;
	v18 =	vadd.f32 v63, v30  }
0xbf: {  	v43 =	vmul.f32 v26, v26;
	v4 =	vadd.f32 v12, v4;
	v12 =	vadd.f32 v31, v23  }
0xc0: {  	v1 =	vadd.f32 v34, v1;
	v34 =	vmul.f32 v23, v23;
	v18 =	vsub.f32 v18, v11  }
0xc1: {  	v19 =	vld.idx.msk [tilespmem:v48+s13+$0x0], $0xffff;
	v6 =	vadd.f32 v39, v6;
	v39 =	vmul.f32 v22, v22;
	v12 =	vsub.f32 v12, v14  }
0xc2: {  	v22 =	vld.idx.msk [tilespmem:v48+s16+$0x0], $0xffff;
	v8 =	vadd.f32 v42, v8;
	v47 =	vmul.f32 v18, v18;
	v42 =	vmul.f32 v15, v15  }
0xc3: {  	v3 =	vadd.f32 v39, v3;
	v46 =	vmul.f32 v12, v12;
	v12 =	vmul.f32 v18, v12;
	v18 =	vld [tilespmem:$0x1FFF0]  }
0xc4: {  	v26 =	vld.idx.msk [tilespmem:v49+s16+$0x0], $0xffff;
	v1 =	vadd.f32 v38, v1;
	v5 =	vmul.f32 v5, v5;
	v2 =	vadd.f32 v42, v2  }
0xc5: {  	v39 =	vmul.f32 v63, v63;
	v3 =	vadd.f32 v43, v3;
	v63 =	vld.idx.msk [tilespmem:v53+s16+$0x0], $0xffff;
	v38 =	vmul.f32 v31, v31  }
0xc6: {  	v1 =	vadd.f32 v34, v1;
	v15 =	vld.idx.msk [tilespmem:v49+s13+$0x0], $0xffff;
	v2 =	vadd.f32 v5, v2;
	v14 =	vmul.f32 v14, v14  }
0xc7: {  	v3 =	vadd.f32 v38, v3;
	v6 =	vadd.f32 v27, v6;
	v27 =	vmul.f32 v30, v30;
	v30 =	vld.idx.msk [tilespmem:v53+s13+$0x0], $0xffff  }
0xc8: {  	v35 =	vadd.f32 v22, v19;
	v11 =	vmul.f32 v11, v11;
	v5 =	vld.idx.msk [tilespmem:v51+s13+$0x0], $0xffff;
	v2 =	vadd.f32 v14, v2  }
0xc9: {  	v3 =	vadd.f32 v39, v3;
	v1 =	vadd.f32 v27, v1  }
0xca: {  	v6 =	vadd.f32 v47, v6;
	v42 =	vmul.f32 v19, v19;
	v2 =	vadd.f32 v11, v2;
	v11 =	vld.idx.msk [tilespmem:v55+s13+$0x0], $0xffff  }
0xcb: {  	v9 =	vand.u32 $0x7FFFFFFF, v9;
	v50 =	vand.u32 $0x7FFFFFFF, v12;
	v12 =	vadd.f32 v26, v15;
	v18 =	vld.idx.msk [tilespmem:v18+s13+$0x0], $0xffff  }
0xcc: {  	v1 =	vadd.f32 v42, v1;
	v8 =	vadd.f32 v9, v8  }
0xcd: {  	v43 =	vmul.f32 v15, v15;
	v15 =	vadd.f32 v63, v30;
	v12 =	vsub.f32 v12, v5  }
0xce: {  	v23 =	vld.idx.msk [tilespmem:v52+s13+$0x0], $0xffff;
	v4 =	vadd.f32 v46, v4;
	v46 =	vmul.f32 v22, v22;
	v8 =	vadd.f32 v50, v8  }
0xcf: {  	v31 =	vld.idx.msk [tilespmem:v52+s16+$0x0], $0xffff;
	v50 =	vmul.f32 v26, v26;
	v27 =	vmul.f32 v12, v12;
	v15 =	vsub.f32 v15, v11  }
0xd0: {  	v22 =	vld.idx.msk [tilespmem:v56+s16+$0x0], $0xffff;
	v3 =	vadd.f32 v46, v3;
	v9 =	vsub.f32 v35, v18;
	v47 =	vmul.f32 v18, v18  }
0xd1: {  	v5 =	vmul.f32 v5, v5;
	v6 =	vadd.f32 v27, v6;
	v18 =	vld.idx.msk [tilespmem:v56+s13+$0x0], $0xffff;
	v35 =	vmul.f32 v15, v15  }
0xd2: {  	v14 =	vmul.f32 v9, v9;
	v9 =	vmul.f32 v12, v9;
	v12 =	vld.idx.msk [tilespmem:v54+s13+$0x0], $0xffff;
	v2 =	vadd.f32 v47, v2  }
0xd3: {  	v1 =	vadd.f32 v43, v1;
	v3 =	vadd.f32 v50, v3  }
0xd4: {  	v38 =	vld.idx.msk [tilespmem:v58+s13+$0x0], $0xffff;
	v6 =	vadd.f32 v35, v6;
	v2 =	vadd.f32 v5, v2;
	v5 =	vmul.f32 v23, v23  }
0xd5: {  	v4 =	vadd.f32 v14, v4;
	v9 =	vand.u32 $0x7FFFFFFF, v9;
	v14 =	vadd.f32 v31, v23  }
0xd6: {  	v8 =	vadd.f32 v9, v8;
	v1 =	vadd.f32 v5, v1;
	v5 =	vmul.f32 v30, v30  }
0xd7: {  	v42 =	vadd.f32 v22, v18;
	v14 =	vsub.f32 v14, v12  }
0xd8: {  	v19 =	vld.idx.msk [tilespmem:v57+s13+$0x0], $0xffff;
	v30 =	vor.u32 $0x300C, v7;
	v1 =	vadd.f32 v5, v1;
	v5 =	vmul.f32 v12, v12  }
0xd9: {  	v23 =	vld.idx.msk [tilespmem:v59+s13+$0x0], $0xffff;
	v9 =	vsub.f32 v42, v38;
	v34 =	vmul.f32 v14, v14;
	v14 =	vmul.f32 v15, v14  }
0xda: {  	v47 =	vor.u32 $0xD, v7;
	v15 =	vld.idx.msk [tilespmem:v57+s16+$0x0], $0xffff;
	v2 =	vadd.f32 v5, v2;
	v5 =	vmul.f32 v11, v11  }
0xdb: {  	v12 =	vld.idx.msk [tilespmem:v61+s13+$0x0], $0xffff;
	v43 =	vmul.f32 v9, v9;
	v4 =	vadd.f32 v34, v4;
	v39 =	vand.u32 $0x7FFFFFFF, v14  }
0xdc: {  	v14 =	vmul.f32 v31, v31;
	v31 =	vld.idx.msk [tilespmem:v61+s16+$0x0], $0xffff;
	v8 =	vadd.f32 v39, v8;
	v2 =	vadd.f32 v5, v2  }
0xdd: {  	v5 =	vmul.f32 v18, v18;
	v18 =	vld.idx.msk [tilespmem:v30+s13+$0x0], $0xffff;
	v30 =	vor.u32 $0x100D, v7;
	v39 =	vor.u32 $0x300D, v7  }
0xde: {  	v3 =	vadd.f32 v14, v3;
	v14 =	vmul.f32 v63, v63;
	v4 =	vadd.f32 v43, v4  }
0xdf: {  	v26 =	vadd.f32 v15, v19;
	v1 =	vadd.f32 v5, v1;
	v5 =	vmul.f32 v22, v22  }
0xe0: {  	v27 =	vld.idx.msk [tilespmem:v60+s13+$0x0], $0xffff;
	v22 =	vor.u32 $0x200D, v7;
	v19 =	vmul.f32 v19, v19;
	v3 =	vadd.f32 v14, v3  }
0xe1: {  	v15 =	vmul.f32 v15, v15;
	v14 =	vsub.f32 v26, v23;
	v26 =	vld.idx.msk [tilespmem:v60+s16+$0x0], $0xffff;
	v35 =	vadd.f32 v31, v12  }
0xe2: {  	v12 =	vmul.f32 v12, v12;
	v3 =	vadd.f32 v5, v3;
	v5 =	vmul.f32 v38, v38;
	v38 =	vld.idx.msk [tilespmem:v47+s13+$0x0], $0xffff  }
0xe3: {  	v1 =	vadd.f32 v19, v1;
	v46 =	vmul.f32 v14, v14;
	v9 =	vmul.f32 v14, v9;
	v14 =	vld.idx.msk [tilespmem:v62+s13+$0x0], $0xffff  }
0xe4: {  	v11 =	vsub.f32 v35, v18;
	v35 =	vld.idx.msk [tilespmem:v30+s13+$0x0], $0xffff;
	v2 =	vadd.f32 v5, v2;
	v5 =	vmul.f32 v23, v23  }
0xe5: {  	v23 =	vld.idx.msk [tilespmem:v47+s16+$0x0], $0xffff;
	v3 =	vadd.f32 v15, v3;
	v15 =	vmul.f32 v27, v27;
	v6 =	vadd.f32 v46, v6  }
0xe6: {  	v30 =	vld.idx.msk [tilespmem:v30+s16+$0x0], $0xffff;
	v9 =	vand.u32 $0x7FFFFFFF, v9;
	v46 =	vmul.f32 v31, v31;
	v50 =	vadd.f32 v26, v27  }
0xe7: {  	v42 =	vld.idx.msk [tilespmem:v22+s13+$0x0], $0xffff;
	v31 =	vor.u32 $0x300E, v7;
	v8 =	vadd.f32 v9, v8;
	v2 =	vadd.f32 v5, v2  }
0xe8: {  	v5 =	vmul.f32 v11, v11;
	v1 =	vadd.f32 v15, v1;
	v9 =	vsub.f32 v50, v14  }
0xe9: {  	v43 =	vmul.f32 v26, v26;
	v15 =	vor.u32 $0x100E, v7;
	v27 =	vor.u32 $0x200E, v7  }
0xea: {  	v22 =	vadd.f32 v23, v38;
	v19 =	vmul.f32 v9, v9;
	v9 =	vmul.f32 v11, v9  }
0xeb: {  	v10 =	vmul.f32 v38, v38;
	v5 =	vadd.f32 v5, v6;
	v26 =	vadd.f32 v30, v35  }
0xec: {  	v14 =	vmul.f32 v14, v14;
	v22 =	vsub.f32 v22, v42;
	v9 =	vand.u32 $0x7FFFFFFF, v9  }
0xed: {  	v4 =	vadd.f32 v19, v4;
	v19 =	vld.idx.msk [tilespmem:v39+s13+$0x0], $0xffff;
	v6 =	vadd.f32 v9, v8;
	v8 =	vor.u32 $0xE, v7  }
0xee: {  	v3 =	vadd.f32 v43, v3;
	v2 =	vadd.f32 v14, v2;
	v14 =	vmul.f32 v18, v18  }
0xef: {  	v1 =	vadd.f32 v12, v1;
	v38 =	vmul.f32 v23, v23;
	v63 =	vld.idx.msk [tilespmem:v15+s13+$0x0], $0xffff;
	v12 =	vmul.f32 v22, v22  }
0xf0: {  	v23 =	vor.u32 $0x100F, v7;
	v3 =	vadd.f32 v46, v3;
	v2 =	vadd.f32 v14, v2;
	v14 =	vld.idx.msk [tilespmem:v27+s13+$0x0], $0xffff  }
0xf1: {  	v1 =	vadd.f32 v10, v1;
	v11 =	vmul.f32 v42, v42;
	v4 =	vadd.f32 v12, v4;
	v12 =	vld.idx.msk [tilespmem:v15+s16+$0x0], $0xffff  }
0xf2: {  	v42 =	vmul.f32 v30, v30;
	v39 =	vmul.f32 v35, v35;
	v26 =	vsub.f32 v26, v19;
	v18 =	vld.idx.msk [tilespmem:v8+s13+$0x0], $0xffff  }
0xf3: {  	v3 =	vadd.f32 v38, v3;
	v27 =	vor.u32 $0x200F, v7;
	v15 =	vor.u32 $0xF, v7;
	v8 =	vld.idx.msk [tilespmem:v8+s16+$0x0], $0xffff  }
0xf4: {  	v38 =	vor.u32 $0x2010, v7;
	v2 =	vadd.f32 v11, v2;
	v50 =	vmul.f32 v26, v22;
	v22 =	vld.idx.msk [tilespmem:v31+s13+$0x0], $0xffff  }
0xf5: {  	v1 =	vadd.f32 v39, v1;
	v3 =	vadd.f32 v42, v3;
	v19 =	vmul.f32 v19, v19  }
0xf6: {  	v42 =	vor.u32 $0x3010, v7;
	v47 =	vmul.f32 v26, v26;
	v31 =	vor.u32 $0x300F, v7  }
0xf7: {  	v11 =	vld.idx.msk [tilespmem:v23+s13+$0x0], $0xffff;
	v2 =	vadd.f32 v19, v2;
	v43 =	vadd.f32 v12, v63;
	v63 =	vmul.f32 v63, v63  }
0xf8: {  	v30 =	vld.idx.msk [tilespmem:v15+s13+$0x0], $0xffff;
	v12 =	vmul.f32 v12, v12;
	v5 =	vadd.f32 v47, v5;
	v26 =	vadd.f32 v8, v18  }
0xf9: {  	v15 =	vld.idx.msk [tilespmem:v15+s16+$0x0], $0xffff;
	v9 =	vand.u32 $0x7FFFFFFF, v50;
	v50 =	vmul.f32 v18, v18;
	v46 =	vsub.f32 v43, v22  }
0xfa: {  	v18 =	vld.idx.msk [tilespmem:v27+s13+$0x0], $0xffff;
	v27 =	vor.u32 $0x1010, v7;
	v8 =	vmul.f32 v8, v8;
	v26 =	vsub.f32 v26, v14  }
0xfb: {  	v23 =	vld.idx.msk [tilespmem:v23+s16+$0x0], $0xffff;
	v6 =	vadd.f32 v9, v6;
	v43 =	vmul.f32 v14, v14;
	v19 =	vmul.f32 v46, v46  }
0xfc: {  	v1 =	vadd.f32 v50, v1;
	v3 =	vadd.f32 v8, v3;
	v47 =	vmul.f32 v26, v26  }
0xfd: {  	v10 =	vmul.f32 v46, v26;
	v26 =	vor.u32 $0x10, v7;
	v5 =	vadd.f32 v19, v5;
	v19 =	vld.idx.msk [tilespmem:v31+s13+$0x0], $0xffff  }
0xfe: {  	v8 =	vadd.f32 v15, v30;
	v50 =	vor.u32 $0x1011, v7;
	v2 =	vadd.f32 v43, v2  }
0xff: {  	v43 =	vor.u32 $0x1012, v7;
	v1 =	vadd.f32 v63, v1;
	v3 =	vadd.f32 v12, v3;
	v14 =	vld.idx.msk [tilespmem:v27+s13+$0x0], $0xffff  }
0x100: {  	v46 =	vmul.f32 v22, v22;
	v31 =	vadd.f32 v23, v11;
	v8 =	vsub.f32 v8, v18;
	v27 =	vld.idx.msk [tilespmem:v27+s16+$0x0], $0xffff  }
0x101: {  	v11 =	vmul.f32 v11, v11;
	v4 =	vadd.f32 v47, v4;
	v47 =	vmul.f32 v30, v30;
	v30 =	vld.idx.msk [tilespmem:v42+s13+$0x0], $0xffff  }
0x102: {  	v23 =	vmul.f32 v23, v23;
	v22 =	vmul.f32 v8, v8;
	v39 =	vld.idx.msk [tilespmem:v26+s13+$0x0], $0xffff;
	v12 =	vsub.f32 v31, v19  }
0x103: {  	v10 =	vand.u32 $0x7FFFFFFF, v10;
	v2 =	vadd.f32 v46, v2;
	v1 =	vadd.f32 v47, v1;
	v26 =	vld.idx.msk [tilespmem:v26+s16+$0x0], $0xffff  }
0x104: {  	v6 =	vadd.f32 v10, v6;
	v4 =	vadd.f32 v22, v4;
	v8 =	vmul.f32 v12, v8  }
0x105: {  	v10 =	vld.idx.msk [tilespmem:v38+s13+$0x0], $0xffff;
	v22 =	vor.u32 $0x2011, v7;
	v1 =	vadd.f32 v11, v1;
	v46 =	vmul.f32 v27, v27  }
0x106: {  	v31 =	vmul.f32 v12, v12;
	v12 =	vor.u32 $0x11, v7;
	v8 =	vand.u32 $0x7FFFFFFF, v8  }
0x107: {  	v47 =	vmul.f32 v30, v30;
	v6 =	vadd.f32 v8, v6;
	v8 =	vmul.f32 v15, v15  }
0x108: {  	v5 =	vadd.f32 v31, v5;
	v63 =	vadd.f32 v26, v39;
	v31 =	vor.u32 $0x3011, v7  }
0x109: {  	v15 =	vadd.f32 v27, v14;
	v3 =	vadd.f32 v8, v3;
	v8 =	vmul.f32 v18, v18  }
0x10a: {  	v39 =	vmul.f32 v39, v39;
	v42 =	vmul.f32 v26, v26;
	v9 =	vsub.f32 v63, v10;
	v63 =	vld.idx.msk [tilespmem:v50+s13+$0x0], $0xffff  }
0x10b: {  	v18 =	vld.idx.msk [tilespmem:v12+s13+$0x0], $0xffff;
	v15 =	vsub.f32 v15, v30;
	v2 =	vadd.f32 v8, v2;
	v8 =	vmul.f32 v19, v19  }
0x10c: {  	v14 =	vmul.f32 v14, v14;
	v27 =	vor.u32 $0x2012, v7;
	v1 =	vadd.f32 v39, v1;
	v12 =	vld.idx.msk [tilespmem:v12+s16+$0x0], $0xffff  }
0x10d: {  	v10 =	vmul.f32 v10, v10;
	v19 =	vld.idx.msk [tilespmem:v50+s16+$0x0], $0xffff;
	v2 =	vadd.f32 v8, v2;
	v8 =	vmul.f32 v15, v15  }
0x10e: {  	v38 =	vmul.f32 v9, v9;
	v9 =	vmul.f32 v15, v9;
	v3 =	vadd.f32 v23, v3;
	v15 =	vld.idx.msk [tilespmem:v22+s13+$0x0], $0xffff  }
0x10f: {  	v1 =	vadd.f32 v14, v1;
	v5 =	vadd.f32 v8, v5;
	v8 =	vor.u32 $0x12, v7  }
0x110: {  	v4 =	vadd.f32 v38, v4;
	v9 =	vand.u32 $0x7FFFFFFF, v9;
	v22 =	vld.idx.msk [tilespmem:v31+s13+$0x0], $0xffff;
	v3 =	vadd.f32 v42, v3  }
0x111: {  	v31 =	vor.u32 $0x3012, v7;
	v6 =	vadd.f32 v9, v6;
	v23 =	vadd.f32 v12, v18  }
0x112: {  	v38 =	vld.idx.msk [tilespmem:v43+s13+$0x0], $0xffff;
	v42 =	vmul.f32 v18, v18;
	v2 =	vadd.f32 v10, v2;
	v3 =	vadd.f32 v46, v3  }
0x113: {  	v18 =	vor.u32 $0x13, v7;
	v10 =	vld.idx.msk [tilespmem:v43+s16+$0x0], $0xffff;
	v26 =	vadd.f32 v19, v63;
	v23 =	vsub.f32 v23, v15  }
0x114: {  	v43 =	vmul.f32 v12, v12;
	v46 =	vmul.f32 v63, v63;
	v1 =	vadd.f32 v42, v1;
	v30 =	vld.idx.msk [tilespmem:v8+s13+$0x0], $0xffff  }
0x115: {  	v2 =	vadd.f32 v47, v2;
	v26 =	vsub.f32 v26, v22;
	v14 =	vmul.f32 v23, v23;
	v8 =	vld.idx.msk [tilespmem:v8+s16+$0x0], $0xffff  }
0x116: {  	v3 =	vadd.f32 v43, v3;
	v47 =	vmul.f32 v19, v19;
	v12 =	vld.idx.msk [tilespmem:v31+s13+$0x0], $0xffff;
	v15 =	vmul.f32 v15, v15  }
0x117: {  	v39 =	vmul.f32 v26, v23;
	v23 =	vor.u32 $0x1013, v7;
	v4 =	vadd.f32 v14, v4;
	v14 =	vld.idx.msk [tilespmem:v27+s13+$0x0], $0xffff  }
0x118: {  	v1 =	vadd.f32 v46, v1;
	v50 =	vmul.f32 v26, v26;
	v26 =	vor.u32 $0x2013, v7  }
0x119: {  	v22 =	vmul.f32 v22, v22;
	v2 =	vadd.f32 v15, v2;
	v15 =	vadd.f32 v10, v38  }
0x11a: {  	v31 =	vor.u32 $0x3013, v7;
	v5 =	vadd.f32 v50, v5;
	v27 =	vld.idx.msk [tilespmem:v18+s13+$0x0], $0xffff;
	v19 =	vadd.f32 v8, v30  }
0x11b: {  	v9 =	vand.u32 $0x7FFFFFFF, v39;
	v18 =	vld.idx.msk [tilespmem:v18+s16+$0x0], $0xffff;
	v39 =	vor.u32 $0x2014, v7;
	v50 =	vsub.f32 v15, v12  }
0x11c: {  	v42 =	vor.u32 $0x3014, v7;
	v2 =	vadd.f32 v22, v2;
	v15 =	vld.idx.msk [tilespmem:v23+s13+$0x0], $0xffff;
	v19 =	vsub.f32 v19, v14  }
0x11d: {  	v22 =	vmul.f32 v50, v50;
	v34 =	vmul.f32 v30, v30;
	v26 =	vld.idx.msk [tilespmem:v26+s13+$0x0], $0xffff;
	v30 =	vor.u32 $0x1014, v7  }
0x11e: {  	v63 =	vmul.f32 v19, v19;
	v11 =	vmul.f32 v50, v19;
	v19 =	vld.idx.msk [tilespmem:v23+s16+$0x0], $0xffff;
	v23 =	vor.u32 $0x14, v7  }
0x11f: {  	v3 =	vadd.f32 v47, v3;
	v8 =	vmul.f32 v8, v8;
	v5 =	vadd.f32 v22, v5;
	v22 =	vld.idx.msk [tilespmem:v31+s13+$0x0], $0xffff  }
0x120: {  	v38 =	vmul.f32 v38, v38;
	v10 =	vmul.f32 v10, v10;
	v1 =	vadd.f32 v34, v1;
	v50 =	vld.idx.msk [tilespmem:v39+s13+$0x0], $0xffff  }
0x121: {  	v3 =	vadd.f32 v8, v3;
	v8 =	vadd.f32 v18, v27;
	v39 =	vmul.f32 v27, v27;
	v27 =	vld.idx.msk [tilespmem:v42+s13+$0x0], $0xffff  }
0x122: {  	v6 =	vadd.f32 v9, v6;
	v43 =	vmul.f32 v14, v14;
	v1 =	vadd.f32 v38, v1;
	v14 =	vld.idx.msk [tilespmem:v30+s13+$0x0], $0xffff  }
0x123: {  	v3 =	vadd.f32 v10, v3;
	v31 =	vadd.f32 v19, v15;
	v34 =	vld.idx.msk [tilespmem:v23+s13+$0x0], $0xffff  }
0x124: {  	v47 =	vmul.f32 v12, v12;
	v2 =	vadd.f32 v43, v2;
	v8 =	vsub.f32 v8, v26;
	v23 =	vld.idx.msk [tilespmem:v23+s16+$0x0], $0xffff  }
0x125: {  	v38 =	vor.u32 $0x15, v7;
	v42 =	vor.u32 $0x1015, v7;
	v30 =	vld.idx.msk [tilespmem:v30+s16+$0x0], $0xffff;
	v46 =	vsub.f32 v31, v22  }
0x126: {  	v4 =	vadd.f32 v63, v4;
	v11 =	vand.u32 $0x7FFFFFFF, v11;
	v12 =	vmul.f32 v8, v8  }
0x127: {  	v2 =	vadd.f32 v47, v2;
	v1 =	vadd.f32 v39, v1;
	v8 =	vmul.f32 v46, v8  }
0x128: {  	v6 =	vadd.f32 v11, v6;
	v4 =	vadd.f32 v12, v4;
	v15 =	vmul.f32 v15, v15  }
0x129: {  	v19 =	vmul.f32 v19, v19;
	v43 =	vadd.f32 v23, v34;
	v8 =	vand.u32 $0x7FFFFFFF, v8  }
0x12a: {  	v12 =	vadd.f32 v30, v14;
	v6 =	vadd.f32 v8, v6;
	v8 =	vmul.f32 v18, v18  }
0x12b: {  	v1 =	vadd.f32 v15, v1;
	v31 =	vmul.f32 v46, v46;
	v9 =	vsub.f32 v43, v50  }
0x12c: {  	v12 =	vsub.f32 v12, v27;
	v3 =	vadd.f32 v8, v3;
	v8 =	vmul.f32 v26, v26  }
0x12d: {  	v5 =	vadd.f32 v31, v5;
	v18 =	vor.u32 $0x2015, v7;
	v15 =	vmul.f32 v9, v9  }
0x12e: {  	v63 =	vld.idx.msk [tilespmem:v42+s13+$0x0], $0xffff;
	v31 =	vor.u32 $0x3015, v7;
	v2 =	vadd.f32 v8, v2;
	v8 =	vmul.f32 v22, v22  }
0x12f: {  	v11 =	vld.idx.msk [tilespmem:v38+s16+$0x0], $0xffff;
	v10 =	vmul.f32 v50, v50;
	v4 =	vadd.f32 v15, v4;
	v15 =	vmul.f32 v34, v34  }
0x130: {  	v14 =	vmul.f32 v14, v14;
	v26 =	vld.idx.msk [tilespmem:v38+s13+$0x0], $0xffff;
	v9 =	vmul.f32 v12, v9;
	v2 =	vadd.f32 v8, v2  }
0x131: {  	v22 =	vld.idx.msk [tilespmem:v42+s16+$0x0], $0xffff;
	v8 =	vmul.f32 v12, v12;
	v1 =	vadd.f32 v15, v1;
	v15 =	vor.u32 $0x1016, v7  }
0x132: {  	v47 =	vmul.f32 v30, v30;
	v46 =	vmul.f32 v23, v23;
	v3 =	vadd.f32 v19, v3;
	v12 =	vld.idx.msk [tilespmem:v18+s13+$0x0], $0xffff  }
0x133: {  	v9 =	vand.u32 $0x7FFFFFFF, v9;
	v18 =	vld.idx.msk [tilespmem:v31+s13+$0x0], $0xffff;
	v5 =	vadd.f32 v8, v5;
	v8 =	vor.u32 $0x16, v7  }
0x134: {  	v50 =	vmul.f32 v27, v27;
	v6 =	vadd.f32 v9, v6;
	v3 =	vadd.f32 v46, v3  }
0x135: {  	v31 =	vor.u32 $0x3016, v7;
	v19 =	vadd.f32 v11, v26;
	v2 =	vadd.f32 v10, v2  }
0x136: {  	v30 =	vor.u32 $0x2016, v7;
	v1 =	vadd.f32 v14, v1;
	v23 =	vadd.f32 v22, v63;
	v39 =	vld.idx.msk [tilespmem:v15+s13+$0x0], $0xffff  }
0x137: {  	v46 =	vmul.f32 v11, v11;
	v3 =	vadd.f32 v47, v3;
	v2 =	vadd.f32 v50, v2;
	v43 =	vld.idx.msk [tilespmem:v15+s16+$0x0], $0xffff  }
0x138: {  	v50 =	vmul.f32 v22, v22;
	v19 =	vsub.f32 v19, v12;
	v23 =	vsub.f32 v23, v18;
	v27 =	vld.idx.msk [tilespmem:v8+s13+$0x0], $0xffff  }
0x139: {  	v3 =	vadd.f32 v46, v3;
	v12 =	vmul.f32 v12, v12;
	v18 =	vmul.f32 v18, v18;
	v8 =	vld.idx.msk [tilespmem:v8+s16+$0x0], $0xffff  }
0x13a: {  	v47 =	vld.idx.msk [tilespmem:v31+s13+$0x0], $0xffff;
	v14 =	vmul.f32 v19, v19;
	v42 =	vmul.f32 v23, v19;
	v19 =	vor.u32 $0x17, v7  }
0x13b: {  	v15 =	vld.idx.msk [tilespmem:v30+s13+$0x0], $0xffff;
	v31 =	vor.u32 $0x3017, v7;
	v3 =	vadd.f32 v50, v3;
	v38 =	vmul.f32 v23, v23  }
0x13c: {  	v23 =	vor.u32 $0x1017, v7;
	v2 =	vadd.f32 v12, v2;
	v4 =	vadd.f32 v14, v4  }
0x13d: {  	v5 =	vadd.f32 v38, v5;
	v14 =	vmul.f32 v26, v26;
	v12 =	vadd.f32 v43, v39  }
0x13e: {  	v26 =	vor.u32 $0x2017, v7;
	v2 =	vadd.f32 v18, v2;
	v22 =	vadd.f32 v8, v27  }
0x13f: {  	v1 =	vadd.f32 v14, v1;
	v14 =	vmul.f32 v63, v63;
	v30 =	vld.idx.msk [tilespmem:v19+s13+$0x0], $0xffff;
	v12 =	vsub.f32 v12, v47  }
0x140: {  	v18 =	vld.idx.msk [tilespmem:v19+s16+$0x0], $0xffff;
	v34 =	vmul.f32 v27, v27;
	v27 =	vor.u32 $0x1018, v7;
	v22 =	vsub.f32 v22, v15  }
0x141: {  	v9 =	vand.u32 $0x7FFFFFFF, v42;
	v1 =	vadd.f32 v14, v1;
	v14 =	vld.idx.msk [tilespmem:v23+s13+$0x0], $0xffff;
	v19 =	vmul.f32 v12, v12  }
0x142: {  	v63 =	vmul.f32 v22, v22;
	v12 =	vmul.f32 v12, v22;
	v22 =	vld.idx.msk [tilespmem:v23+s16+$0x0], $0xffff;
	v23 =	vor.u32 $0x18, v7  }
0x143: {  	v6 =	vadd.f32 v9, v6;
	v38 =	vmul.f32 v39, v39;
	v42 =	vmul.f32 v15, v15;
	v26 =	vld.idx.msk [tilespmem:v26+s13+$0x0], $0xffff  }
0x144: {  	v8 =	vmul.f32 v8, v8;
	v5 =	vadd.f32 v19, v5;
	v19 =	vld.idx.msk [tilespmem:v31+s13+$0x0], $0xffff;
	v12 =	vand.u32 $0x7FFFFFFF, v12  }
0x145: {  	v2 =	vadd.f32 v42, v2;
	v15 =	vld.idx.msk [tilespmem:v27+s13+$0x0], $0xffff;
	v6 =	vadd.f32 v12, v6;
	v12 =	vor.u32 $0x2018, v7  }
0x146: {  	v10 =	vmul.f32 v43, v43;
	v3 =	vadd.f32 v8, v3;
	v1 =	vadd.f32 v34, v1;
	v27 =	vld.idx.msk [tilespmem:v27+s16+$0x0], $0xffff  }
0x147: {  	v39 =	vor.u32 $0x3018, v7;
	v8 =	vadd.f32 v18, v30;
	v31 =	vadd.f32 v22, v14;
	v34 =	vld.idx.msk [tilespmem:v23+s13+$0x0], $0xffff  }
0x148: {  	v46 =	vmul.f32 v47, v47;
	v1 =	vadd.f32 v38, v1;
	v4 =	vadd.f32 v63, v4;
	v23 =	vld.idx.msk [tilespmem:v23+s16+$0x0], $0xffff  }
0x149: {  	v63 =	vmul.f32 v30, v30;
	v8 =	vsub.f32 v8, v26;
	v43 =	vsub.f32 v31, v19  }
0x14a: {  	v2 =	vadd.f32 v46, v2;
	v3 =	vadd.f32 v10, v3;
	v38 =	vor.u32 $0x1019, v7;
	v50 =	vld.idx.msk [tilespmem:v12+s13+$0x0], $0xffff  }
0x14b: {  	v1 =	vadd.f32 v63, v1;
	v47 =	vmul.f32 v8, v8;
	v8 =	vmul.f32 v43, v8  }
0x14c: {  	v30 =	vld.idx.msk [tilespmem:v39+s13+$0x0], $0xffff;
	v14 =	vmul.f32 v14, v14;
	v42 =	vadd.f32 v27, v15;
	v12 =	vor.u32 $0x19, v7  }
0x14d: {  	v31 =	vmul.f32 v43, v43;
	v39 =	vadd.f32 v23, v34;
	v8 =	vand.u32 $0x7FFFFFFF, v8  }
0x14e: {  	v4 =	vadd.f32 v47, v4;
	v6 =	vadd.f32 v8, v6;
	v8 =	vmul.f32 v18, v18  }
0x14f: {  	v5 =	vadd.f32 v31, v5;
	v18 =	vor.u32 $0x2019, v7;
	v9 =	vsub.f32 v39, v50  }
0x150: {  	v63 =	vld.idx.msk [tilespmem:v38+s13+$0x0], $0xffff;
	v31 =	vor.u32 $0x3019, v7;
	v3 =	vadd.f32 v8, v3;
	v8 =	vmul.f32 v26, v26  }
0x151: {  	v1 =	vadd.f32 v14, v1;
	v11 =	vsub.f32 v42, v30;
	v26 =	vld.idx.msk [tilespmem:v12+s13+$0x0], $0xffff;
	v14 =	vmul.f32 v9, v9  }
0x152: {  	v22 =	vmul.f32 v22, v22;
	v12 =	vld.idx.msk [tilespmem:v12+s16+$0x0], $0xffff;
	v2 =	vadd.f32 v8, v2;
	v8 =	vmul.f32 v19, v19  }
0x153: {  	v15 =	vmul.f32 v15, v15;
	v9 =	vmul.f32 v11, v9;
	v19 =	vld.idx.msk [tilespmem:v38+s16+$0x0], $0xffff;
	v4 =	vadd.f32 v14, v4  }
0x154: {  	v14 =	vmul.f32 v34, v34;
	v2 =	vadd.f32 v8, v2;
	v8 =	vmul.f32 v11, v11;
	v11 =	vld.idx.msk [tilespmem:v18+s13+$0x0], $0xffff  }
0x155: {  	v43 =	vmul.f32 v23, v23;
	v3 =	vadd.f32 v22, v3;
	v18 =	vld.idx.msk [tilespmem:v31+s13+$0x0], $0xffff;
	v31 =	vor.u32 $0x301A, v7  }
0x156: {  	v9 =	vand.u32 $0x7FFFFFFF, v9;
	v1 =	vadd.f32 v14, v1;
	v14 =	vor.u32 $0x101A, v7  }
0x157: {  	v46 =	vmul.f32 v27, v27;
	v10 =	vmul.f32 v50, v50;
	v6 =	vadd.f32 v9, v6  }
0x158: {  	v3 =	vadd.f32 v43, v3;
	v5 =	vadd.f32 v8, v5;
	v8 =	vor.u32 $0x1A, v7  }
0x159: {  	v47 =	vmul.f32 v30, v30;
	v22 =	vadd.f32 v12, v26;
	v2 =	vadd.f32 v10, v2  }
0x15a: {  	v42 =	vmul.f32 v12, v12;
	v3 =	vadd.f32 v46, v3;
	v23 =	vadd.f32 v19, v63;
	v12 =	vld.idx.msk [tilespmem:v31+s13+$0x0], $0xffff  }
0x15b: {  	v27 =	vor.u32 $0x201A, v7;
	v1 =	vadd.f32 v15, v1;
	v2 =	vadd.f32 v47, v2;
	v35 =	vld.idx.msk [tilespmem:v14+s13+$0x0], $0xffff  }
0x15c: {  	v43 =	vmul.f32 v19, v19;
	v3 =	vadd.f32 v42, v3;
	v22 =	vsub.f32 v22, v11;
	v39 =	vld.idx.msk [tilespmem:v14+s16+$0x0], $0xffff  }
0x15d: {  	v23 =	vsub.f32 v23, v18;
	v11 =	vmul.f32 v11, v11;
	v18 =	vmul.f32 v18, v18;
	v30 =	vld.idx.msk [tilespmem:v8+s13+$0x0], $0xffff  }
0x15e: {  	v31 =	vor.u32 $0x301B, v7;
	v14 =	vmul.f32 v26, v26;
	v15 =	vmul.f32 v22, v22;
	v8 =	vld.idx.msk [tilespmem:v8+s16+$0x0], $0xffff  }
0x15f: {  	v3 =	vadd.f32 v43, v3;
	v38 =	vmul.f32 v23, v22;
	v22 =	vor.u32 $0x1B, v7  }
0x160: {  	v50 =	vmul.f32 v23, v23;
	v23 =	vor.u32 $0x101B, v7;
	v4 =	vadd.f32 v15, v4;
	v15 =	vld.idx.msk [tilespmem:v27+s13+$0x0], $0xffff  }
0x161: {  	v26 =	vor.u32 $0x201B, v7;
	v2 =	vadd.f32 v11, v2;
	v1 =	vadd.f32 v14, v1  }
0x162: {  	v14 =	vmul.f32 v63, v63;
	v5 =	vadd.f32 v50, v5;
	v46 =	vadd.f32 v39, v35  }
0x163: {  	v9 =	vand.u32 $0x7FFFFFFF, v38;
	v2 =	vadd.f32 v18, v2;
	v19 =	vadd.f32 v8, v30  }
0x164: {  	v38 =	vor.u32 $0x201C, v7;
	v1 =	vadd.f32 v14, v1;
	v27 =	vld.idx.msk [tilespmem:v22+s13+$0x0], $0xffff;
	v11 =	vsub.f32 v46, v12  }
0x165: {  	v14 =	vld.idx.msk [tilespmem:v23+s13+$0x0], $0xffff;
	v50 =	vmul.f32 v30, v30;
	v30 =	vor.u32 $0x101C, v7;
	v19 =	vsub.f32 v19, v15  }
0x166: {  	v6 =	vadd.f32 v9, v6;
	v18 =	vld.idx.msk [tilespmem:v22+s16+$0x0], $0xffff;
	v8 =	vmul.f32 v8, v8;
	v22 =	vmul.f32 v11, v11  }
0x167: {  	v47 =	vmul.f32 v19, v19;
	v11 =	vmul.f32 v11, v19;
	v19 =	vld.idx.msk [tilespmem:v23+s16+$0x0], $0xffff;
	v23 =	vor.u32 $0x1C, v7  }
0x168: {  	v26 =	vld.idx.msk [tilespmem:v26+s13+$0x0], $0xffff;
	v63 =	vmul.f32 v35, v35;
	v10 =	vmul.f32 v39, v39;
	v1 =	vadd.f32 v50, v1  }
0x169: {  	v39 =	vor.u32 $0x301C, v7;
	v3 =	vadd.f32 v8, v3;
	v5 =	vadd.f32 v22, v5;
	v22 =	vld.idx.msk [tilespmem:v31+s13+$0x0], $0xffff  }
0x16a: {  	v46 =	vmul.f32 v12, v12;
	v42 =	vmul.f32 v15, v15;
	v1 =	vadd.f32 v63, v1;
	v15 =	vld.idx.msk [tilespmem:v30+s13+$0x0], $0xffff  }
0x16b: {  	v50 =	vor.u32 $0x1D, v7;
	v3 =	vadd.f32 v10, v3;
	v8 =	vadd.f32 v18, v27;
	v30 =	vld.idx.msk [tilespmem:v30+s16+$0x0], $0xffff  }
0x16c: {  	v2 =	vadd.f32 v42, v2;
	v63 =	vmul.f32 v27, v27;
	v31 =	vadd.f32 v19, v14;
	v34 =	vld.idx.msk [tilespmem:v23+s13+$0x0], $0xffff  }
0x16d: {  	v4 =	vadd.f32 v47, v4;
	v11 =	vand.u32 $0x7FFFFFFF, v11;
	v8 =	vsub.f32 v8, v26;
	v23 =	vld.idx.msk [tilespmem:v23+s16+$0x0], $0xffff  }
0x16e: {  	v47 =	vld.idx.msk [tilespmem:v38+s13+$0x0], $0xffff;
	v2 =	vadd.f32 v46, v2;
	v38 =	vor.u32 $0x101D, v7;
	v43 =	vsub.f32 v31, v22  }
0x16f: {  	v6 =	vadd.f32 v11, v6;
	v12 =	vmul.f32 v8, v8;
	v14 =	vmul.f32 v14, v14  }
0x170: {  	v1 =	vadd.f32 v63, v1;
	v19 =	vmul.f32 v19, v19;
	v8 =	vmul.f32 v43, v8  }
0x171: {  	v46 =	vmul.f32 v30, v30;
	v4 =	vadd.f32 v12, v4;
	v12 =	vadd.f32 v30, v15  }
0x172: {  	v27 =	vld.idx.msk [tilespmem:v39+s13+$0x0], $0xffff;
	v1 =	vadd.f32 v14, v1;
	v39 =	vadd.f32 v23, v34;
	v8 =	vand.u32 $0x7FFFFFFF, v8  }
0x173: {  	v15 =	vmul.f32 v15, v15;
	v6 =	vadd.f32 v8, v6;
	v8 =	vmul.f32 v18, v18  }
0x174: {  	v10 =	vmul.f32 v47, v47;
	v31 =	vmul.f32 v43, v43;
	v9 =	vsub.f32 v39, v47  }
0x175: {  	v18 =	vor.u32 $0x201D, v7;
	v3 =	vadd.f32 v8, v3;
	v8 =	vmul.f32 v26, v26  }
0x176: {  	v11 =	vld.idx.msk [tilespmem:v50+s16+$0x0], $0xffff;
	v5 =	vadd.f32 v31, v5;
	v31 =	vor.u32 $0x301D, v7;
	v14 =	vmul.f32 v9, v9  }
0x177: {  	v42 =	vld.idx.msk [tilespmem:v38+s13+$0x0], $0xffff;
	v12 =	vsub.f32 v12, v27;
	v2 =	vadd.f32 v8, v2;
	v8 =	vmul.f32 v22, v22  }
0x178: {  	v30 =	vor.u32 $0x201E, v7;
	v26 =	vld.idx.msk [tilespmem:v50+s13+$0x0], $0xffff;
	v4 =	vadd.f32 v14, v4;
	v14 =	vmul.f32 v34, v34  }
0x179: {  	v43 =	vmul.f32 v23, v23;
	v9 =	vmul.f32 v12, v9;
	v22 =	vld.idx.msk [tilespmem:v38+s16+$0x0], $0xffff;
	v2 =	vadd.f32 v8, v2  }
0x17a: {  	v8 =	vmul.f32 v12, v12;
	v12 =	vld.idx.msk [tilespmem:v18+s13+$0x0], $0xffff;
	v1 =	vadd.f32 v14, v1;
	v14 =	vor.u32 $0x101E, v7  }
0x17b: {  	v47 =	vmul.f32 v27, v27;
	v3 =	vadd.f32 v19, v3;
	v9 =	vand.u32 $0x7FFFFFFF, v9;
	v18 =	vld.idx.msk [tilespmem:v31+s13+$0x0], $0xffff  }
0x17c: {  	v6 =	vadd.f32 v9, v6;
	v5 =	vadd.f32 v8, v5;
	v8 =	vor.u32 $0x1E, v7  }
0x17d: {  	v3 =	vadd.f32 v43, v3;
	v31 =	vor.u32 $0x301E, v7;
	v19 =	vadd.f32 v11, v26  }
0x17e: {  	v38 =	vmul.f32 v26, v26;
	v2 =	vadd.f32 v10, v2;
	v23 =	vadd.f32 v22, v42  }
0x17f: {  	v11 =	vmul.f32 v11, v11;
	v1 =	vadd.f32 v15, v1;
	v3 =	vadd.f32 v46, v3;
	v35 =	vld.idx.msk [tilespmem:v14+s13+$0x0], $0xffff  }
0x180: {  	v26 =	vor.u32 $0x101F, v7;
	v19 =	vsub.f32 v19, v12;
	v23 =	vsub.f32 v23, v18;
	v14 =	vld.idx.msk [tilespmem:v14+s16+$0x0], $0xffff  }
0x181: {  	v42 =	vmul.f32 v42, v42;
	v22 =	vmul.f32 v22, v22;
	v2 =	vadd.f32 v47, v2;
	v27 =	vld.idx.msk [tilespmem:v8+s13+$0x0], $0xffff  }
0x182: {  	v15 =	vmul.f32 v19, v19;
	v8 =	vld.idx.msk [tilespmem:v8+s16+$0x0], $0xffff;
	v39 =	vmul.f32 v23, v19;
	v19 =	vor.u32 $0x1F, v7  }
0x183: {  	v1 =	vadd.f32 v38, v1;
	v3 =	vadd.f32 v11, v3;
	v50 =	vmul.f32 v23, v23;
	v23 =	vld.idx.msk [tilespmem:v31+s13+$0x0], $0xffff  }
0x184: {  	v46 =	vmul.f32 v12, v12;
	v31 =	vor.u32 $0x301F, v7;
	v4 =	vadd.f32 v15, v4;
	v15 =	vld.idx.msk [tilespmem:v30+s13+$0x0], $0xffff  }
0x185: {  	v12 =	vor.u32 $0x201F, v7;
	v1 =	vadd.f32 v42, v1;
	v3 =	vadd.f32 v22, v3;
	v34 =	vld.idx.msk [tilespmem:v26+s16+$0x0], $0xffff  }
0x186: {  	v5 =	vadd.f32 v50, v5;
	v50 =	vmul.f32 v18, v18;
	v18 =	vld.idx.msk [tilespmem:v26+s13+$0x0], $0xffff;
	v47 =	vadd.f32 v14, v35  }
0x187: {  	v2 =	vadd.f32 v46, v2;
	v10 =	vand.u32 $0x7FFFFFFF, v39;
	v43 =	vadd.f32 v8, v27;
	v30 =	vld.idx.msk [tilespmem:v19+s13+$0x0], $0xffff  }
0x188: {  	v26 =	vor.u32 $0x1800, v7;
	v6 =	vadd.f32 v10, v6;
	v11 =	vsub.f32 v47, v23;
	v19 =	vld.idx.msk [tilespmem:v19+s16+$0x0], $0xffff  }
0x189: {  	v39 =	vmul.f32 v14, v14;
	v27 =	vmul.f32 v27, v27;
	v38 =	vld.idx.msk [tilespmem:v31+s13+$0x0], $0xffff;
	v9 =	vsub.f32 v43, v15  }
0x18a: {  	v2 =	vadd.f32 v50, v2;
	v8 =	vmul.f32 v8, v8;
	v63 =	vmul.f32 v11, v11  }
0x18b: {  	v12 =	vld.idx.msk [tilespmem:v12+s13+$0x0], $0xffff;
	v1 =	vadd.f32 v27, v1;
	v15 =	vmul.f32 v15, v15;
	v22 =	vmul.f32 v9, v9  }
0x18c: {  	v3 =	vadd.f32 v8, v3;
	v14 =	vadd.f32 v34, v18;
	v43 =	vor.u32 $0x2800, v7  }
0x18d: {  	v2 =	vadd.f32 v15, v2;
	v4 =	vadd.f32 v22, v4;
	v22 =	vmul.f32 v35, v35  }
0x18e: {  	v9 =	vmul.f32 v11, v9;
	v8 =	vadd.f32 v19, v30;
	v42 =	vsub.f32 v14, v38  }
0x18f: {  	v14 =	vmul.f32 v23, v23;
	v1 =	vadd.f32 v22, v1;
	v22 =	vor.u32 $0x800, v7  }
0x190: {  	v5 =	vadd.f32 v63, v5;
	v9 =	vand.u32 $0x7FFFFFFF, v9;
	v8 =	vsub.f32 v8, v12  }
0x191: {  	v6 =	vadd.f32 v9, v6;
	v2 =	vadd.f32 v14, v2;
	v14 =	vmul.f32 v30, v30  }
0x192: {  	v30 =	vor.u32 $0x3800, v7;
	v15 =	vmul.f32 v8, v8;
	v8 =	vmul.f32 v42, v8  }
0x193: {  	v1 =	vadd.f32 v14, v1;
	v14 =	vmul.f32 v18, v18;
	v18 =	vmul.f32 v19, v19;
	v19 =	vld.idx.msk [tilespmem:v26+s16+$0x0], $0xffff  }
0x194: {  	v3 =	vadd.f32 v39, v3;
	v23 =	vmul.f32 v42, v42;
	v8 =	vand.u32 $0x7FFFFFFF, v8;
	v27 =	vld.idx.msk [tilespmem:v22+s13+$0x0], $0xffff  }
0x195: {  	v12 =	vmul.f32 v12, v12;
	v6 =	vadd.f32 v8, v6;
	v8 =	vld.idx.msk [tilespmem:v22+s16+$0x0], $0xffff;
	v22 =	vor.u32 $0x801, v7  }
0x196: {  	v31 =	vor.u32 $0x3801, v7;
	v5 =	vadd.f32 v23, v5;
	v4 =	vadd.f32 v15, v4;
	v15 =	vld.idx.msk [tilespmem:v26+s13+$0x0], $0xffff  }
0x197: {  	v9 =	vld.idx.msk [tilespmem:v43+s13+$0x0], $0xffff;
	v2 =	vadd.f32 v12, v2;
	v26 =	vor.u32 $0x1801, v7;
	v23 =	vadd.f32 v6, v6  }
0x198: {  	v10 =	vmul.f32 v38, v38;
	v1 =	vadd.f32 v14, v1;
	v3 =	vadd.f32 v18, v3;
	v14 =	vld.idx.msk [tilespmem:v30+s13+$0x0], $0xffff  }
0x199: {  	v18 =	vor.u32 $0x2801, v7;
	v4 =	vmul.f32 v4, v4;
	v6 =	vmul.f32 v23, v6  }
0x19a: {  	v11 =	vmul.f32 v34, v34;
	v2 =	vadd.f32 v10, v2;
	v12 =	vadd.f32 v8, v27;
	v30 =	vld.idx.msk [tilespmem:v22+s13+$0x0], $0xffff  }
0x19b: {  	v5 =	vmul.f32 v5, v5;
	v23 =	vadd.f32 v19, v15;
	v4 =	vsub.f32 v6, v4;
	v22 =	vld.idx.msk [tilespmem:v22+s16+$0x0], $0xffff  }
0x19c: {  	v3 =	vadd.f32 v11, v3;
	v6 =	vsub.f32 v12, v9;
	v12 =	vld.idx.msk [tilespmem:v26+s13+$0x0], $0xffff  }
0x19d: {  	v39 =	vor.u32 $0x3802, v7;
	v46 =	vsub.f32 v23, v14;
	v63 =	vsub.f32 v4, v5;
	v5 =	vld.idx.msk [tilespmem:v26+s16+$0x0], $0xffff  }
0x19e: {  	v18 =	vld.idx.msk [tilespmem:v18+s13+$0x0], $0xffff;
	v23 =	vmul.f32 v27, v27;
	v8 =	vmul.f32 v8, v8;
	v27 =	vor.u32 $0x1802, v7  }
0x19f: {  	v50 =	vld.idx.msk [tilespmem:v31+s13+$0x0], $0xffff;
	v15 =	vmul.f32 v15, v15;
	v14 =	vmul.f32 v14, v14;
	v26 =	vor.u32 $0x802, v7  }
0x1a0: {  	v1 =	vadd.f32 v23, v1;
	v9 =	vmul.f32 v9, v9;
	v3 =	vadd.f32 v8, v3  }
0x1a1: {  	v8 =	vmul.f32 v19, v19;
	v23 =	vor.u32 $0x2802, v7;
	v19 =	vadd.f32 v22, v30  }
0x1a2: {  	v47 =	vmul.f32 v46, v46;
	v2 =	vadd.f32 v9, v2;
	v38 =	vadd.f32 v5, v12  }
0x1a3: {  	v4 =	vmul.f32 v6, v6;
	v1 =	vadd.f32 v15, v1;
	v15 =	vld.idx.msk [tilespmem:v27+s13+$0x0], $0xffff;
	v19 =	vsub.f32 v19, v18  }
0x1a4: {  	v6 =	vmul.f32 v46, v6;
	v3 =	vadd.f32 v8, v3;
	v31 =	vld.idx.msk [tilespmem:v26+s13+$0x0], $0xffff;
	v9 =	vsub.f32 v38, v50  }
0x1a5: {  	v22 =	vmul.f32 v22, v22;
	v2 =	vadd.f32 v14, v2;
	v14 =	vld.idx.msk [tilespmem:v26+s16+$0x0], $0xffff;
	v8 =	vmul.f32 v19, v19  }
0x1a6: {  	v43 =	vor.u32 $0x3803, v7;
	v23 =	vld.idx.msk [tilespmem:v23+s13+$0x0], $0xffff;
	v26 =	vmul.f32 v9, v9;
	v9 =	vmul.f32 v9, v19  }
0x1a7: {  	v19 =	vld.idx.msk [tilespmem:v27+s16+$0x0], $0xffff;
	v27 =	vor.u32 $0x803, v7;
	v4 =	vadd.f32 v8, v4;
	v8 =	vmul.f32 v30, v30  }
0x1a8: {  	v6 =	vand.u32 $0x7FFFFFFF, v6;
	v3 =	vadd.f32 v22, v3;
	v30 =	vor.u32 $0x1803, v7  }
0x1a9: {  	v10 =	vadd.f32 v26, v47;
	v26 =	vld.idx.msk [tilespmem:v39+s13+$0x0], $0xffff;
	v1 =	vadd.f32 v8, v1;
	v8 =	vmul.f32 v12, v12  }
0x1aa: {  	v5 =	vmul.f32 v5, v5;
	v42 =	vadd.f32 v14, v31;
	v9 =	vand.u32 $0x7FFFFFFF, v9  }
0x1ab: {  	v6 =	vadd.f32 v9, v6;
	v1 =	vadd.f32 v8, v1;
	v8 =	vmul.f32 v18, v18  }
0x1ac: {  	v12 =	vor.u32 $0x2803, v7;
	v9 =	vsub.f32 v42, v23;
	v22 =	vadd.f32 v19, v15;
	v34 =	vld.idx.msk [tilespmem:v27+s13+$0x0], $0xffff  }
0x1ad: {  	v3 =	vadd.f32 v5, v3;
	v18 =	vld.idx.msk [tilespmem:v30+s13+$0x0], $0xffff;
	v2 =	vadd.f32 v8, v2;
	v8 =	vmul.f32 v50, v50  }
0x1ae: {  	v46 =	vmul.f32 v9, v9;
	v15 =	vmul.f32 v15, v15;
	v5 =	vsub.f32 v22, v26;
	v22 =	vld.idx.msk [tilespmem:v27+s16+$0x0], $0xffff  }
0x1af: {  	v19 =	vmul.f32 v19, v19;
	v27 =	vld.idx.msk [tilespmem:v30+s16+$0x0], $0xffff;
	v2 =	vadd.f32 v8, v2;
	v8 =	vmul.f32 v31, v31  }
0x1b0: {  	v30 =	vmul.f32 v5, v5;
	v5 =	vmul.f32 v5, v9  }
0x1b1: {  	v50 =	vor.u32 $0x1804, v7;
	v47 =	vld.idx.msk [tilespmem:v12+s13+$0x0], $0xffff;
	v12 =	vor.u32 $0x804, v7;
	v4 =	vadd.f32 v46, v4  }
0x1b2: {  	v31 =	vld.idx.msk [tilespmem:v43+s13+$0x0], $0xffff;
	v1 =	vadd.f32 v8, v1;
	v10 =	vadd.f32 v30, v10;
	v5 =	vand.u32 $0x7FFFFFFF, v5  }
0x1b3: {  	v30 =	vor.u32 $0x3804, v7;
	v5 =	vadd.f32 v5, v6;
	v6 =	vmul.f32 v14, v14  }
0x1b4: {  	v8 =	vadd.f32 v22, v34;
	v42 =	vadd.f32 v27, v18;
	v14 =	vor.u32 $0x2804, v7  }
0x1b5: {  	v1 =	vadd.f32 v15, v1;
	v43 =	vmul.f32 v22, v22;
	v18 =	vmul.f32 v18, v18  }
0x1b6: {  	v46 =	vmul.f32 v27, v27;
	v3 =	vadd.f32 v6, v3;
	v6 =	vmul.f32 v23, v23  }
0x1b7: {  	v9 =	vmul.f32 v47, v47;
	v23 =	vld.idx.msk [tilespmem:v12+s13+$0x0], $0xffff;
	v8 =	vsub.f32 v8, v47;
	v11 =	vsub.f32 v42, v31  }
0x1b8: {  	v12 =	vld.idx.msk [tilespmem:v12+s16+$0x0], $0xffff;
	v47 =	vmul.f32 v31, v31;
	v2 =	vadd.f32 v6, v2;
	v6 =	vmul.f32 v26, v26  }
0x1b9: {  	v27 =	vor.u32 $0x2805, v7;
	v15 =	vmul.f32 v8, v8;
	v8 =	vmul.f32 v11, v8  }
0x1ba: {  	v38 =	vld.idx.msk [tilespmem:v50+s13+$0x0], $0xffff;
	v31 =	vor.u32 $0x3805, v7;
	v3 =	vadd.f32 v19, v3;
	v2 =	vadd.f32 v6, v2  }
0x1bb: {  	v26 =	vld.idx.msk [tilespmem:v50+s16+$0x0], $0xffff;
	v6 =	vmul.f32 v11, v11;
	v4 =	vadd.f32 v15, v4;
	v8 =	vand.u32 $0x7FFFFFFF, v8  }
0x1bc: {  	v11 =	vld.idx.msk [tilespmem:v14+s13+$0x0], $0xffff;
	v14 =	vmul.f32 v34, v34;
	v5 =	vadd.f32 v8, v5;
	v8 =	vor.u32 $0x805, v7  }
0x1bd: {  	v15 =	vld.idx.msk [tilespmem:v30+s13+$0x0], $0xffff;
	v3 =	vadd.f32 v43, v3;
	v19 =	vadd.f32 v12, v23;
	v43 =	vmul.f32 v12, v12  }
0x1be: {  	v6 =	vadd.f32 v6, v10;
	v1 =	vadd.f32 v14, v1;
	v14 =	vor.u32 $0x1805, v7  }
0x1bf: {  	v12 =	vld.idx.msk [tilespmem:v31+s13+$0x0], $0xffff;
	v31 =	vor.u32 $0x3806, v7;
	v2 =	vadd.f32 v9, v2;
	v3 =	vadd.f32 v46, v3  }
0x1c0: {  	v22 =	vadd.f32 v26, v38;
	v46 =	vmul.f32 v26, v26;
	v1 =	vadd.f32 v18, v1  }
0x1c1: {  	v26 =	vor.u32 $0x2806, v7;
	v3 =	vadd.f32 v43, v3;
	v19 =	vsub.f32 v19, v11;
	v30 =	vld.idx.msk [tilespmem:v8+s13+$0x0], $0xffff  }
0x1c2: {  	v2 =	vadd.f32 v47, v2;
	v22 =	vsub.f32 v22, v15;
	v11 =	vmul.f32 v11, v11;
	v8 =	vld.idx.msk [tilespmem:v8+s16+$0x0], $0xffff  }
0x1c3: {  	v15 =	vmul.f32 v15, v15;
	v3 =	vadd.f32 v46, v3;
	v18 =	vmul.f32 v19, v19;
	v35 =	vld.idx.msk [tilespmem:v14+s13+$0x0], $0xffff  }
0x1c4: {  	v39 =	vmul.f32 v22, v19;
	v42 =	vld.idx.msk [tilespmem:v14+s16+$0x0], $0xffff;
	v14 =	vmul.f32 v23, v23;
	v19 =	vor.u32 $0x806, v7  }
0x1c5: {  	v50 =	vmul.f32 v22, v22;
	v22 =	vor.u32 $0x1806, v7;
	v4 =	vadd.f32 v18, v4;
	v18 =	vld.idx.msk [tilespmem:v27+s13+$0x0], $0xffff  }
0x1c6: {  	v2 =	vadd.f32 v11, v2;
	v1 =	vadd.f32 v14, v1;
	v14 =	vmul.f32 v38, v38  }
0x1c7: {  	v6 =	vadd.f32 v50, v6;
	v9 =	vand.u32 $0x7FFFFFFF, v39;
	v39 =	vor.u32 $0x2807, v7  }
0x1c8: {  	v26 =	vld.idx.msk [tilespmem:v26+s13+$0x0], $0xffff;
	v23 =	vadd.f32 v8, v30;
	v1 =	vadd.f32 v14, v1;
	v8 =	vmul.f32 v8, v8  }
0x1c9: {  	v34 =	vmul.f32 v30, v30;
	v30 =	vor.u32 $0x1807, v7;
	v47 =	vadd.f32 v42, v35;
	v27 =	vld.idx.msk [tilespmem:v19+s13+$0x0], $0xffff  }
0x1ca: {  	v14 =	vld.idx.msk [tilespmem:v22+s13+$0x0], $0xffff;
	v10 =	vmul.f32 v42, v42;
	v3 =	vadd.f32 v8, v3;
	v23 =	vsub.f32 v23, v18  }
0x1cb: {  	v2 =	vadd.f32 v15, v2;
	v15 =	vld.idx.msk [tilespmem:v19+s16+$0x0], $0xffff;
	v11 =	vsub.f32 v47, v12  }
0x1cc: {  	v22 =	vld.idx.msk [tilespmem:v22+s16+$0x0], $0xffff;
	v42 =	vor.u32 $0x3807, v7;
	v3 =	vadd.f32 v10, v3;
	v50 =	vmul.f32 v23, v23  }
0x1cd: {  	v10 =	vld.idx.msk [tilespmem:v39+s13+$0x0], $0xffff;
	v19 =	vmul.f32 v11, v11;
	v11 =	vmul.f32 v11, v23;
	v23 =	vor.u32 $0x807, v7  }
0x1ce: {  	v38 =	vmul.f32 v35, v35;
	v1 =	vadd.f32 v34, v1;
	v43 =	vmul.f32 v18, v18;
	v18 =	vld.idx.msk [tilespmem:v30+s13+$0x0], $0xffff  }
0x1cf: {  	v5 =	vadd.f32 v9, v5;
	v6 =	vadd.f32 v19, v6;
	v19 =	vld.idx.msk [tilespmem:v31+s13+$0x0], $0xffff  }
0x1d0: {  	v47 =	vmul.f32 v12, v12;
	v1 =	vadd.f32 v38, v1;
	v2 =	vadd.f32 v43, v2;
	v30 =	vld.idx.msk [tilespmem:v30+s16+$0x0], $0xffff  }
0x1d1: {  	v8 =	vadd.f32 v15, v27;
	v39 =	vmul.f32 v27, v27;
	v27 =	vld.idx.msk [tilespmem:v42+s13+$0x0], $0xffff;
	v42 =	vor.u32 $0x1808, v7  }
0x1d2: {  	v4 =	vadd.f32 v50, v4;
	v11 =	vand.u32 $0x7FFFFFFF, v11;
	v31 =	vadd.f32 v22, v14;
	v34 =	vld.idx.msk [tilespmem:v23+s13+$0x0], $0xffff  }
0x1d3: {  	v50 =	vor.u32 $0x808, v7;
	v2 =	vadd.f32 v47, v2;
	v8 =	vsub.f32 v8, v26;
	v23 =	vld.idx.msk [tilespmem:v23+s16+$0x0], $0xffff  }
0x1d4: {  	v14 =	vmul.f32 v14, v14;
	v1 =	vadd.f32 v39, v1;
	v46 =	vsub.f32 v31, v19  }
0x1d5: {  	v22 =	vmul.f32 v22, v22;
	v5 =	vadd.f32 v11, v5;
	v12 =	vmul.f32 v8, v8  }
0x1d6: {  	v1 =	vadd.f32 v14, v1;
	v47 =	vmul.f32 v30, v30;
	v8 =	vmul.f32 v46, v8  }
0x1d7: {  	v4 =	vadd.f32 v12, v4;
	v12 =	vadd.f32 v30, v18;
	v18 =	vmul.f32 v18, v18  }
0x1d8: {  	v31 =	vmul.f32 v46, v46;
	v43 =	vadd.f32 v23, v34;
	v8 =	vand.u32 $0x7FFFFFFF, v8  }
0x1d9: {  	v12 =	vsub.f32 v12, v27;
	v5 =	vadd.f32 v8, v5;
	v8 =	vmul.f32 v15, v15  }
0x1da: {  	v46 =	vmul.f32 v23, v23;
	v6 =	vadd.f32 v31, v6;
	v9 =	vsub.f32 v43, v10  }
0x1db: {  	v15 =	vor.u32 $0x2808, v7;
	v3 =	vadd.f32 v8, v3;
	v8 =	vmul.f32 v26, v26  }
0x1dc: {  	v11 =	vld.idx.msk [tilespmem:v50+s16+$0x0], $0xffff;
	v31 =	vor.u32 $0x3808, v7;
	v10 =	vmul.f32 v10, v10;
	v14 =	vmul.f32 v9, v9  }
0x1dd: {  	v26 =	vld.idx.msk [tilespmem:v50+s13+$0x0], $0xffff;
	v9 =	vmul.f32 v12, v9;
	v2 =	vadd.f32 v8, v2;
	v8 =	vmul.f32 v19, v19  }
0x1de: {  	v38 =	vld.idx.msk [tilespmem:v42+s13+$0x0], $0xffff;
	v50 =	vmul.f32 v27, v27;
	v4 =	vadd.f32 v14, v4;
	v14 =	vmul.f32 v34, v34  }
0x1df: {  	v19 =	vld.idx.msk [tilespmem:v42+s16+$0x0], $0xffff;
	v3 =	vadd.f32 v22, v3;
	v9 =	vand.u32 $0x7FFFFFFF, v9;
	v2 =	vadd.f32 v8, v2  }
0x1e0: {  	v8 =	vmul.f32 v12, v12;
	v12 =	vld.idx.msk [tilespmem:v15+s13+$0x0], $0xffff;
	v1 =	vadd.f32 v14, v1;
	v14 =	vor.u32 $0x1809, v7  }
0x1e1: {  	v5 =	vadd.f32 v9, v5;
	v15 =	vld.idx.msk [tilespmem:v31+s13+$0x0], $0xffff;
	v3 =	vadd.f32 v46, v3;
	v31 =	vor.u32 $0x3809, v7  }
0x1e2: {  	v22 =	vadd.f32 v11, v26;
	v6 =	vadd.f32 v8, v6;
	v8 =	vor.u32 $0x809, v7  }
0x1e3: {  	v2 =	vadd.f32 v10, v2;
	v3 =	vadd.f32 v47, v3;
	v47 =	vmul.f32 v11, v11  }
0x1e4: {  	v1 =	vadd.f32 v18, v1;
	v23 =	vadd.f32 v19, v38  }
0x1e5: {  	v30 =	vor.u32 $0x2809, v7;
	v2 =	vadd.f32 v50, v2;
	v3 =	vadd.f32 v47, v3;
	v42 =	vld.idx.msk [tilespmem:v14+s13+$0x0], $0xffff  }
0x1e6: {  	v34 =	vmul.f32 v19, v19;
	v22 =	vsub.f32 v22, v12;
	v23 =	vsub.f32 v23, v15;
	v46 =	vld.idx.msk [tilespmem:v14+s16+$0x0], $0xffff  }
0x1e7: {  	v14 =	vmul.f32 v26, v26;
	v50 =	vld.idx.msk [tilespmem:v31+s13+$0x0], $0xffff;
	v12 =	vmul.f32 v12, v12;
	v26 =	vor.u32 $0x280A, v7  }
0x1e8: {  	v15 =	vmul.f32 v15, v15;
	v3 =	vadd.f32 v34, v3;
	v27 =	vld.idx.msk [tilespmem:v8+s13+$0x0], $0xffff;
	v18 =	vmul.f32 v22, v22  }
0x1e9: {  	v39 =	vmul.f32 v23, v23;
	v43 =	vmul.f32 v23, v22;
	v8 =	vld.idx.msk [tilespmem:v8+s16+$0x0], $0xffff;
	v22 =	vor.u32 $0x80A, v7  }
0x1ea: {  	v1 =	vadd.f32 v14, v1;
	v14 =	vmul.f32 v38, v38;
	v2 =	vadd.f32 v12, v2  }
0x1eb: {  	v23 =	vor.u32 $0x180A, v7;
	v4 =	vadd.f32 v18, v4;
	v6 =	vadd.f32 v39, v6;
	v18 =	vld.idx.msk [tilespmem:v30+s13+$0x0], $0xffff  }
0x1ec: {  	v9 =	vand.u32 $0x7FFFFFFF, v43;
	v1 =	vadd.f32 v14, v1;
	v12 =	vadd.f32 v46, v42  }
0x1ed: {  	v31 =	vor.u32 $0x380A, v7;
	v2 =	vadd.f32 v15, v2;
	v5 =	vadd.f32 v9, v5  }
0x1ee: {  	v43 =	vor.u32 $0x380B, v7;
	v26 =	vld.idx.msk [tilespmem:v26+s13+$0x0], $0xffff;
	v19 =	vadd.f32 v8, v27;
	v12 =	vsub.f32 v12, v50  }
0x1ef: {  	v30 =	vld.idx.msk [tilespmem:v22+s13+$0x0], $0xffff;
	v39 =	vmul.f32 v27, v27;
	v27 =	vor.u32 $0x180B, v7;
	v8 =	vmul.f32 v8, v8  }
0x1f0: {  	v42 =	vmul.f32 v42, v42;
	v10 =	vmul.f32 v46, v46;
	v15 =	vld.idx.msk [tilespmem:v22+s16+$0x0], $0xffff;
	v19 =	vsub.f32 v19, v18  }
0x1f1: {  	v14 =	vld.idx.msk [tilespmem:v23+s13+$0x0], $0xffff;
	v22 =	vmul.f32 v12, v12;
	v1 =	vadd.f32 v39, v1;
	v3 =	vadd.f32 v8, v3  }
0x1f2: {  	v38 =	vmul.f32 v19, v19;
	v12 =	vmul.f32 v12, v19;
	v19 =	vld.idx.msk [tilespmem:v23+s16+$0x0], $0xffff;
	v23 =	vor.u32 $0x80B, v7  }
0x1f3: {  	v50 =	vmul.f32 v50, v50;
	v46 =	vmul.f32 v18, v18;
	v6 =	vadd.f32 v22, v6;
	v22 =	vld.idx.msk [tilespmem:v31+s13+$0x0], $0xffff  }
0x1f4: {  	v1 =	vadd.f32 v42, v1;
	v3 =	vadd.f32 v10, v3;
	v18 =	vld.idx.msk [tilespmem:v27+s13+$0x0], $0xffff;
	v12 =	vand.u32 $0x7FFFFFFF, v12  }
0x1f5: {  	v8 =	vadd.f32 v15, v30;
	v27 =	vld.idx.msk [tilespmem:v27+s16+$0x0], $0xffff;
	v5 =	vadd.f32 v12, v5;
	v12 =	vor.u32 $0x280B, v7  }
0x1f6: {  	v2 =	vadd.f32 v46, v2;
	v39 =	vmul.f32 v30, v30;
	v4 =	vadd.f32 v38, v4  }
0x1f7: {  	v8 =	vsub.f32 v8, v26;
	v31 =	vadd.f32 v19, v14;
	v34 =	vld.idx.msk [tilespmem:v23+s13+$0x0], $0xffff  }
0x1f8: {  	v42 =	vor.u32 $0x180C, v7;
	v2 =	vadd.f32 v50, v2;
	v1 =	vadd.f32 v39, v1;
	v23 =	vld.idx.msk [tilespmem:v23+s16+$0x0], $0xffff  }
0x1f9: {  	v30 =	vld.idx.msk [tilespmem:v43+s13+$0x0], $0xffff;
	v38 =	vmul.f32 v8, v8;
	v14 =	vmul.f32 v14, v14;
	v47 =	vsub.f32 v31, v22  }
0x1fa: {  	v19 =	vmul.f32 v19, v19;
	v46 =	vadd.f32 v27, v18;
	v18 =	vmul.f32 v18, v18;
	v10 =	vld.idx.msk [tilespmem:v12+s13+$0x0], $0xffff  }
0x1fb: {  	v50 =	vmul.f32 v27, v27;
	v12 =	vor.u32 $0x80C, v7;
	v8 =	vmul.f32 v47, v8  }
0x1fc: {  	v27 =	vor.u32 $0x280D, v7;
	v4 =	vadd.f32 v38, v4;
	v1 =	vadd.f32 v14, v1  }
0x1fd: {  	v31 =	vmul.f32 v47, v47;
	v43 =	vadd.f32 v23, v34;
	v8 =	vand.u32 $0x7FFFFFFF, v8  }
0x1fe: {  	v11 =	vsub.f32 v46, v30;
	v5 =	vadd.f32 v8, v5;
	v8 =	vmul.f32 v15, v15  }
0x1ff: {  	v47 =	vmul.f32 v23, v23;
	v6 =	vadd.f32 v31, v6;
	v9 =	vsub.f32 v43, v10  }
0x200: {  	v15 =	vor.u32 $0x280C, v7;
	v3 =	vadd.f32 v8, v3;
	v8 =	vmul.f32 v26, v26;
	v26 =	vld.idx.msk [tilespmem:v12+s13+$0x0], $0xffff  }
0x201: {  	v31 =	vor.u32 $0x380C, v7;
	v10 =	vmul.f32 v10, v10;
	v12 =	vld.idx.msk [tilespmem:v12+s16+$0x0], $0xffff;
	v14 =	vmul.f32 v9, v9  }
0x202: {  	v38 =	vld.idx.msk [tilespmem:v42+s13+$0x0], $0xffff;
	v9 =	vmul.f32 v11, v9;
	v2 =	vadd.f32 v8, v2;
	v8 =	vmul.f32 v22, v22  }
0x203: {  	v22 =	vld.idx.msk [tilespmem:v42+s16+$0x0], $0xffff;
	v3 =	vadd.f32 v19, v3;
	v4 =	vadd.f32 v14, v4;
	v14 =	vmul.f32 v34, v34  }
0x204: {  	v9 =	vand.u32 $0x7FFFFFFF, v9;
	v2 =	vadd.f32 v8, v2;
	v8 =	vmul.f32 v11, v11  }
0x205: {  	v11 =	vld.idx.msk [tilespmem:v15+s13+$0x0], $0xffff;
	v5 =	vadd.f32 v9, v5;
	v1 =	vadd.f32 v14, v1;
	v14 =	vor.u32 $0x180D, v7  }
0x206: {  	v39 =	vmul.f32 v30, v30;
	v15 =	vld.idx.msk [tilespmem:v31+s13+$0x0], $0xffff;
	v3 =	vadd.f32 v47, v3;
	v19 =	vadd.f32 v12, v26  }
0x207: {  	v6 =	vadd.f32 v8, v6;
	v8 =	vor.u32 $0x80D, v7;
	v2 =	vadd.f32 v10, v2  }
0x208: {  	v3 =	vadd.f32 v50, v3;
	v50 =	vmul.f32 v12, v12;
	v23 =	vadd.f32 v22, v38  }
0x209: {  	v31 =	vor.u32 $0x380D, v7;
	v1 =	vadd.f32 v18, v1;
	v2 =	vadd.f32 v39, v2  }
0x20a: {  	v34 =	vmul.f32 v22, v22;
	v3 =	vadd.f32 v50, v3;
	v19 =	vsub.f32 v19, v11;
	v43 =	vld.idx.msk [tilespmem:v14+s13+$0x0], $0xffff  }
0x20b: {  	v23 =	vsub.f32 v23, v15;
	v11 =	vmul.f32 v11, v11;
	v15 =	vmul.f32 v15, v15;
	v47 =	vld.idx.msk [tilespmem:v14+s16+$0x0], $0xffff  }
0x20c: {  	v14 =	vmul.f32 v26, v26;
	v26 =	vor.u32 $0x280E, v7;
	v3 =	vadd.f32 v34, v3;
	v30 =	vld.idx.msk [tilespmem:v8+s13+$0x0], $0xffff  }
0x20d: {  	v18 =	vmul.f32 v19, v19;
	v46 =	vmul.f32 v23, v19;
	v8 =	vld.idx.msk [tilespmem:v8+s16+$0x0], $0xffff;
	v19 =	vor.u32 $0x80E, v7  }
0x20e: {  	v12 =	vld.idx.msk [tilespmem:v31+s13+$0x0], $0xffff;
	v42 =	vmul.f32 v23, v23;
	v23 =	vor.u32 $0x180E, v7;
	v2 =	vadd.f32 v11, v2  }
0x20f: {  	v1 =	vadd.f32 v14, v1;
	v14 =	vmul.f32 v38, v38;
	v4 =	vadd.f32 v18, v4;
	v18 =	vld.idx.msk [tilespmem:v27+s13+$0x0], $0xffff  }
0x210: {  	v6 =	vadd.f32 v42, v6;
	v9 =	vand.u32 $0x7FFFFFFF, v46;
	v46 =	vor.u32 $0x280F, v7  }
0x211: {  	v31 =	vor.u32 $0x380E, v7;
	v2 =	vadd.f32 v15, v2;
	v38 =	vadd.f32 v47, v43;
	v26 =	vld.idx.msk [tilespmem:v26+s13+$0x0], $0xffff  }
0x212: {  	v1 =	vadd.f32 v14, v1;
	v43 =	vmul.f32 v43, v43;
	v22 =	vadd.f32 v8, v30;
	v27 =	vld.idx.msk [tilespmem:v19+s13+$0x0], $0xffff  }
0x213: {  	v14 =	vld.idx.msk [tilespmem:v23+s13+$0x0], $0xffff;
	v42 =	vmul.f32 v30, v30;
	v30 =	vor.u32 $0x180F, v7;
	v11 =	vsub.f32 v38, v12  }
0x214: {  	v10 =	vmul.f32 v47, v47;
	v47 =	vor.u32 $0x380F, v7;
	v15 =	vld.idx.msk [tilespmem:v19+s16+$0x0], $0xffff;
	v22 =	vsub.f32 v22, v18  }
0x215: {  	v8 =	vmul.f32 v8, v8;
	v1 =	vadd.f32 v42, v1;
	v42 =	vld.idx.msk [tilespmem:v46+s13+$0x0], $0xffff;
	v19 =	vmul.f32 v11, v11  }
0x216: {  	v39 =	vmul.f32 v22, v22;
	v11 =	vmul.f32 v11, v22;
	v22 =	vld.idx.msk [tilespmem:v23+s16+$0x0], $0xffff;
	v23 =	vor.u32 $0x80F, v7  }
0x217: {  	v3 =	vadd.f32 v8, v3;
	v50 =	vmul.f32 v18, v18;
	v6 =	vadd.f32 v19, v6;
	v19 =	vld.idx.msk [tilespmem:v31+s13+$0x0], $0xffff  }
0x218: {  	v5 =	vadd.f32 v9, v5;
	v1 =	vadd.f32 v43, v1;
	v18 =	vld.idx.msk [tilespmem:v30+s13+$0x0], $0xffff  }
0x219: {  	v3 =	vadd.f32 v10, v3;
	v2 =	vadd.f32 v50, v2;
	v30 =	vld.idx.msk [tilespmem:v30+s16+$0x0], $0xffff  }
0x21a: {  	v43 =	vor.u32 $0x810, v7;
	v8 =	vadd.f32 v15, v27;
	v46 =	vmul.f32 v27, v27;
	v27 =	vld.idx.msk [tilespmem:v47+s13+$0x0], $0xffff  }
0x21b: {  	v47 =	vor.u32 $0x1810, v7;
	v4 =	vadd.f32 v39, v4;
	v31 =	vadd.f32 v22, v14;
	v34 =	vld.idx.msk [tilespmem:v23+s13+$0x0], $0xffff  }
0x21c: {  	v11 =	vand.u32 $0x7FFFFFFF, v11;
	v39 =	vmul.f32 v12, v12;
	v8 =	vsub.f32 v8, v26;
	v23 =	vld.idx.msk [tilespmem:v23+s16+$0x0], $0xffff  }
0x21d: {  	v5 =	vadd.f32 v11, v5;
	v10 =	vmul.f32 v42, v42;
	v38 =	vsub.f32 v31, v19  }
0x21e: {  	v1 =	vadd.f32 v46, v1;
	v12 =	vmul.f32 v8, v8;
	v14 =	vmul.f32 v14, v14  }
0x21f: {  	v2 =	vadd.f32 v39, v2;
	v22 =	vmul.f32 v22, v22;
	v8 =	vmul.f32 v38, v8  }
0x220: {  	v39 =	vmul.f32 v30, v30;
	v4 =	vadd.f32 v12, v4;
	v12 =	vadd.f32 v30, v18  }
0x221: {  	v1 =	vadd.f32 v14, v1;
	v50 =	vadd.f32 v23, v34;
	v8 =	vand.u32 $0x7FFFFFFF, v8  }
0x222: {  	v18 =	vmul.f32 v18, v18;
	v5 =	vadd.f32 v8, v5;
	v8 =	vmul.f32 v15, v15  }
0x223: {  	v31 =	vmul.f32 v38, v38;
	v12 =	vsub.f32 v12, v27;
	v9 =	vsub.f32 v50, v42  }
0x224: {  	v15 =	vor.u32 $0x2810, v7;
	v3 =	vadd.f32 v8, v3;
	v8 =	vmul.f32 v26, v26  }
0x225: {  	v11 =	vld.idx.msk [tilespmem:v43+s16+$0x0], $0xffff;
	v6 =	vadd.f32 v31, v6;
	v31 =	vor.u32 $0x3810, v7;
	v14 =	vmul.f32 v9, v9  }
0x226: {  	v26 =	vld.idx.msk [tilespmem:v43+s13+$0x0], $0xffff;
	v9 =	vmul.f32 v12, v9;
	v2 =	vadd.f32 v8, v2;
	v8 =	vmul.f32 v19, v19  }
0x227: {  	v38 =	vld.idx.msk [tilespmem:v47+s13+$0x0], $0xffff;
	v35 =	vmul.f32 v23, v23;
	v4 =	vadd.f32 v14, v4;
	v14 =	vmul.f32 v34, v34  }
0x228: {  	v19 =	vld.idx.msk [tilespmem:v47+s16+$0x0], $0xffff;
	v3 =	vadd.f32 v22, v3;
	v9 =	vand.u32 $0x7FFFFFFF, v9;
	v2 =	vadd.f32 v8, v2  }
0x229: {  	v8 =	vmul.f32 v12, v12;
	v12 =	vld.idx.msk [tilespmem:v15+s13+$0x0], $0xffff;
	v1 =	vadd.f32 v14, v1;
	v14 =	vor.u32 $0x1811, v7  }
0x22a: {  	v30 =	vor.u32 $0x2811, v7;
	v5 =	vadd.f32 v9, v5;
	v15 =	vld.idx.msk [tilespmem:v31+s13+$0x0], $0xffff;
	v3 =	vadd.f32 v35, v3  }
0x22b: {  	v22 =	vadd.f32 v11, v26;
	v6 =	vadd.f32 v8, v6;
	v8 =	vor.u32 $0x811, v7  }
0x22c: {  	v42 =	vmul.f32 v27, v27;
	v2 =	vadd.f32 v10, v2;
	v1 =	vadd.f32 v18, v1  }
0x22d: {  	v31 =	vor.u32 $0x3811, v7;
	v3 =	vadd.f32 v39, v3;
	v23 =	vadd.f32 v19, v38  }
0x22e: {  	v34 =	vmul.f32 v11, v11;
	v2 =	vadd.f32 v42, v2;
	v22 =	vsub.f32 v22, v12;
	v46 =	vld.idx.msk [tilespmem:v14+s13+$0x0], $0xffff  }
0x22f: {  	v23 =	vsub.f32 v23, v15;
	v50 =	vld.idx.msk [tilespmem:v14+s16+$0x0], $0xffff;
	v14 =	vmul.f32 v26, v26;
	v12 =	vmul.f32 v12, v12  }
0x230: {  	v3 =	vadd.f32 v34, v3;
	v15 =	vmul.f32 v15, v15;
	v27 =	vld.idx.msk [tilespmem:v8+s13+$0x0], $0xffff;
	v18 =	vmul.f32 v22, v22  }
0x231: {  	v26 =	vor.u32 $0x2812, v7;
	v43 =	vmul.f32 v23, v23;
	v47 =	vmul.f32 v23, v22;
	v8 =	vld.idx.msk [tilespmem:v8+s16+$0x0], $0xffff  }
0x232: {  	v11 =	vld.idx.msk [tilespmem:v31+s13+$0x0], $0xffff;
	v22 =	vor.u32 $0x812, v7;
	v1 =	vadd.f32 v14, v1;
	v14 =	vmul.f32 v38, v38  }
0x233: {  	v38 =	vmul.f32 v19, v19;
	v2 =	vadd.f32 v12, v2;
	v4 =	vadd.f32 v18, v4;
	v18 =	vld.idx.msk [tilespmem:v30+s13+$0x0], $0xffff  }
0x234: {  	v23 =	vor.u32 $0x1812, v7;
	v6 =	vadd.f32 v43, v6;
	v1 =	vadd.f32 v14, v1  }
0x235: {  	v31 =	vor.u32 $0x3812, v7;
	v3 =	vadd.f32 v38, v3;
	v12 =	vadd.f32 v50, v46  }
0x236: {  	v9 =	vand.u32 $0x7FFFFFFF, v47;
	v2 =	vadd.f32 v15, v2;
	v26 =	vld.idx.msk [tilespmem:v26+s13+$0x0], $0xffff;
	v19 =	vadd.f32 v8, v27  }
0x237: {  	v30 =	vld.idx.msk [tilespmem:v22+s13+$0x0], $0xffff;
	v12 =	vsub.f32 v12, v11;
	v42 =	vmul.f32 v27, v27;
	v27 =	vor.u32 $0x1813, v7  }
0x238: {  	v5 =	vadd.f32 v9, v5;
	v43 =	vmul.f32 v46, v46;
	v15 =	vld.idx.msk [tilespmem:v22+s16+$0x0], $0xffff;
	v19 =	vsub.f32 v19, v18  }
0x239: {  	v46 =	vor.u32 $0x3813, v7;
	v14 =	vld.idx.msk [tilespmem:v23+s13+$0x0], $0xffff;
	v8 =	vmul.f32 v8, v8;
	v22 =	vmul.f32 v12, v12  }
0x23a: {  	v39 =	vmul.f32 v19, v19;
	v12 =	vmul.f32 v12, v19;
	v19 =	vld.idx.msk [tilespmem:v23+s16+$0x0], $0xffff;
	v23 =	vor.u32 $0x813, v7  }
0x23b: {  	v10 =	vmul.f32 v50, v50;
	v1 =	vadd.f32 v42, v1;
	v6 =	vadd.f32 v22, v6;
	v22 =	vld.idx.msk [tilespmem:v31+s13+$0x0], $0xffff  }
0x23c: {  	v3 =	vadd.f32 v8, v3;
	v47 =	vmul.f32 v18, v18;
	v18 =	vld.idx.msk [tilespmem:v27+s13+$0x0], $0xffff;
	v12 =	vand.u32 $0x7FFFFFFF, v12  }
0x23d: {  	v8 =	vadd.f32 v15, v30;
	v27 =	vld.idx.msk [tilespmem:v27+s16+$0x0], $0xffff;
	v5 =	vadd.f32 v12, v5;
	v12 =	vor.u32 $0x2813, v7  }
0x23e: {  	v1 =	vadd.f32 v43, v1;
	v2 =	vadd.f32 v47, v2;
	v42 =	vmul.f32 v30, v30;
	v30 =	vld.idx.msk [tilespmem:v46+s13+$0x0], $0xffff  }
0x23f: {  	v38 =	vmul.f32 v11, v11;
	v8 =	vsub.f32 v8, v26;
	v31 =	vadd.f32 v19, v14;
	v34 =	vld.idx.msk [tilespmem:v23+s13+$0x0], $0xffff  }
0x240: {  	v3 =	vadd.f32 v10, v3;
	v43 =	vor.u32 $0x1814, v7;
	v4 =	vadd.f32 v39, v4;
	v23 =	vld.idx.msk [tilespmem:v23+s16+$0x0], $0xffff  }
0x241: {  	v2 =	vadd.f32 v38, v2;
	v39 =	vmul.f32 v8, v8;
	v50 =	vsub.f32 v31, v22  }
0x242: {  	v1 =	vadd.f32 v42, v1;
	v14 =	vmul.f32 v14, v14;
	v19 =	vmul.f32 v19, v19;
	v10 =	vld.idx.msk [tilespmem:v12+s13+$0x0], $0xffff  }
0x243: {  	v47 =	vadd.f32 v27, v18;
	v18 =	vmul.f32 v18, v18;
	v8 =	vmul.f32 v50, v8  }
0x244: {  	v42 =	vmul.f32 v30, v30;
	v4 =	vadd.f32 v39, v4;
	v12 =	vor.u32 $0x814, v7  }
0x245: {  	v31 =	vmul.f32 v50, v50;
	v46 =	vadd.f32 v23, v34;
	v8 =	vand.u32 $0x7FFFFFFF, v8  }
0x246: {  	v1 =	vadd.f32 v14, v1;
	v5 =	vadd.f32 v8, v5;
	v8 =	vmul.f32 v15, v15  }
0x247: {  	v6 =	vadd.f32 v31, v6;
	v15 =	vor.u32 $0x2814, v7;
	v9 =	vsub.f32 v46, v10  }
0x248: {  	v50 =	vld.idx.msk [tilespmem:v43+s13+$0x0], $0xffff;
	v31 =	vor.u32 $0x3814, v7;
	v3 =	vadd.f32 v8, v3;
	v8 =	vmul.f32 v26, v26  }
0x249: {  	v39 =	vmul.f32 v27, v27;
	v27 =	vor.u32 $0x2815, v7;
	v26 =	vld.idx.msk [tilespmem:v12+s13+$0x0], $0xffff;
	v14 =	vmul.f32 v9, v9  }
0x24a: {  	v11 =	vsub.f32 v47, v30;
	v12 =	vld.idx.msk [tilespmem:v12+s16+$0x0], $0xffff;
	v2 =	vadd.f32 v8, v2;
	v8 =	vmul.f32 v22, v22  }
0x24b: {  	v35 =	vmul.f32 v23, v23;
	v22 =	vld.idx.msk [tilespmem:v43+s16+$0x0], $0xffff;
	v4 =	vadd.f32 v14, v4;
	v14 =	vmul.f32 v34, v34  }
0x24c: {  	v9 =	vmul.f32 v11, v9;
	v2 =	vadd.f32 v8, v2;
	v8 =	vmul.f32 v11, v11;
	v11 =	vld.idx.msk [tilespmem:v15+s13+$0x0], $0xffff  }
0x24d: {  	v3 =	vadd.f32 v19, v3;
	v15 =	vld.idx.msk [tilespmem:v31+s13+$0x0], $0xffff;
	v1 =	vadd.f32 v14, v1;
	v14 =	vor.u32 $0x1815, v7  }
0x24e: {  	v9 =	vand.u32 $0x7FFFFFFF, v9;
	v6 =	vadd.f32 v8, v6;
	v8 =	vor.u32 $0x815, v7  }
0x24f: {  	v10 =	vmul.f32 v10, v10;
	v5 =	vadd.f32 v9, v5;
	v3 =	vadd.f32 v35, v3  }
0x250: {  	v31 =	vor.u32 $0x3815, v7;
	v19 =	vadd.f32 v12, v26;
	v23 =	vadd.f32 v22, v50  }
0x251: {  	v46 =	vmul.f32 v26, v26;
	v2 =	vadd.f32 v10, v2;
	v3 =	vadd.f32 v39, v3  }
0x252: {  	v12 =	vmul.f32 v12, v12;
	v19 =	vsub.f32 v19, v11;
	v23 =	vsub.f32 v23, v15;
	v35 =	vld.idx.msk [tilespmem:v14+s13+$0x0], $0xffff  }
0x253: {  	v1 =	vadd.f32 v18, v1;
	v50 =	vmul.f32 v50, v50;
	v38 =	vmul.f32 v22, v22;
	v30 =	vld.idx.msk [tilespmem:v8+s13+$0x0], $0xffff  }
0x254: {  	v18 =	vmul.f32 v19, v19;
	v8 =	vld.idx.msk [tilespmem:v8+s16+$0x0], $0xffff;
	v47 =	vmul.f32 v23, v19;
	v19 =	vor.u32 $0x816, v7  }
0x255: {  	v22 =	vor.u32 $0x2816, v7;
	v2 =	vadd.f32 v42, v2;
	v3 =	vadd.f32 v12, v3;
	v14 =	vld.idx.msk [tilespmem:v14+s16+$0x0], $0xffff  }
0x256: {  	v1 =	vadd.f32 v46, v1;
	v11 =	vmul.f32 v11, v11;
	v4 =	vadd.f32 v18, v4;
	v18 =	vld.idx.msk [tilespmem:v27+s13+$0x0], $0xffff  }
0x257: {  	v26 =	vor.u32 $0x1816, v7;
	v3 =	vadd.f32 v38, v3;
	v43 =	vmul.f32 v23, v23  }
0x258: {  	v42 =	vmul.f32 v15, v15;
	v23 =	vld.idx.msk [tilespmem:v31+s13+$0x0], $0xffff;
	v1 =	vadd.f32 v50, v1;
	v2 =	vadd.f32 v11, v2  }
0x259: {  	v6 =	vadd.f32 v43, v6;
	v10 =	vand.u32 $0x7FFFFFFF, v47;
	v34 =	vadd.f32 v8, v30;
	v27 =	vld.idx.msk [tilespmem:v19+s13+$0x0], $0xffff  }
0x25a: {  	v31 =	vor.u32 $0x3816, v7;
	v2 =	vadd.f32 v42, v2;
	v5 =	vadd.f32 v10, v5;
	v19 =	vld.idx.msk [tilespmem:v19+s16+$0x0], $0xffff  }
0x25b: {  	v22 =	vld.idx.msk [tilespmem:v22+s13+$0x0], $0xffff;
	v12 =	vadd.f32 v14, v35;
	v9 =	vsub.f32 v34, v18  }
0x25c: {  	v10 =	vld.idx.msk [tilespmem:v26+s16+$0x0], $0xffff;
	v47 =	vmul.f32 v35, v35;
	v46 =	vmul.f32 v30, v30;
	v30 =	vor.u32 $0x1817, v7  }
0x25d: {  	v39 =	vsub.f32 v12, v23;
	v12 =	vld.idx.msk [tilespmem:v26+s13+$0x0], $0xffff;
	v26 =	vor.u32 $0x817, v7;
	v15 =	vmul.f32 v9, v9  }
0x25e: {  	v8 =	vmul.f32 v8, v8;
	v1 =	vadd.f32 v46, v1;
	v18 =	vmul.f32 v18, v18  }
0x25f: {  	v43 =	vmul.f32 v39, v39;
	v50 =	vadd.f32 v19, v27;
	v4 =	vadd.f32 v15, v4;
	v15 =	vld.idx.msk [tilespmem:v31+s13+$0x0], $0xffff  }
0x260: {  	v3 =	vadd.f32 v8, v3;
	v8 =	vmul.f32 v14, v14;
	v9 =	vmul.f32 v39, v9  }
0x261: {  	v6 =	vadd.f32 v43, v6;
	v43 =	vor.u32 $0x3817, v7;
	v14 =	vld.idx.msk [tilespmem:v30+s13+$0x0], $0xffff;
	v11 =	vsub.f32 v50, v22  }
0x262: {  	v2 =	vadd.f32 v18, v2;
	v31 =	vor.u32 $0x2817, v7;
	v42 =	vadd.f32 v10, v12;
	v35 =	vld.idx.msk [tilespmem:v26+s13+$0x0], $0xffff  }
0x263: {  	v3 =	vadd.f32 v8, v3;
	v9 =	vand.u32 $0x7FFFFFFF, v9;
	v26 =	vld.idx.msk [tilespmem:v26+s16+$0x0], $0xffff;
	v8 =	vmul.f32 v11, v11  }
0x264: {  	v18 =	vmul.f32 v23, v23;
	v5 =	vadd.f32 v9, v5;
	v9 =	vld.idx.msk [tilespmem:v30+s16+$0x0], $0xffff;
	v23 =	vsub.f32 v42, v15  }
0x265: {  	v1 =	vadd.f32 v47, v1;
	v4 =	vadd.f32 v8, v4;
	v8 =	vmul.f32 v27, v27  }
0x266: {  	v2 =	vadd.f32 v18, v2;
	v30 =	vor.u32 $0x818, v7;
	v27 =	vld.idx.msk [tilespmem:v43+s13+$0x0], $0xffff;
	v18 =	vmul.f32 v23, v23  }
0x267: {  	v11 =	vmul.f32 v23, v11;
	v23 =	vld.idx.msk [tilespmem:v31+s13+$0x0], $0xffff;
	v1 =	vadd.f32 v8, v1  }
0x268: {  	v8 =	vmul.f32 v19, v19;
	v6 =	vadd.f32 v18, v6;
	v18 =	vor.u32 $0x1818, v7  }
0x269: {  	v46 =	vmul.f32 v12, v12;
	v12 =	vadd.f32 v26, v35;
	v19 =	vadd.f32 v9, v14  }
0x26a: {  	v3 =	vadd.f32 v8, v3;
	v8 =	vmul.f32 v22, v22;
	v22 =	vor.u32 $0x2818, v7  }
0x26b: {  	v47 =	vor.u32 $0x3818, v7;
	v10 =	vmul.f32 v10, v10;
	v31 =	vld.idx.msk [tilespmem:v30+s13+$0x0], $0xffff;
	v19 =	vsub.f32 v19, v27  }
0x26c: {  	v30 =	vld.idx.msk [tilespmem:v30+s16+$0x0], $0xffff;
	v2 =	vadd.f32 v8, v2;
	v8 =	vmul.f32 v15, v15;
	v12 =	vsub.f32 v12, v23  }
0x26d: {  	v14 =	vmul.f32 v14, v14;
	v11 =	vand.u32 $0x7FFFFFFF, v11;
	v1 =	vadd.f32 v46, v1;
	v15 =	vld.idx.msk [tilespmem:v18+s13+$0x0], $0xffff  }
0x26e: {  	v5 =	vadd.f32 v11, v5;
	v2 =	vadd.f32 v8, v2;
	v8 =	vmul.f32 v19, v12;
	v43 =	vld.idx.msk [tilespmem:v18+s16+$0x0], $0xffff  }
0x26f: {  	v3 =	vadd.f32 v10, v3;
	v42 =	vmul.f32 v19, v19;
	v50 =	vmul.f32 v12, v12;
	v46 =	vld.idx.msk [tilespmem:v22+s13+$0x0], $0xffff  }
0x270: {  	v12 =	vmul.f32 v35, v35;
	v18 =	vld.idx.msk [tilespmem:v47+s13+$0x0], $0xffff;
	v19 =	vor.u32 $0x819, v7;
	v8 =	vand.u32 $0x7FFFFFFF, v8  }
0x271: {  	v22 =	vor.u32 $0x1819, v7;
	v5 =	vadd.f32 v8, v5;
	v8 =	vmul.f32 v26, v26  }
0x272: {  	v23 =	vmul.f32 v23, v23;
	v1 =	vadd.f32 v12, v1;
	v12 =	vadd.f32 v30, v31  }
0x273: {  	v9 =	vmul.f32 v9, v9;
	v3 =	vadd.f32 v8, v3;
	v8 =	vadd.f32 v43, v15  }
0x274: {  	v39 =	vmul.f32 v30, v30;
	v2 =	vadd.f32 v23, v2;
	v26 =	vor.u32 $0x2819, v7  }
0x275: {  	v47 =	vor.u32 $0x3819, v7;
	v12 =	vsub.f32 v12, v46;
	v34 =	vld.idx.msk [tilespmem:v19+s13+$0x0], $0xffff;
	v8 =	vsub.f32 v8, v18  }
0x276: {  	v23 =	vmul.f32 v27, v27;
	v1 =	vadd.f32 v14, v1;
	v14 =	vmul.f32 v31, v31;
	v38 =	vld.idx.msk [tilespmem:v22+s13+$0x0], $0xffff  }
0x277: {  	v4 =	vadd.f32 v50, v4;
	v27 =	vmul.f32 v12, v12;
	v50 =	vmul.f32 v8, v12;
	v12 =	vld.idx.msk [tilespmem:v19+s16+$0x0], $0xffff  }
0x278: {  	v6 =	vadd.f32 v42, v6;
	v2 =	vadd.f32 v23, v2;
	v23 =	vor.u32 $0x81A, v7;
	v19 =	vld.idx.msk [tilespmem:v22+s16+$0x0], $0xffff  }
0x279: {  	v11 =	vmul.f32 v46, v46;
	v1 =	vadd.f32 v14, v1;
	v14 =	vmul.f32 v15, v15;
	v22 =	vld.idx.msk [tilespmem:v26+s13+$0x0], $0xffff  }
0x27a: {  	v31 =	vor.u32 $0x381A, v7;
	v15 =	vld.idx.msk [tilespmem:v47+s13+$0x0], $0xffff;
	v3 =	vadd.f32 v9, v3;
	v8 =	vmul.f32 v8, v8  }
0x27b: {  	v2 =	vadd.f32 v11, v2;
	v1 =	vadd.f32 v14, v1;
	v26 =	vor.u32 $0x181A, v7  }
0x27c: {  	v46 =	vmul.f32 v18, v18;
	v6 =	vadd.f32 v8, v6;
	v8 =	vadd.f32 v12, v34  }
0x27d: {  	v30 =	vld.idx.msk [tilespmem:v23+s13+$0x0], $0xffff;
	v4 =	vadd.f32 v27, v4;
	v27 =	vor.u32 $0x281A, v7;
	v14 =	vadd.f32 v19, v38  }
0x27e: {  	v42 =	vmul.f32 v43, v43;
	v3 =	vadd.f32 v39, v3;
	v8 =	vsub.f32 v8, v22  }
0x27f: {  	v23 =	vld.idx.msk [tilespmem:v23+s16+$0x0], $0xffff;
	v2 =	vadd.f32 v46, v2;
	v39 =	vor.u32 $0x81B, v7;
	v43 =	vsub.f32 v14, v15  }
0x280: {  	v9 =	vand.u32 $0x7FFFFFFF, v50;
	v50 =	vld.idx.msk [tilespmem:v26+s16+$0x0], $0xffff;
	v34 =	vmul.f32 v34, v34;
	v18 =	vmul.f32 v8, v8  }
0x281: {  	v3 =	vadd.f32 v42, v3;
	v35 =	vmul.f32 v12, v12;
	v14 =	vld.idx.msk [tilespmem:v26+s13+$0x0], $0xffff;
	v8 =	vmul.f32 v43, v8  }
0x282: {  	v5 =	vadd.f32 v9, v5;
	v46 =	vmul.f32 v30, v30;
	v4 =	vadd.f32 v18, v4;
	v18 =	vld.idx.msk [tilespmem:v27+s13+$0x0], $0xffff  }
0x283: {  	v1 =	vadd.f32 v34, v1;
	v3 =	vadd.f32 v35, v3;
	v8 =	vand.u32 $0x7FFFFFFF, v8  }
0x284: {  	v12 =	vld.idx.msk [tilespmem:v31+s13+$0x0], $0xffff;
	v47 =	vmul.f32 v43, v43;
	v5 =	vadd.f32 v8, v5;
	v8 =	vmul.f32 v38, v38  }
0x285: {  	v43 =	vor.u32 $0x381B, v7;
	v38 =	vmul.f32 v19, v19;
	v19 =	vadd.f32 v23, v30  }
0x286: {  	v27 =	vor.u32 $0x181B, v7;
	v1 =	vadd.f32 v8, v1;
	v8 =	vmul.f32 v22, v22  }
0x287: {  	v10 =	vmul.f32 v50, v50;
	v26 =	vadd.f32 v50, v14;
	v42 =	vsub.f32 v19, v18  }
0x288: {  	v2 =	vadd.f32 v8, v2;
	v8 =	vmul.f32 v15, v15;
	v15 =	vor.u32 $0x281B, v7  }
0x289: {  	v31 =	vld.idx.msk [tilespmem:v39+s13+$0x0], $0xffff;
	v6 =	vadd.f32 v47, v6;
	v14 =	vmul.f32 v14, v14;
	v19 =	vsub.f32 v26, v12  }
0x28a: {  	v11 =	vld.idx.msk [tilespmem:v39+s16+$0x0], $0xffff;
	v23 =	vmul.f32 v23, v23;
	v3 =	vadd.f32 v38, v3;
	v22 =	vmul.f32 v42, v42  }
0x28b: {  	v47 =	vld.idx.msk [tilespmem:v27+s16+$0x0], $0xffff;
	v26 =	vmul.f32 v19, v19;
	v2 =	vadd.f32 v8, v2;
	v8 =	vmul.f32 v19, v42  }
0x28c: {  	v1 =	vadd.f32 v46, v1;
	v19 =	vld.idx.msk [tilespmem:v27+s13+$0x0], $0xffff;
	v4 =	vadd.f32 v22, v4;
	v22 =	vor.u32 $0x81C, v7  }
0x28d: {  	v6 =	vadd.f32 v26, v6;
	v8 =	vand.u32 $0x7FFFFFFF, v8;
	v26 =	vor.u32 $0x181C, v7;
	v15 =	vld.idx.msk [tilespmem:v15+s13+$0x0], $0xffff  }
0x28e: {  	v30 =	vor.u32 $0x381C, v7;
	v5 =	vadd.f32 v8, v5;
	v8 =	vmul.f32 v18, v18;
	v18 =	vld.idx.msk [tilespmem:v43+s13+$0x0], $0xffff  }
0x28f: {  	v3 =	vadd.f32 v23, v3;
	v27 =	vor.u32 $0x281C, v7;
	v1 =	vadd.f32 v14, v1  }
0x290: {  	v50 =	vor.u32 $0x81D, v7;
	v2 =	vadd.f32 v8, v2;
	v8 =	vadd.f32 v11, v31  }
0x291: {  	v12 =	vmul.f32 v12, v12;
	v3 =	vadd.f32 v10, v3;
	v14 =	vadd.f32 v47, v19;
	v23 =	vld.idx.msk [tilespmem:v22+s13+$0x0], $0xffff  }
0x292: {  	v43 =	vor.u32 $0x281D, v7;
	v31 =	vmul.f32 v31, v31;
	v10 =	vld.idx.msk [tilespmem:v26+s13+$0x0], $0xffff;
	v8 =	vsub.f32 v8, v15  }
0x293: {  	v19 =	vmul.f32 v19, v19;
	v2 =	vadd.f32 v12, v2;
	v22 =	vld.idx.msk [tilespmem:v22+s16+$0x0], $0xffff;
	v12 =	vsub.f32 v14, v18  }
0x294: {  	v11 =	vmul.f32 v11, v11;
	v1 =	vadd.f32 v31, v1;
	v14 =	vld.idx.msk [tilespmem:v27+s13+$0x0], $0xffff;
	v42 =	vmul.f32 v8, v8  }
0x295: {  	v27 =	vor.u32 $0x181D, v7;
	v39 =	vmul.f32 v12, v12;
	v8 =	vmul.f32 v12, v8;
	v12 =	vld.idx.msk [tilespmem:v26+s16+$0x0], $0xffff  }
0x296: {  	v38 =	vor.u32 $0x181E, v7;
	v30 =	vld.idx.msk [tilespmem:v30+s13+$0x0], $0xffff;
	v9 =	vmul.f32 v47, v47  }
0x297: {  	v34 =	vld.idx.msk [tilespmem:v50+s16+$0x0], $0xffff;
	v3 =	vadd.f32 v11, v3;
	v1 =	vadd.f32 v19, v1;
	v19 =	vor.u32 $0x81E, v7  }
0x298: {  	v31 =	vld.idx.msk [tilespmem:v50+s13+$0x0], $0xffff;
	v15 =	vmul.f32 v15, v15;
	v26 =	vor.u32 $0x381D, v7;
	v4 =	vadd.f32 v42, v4  }
0x299: {  	v35 =	vld.idx.msk [tilespmem:v43+s13+$0x0], $0xffff;
	v8 =	vand.u32 $0x7FFFFFFF, v8;
	v46 =	vadd.f32 v22, v23;
	v42 =	vor.u32 $0x281E, v7  }
0x29a: {  	v43 =	vor.u32 $0x381E, v7;
	v5 =	vadd.f32 v8, v5;
	v8 =	vld.idx.msk [tilespmem:v27+s13+$0x0], $0xffff;
	v47 =	vadd.f32 v12, v10  }
0x29b: {  	v2 =	vadd.f32 v15, v2;
	v15 =	vmul.f32 v18, v18;
	v27 =	vld.idx.msk [tilespmem:v27+s16+$0x0], $0xffff;
	v11 =	vsub.f32 v46, v14  }
0x29c: {  	v6 =	vadd.f32 v39, v6;
	v39 =	vld.idx.msk [tilespmem:v19+s13+$0x0], $0xffff;
	v50 =	vsub.f32 v47, v30  }
0x29d: {  	v3 =	vadd.f32 v9, v3;
	v2 =	vadd.f32 v15, v2;
	v26 =	vld.idx.msk [tilespmem:v26+s13+$0x0], $0xffff;
	v18 =	vmul.f32 v11, v11  }
0x29e: {  	v15 =	vmul.f32 v23, v23;
	v47 =	vor.u32 $0x81F, v7;
	v23 =	vld.idx.msk [tilespmem:v42+s13+$0x0], $0xffff;
	v9 =	vmul.f32 v50, v11  }
0x29f: {  	v42 =	vor.u32 $0x181F, v7;
	v4 =	vadd.f32 v18, v4;
	v18 =	vld.idx.msk [tilespmem:v43+s13+$0x0], $0xffff  }
0x2a0: {  	v1 =	vadd.f32 v15, v1;
	v15 =	vmul.f32 v22, v22;
	v11 =	vld.idx.msk [tilespmem:v38+s13+$0x0], $0xffff;
	v9 =	vand.u32 $0x7FFFFFFF, v9  }
0x2a1: {  	v46 =	vmul.f32 v50, v50;
	v5 =	vadd.f32 v9, v5;
	v9 =	vmul.f32 v10, v10;
	v10 =	vld.idx.msk [tilespmem:v19+s16+$0x0], $0xffff  }
0x2a2: {  	v14 =	vmul.f32 v14, v14;
	v22 =	vor.u32 $0x281F, v7;
	v43 =	vadd.f32 v27, v8;
	v19 =	vld.idx.msk [tilespmem:v38+s16+$0x0], $0xffff  }
0x2a3: {  	v50 =	vor.u32 $0x381F, v7;
	v6 =	vadd.f32 v46, v6;
	v38 =	vadd.f32 v34, v31;
	v46 =	vld.idx.msk [tilespmem:v47+s13+$0x0], $0xffff  }
0x2a4: {  	v12 =	vmul.f32 v12, v12;
	v3 =	vadd.f32 v15, v3;
	v2 =	vadd.f32 v14, v2;
	v14 =	vld.idx.msk [tilespmem:v42+s13+$0x0], $0xffff  }
0x2a5: {  	v15 =	vmul.f32 v30, v30;
	v30 =	vsub.f32 v38, v35;
	v38 =	vsub.f32 v43, v26;
	v43 =	vld.idx.msk [tilespmem:v47+s16+$0x0], $0xffff  }
0x2a6: {  	v3 =	vadd.f32 v12, v3;
	v1 =	vadd.f32 v9, v1;
	v9 =	vld.idx.msk [tilespmem:v42+s16+$0x0], $0xffff  }
0x2a7: {  	v2 =	vadd.f32 v15, v2;
	v22 =	vld.idx.msk [tilespmem:v22+s13+$0x0], $0xffff;
	v12 =	vmul.f32 v30, v30;
	v15 =	vmul.f32 v38, v38  }
0x2a8: {  	v50 =	vld.idx.msk [tilespmem:v50+s13+$0x0], $0xffff;
	v42 =	vadd.f32 v10, v39;
	v47 =	vadd.f32 v19, v11  }
0x2a9: {  	v4 =	vadd.f32 v12, v4;
	v6 =	vadd.f32 v15, v6;
	v12 =	vmul.f32 v38, v30  }
0x2aa: {  	v15 =	vmul.f32 v31, v31;
	v30 =	vsub.f32 v42, v23;
	v31 =	vsub.f32 v47, v18  }
0x2ab: {  	v38 =	vadd.f32 v43, v46;
	v47 =	vadd.f32 v9, v14  }
0x2ac: {  	v8 =	vmul.f32 v8, v8;
	v12 =	vand.u32 $0x7FFFFFFF, v12;
	v1 =	vadd.f32 v15, v1  }
0x2ad: {  	v15 =	vmul.f32 v31, v30;
	v38 =	vsub.f32 v38, v22;
	v42 =	vsub.f32 v47, v50  }
0x2ae: {  	v5 =	vadd.f32 v12, v5;
	v1 =	vadd.f32 v8, v1;
	v8 =	vmul.f32 v34, v34  }
0x2af: {  	v12 =	vmul.f32 v35, v35;
	v15 =	vand.u32 $0x7FFFFFFF, v15;
	v47 =	vmul.f32 v42, v38  }
0x2b0: {  	v3 =	vadd.f32 v8, v3;
	v5 =	vadd.f32 v15, v5;
	v8 =	vmul.f32 v30, v30  }
0x2b1: {  	v2 =	vadd.f32 v12, v2;
	v12 =	vmul.f32 v31, v31;
	v15 =	vand.u32 $0x7FFFFFFF, v47  }
0x2b2: {  	v4 =	vadd.f32 v8, v4;
	v5 =	vadd.f32 v15, v5;
	v8 =	vmul.f32 v38, v38  }
0x2b3: {  	v10 =	vmul.f32 v10, v10;
	v6 =	vadd.f32 v12, v6;
	v15 =	vmul.f32 v26, v26  }
0x2b4: {  	v4 =	vadd.f32 v8, v4;
	v8 =	vmul.f32 v42, v42;
	v26 =	vadd.f32 v5, v5  }
0x2b5: {  	v46 =	vmul.f32 v46, v46;
	v12 =	vmul.f32 v27, v27  }
0x2b6: {  	v6 =	vadd.f32 v8, v6;
	v5 =	vmul.f32 v26, v5;
	v4 =	vmul.f32 v4, v4  }
0x2b7: {  	v3 =	vadd.f32 v12, v3;
	v12 =	vmul.f32 v39, v39;
	v2 =	vadd.f32 v15, v2  }
0x2b8: {  	v4 =	vsub.f32 v5, v4;
	v5 =	vmul.f32 v23, v23;
	v6 =	vmul.f32 v6, v6  }
0x2b9: {  	v1 =	vadd.f32 v12, v1;
	v3 =	vadd.f32 v10, v3;
	v8 =	vmul.f32 v11, v11  }
0x2ba: {  	v2 =	vadd.f32 v5, v2;
	v5 =	vmul.f32 v19, v19;
	v4 =	vsub.f32 v4, v6  }
0x2bb: {  	v1 =	vadd.f32 v8, v1;
	v8 =	vmul.f32 v18, v18;
	v6 =	vadd.f32 $1.000000000e+00, v63  }
0x2bc: {  	v3 =	vadd.f32 v5, v3;
	v5 =	vadd.f32 $1.000000000e+00, v4  }
0x2bd: {  	v47 =	vmul.f32 v43, v43;
	v1 =	vadd.f32 v46, v1;
	v2 =	vadd.f32 v8, v2  }
0x2be: {  	v6 =	vmax.f32 v6, $0.0e+00;
	v8 =	vsub.f32 $0.0e+00, v63;
	v5 =	vmax.f32 v5, $0.0e+00  }
0x2bf: {  	v63 =	vmul.f32 v22, v22;
	v5 =	vadd.f32 v5, v6;
	v6 =	vmul.f32 v14, v14  }
0x2c0: {  	v3 =	vadd.f32 v47, v3;
	v4 =	vsub.f32 v8, v4;
	v8 =	vmul.f32 v9, v9  }
0x2c1: {  	v2 =	vadd.f32 v63, v2;
	v1 =	vadd.f32 v6, v1;
	(xrf2) =	vadd.scan.msk.f32 $0xffff, v5;
	v5 =	vmul.f32 v50, v50  }
0x2c2: {  	v3 =	vadd.f32 v8, v3;
	(xrf2) =	vadd.scan.msk.f32 $0xffff, v4  }
0x2c3: {  	v2 =	vadd.f32 v5, v2;
	(xrf2) =	vadd.scan.msk.f32 $0xffff, v1  }
0x2c4: {  	(xrf2) =	vadd.scan.msk.f32 $0xffff, v3  }
0x2c5: {  	(xrf2) =	vadd.scan.msk.f32 $0xffff, v2;
	_ =	sdelay $0x5  }
0x2c6: {  	v1, _, _ =	vpop (xrf2)  }
0x2c7: {  	v2, _, _ =	vpop (xrf2)  }
0x2c8: {  	v3, _, _ =	vpop (xrf2)  }
0x2c9: {  	v4, _, _ =	vpop (xrf2)  }
0x2ca: {  	v5, _, _ =	vpop (xrf2)  }
0x2cb: {  	v5 =	vbroadcast v5, $0xF  }
0x2cc: {  	v4 =	vbroadcast v4, $0xF  }
0x2cd: {  	v3 =	vbroadcast v3, $0xF;
	v5 =	vnsel vm0, $0x0, v5  }
0x2ce: {  	v2 =	vbroadcast v2, $0xF;
	v4 =	vsel vm1, v5, v4  }
0x2cf: {  	v1 =	vbroadcast v1, $0xF;
	v3 =	vsel vm2, v4, v3  }
0x2d0: {  	v2 =	vsel vm3, v3, v2  }
0x2d1: {  	p0 =	sne.s32 s8, $0x1;
	v1 =	vsel vm4, v2, v1  }
.Ltmp0:
0x2d2: {  	[tilespmem:$0x6200] =	vst v1;
	(pc) =	sbr.rel @p0 .LBB2_1-.Ltmp0, $4  }
0x2d3: {  	[hbm4b:s7+s2] =	stream.linear.scatter [tilespmem:s18], [sflag:$0x3], $0x80, $0x38;
	[tilespmem:$0x6280] =	vst v63  }
0x2d4: {  	_ =	swait.ge [sflag:s19], $0x80  }
0x2d5: {  	[sflag:s19] =	ssyncset.done $0x0  }
0x2d6: {  	s8 =	sadd.s32 $0xFFFFFFFF, s8;
	[sflag:s19] =	ssyncadd.s32 $0xFFFFFF80  }
0x2d7: {  	_ =	sfence.sel $0x180000  }
0x2d8: {  	[bflag:$0x0] =	sbarrier.arrive $0xFFFF  }
0x2d9: {  	p0 =	sne.s32 s0, $0x0;
	_ =	strace $0x90000047  }
0x2da: {  	s0 =	sadd.s32 @!p0 $0x100000, s1;
	[bflag:$0x2] =	sbarrier.arrive $0xFFFF  }
0x2db: {  	[sflag:s0] =	ssyncadd.tile.s32 @!p0 $0x1;
	_ =	shalt  }
.Lfunc_end2:
_tile_overlayer_lowered:
.L_overlay_start_2:
0x2dc: {  	(tag) =	ssettag $0x2  }
0x2dd: {  	s0 =	rddreg [dreg:$0x0];
	s2 =	stileid.u32  }
0x2de: {  	s1 =	rddreg [dreg:$0x1];
	p0 =	sne.s32 s2, $0x0  }
0x2df: {  	s3 =	rddreg [dreg:$0x2];
	[bflag:$0x3] =	sbarrier.arrive $0xFFFF;
	s2 =	simm.s32 @!p0 $0x1C03  }
0x2e0: {  	[timem:s3], [sflag:s2] =	dma.local @!p0 [hbm:s0], s1  }
0x2e1: {  	s0 =	simm.s32 @!p0 $0x3  }
0x2e2: {  	_ =	swait.ge @!p0 [sflag:s0], s1  }
0x2e3: {  	s1 =	ssub.s32 @!p0 $0x0, s1;
	[sflag:s0] =	ssyncset.done @!p0 $0x0  }
0x2e4: {  	[sflag:s0] =	ssyncadd.s32 @!p0 s1  }
0x2e5: {  	[bflag:$0x3] =	sbarrier.arrive $0xFFFF  }
0x2e6: {  	_ =	shalt  }

</sc_bundles>
